<compile_context>
chip_gen: v7x
topology: tpu7x:2x2x1
jax: 0.10.2.dev20260603
libtpu: 0.0.44.dev20260713+nightly
codegen_flags: <defaults>
</compile_context>

<pallas_src>
import jax
import jax.numpy as jnp
from jax.experimental import pallas as pl
from jax.experimental.pallas import tpu as pltpu
from jax.experimental.pallas import tpu_sc as plsc

_CHUNKS = (1200, 1600, 2000, 2400, 2800)
_BLOCK_N = 200
_WINDOW = 128


def _sc_gather(feat, idx_flat, window):
    m = idx_flat.shape[1]
    c = feat.shape[1]
    mesh = plsc.VectorSubcoreMesh(core_axis_name="core", subcore_axis_name="subcore")

    @pl.kernel(out_type=jax.ShapeDtypeStruct((m, c), feat.dtype), mesh=mesh)
    def gather_kernel(x_hbm, i_hbm, o_hbm):
        def body(i_vmem, o_vmem):
            pltpu.sync_copy(x_hbm.at[i_vmem.at[0]], o_vmem)

        pltpu.emit_pipeline(
            body,
            grid=(m // window,),
            in_specs=[pl.BlockSpec((1, window), lambda i: (0, i))],
            out_specs=[pl.BlockSpec((window, c), lambda i: (i, 0))],
            core_axis_name=("core", "subcore"),
            dimension_semantics=(pltpu.PARALLEL,),
        )(i_hbm, o_hbm)

    return gather_kernel(feat, idx_flat)


def _tc_matmul_chunk(gathered, w, a, row0, prev, n_total, block_n):
    chunk, k, c_in = gathered.shape
    c_mid = w.shape[2]
    c_add = a.shape[2]
    c_out = (c_in + c_add) * c_mid
    blk0 = row0 // block_n

    def body(g_ref, w_ref, a_ref, *rest):
        o_ref = rest[-1]
        g = g_ref[...].astype(jnp.bfloat16)
        w = w_ref[...].astype(jnp.bfloat16)
        a = a_ref[...].astype(jnp.bfloat16)
        og = jax.lax.dot_general(
            g, w, (((1,), (1,)), ((0,), (0,))),
            preferred_element_type=jnp.float32,
        ).astype(jnp.bfloat16)
        oa = jax.lax.dot_general(
            a, w, (((1,), (1,)), ((0,), (0,))),
            preferred_element_type=jnp.float32,
        ).astype(jnp.bfloat16)
        o_ref[:, : c_in * c_mid] = og.reshape(block_n, c_in * c_mid).astype(jnp.float32)
        o_ref[:, c_in * c_mid :] = oa.reshape(block_n, c_add * c_mid).astype(jnp.float32)

    in_specs = [
        pl.BlockSpec((block_n, k, c_in), lambda i: (i, 0, 0)),
        pl.BlockSpec((block_n, k, c_mid), lambda i, b=blk0: (i + b, 0, 0)),
        pl.BlockSpec((block_n, k, c_add), lambda i, b=blk0: (i + b, 0, 0)),
    ]
    operands = [gathered, w, a]
    aliases = {}
    if prev is not None:
        in_specs.append(pl.BlockSpec(memory_space=pl.ANY))
        operands.append(prev)
        aliases = {3: 0}

    return pl.pallas_call(
        body,
        grid=(chunk // block_n,),
        in_specs=in_specs,
        out_specs=pl.BlockSpec((block_n, c_out), lambda i, b=blk0: (i + b, 0)),
        out_shape=jax.ShapeDtypeStruct((n_total, c_out), jnp.float32),
        input_output_aliases=aliases,
    )(*operands)


def kernel(input_features, neighbor_inds, weightnet, additional_features):
    b, n, c_in = input_features.shape
    k = neighbor_inds.shape[2]
    c_mid = weightnet.shape[3]
    c_add = additional_features.shape[3]

    feat = input_features.reshape(n, c_in)
    idx_flat = neighbor_inds.reshape(1, n * k)
    w3 = weightnet.reshape(n, k, c_mid)
    a3 = additional_features.reshape(n, k, c_add)

    starts = [sum(_CHUNKS[:j]) for j in range(len(_CHUNKS))]
    gathers = [
        _sc_gather(
            feat,
            jax.lax.slice(idx_flat, (0, r0 * k), (1, (r0 + cn) * k)),
            window=_WINDOW,
        ).reshape(cn, k, c_in)
        for r0, cn in zip(starts, _CHUNKS)
    ]
    out = None
    for g, r0 in zip(gathers, starts):
        out = _tc_matmul_chunk(g, w3, a3, r0, out, n, _BLOCK_N)
    return out.reshape(b, n, (c_in + c_add) * c_mid)

# --- scband reference (transcript-rebuilt; emitter-appended) ---
"""Pipeline reference for scband-pconv-20255065768439 (READ-ONLY COPY).

The authoritative reference and input builder live on the scoring server;
editing this copy changes nothing except your own understanding.
"""

import jax, jax.numpy as jnp
import numpy as np

B, N, K, C_IN, C_MID, C_ADD = 1, 10000, 32, 128, 16, 16


def setup_inputs(seed: int = 0) -> dict:
    key = jax.random.key(seed)
    k1, k2, k3, k4 = jax.random.split(key, 4)
    input_features = jax.random.normal(k1, (B, N, C_IN), dtype=jnp.float32)
    neighbor_inds = jax.random.randint(k2, (B, N, K), 0, N, dtype=jnp.int32)
    weightnet = jax.random.normal(k3, (B, N, K, C_MID), dtype=jnp.float32)
    additional_features = jax.random.normal(k4, (B, N, K, C_ADD), dtype=jnp.float32)
    return {
        "input_features": input_features,
        "neighbor_inds": neighbor_inds,
        "weightnet": weightnet,
        "additional_features": additional_features,
    }


def reference(input_features, neighbor_inds, weightnet, additional_features):
    # PConv fused kernel semantics (PointConvFormer pcf_cuda.pconv_forward):
    # 1) gather neighbor features:            [B, N, K, C_in]
    # 2) concat per-neighbor extra features:  [B, N, K, C_in + C_add]
    # 3) per-point matmul with weightnet:     [B, N, C_in + C_add, K] @ [B, N, K, C_mid]
    # 4) flatten last two dims:               [B, N, (C_in + C_add) * C_mid]
    gathered = jax.vmap(lambda feat, idx: jnp.take(feat, idx, axis=0))(
        input_features, neighbor_inds
    )  # [B, N, K, C_in]
    concat = jnp.concatenate([gathered, additional_features], axis=-1)  # [B, N, K, C_tot]
    out = jnp.einsum("bnkc,bnkm->bncm", concat, weightnet)  # [B, N, C_tot, C_mid]
    b, n = out.shape[0], out.shape[1]
    return out.reshape(b, n, -1)

if __name__ == "__main__":
    import jax
    _d = setup_inputs()
    print(jax.jit(kernel)(*tuple(_d.values())))

</pallas_src>

<mosaic_0001>
#map = affine_map<(d0, d1) -> (0, 0)>
module attributes {stable_mosaic.version = 14 : i64} {
  func.func @gather_kernel(%arg0: i32, %arg1: i32, %arg2: memref<10000x128xf32, #tpu.memory_space<hbm>>, %arg3: memref<1x51200xi32, #tpu.memory_space<hbm>>, %arg4: memref<51200x128xf32, #tpu.memory_space<hbm>>) attributes {dimension_semantics = [#tpu.dimension_semantics<core_parallel>, #tpu.dimension_semantics<subcore_parallel>], iteration_bounds = array<i64: 2, 16>, scalar_prefetch = 0 : i64, scratch_operands = 0 : i64, tpu.core_type = #tpu.core_type<sc_vector_subcore>, window_params = [{transform_indices = #map}, {transform_indices = #map}, {transform_indices = #map}]} {
    %mul3A = arith.constant 1 : i32
    %mul3A_0 = arith.muli %arg1, %mul3A : i32
    %add3A = arith.constant 0 : i32
    %add3A_1 = arith.addi %add3A, %mul3A_0 : i32
    %mul3A_2 = arith.constant 16 : i32
    %mul3A_3 = arith.muli %arg0, %mul3A_2 : i32
    %add3A_4 = arith.addi %add3A_1, %mul3A_3 : i32
    %lt3A = arith.constant 16 : i32
    %lt3A_5 = arith.cmpi slt, %add3A_4, %lt3A : i32
    %jit3A = arith.constant 13 : i32
    %jit3A_6 = arith.constant 12 : i32
    %select_n3A = arith.select %lt3A_5, %jit3A, %jit3A_6 : i32
    %lt3A_7 = arith.constant 16 : i32
    %lt3A_8 = arith.cmpi slt, %add3A_4, %lt3A_7 : i32
    %mul3A_9 = arith.muli %add3A_4, %select_n3A : i32
    %mul3A_10 = arith.constant 12 : i32
    %mul3A_11 = arith.muli %add3A_4, %mul3A_10 : i32
    %add3A_12 = arith.constant 16 : i32
    %add3A_13 = arith.addi %mul3A_11, %add3A_12 : i32
    %select_n3A_14 = arith.select %lt3A_8, %mul3A_9, %add3A_13 : i32
    %mul3A_15 = arith.constant 1 : i32
    %mul3A_16 = arith.muli %mul3A_15, %select_n3A : i32
    "tpu.region"() ({
      %run_scoped3A = memref.alloca() : memref<2x1x128xi32, #tpu.memory_space<vmem>>
      %run_scoped3A_17 = tpu.sem_alloc : memref<2x!tpu.dma_semaphore, #tpu.memory_space<semaphore_mem>>
      %run_scoped3A_18 = memref.alloca() : memref<2x128x128xf32, #tpu.memory_space<vmem>>
      %run_scoped3A_19 = tpu.sem_alloc : memref<2x!tpu.dma_semaphore, #tpu.memory_space<semaphore_mem>>
      %gt3A = arith.constant 0 : i32
      %gt3A_20 = arith.cmpi sgt, %mul3A_16, %gt3A : i32
      %convert_element_type3A = arith.extui %gt3A_20 : i1 to i32
      %cond3A = arith.constant 0 : i32
      %cond3A_21 = arith.cmpi ne, %convert_element_type3A, %cond3A : i32
      scf.if %cond3A_21 {
        %mul3A_22 = arith.constant 1 : i32
        %mul3A_23 = arith.muli %mul3A_22, %select_n3A : i32
        %sub3A = arith.constant 1 : i32
        %sub3A_24 = arith.subi %mul3A_23, %sub3A : i32
        %eq3A = arith.constant 0 : i32
        %eq3A_25 = arith.cmpi eq, %sub3A_24, %eq3A : i32
        %add3A_26 = arith.constant 0 : i32
        %add3A_27 = arith.addi %add3A_26, %select_n3A_14 : i32
        %select_n3A_28 = arith.constant true
        %select_n3A_29 = arith.constant 0 : i32
        %select_n3A_30 = arith.constant -1 : i32
        %select_n3A_31 = arith.select %select_n3A_28, %select_n3A_30, %select_n3A_29 : i32
        %eq3A_32 = arith.constant -1 : i32
        %eq3A_33 = arith.cmpi eq, %select_n3A_31, %eq3A_32 : i32
        %sub3A_34 = arith.constant 1 : i32
        %sub3A_35 = arith.subi %select_n3A, %sub3A_34 : i32
        %select_n3A_36 = arith.select %eq3A_33, %sub3A_35, %select_n3A_31 : i32
        %add3A_37 = arith.addi %select_n3A_36, %select_n3A_14 : i32
        %select_n3A_38 = arith.constant true
        %select_n3A_39 = arith.constant 0 : i32
        %select_n3A_40 = arith.constant 1 : i32
        %select_n3A_41 = arith.select %select_n3A_38, %select_n3A_40, %select_n3A_39 : i32
        %eq3A_42 = arith.cmpi eq, %select_n3A_41, %select_n3A : i32
        %select_n3A_43 = arith.constant 0 : i32
        %select_n3A_44 = arith.select %eq3A_42, %select_n3A_43, %select_n3A_41 : i32
        %add3A_45 = arith.addi %select_n3A_44, %select_n3A_14 : i32
        %add3A_46 = arith.constant 1 : i32
        %add3A_47 = arith.addi %select_n3A_44, %add3A_46 : i32
        %select_n3A_48 = arith.constant true
        %select_n3A_49 = arith.select %select_n3A_48, %add3A_47, %select_n3A_44 : i32
        %eq3A_50 = arith.cmpi eq, %select_n3A_49, %select_n3A : i32
        %select_n3A_51 = arith.constant 0 : i32
        %select_n3A_52 = arith.select %eq3A_50, %select_n3A_51, %select_n3A_49 : i32
        %add3A_53 = arith.addi %select_n3A_52, %select_n3A_14 : i32
        "tpu.trace_start"() <{level = 10 : i32, message = "ep_initialize_0"}> : () -> ()
        %rem3A = arith.constant 0 : i32
        %rem3A_54 = arith.constant 2 : i32
        %rem3A_55 = arith.remui %rem3A, %rem3A_54 : i32
        %mul3A_56 = arith.constant 128 : i32
        %mul3A_57 = arith.muli %mul3A_56, %add3A_27 : i32
        %dma_start3A = arith.constant 0 : i32
        %dma_start3A_58 = arith.constant 0 : i32
        %dma_start3A_59 = tpu.memref_slice %run_scoped3A[%rem3A_55, %dma_start3A, %dma_start3A_58] : memref<2x1x128xi32, #tpu.memory_space<vmem>> -> memref<1x1x128xi32, #tpu.memory_space<vmem>>
        %dma_start3A_60 = tpu.memref_squeeze %dma_start3A_59 : memref<1x1x128xi32, #tpu.memory_space<vmem>> -> memref<1x128xi32, #tpu.memory_space<vmem>>
        %dma_start3A_61 = arith.constant 0 : i32
        %dma_start3A_62 = tpu.memref_slice %arg3[%dma_start3A_61, %mul3A_57] : memref<1x51200xi32, #tpu.memory_space<hbm>> -> memref<1x128xi32, #tpu.memory_space<hbm>>
        %dma_start3A_63 = tpu.memref_slice %run_scoped3A_17[%rem3A_55] : memref<2x!tpu.dma_semaphore, #tpu.memory_space<semaphore_mem>> -> memref<1x!tpu.dma_semaphore, #tpu.memory_space<semaphore_mem>>
        %dma_start3A_64 = tpu.memref_squeeze %dma_start3A_63 : memref<1x!tpu.dma_semaphore, #tpu.memory_space<semaphore_mem>> -> memref<!tpu.dma_semaphore, #tpu.memory_space<semaphore_mem>>
        %dma_start3A_65 = arith.constant 0 : i32
        %dma_start3A_66 = arith.constant 0 : i32
        %dma_start3A_67 = tpu.memref_slice %run_scoped3A[%rem3A_55, %dma_start3A_65, %dma_start3A_66] : memref<2x1x128xi32, #tpu.memory_space<vmem>> -> memref<1x1x128xi32, #tpu.memory_space<vmem>>
        %dma_start3A_68 = tpu.memref_squeeze %dma_start3A_67 : memref<1x1x128xi32, #tpu.memory_space<vmem>> -> memref<1x128xi32, #tpu.memory_space<vmem>>
        %dma_start3A_69 = arith.constant 0 : i32
        %dma_start3A_70 = tpu.memref_slice %arg3[%dma_start3A_69, %mul3A_57] : memref<1x51200xi32, #tpu.memory_space<hbm>> -> memref<1x128xi32, #tpu.memory_space<hbm>>
        tpu.enqueue_dma source(%dma_start3A_70 : memref<1x128xi32, #tpu.memory_space<hbm>>) target(%dma_start3A_68 : memref<1x128xi32, #tpu.memory_space<vmem>>) target_semaphore(%dma_start3A_64 : memref<!tpu.dma_semaphore, #tpu.memory_space<semaphore_mem>>)
        %add3A_71 = arith.constant 0 : i32
        %add3A_72 = arith.constant 1 : i32
        %add3A_73 = arith.addi %add3A_71, %add3A_72 : i32
        %select_n3A_74 = arith.constant true
        %select_n3A_75 = arith.constant 0 : i32
        %select_n3A_76 = arith.select %select_n3A_74, %add3A_73, %select_n3A_75 : i32
        %while3A = arith.constant 0 : i32
        %while3A_77 = arith.constant 0 : i32
        %while3A_78 = arith.constant 0 : i32
        %while3A_79 = arith.constant 0 : i32
        %while3A_80 = arith.constant 0 : i32
        "tpu.trace_stop"() : () -> ()
        %while3A_81 = arith.subi %mul3A_16, %while3A : i32
        %while3A_82 = arith.addi %while3A, %while3A_81 : i32
        %while3A_83 = arith.constant 1 : i32
        %while3A_84 = arith.divsi %while3A_81, %while3A_83 : i32
        %while3A_85 = arith.muli %while3A_84, %while3A_83 : i32
        %while3A_86 = arith.addi %while3A, %while3A_85 : i32
        %while3A_87 = arith.constant 1 : i32
        %while3A_88:5 = scf.for %while3A_142 = %while3A to %while3A_86 step %while3A_87 iter_args(%while3A_143 = %select_n3A_76, %while3A_144 = %while3A_77, %while3A_145 = %while3A_78, %while3A_146 = %while3A_79, %while3A_147 = %while3A_80) -> (i32, i32, i32, i32, i32)  : i32 {
          %mul3A_148 = arith.constant 1 : i32
          %mul3A_149 = arith.muli %mul3A_148, %select_n3A : i32
          %eq3A_150 = arith.constant 0 : i32
          %eq3A_151 = arith.cmpi eq, %while3A_142, %eq3A_150 : i32
          %sub3A_152 = arith.constant 1 : i32
          %sub3A_153 = arith.subi %mul3A_149, %sub3A_152 : i32
          %eq3A_154 = arith.cmpi eq, %while3A_142, %sub3A_153 : i32
          %add3A_155 = arith.addi %while3A_147, %select_n3A_14 : i32
          %sub3A_156 = arith.constant 1 : i32
          %sub3A_157 = arith.subi %while3A_147, %sub3A_156 : i32
          %select_n3A_158 = arith.constant true
          %select_n3A_159 = arith.select %select_n3A_158, %sub3A_157, %while3A_147 : i32
          %eq3A_160 = arith.constant -1 : i32
          %eq3A_161 = arith.cmpi eq, %select_n3A_159, %eq3A_160 : i32
          %sub3A_162 = arith.constant 1 : i32
          %sub3A_163 = arith.subi %select_n3A, %sub3A_162 : i32
          %select_n3A_164 = arith.select %eq3A_161, %sub3A_163, %select_n3A_159 : i32
          %add3A_165 = arith.addi %select_n3A_164, %select_n3A_14 : i32
          %add3A_166 = arith.constant 1 : i32
          %add3A_167 = arith.addi %while3A_147, %add3A_166 : i32
          %select_n3A_168 = arith.constant true
          %select_n3A_169 = arith.select %select_n3A_168, %add3A_167, %while3A_147 : i32
          %eq3A_170 = arith.cmpi eq, %select_n3A_169, %select_n3A : i32
          %select_n3A_171 = arith.constant 0 : i32
          %select_n3A_172 = arith.select %eq3A_170, %select_n3A_171, %select_n3A_169 : i32
          %add3A_173 = arith.addi %select_n3A_172, %select_n3A_14 : i32
          %add3A_174 = arith.constant 1 : i32
          %add3A_175 = arith.addi %select_n3A_172, %add3A_174 : i32
          %select_n3A_176 = arith.constant true
          %select_n3A_177 = arith.select %select_n3A_176, %add3A_175, %select_n3A_172 : i32
          %eq3A_178 = arith.cmpi eq, %select_n3A_177, %select_n3A : i32
          %select_n3A_179 = arith.constant 0 : i32
          %select_n3A_180 = arith.select %eq3A_178, %select_n3A_179, %select_n3A_177 : i32
          %add3A_181 = arith.addi %select_n3A_180, %select_n3A_14 : i32
          %ne3A = arith.cmpi ne, %add3A_155, %add3A_173 : i32
          %or3A = arith.constant false
          %or3A_182 = arith.ori %or3A, %ne3A : i1
          %sub3A_183 = arith.constant 2 : i32
          %sub3A_184 = arith.subi %mul3A_149, %sub3A_183 : i32
          %add3A_185 = arith.constant 1 : i32
          %add3A_186 = arith.addi %sub3A_184, %add3A_185 : i32
          %ge3A = arith.cmpi sge, %while3A_142, %add3A_186 : i32
          %not3A = arith.constant true
          %not3A_187 = arith.xori %ge3A, %not3A : i1
          %and3A = arith.andi %or3A_182, %not3A_187 : i1
          %convert_element_type3A_188 = arith.extui %and3A : i1 to i32
          %cond3A_189 = arith.constant 0 : i32
          %cond3A_190 = arith.cmpi ne, %convert_element_type3A_188, %cond3A_189 : i32
          scf.if %cond3A_190 {
            "tpu.trace_start"() <{level = 10 : i32, message = "ep_copy_in"}> : () -> ()
            %rem3A_294 = arith.constant 2 : i32
            %rem3A_295 = arith.remui %while3A_143, %rem3A_294 : i32
            %mul3A_296 = arith.constant 128 : i32
            %mul3A_297 = arith.muli %mul3A_296, %add3A_173 : i32
            %dma_start3A_298 = arith.constant 0 : i32
            %dma_start3A_299 = arith.constant 0 : i32
            %dma_start3A_300 = tpu.memref_slice %run_scoped3A[%rem3A_295, %dma_start3A_298, %dma_start3A_299] : memref<2x1x128xi32, #tpu.memory_space<vmem>> -> memref<1x1x128xi32, #tpu.memory_space<vmem>>
            %dma_start3A_301 = tpu.memref_squeeze %dma_start3A_300 : memref<1x1x128xi32, #tpu.memory_space<vmem>> -> memref<1x128xi32, #tpu.memory_space<vmem>>
            %dma_start3A_302 = arith.constant 0 : i32
            %dma_start3A_303 = tpu.memref_slice %arg3[%dma_start3A_302, %mul3A_297] : memref<1x51200xi32, #tpu.memory_space<hbm>> -> memref<1x128xi32, #tpu.memory_space<hbm>>
            %dma_start3A_304 = tpu.memref_slice %run_scoped3A_17[%rem3A_295] : memref<2x!tpu.dma_semaphore, #tpu.memory_space<semaphore_mem>> -> memref<1x!tpu.dma_semaphore, #tpu.memory_space<semaphore_mem>>
            %dma_start3A_305 = tpu.memref_squeeze %dma_start3A_304 : memref<1x!tpu.dma_semaphore, #tpu.memory_space<semaphore_mem>> -> memref<!tpu.dma_semaphore, #tpu.memory_space<semaphore_mem>>
            %dma_start3A_306 = arith.constant 0 : i32
            %dma_start3A_307 = arith.constant 0 : i32
            %dma_start3A_308 = tpu.memref_slice %run_scoped3A[%rem3A_295, %dma_start3A_306, %dma_start3A_307] : memref<2x1x128xi32, #tpu.memory_space<vmem>> -> memref<1x1x128xi32, #tpu.memory_space<vmem>>
            %dma_start3A_309 = tpu.memref_squeeze %dma_start3A_308 : memref<1x1x128xi32, #tpu.memory_space<vmem>> -> memref<1x128xi32, #tpu.memory_space<vmem>>
            %dma_start3A_310 = arith.constant 0 : i32
            %dma_start3A_311 = tpu.memref_slice %arg3[%dma_start3A_310, %mul3A_297] : memref<1x51200xi32, #tpu.memory_space<hbm>> -> memref<1x128xi32, #tpu.memory_space<hbm>>
            tpu.enqueue_dma source(%dma_start3A_311 : memref<1x128xi32, #tpu.memory_space<hbm>>) target(%dma_start3A_309 : memref<1x128xi32, #tpu.memory_space<vmem>>) target_semaphore(%dma_start3A_305 : memref<!tpu.dma_semaphore, #tpu.memory_space<semaphore_mem>>)
            "tpu.trace_stop"() : () -> ()
          } else {
          }
          %and3A_191 = arith.constant true
          %and3A_192 = arith.andi %and3A, %and3A_191 : i1
          %add3A_193 = arith.constant 1 : i32
          %add3A_194 = arith.addi %while3A_143, %add3A_193 : i32
          %select_n3A_195 = arith.select %and3A_192, %add3A_194, %while3A_143 : i32
          %ne3A_196 = arith.cmpi ne, %add3A_155, %add3A_173 : i32
          %or3A_197 = arith.constant false
          %or3A_198 = arith.ori %or3A_197, %ne3A_196 : i1
          %or3A_199 = arith.constant false
          %or3A_200 = arith.ori %or3A_198, %or3A_199 : i1
          %sub3A_201 = arith.constant 2 : i32
          %sub3A_202 = arith.subi %mul3A_149, %sub3A_201 : i32
          %add3A_203 = arith.constant 1 : i32
          %add3A_204 = arith.addi %sub3A_202, %add3A_203 : i32
          %ge3A_205 = arith.cmpi sge, %while3A_142, %add3A_204 : i32
          %not3A_206 = arith.constant true
          %not3A_207 = arith.xori %ge3A_205, %not3A_206 : i1
          %and3A_208 = arith.andi %or3A_200, %not3A_207 : i1
          %ne3A_209 = arith.cmpi ne, %add3A_155, %add3A_165 : i32
          %or3A_210 = arith.constant false
          %or3A_211 = arith.ori %or3A_210, %ne3A_209 : i1
          %or3A_212 = arith.ori %or3A_211, %eq3A_151 : i1
          %convert_element_type3A_213 = arith.extui %or3A_212 : i1 to i32
          %cond3A_214 = arith.constant 0 : i32
          %cond3A_215 = arith.cmpi ne, %convert_element_type3A_213, %cond3A_214 : i32
          scf.if %cond3A_215 {
            "tpu.trace_start"() <{level = 10 : i32, message = "ep_wait_in"}> : () -> ()
            %mul3A_294 = arith.constant 128 : i32
            %mul3A_295 = arith.muli %mul3A_294, %add3A_155 : i32
            %rem3A_296 = arith.constant 2 : i32
            %rem3A_297 = arith.remui %while3A_144, %rem3A_296 : i32
            %dma_wait3A = arith.constant 0 : i32
            %dma_wait3A_298 = arith.constant 0 : i32
            %dma_wait3A_299 = tpu.memref_slice %run_scoped3A[%rem3A_297, %dma_wait3A, %dma_wait3A_298] : memref<2x1x128xi32, #tpu.memory_space<vmem>> -> memref<1x1x128xi32, #tpu.memory_space<vmem>>
            %dma_wait3A_300 = tpu.memref_squeeze %dma_wait3A_299 : memref<1x1x128xi32, #tpu.memory_space<vmem>> -> memref<1x128xi32, #tpu.memory_space<vmem>>
            %dma_wait3A_301 = arith.constant 0 : i32
            %dma_wait3A_302 = tpu.memref_slice %arg3[%dma_wait3A_301, %mul3A_295] : memref<1x51200xi32, #tpu.memory_space<hbm>> -> memref<1x128xi32, #tpu.memory_space<hbm>>
            %dma_wait3A_303 = tpu.memref_slice %run_scoped3A_17[%rem3A_297] : memref<2x!tpu.dma_semaphore, #tpu.memory_space<semaphore_mem>> -> memref<1x!tpu.dma_semaphore, #tpu.memory_space<semaphore_mem>>
            %dma_wait3A_304 = tpu.memref_squeeze %dma_wait3A_303 : memref<1x!tpu.dma_semaphore, #tpu.memory_space<semaphore_mem>> -> memref<!tpu.dma_semaphore, #tpu.memory_space<semaphore_mem>>
            %dma_wait3A_305 = arith.constant 0 : i32
            %dma_wait3A_306 = arith.constant 0 : i32
            %dma_wait3A_307 = tpu.memref_slice %run_scoped3A[%rem3A_297, %dma_wait3A_305, %dma_wait3A_306] : memref<2x1x128xi32, #tpu.memory_space<vmem>> -> memref<1x1x128xi32, #tpu.memory_space<vmem>>
            %dma_wait3A_308 = tpu.memref_squeeze %dma_wait3A_307 : memref<1x1x128xi32, #tpu.memory_space<vmem>> -> memref<1x128xi32, #tpu.memory_space<vmem>>
            %dma_wait3A_309 = arith.constant 0 : i32
            %dma_wait3A_310 = tpu.memref_slice %arg3[%dma_wait3A_309, %mul3A_295] : memref<1x51200xi32, #tpu.memory_space<hbm>> -> memref<1x128xi32, #tpu.memory_space<hbm>>
            tpu.wait_dma2 semaphore(%dma_wait3A_304 : memref<!tpu.dma_semaphore, #tpu.memory_space<semaphore_mem>>) src(%dma_wait3A_310 : memref<1x128xi32, #tpu.memory_space<hbm>>) dst(%dma_wait3A_308 : memref<1x128xi32, #tpu.memory_space<vmem>>)
            "tpu.trace_stop"() : () -> ()
          } else {
          }
          %ne3A_216 = arith.cmpi ne, %add3A_155, %add3A_165 : i32
          %or3A_217 = arith.constant false
          %or3A_218 = arith.ori %or3A_217, %ne3A_216 : i1
          %or3A_219 = arith.constant false
          %or3A_220 = arith.ori %or3A_218, %or3A_219 : i1
          %or3A_221 = arith.ori %or3A_220, %eq3A_151 : i1
          %convert_element_type3A_222 = arith.extui %or3A_221 : i1 to i32
          %cond3A_223 = arith.constant 0 : i32
          %cond3A_224 = arith.cmpi ne, %convert_element_type3A_222, %cond3A_223 : i32
          scf.if %cond3A_224 {
          } else {
          }
          %rem3A_225 = arith.constant 2 : i32
          %rem3A_226 = arith.remui %while3A_144, %rem3A_225 : i32
          %rem3A_227 = arith.constant 2 : i32
          %rem3A_228 = arith.remui %while3A_145, %rem3A_227 : i32
          %run_scoped3A_229 = arith.constant 0 : i32
          "tpu.trace_start"() <{level = 10 : i32, message = "ep_run_kernel"}> : () -> ()
          "tpu.region"() ({
            %run_scoped3A_294 = tpu.sem_alloc : memref<!tpu.dma_semaphore, #tpu.memory_space<semaphore_mem>>
            %dma_start3A_295 = arith.constant 0 : i32
            %dma_start3A_296 = arith.constant 0 : i32
            %dma_start3A_297 = tpu.memref_slice %run_scoped3A_18[%rem3A_228, %dma_start3A_295, %dma_start3A_296] : memref<2x128x128xf32, #tpu.memory_space<vmem>> -> memref<1x128x128xf32, #tpu.memory_space<vmem>>
            %dma_start3A_298 = tpu.memref_squeeze %dma_start3A_297 : memref<1x128x128xf32, #tpu.memory_space<vmem>> -> memref<128x128xf32, #tpu.memory_space<vmem>>
            %dma_start3A_299 = arith.constant 0 : i32
            %dma_start3A_300 = arith.constant 0 : i32
            %dma_start3A_301 = tpu.memref_slice %run_scoped3A[%rem3A_226, %dma_start3A_299, %dma_start3A_300] : memref<2x1x128xi32, #tpu.memory_space<vmem>> -> memref<1x1x128xi32, #tpu.memory_space<vmem>>
            %dma_start3A_302 = tpu.memref_squeeze %dma_start3A_301 : memref<1x1x128xi32, #tpu.memory_space<vmem>> -> memref<1x128xi32, #tpu.memory_space<vmem>>
            %dma_start3A_303 = arith.constant 0 : i32
            %dma_start3A_304 = tpu.memref_slice %dma_start3A_302[%run_scoped3A_229, %dma_start3A_303] : memref<1x128xi32, #tpu.memory_space<vmem>> -> memref<1x128xi32, #tpu.memory_space<vmem>>
            %dma_start3A_305 = tpu.memref_squeeze %dma_start3A_304 : memref<1x128xi32, #tpu.memory_space<vmem>> -> memref<128xi32, #tpu.memory_space<vmem>>
            %dma_start3A_306 = arith.constant 0 : i32
            %dma_start3A_307 = arith.constant 0 : i32
            %dma_start3A_308 = tpu.memref_slice %arg2[%dma_start3A_306, %dma_start3A_307] : memref<10000x128xf32, #tpu.memory_space<hbm>> -> memref<10000x128xf32, #tpu.memory_space<hbm>>
            tpu.enqueue_indirect_dma source(%dma_start3A_308 : memref<10000x128xf32, #tpu.memory_space<hbm>>) target(%dma_start3A_298 : memref<128x128xf32, #tpu.memory_space<vmem>>) offsets(%dma_start3A_305 : memref<128xi32, #tpu.memory_space<vmem>>) semaphore(%run_scoped3A_294 : memref<!tpu.dma_semaphore, #tpu.memory_space<semaphore_mem>>)
            %dma_wait3A = arith.constant 0 : i32
            %dma_wait3A_309 = arith.constant 0 : i32
            %dma_wait3A_310 = tpu.memref_slice %run_scoped3A_18[%rem3A_228, %dma_wait3A, %dma_wait3A_309] : memref<2x128x128xf32, #tpu.memory_space<vmem>> -> memref<1x128x128xf32, #tpu.memory_space<vmem>>
            %dma_wait3A_311 = tpu.memref_squeeze %dma_wait3A_310 : memref<1x128x128xf32, #tpu.memory_space<vmem>> -> memref<128x128xf32, #tpu.memory_space<vmem>>
            %dma_wait3A_312 = arith.constant 0 : i32
            %dma_wait3A_313 = arith.constant 0 : i32
            %dma_wait3A_314 = tpu.memref_slice %run_scoped3A[%rem3A_226, %dma_wait3A_312, %dma_wait3A_313] : memref<2x1x128xi32, #tpu.memory_space<vmem>> -> memref<1x1x128xi32, #tpu.memory_space<vmem>>
            %dma_wait3A_315 = tpu.memref_squeeze %dma_wait3A_314 : memref<1x1x128xi32, #tpu.memory_space<vmem>> -> memref<1x128xi32, #tpu.memory_space<vmem>>
            %dma_wait3A_316 = arith.constant 0 : i32
            %dma_wait3A_317 = tpu.memref_slice %dma_wait3A_315[%run_scoped3A_229, %dma_wait3A_316] : memref<1x128xi32, #tpu.memory_space<vmem>> -> memref<1x128xi32, #tpu.memory_space<vmem>>
            %dma_wait3A_318 = tpu.memref_squeeze %dma_wait3A_317 : memref<1x128xi32, #tpu.memory_space<vmem>> -> memref<128xi32, #tpu.memory_space<vmem>>
            %dma_wait3A_319 = arith.constant 0 : i32
            %dma_wait3A_320 = arith.constant 0 : i32
            %dma_wait3A_321 = tpu.memref_slice %arg2[%dma_wait3A_319, %dma_wait3A_320] : memref<10000x128xf32, #tpu.memory_space<hbm>> -> memref<10000x128xf32, #tpu.memory_space<hbm>>
            tpu.wait_indirect_dma semaphore(%run_scoped3A_294 : memref<!tpu.dma_semaphore, #tpu.memory_space<semaphore_mem>>) src(%dma_wait3A_321 : memref<10000x128xf32, #tpu.memory_space<hbm>>) dst(%dma_wait3A_311 : memref<128x128xf32, #tpu.memory_space<vmem>>)
            tpu.yield
          }) : () -> ()
          "tpu.trace_stop"() : () -> ()
          %ne3A_230 = arith.cmpi ne, %add3A_155, %add3A_173 : i32
          %or3A_231 = arith.constant false
          %or3A_232 = arith.ori %or3A_231, %ne3A_230 : i1
          %or3A_233 = arith.ori %or3A_232, %eq3A_154 : i1
          %convert_element_type3A_234 = arith.extui %or3A_233 : i1 to i32
          %cond3A_235 = arith.constant 0 : i32
          %cond3A_236 = arith.cmpi ne, %convert_element_type3A_234, %cond3A_235 : i32
          scf.if %cond3A_236 {
          } else {
          }
          %and3A_237 = arith.constant false
          %and3A_238 = arith.andi %or3A_233, %and3A_237 : i1
          %ne3A_239 = arith.cmpi ne, %add3A_155, %add3A_173 : i32
          %or3A_240 = arith.constant false
          %or3A_241 = arith.ori %or3A_240, %ne3A_239 : i1
          %or3A_242 = arith.constant false
          %or3A_243 = arith.ori %or3A_241, %or3A_242 : i1
          %or3A_244 = arith.ori %or3A_243, %eq3A_154 : i1
          %convert_element_type3A_245 = arith.extui %or3A_244 : i1 to i32
          %cond3A_246 = arith.constant 0 : i32
          %cond3A_247 = arith.cmpi ne, %convert_element_type3A_245, %cond3A_246 : i32
          scf.if %cond3A_247 {
            "tpu.trace_start"() <{level = 10 : i32, message = "ep_copy_out"}> : () -> ()
            %rem3A_294 = arith.constant 2 : i32
            %rem3A_295 = arith.remui %while3A_145, %rem3A_294 : i32
            %mul3A_296 = arith.constant 128 : i32
            %mul3A_297 = arith.muli %mul3A_296, %add3A_155 : i32
            %dma_start3A_298 = arith.constant 0 : i32
            %dma_start3A_299 = arith.constant 0 : i32
            %dma_start3A_300 = tpu.memref_slice %run_scoped3A_18[%rem3A_295, %dma_start3A_298, %dma_start3A_299] : memref<2x128x128xf32, #tpu.memory_space<vmem>> -> memref<1x128x128xf32, #tpu.memory_space<vmem>>
            %dma_start3A_301 = tpu.memref_squeeze %dma_start3A_300 : memref<1x128x128xf32, #tpu.memory_space<vmem>> -> memref<128x128xf32, #tpu.memory_space<vmem>>
            %dma_start3A_302 = arith.constant 0 : i32
            %dma_start3A_303 = tpu.memref_slice %arg4[%mul3A_297, %dma_start3A_302] : memref<51200x128xf32, #tpu.memory_space<hbm>> -> memref<128x128xf32, #tpu.memory_space<hbm>>
            %dma_start3A_304 = tpu.memref_slice %run_scoped3A_19[%rem3A_295] : memref<2x!tpu.dma_semaphore, #tpu.memory_space<semaphore_mem>> -> memref<1x!tpu.dma_semaphore, #tpu.memory_space<semaphore_mem>>
            %dma_start3A_305 = tpu.memref_squeeze %dma_start3A_304 : memref<1x!tpu.dma_semaphore, #tpu.memory_space<semaphore_mem>> -> memref<!tpu.dma_semaphore, #tpu.memory_space<semaphore_mem>>
            %dma_start3A_306 = arith.constant 0 : i32
            %dma_start3A_307 = tpu.memref_slice %arg4[%mul3A_297, %dma_start3A_306] : memref<51200x128xf32, #tpu.memory_space<hbm>> -> memref<128x128xf32, #tpu.memory_space<hbm>>
            %dma_start3A_308 = arith.constant 0 : i32
            %dma_start3A_309 = arith.constant 0 : i32
            %dma_start3A_310 = tpu.memref_slice %run_scoped3A_18[%rem3A_295, %dma_start3A_308, %dma_start3A_309] : memref<2x128x128xf32, #tpu.memory_space<vmem>> -> memref<1x128x128xf32, #tpu.memory_space<vmem>>
            %dma_start3A_311 = tpu.memref_squeeze %dma_start3A_310 : memref<1x128x128xf32, #tpu.memory_space<vmem>> -> memref<128x128xf32, #tpu.memory_space<vmem>>
            tpu.enqueue_dma source(%dma_start3A_311 : memref<128x128xf32, #tpu.memory_space<vmem>>) target(%dma_start3A_307 : memref<128x128xf32, #tpu.memory_space<hbm>>) target_semaphore(%dma_start3A_305 : memref<!tpu.dma_semaphore, #tpu.memory_space<semaphore_mem>>)
            "tpu.trace_stop"() : () -> ()
          } else {
          }
          %and3A_248 = arith.constant true
          %and3A_249 = arith.andi %or3A_244, %and3A_248 : i1
          %add3A_250 = arith.constant 1 : i32
          %add3A_251 = arith.addi %while3A_145, %add3A_250 : i32
          %select_n3A_252 = arith.select %and3A_249, %add3A_251, %while3A_145 : i32
          %ne3A_253 = arith.cmpi ne, %add3A_155, %add3A_165 : i32
          %or3A_254 = arith.constant false
          %or3A_255 = arith.ori %or3A_254, %ne3A_253 : i1
          %not3A_256 = arith.constant true
          %not3A_257 = arith.xori %eq3A_151, %not3A_256 : i1
          %and3A_258 = arith.andi %or3A_255, %not3A_257 : i1
          %convert_element_type3A_259 = arith.extui %and3A_258 : i1 to i32
          %cond3A_260 = arith.constant 0 : i32
          %cond3A_261 = arith.cmpi ne, %convert_element_type3A_259, %cond3A_260 : i32
          scf.if %cond3A_261 {
          } else {
          }
          %and3A_262 = arith.constant false
          %and3A_263 = arith.andi %and3A_258, %and3A_262 : i1
          %ne3A_264 = arith.cmpi ne, %add3A_155, %add3A_165 : i32
          %or3A_265 = arith.constant false
          %or3A_266 = arith.ori %or3A_265, %ne3A_264 : i1
          %or3A_267 = arith.constant false
          %or3A_268 = arith.ori %or3A_266, %or3A_267 : i1
          %not3A_269 = arith.constant true
          %not3A_270 = arith.xori %eq3A_151, %not3A_269 : i1
          %and3A_271 = arith.andi %or3A_268, %not3A_270 : i1
          %convert_element_type3A_272 = arith.extui %and3A_271 : i1 to i32
          %cond3A_273 = arith.constant 0 : i32
          %cond3A_274 = arith.cmpi ne, %convert_element_type3A_272, %cond3A_273 : i32
          scf.if %cond3A_274 {
            "tpu.trace_start"() <{level = 10 : i32, message = "ep_wait_out"}> : () -> ()
            %rem3A_294 = arith.constant 2 : i32
            %rem3A_295 = arith.remui %while3A_146, %rem3A_294 : i32
            %mul3A_296 = arith.constant 128 : i32
            %mul3A_297 = arith.muli %mul3A_296, %add3A_165 : i32
            %dma_wait3A = arith.constant 0 : i32
            %dma_wait3A_298 = arith.constant 0 : i32
            %dma_wait3A_299 = tpu.memref_slice %run_scoped3A_18[%rem3A_295, %dma_wait3A, %dma_wait3A_298] : memref<2x128x128xf32, #tpu.memory_space<vmem>> -> memref<1x128x128xf32, #tpu.memory_space<vmem>>
            %dma_wait3A_300 = tpu.memref_squeeze %dma_wait3A_299 : memref<1x128x128xf32, #tpu.memory_space<vmem>> -> memref<128x128xf32, #tpu.memory_space<vmem>>
            %dma_wait3A_301 = arith.constant 0 : i32
            %dma_wait3A_302 = tpu.memref_slice %arg4[%mul3A_297, %dma_wait3A_301] : memref<51200x128xf32, #tpu.memory_space<hbm>> -> memref<128x128xf32, #tpu.memory_space<hbm>>
            %dma_wait3A_303 = tpu.memref_slice %run_scoped3A_19[%rem3A_295] : memref<2x!tpu.dma_semaphore, #tpu.memory_space<semaphore_mem>> -> memref<1x!tpu.dma_semaphore, #tpu.memory_space<semaphore_mem>>
            %dma_wait3A_304 = tpu.memref_squeeze %dma_wait3A_303 : memref<1x!tpu.dma_semaphore, #tpu.memory_space<semaphore_mem>> -> memref<!tpu.dma_semaphore, #tpu.memory_space<semaphore_mem>>
            %dma_wait3A_305 = arith.constant 0 : i32
            %dma_wait3A_306 = tpu.memref_slice %arg4[%mul3A_297, %dma_wait3A_305] : memref<51200x128xf32, #tpu.memory_space<hbm>> -> memref<128x128xf32, #tpu.memory_space<hbm>>
            %dma_wait3A_307 = arith.constant 0 : i32
            %dma_wait3A_308 = arith.constant 0 : i32
            %dma_wait3A_309 = tpu.memref_slice %run_scoped3A_18[%rem3A_295, %dma_wait3A_307, %dma_wait3A_308] : memref<2x128x128xf32, #tpu.memory_space<vmem>> -> memref<1x128x128xf32, #tpu.memory_space<vmem>>
            %dma_wait3A_310 = tpu.memref_squeeze %dma_wait3A_309 : memref<1x128x128xf32, #tpu.memory_space<vmem>> -> memref<128x128xf32, #tpu.memory_space<vmem>>
            tpu.wait_dma2 semaphore(%dma_wait3A_304 : memref<!tpu.dma_semaphore, #tpu.memory_space<semaphore_mem>>) src(%dma_wait3A_310 : memref<128x128xf32, #tpu.memory_space<vmem>>) dst(%dma_wait3A_306 : memref<128x128xf32, #tpu.memory_space<hbm>>)
            "tpu.trace_stop"() : () -> ()
          } else {
          }
          %and3A_275 = arith.constant true
          %and3A_276 = arith.andi %and3A_271, %and3A_275 : i1
          %add3A_277 = arith.constant 1 : i32
          %add3A_278 = arith.addi %while3A_146, %add3A_277 : i32
          %select_n3A_279 = arith.select %and3A_276, %add3A_278, %while3A_146 : i32
          %ne3A_280 = arith.cmpi ne, %add3A_155, %add3A_173 : i32
          %or3A_281 = arith.constant false
          %or3A_282 = arith.ori %or3A_281, %ne3A_280 : i1
          %or3A_283 = arith.ori %or3A_282, %eq3A_154 : i1
          %add3A_284 = arith.constant 1 : i32
          %add3A_285 = arith.addi %while3A_144, %add3A_284 : i32
          %select_n3A_286 = arith.select %or3A_283, %add3A_285, %while3A_144 : i32
          %add3A_287 = arith.constant 1 : i32
          %add3A_288 = arith.addi %while3A_147, %add3A_287 : i32
          %select_n3A_289 = arith.constant true
          %select_n3A_290 = arith.select %select_n3A_289, %add3A_288, %while3A_147 : i32
          %eq3A_291 = arith.cmpi eq, %select_n3A_290, %select_n3A : i32
          %select_n3A_292 = arith.constant 0 : i32
          %select_n3A_293 = arith.select %eq3A_291, %select_n3A_292, %select_n3A_290 : i32
          scf.yield %select_n3A_195, %select_n3A_286, %select_n3A_252, %select_n3A_279, %select_n3A_293 : i32, i32, i32, i32, i32
        }
        %while3A_89 = arith.constant 1 : i32
        %while3A_90:5 = scf.for %while3A_142 = %while3A_86 to %while3A_82 step %while3A_89 iter_args(%while3A_143 = %while3A_88#0, %while3A_144 = %while3A_88#1, %while3A_145 = %while3A_88#2, %while3A_146 = %while3A_88#3, %while3A_147 = %while3A_88#4) -> (i32, i32, i32, i32, i32)  : i32 {
          %mul3A_148 = arith.constant 1 : i32
          %mul3A_149 = arith.muli %mul3A_148, %select_n3A : i32
          %eq3A_150 = arith.constant 0 : i32
          %eq3A_151 = arith.cmpi eq, %while3A_142, %eq3A_150 : i32
          %sub3A_152 = arith.constant 1 : i32
          %sub3A_153 = arith.subi %mul3A_149, %sub3A_152 : i32
          %eq3A_154 = arith.cmpi eq, %while3A_142, %sub3A_153 : i32
          %add3A_155 = arith.addi %while3A_147, %select_n3A_14 : i32
          %sub3A_156 = arith.constant 1 : i32
          %sub3A_157 = arith.subi %while3A_147, %sub3A_156 : i32
          %select_n3A_158 = arith.constant true
          %select_n3A_159 = arith.select %select_n3A_158, %sub3A_157, %while3A_147 : i32
          %eq3A_160 = arith.constant -1 : i32
          %eq3A_161 = arith.cmpi eq, %select_n3A_159, %eq3A_160 : i32
          %sub3A_162 = arith.constant 1 : i32
          %sub3A_163 = arith.subi %select_n3A, %sub3A_162 : i32
          %select_n3A_164 = arith.select %eq3A_161, %sub3A_163, %select_n3A_159 : i32
          %add3A_165 = arith.addi %select_n3A_164, %select_n3A_14 : i32
          %add3A_166 = arith.constant 1 : i32
          %add3A_167 = arith.addi %while3A_147, %add3A_166 : i32
          %select_n3A_168 = arith.constant true
          %select_n3A_169 = arith.select %select_n3A_168, %add3A_167, %while3A_147 : i32
          %eq3A_170 = arith.cmpi eq, %select_n3A_169, %select_n3A : i32
          %select_n3A_171 = arith.constant 0 : i32
          %select_n3A_172 = arith.select %eq3A_170, %select_n3A_171, %select_n3A_169 : i32
          %add3A_173 = arith.addi %select_n3A_172, %select_n3A_14 : i32
          %add3A_174 = arith.constant 1 : i32
          %add3A_175 = arith.addi %select_n3A_172, %add3A_174 : i32
          %select_n3A_176 = arith.constant true
          %select_n3A_177 = arith.select %select_n3A_176, %add3A_175, %select_n3A_172 : i32
          %eq3A_178 = arith.cmpi eq, %select_n3A_177, %select_n3A : i32
          %select_n3A_179 = arith.constant 0 : i32
          %select_n3A_180 = arith.select %eq3A_178, %select_n3A_179, %select_n3A_177 : i32
          %add3A_181 = arith.addi %select_n3A_180, %select_n3A_14 : i32
          %ne3A = arith.cmpi ne, %add3A_155, %add3A_173 : i32
          %or3A = arith.constant false
          %or3A_182 = arith.ori %or3A, %ne3A : i1
          %sub3A_183 = arith.constant 2 : i32
          %sub3A_184 = arith.subi %mul3A_149, %sub3A_183 : i32
          %add3A_185 = arith.constant 1 : i32
          %add3A_186 = arith.addi %sub3A_184, %add3A_185 : i32
          %ge3A = arith.cmpi sge, %while3A_142, %add3A_186 : i32
          %not3A = arith.constant true
          %not3A_187 = arith.xori %ge3A, %not3A : i1
          %and3A = arith.andi %or3A_182, %not3A_187 : i1
          %convert_element_type3A_188 = arith.extui %and3A : i1 to i32
          %cond3A_189 = arith.constant 0 : i32
          %cond3A_190 = arith.cmpi ne, %convert_element_type3A_188, %cond3A_189 : i32
          scf.if %cond3A_190 {
            "tpu.trace_start"() <{level = 10 : i32, message = "ep_copy_in"}> : () -> ()
            %rem3A_294 = arith.constant 2 : i32
            %rem3A_295 = arith.remui %while3A_143, %rem3A_294 : i32
            %mul3A_296 = arith.constant 128 : i32
            %mul3A_297 = arith.muli %mul3A_296, %add3A_173 : i32
            %dma_start3A_298 = arith.constant 0 : i32
            %dma_start3A_299 = arith.constant 0 : i32
            %dma_start3A_300 = tpu.memref_slice %run_scoped3A[%rem3A_295, %dma_start3A_298, %dma_start3A_299] : memref<2x1x128xi32, #tpu.memory_space<vmem>> -> memref<1x1x128xi32, #tpu.memory_space<vmem>>
            %dma_start3A_301 = tpu.memref_squeeze %dma_start3A_300 : memref<1x1x128xi32, #tpu.memory_space<vmem>> -> memref<1x128xi32, #tpu.memory_space<vmem>>
            %dma_start3A_302 = arith.constant 0 : i32
            %dma_start3A_303 = tpu.memref_slice %arg3[%dma_start3A_302, %mul3A_297] : memref<1x51200xi32, #tpu.memory_space<hbm>> -> memref<1x128xi32, #tpu.memory_space<hbm>>
            %dma_start3A_304 = tpu.memref_slice %run_scoped3A_17[%rem3A_295] : memref<2x!tpu.dma_semaphore, #tpu.memory_space<semaphore_mem>> -> memref<1x!tpu.dma_semaphore, #tpu.memory_space<semaphore_mem>>
            %dma_start3A_305 = tpu.memref_squeeze %dma_start3A_304 : memref<1x!tpu.dma_semaphore, #tpu.memory_space<semaphore_mem>> -> memref<!tpu.dma_semaphore, #tpu.memory_space<semaphore_mem>>
            %dma_start3A_306 = arith.constant 0 : i32
            %dma_start3A_307 = arith.constant 0 : i32
            %dma_start3A_308 = tpu.memref_slice %run_scoped3A[%rem3A_295, %dma_start3A_306, %dma_start3A_307] : memref<2x1x128xi32, #tpu.memory_space<vmem>> -> memref<1x1x128xi32, #tpu.memory_space<vmem>>
            %dma_start3A_309 = tpu.memref_squeeze %dma_start3A_308 : memref<1x1x128xi32, #tpu.memory_space<vmem>> -> memref<1x128xi32, #tpu.memory_space<vmem>>
            %dma_start3A_310 = arith.constant 0 : i32
            %dma_start3A_311 = tpu.memref_slice %arg3[%dma_start3A_310, %mul3A_297] : memref<1x51200xi32, #tpu.memory_space<hbm>> -> memref<1x128xi32, #tpu.memory_space<hbm>>
            tpu.enqueue_dma source(%dma_start3A_311 : memref<1x128xi32, #tpu.memory_space<hbm>>) target(%dma_start3A_309 : memref<1x128xi32, #tpu.memory_space<vmem>>) target_semaphore(%dma_start3A_305 : memref<!tpu.dma_semaphore, #tpu.memory_space<semaphore_mem>>)
            "tpu.trace_stop"() : () -> ()
          } else {
          }
          %and3A_191 = arith.constant true
          %and3A_192 = arith.andi %and3A, %and3A_191 : i1
          %add3A_193 = arith.constant 1 : i32
          %add3A_194 = arith.addi %while3A_143, %add3A_193 : i32
          %select_n3A_195 = arith.select %and3A_192, %add3A_194, %while3A_143 : i32
          %ne3A_196 = arith.cmpi ne, %add3A_155, %add3A_173 : i32
          %or3A_197 = arith.constant false
          %or3A_198 = arith.ori %or3A_197, %ne3A_196 : i1
          %or3A_199 = arith.constant false
          %or3A_200 = arith.ori %or3A_198, %or3A_199 : i1
          %sub3A_201 = arith.constant 2 : i32
          %sub3A_202 = arith.subi %mul3A_149, %sub3A_201 : i32
          %add3A_203 = arith.constant 1 : i32
          %add3A_204 = arith.addi %sub3A_202, %add3A_203 : i32
          %ge3A_205 = arith.cmpi sge, %while3A_142, %add3A_204 : i32
          %not3A_206 = arith.constant true
          %not3A_207 = arith.xori %ge3A_205, %not3A_206 : i1
          %and3A_208 = arith.andi %or3A_200, %not3A_207 : i1
          %ne3A_209 = arith.cmpi ne, %add3A_155, %add3A_165 : i32
          %or3A_210 = arith.constant false
          %or3A_211 = arith.ori %or3A_210, %ne3A_209 : i1
          %or3A_212 = arith.ori %or3A_211, %eq3A_151 : i1
          %convert_element_type3A_213 = arith.extui %or3A_212 : i1 to i32
          %cond3A_214 = arith.constant 0 : i32
          %cond3A_215 = arith.cmpi ne, %convert_element_type3A_213, %cond3A_214 : i32
          scf.if %cond3A_215 {
            "tpu.trace_start"() <{level = 10 : i32, message = "ep_wait_in"}> : () -> ()
            %mul3A_294 = arith.constant 128 : i32
            %mul3A_295 = arith.muli %mul3A_294, %add3A_155 : i32
            %rem3A_296 = arith.constant 2 : i32
            %rem3A_297 = arith.remui %while3A_144, %rem3A_296 : i32
            %dma_wait3A = arith.constant 0 : i32
            %dma_wait3A_298 = arith.constant 0 : i32
            %dma_wait3A_299 = tpu.memref_slice %run_scoped3A[%rem3A_297, %dma_wait3A, %dma_wait3A_298] : memref<2x1x128xi32, #tpu.memory_space<vmem>> -> memref<1x1x128xi32, #tpu.memory_space<vmem>>
            %dma_wait3A_300 = tpu.memref_squeeze %dma_wait3A_299 : memref<1x1x128xi32, #tpu.memory_space<vmem>> -> memref<1x128xi32, #tpu.memory_space<vmem>>
            %dma_wait3A_301 = arith.constant 0 : i32
            %dma_wait3A_302 = tpu.memref_slice %arg3[%dma_wait3A_301, %mul3A_295] : memref<1x51200xi32, #tpu.memory_space<hbm>> -> memref<1x128xi32, #tpu.memory_space<hbm>>
            %dma_wait3A_303 = tpu.memref_slice %run_scoped3A_17[%rem3A_297] : memref<2x!tpu.dma_semaphore, #tpu.memory_space<semaphore_mem>> -> memref<1x!tpu.dma_semaphore, #tpu.memory_space<semaphore_mem>>
            %dma_wait3A_304 = tpu.memref_squeeze %dma_wait3A_303 : memref<1x!tpu.dma_semaphore, #tpu.memory_space<semaphore_mem>> -> memref<!tpu.dma_semaphore, #tpu.memory_space<semaphore_mem>>
            %dma_wait3A_305 = arith.constant 0 : i32
            %dma_wait3A_306 = arith.constant 0 : i32
            %dma_wait3A_307 = tpu.memref_slice %run_scoped3A[%rem3A_297, %dma_wait3A_305, %dma_wait3A_306] : memref<2x1x128xi32, #tpu.memory_space<vmem>> -> memref<1x1x128xi32, #tpu.memory_space<vmem>>
            %dma_wait3A_308 = tpu.memref_squeeze %dma_wait3A_307 : memref<1x1x128xi32, #tpu.memory_space<vmem>> -> memref<1x128xi32, #tpu.memory_space<vmem>>
            %dma_wait3A_309 = arith.constant 0 : i32
            %dma_wait3A_310 = tpu.memref_slice %arg3[%dma_wait3A_309, %mul3A_295] : memref<1x51200xi32, #tpu.memory_space<hbm>> -> memref<1x128xi32, #tpu.memory_space<hbm>>
            tpu.wait_dma2 semaphore(%dma_wait3A_304 : memref<!tpu.dma_semaphore, #tpu.memory_space<semaphore_mem>>) src(%dma_wait3A_310 : memref<1x128xi32, #tpu.memory_space<hbm>>) dst(%dma_wait3A_308 : memref<1x128xi32, #tpu.memory_space<vmem>>)
            "tpu.trace_stop"() : () -> ()
          } else {
          }
          %ne3A_216 = arith.cmpi ne, %add3A_155, %add3A_165 : i32
          %or3A_217 = arith.constant false
          %or3A_218 = arith.ori %or3A_217, %ne3A_216 : i1
          %or3A_219 = arith.constant false
          %or3A_220 = arith.ori %or3A_218, %or3A_219 : i1
          %or3A_221 = arith.ori %or3A_220, %eq3A_151 : i1
          %convert_element_type3A_222 = arith.extui %or3A_221 : i1 to i32
          %cond3A_223 = arith.constant 0 : i32
          %cond3A_224 = arith.cmpi ne, %convert_element_type3A_222, %cond3A_223 : i32
          scf.if %cond3A_224 {
          } else {
          }
          %rem3A_225 = arith.constant 2 : i32
          %rem3A_226 = arith.remui %while3A_144, %rem3A_225 : i32
          %rem3A_227 = arith.constant 2 : i32
          %rem3A_228 = arith.remui %while3A_145, %rem3A_227 : i32
          %run_scoped3A_229 = arith.constant 0 : i32
          "tpu.trace_start"() <{level = 10 : i32, message = "ep_run_kernel"}> : () -> ()
          "tpu.region"() ({
            %run_scoped3A_294 = tpu.sem_alloc : memref<!tpu.dma_semaphore, #tpu.memory_space<semaphore_mem>>
            %dma_start3A_295 = arith.constant 0 : i32
            %dma_start3A_296 = arith.constant 0 : i32
            %dma_start3A_297 = tpu.memref_slice %run_scoped3A_18[%rem3A_228, %dma_start3A_295, %dma_start3A_296] : memref<2x128x128xf32, #tpu.memory_space<vmem>> -> memref<1x128x128xf32, #tpu.memory_space<vmem>>
            %dma_start3A_298 = tpu.memref_squeeze %dma_start3A_297 : memref<1x128x128xf32, #tpu.memory_space<vmem>> -> memref<128x128xf32, #tpu.memory_space<vmem>>
            %dma_start3A_299 = arith.constant 0 : i32
            %dma_start3A_300 = arith.constant 0 : i32
            %dma_start3A_301 = tpu.memref_slice %run_scoped3A[%rem3A_226, %dma_start3A_299, %dma_start3A_300] : memref<2x1x128xi32, #tpu.memory_space<vmem>> -> memref<1x1x128xi32, #tpu.memory_space<vmem>>
            %dma_start3A_302 = tpu.memref_squeeze %dma_start3A_301 : memref<1x1x128xi32, #tpu.memory_space<vmem>> -> memref<1x128xi32, #tpu.memory_space<vmem>>
            %dma_start3A_303 = arith.constant 0 : i32
            %dma_start3A_304 = tpu.memref_slice %dma_start3A_302[%run_scoped3A_229, %dma_start3A_303] : memref<1x128xi32, #tpu.memory_space<vmem>> -> memref<1x128xi32, #tpu.memory_space<vmem>>
            %dma_start3A_305 = tpu.memref_squeeze %dma_start3A_304 : memref<1x128xi32, #tpu.memory_space<vmem>> -> memref<128xi32, #tpu.memory_space<vmem>>
            %dma_start3A_306 = arith.constant 0 : i32
            %dma_start3A_307 = arith.constant 0 : i32
            %dma_start3A_308 = tpu.memref_slice %arg2[%dma_start3A_306, %dma_start3A_307] : memref<10000x128xf32, #tpu.memory_space<hbm>> -> memref<10000x128xf32, #tpu.memory_space<hbm>>
            tpu.enqueue_indirect_dma source(%dma_start3A_308 : memref<10000x128xf32, #tpu.memory_space<hbm>>) target(%dma_start3A_298 : memref<128x128xf32, #tpu.memory_space<vmem>>) offsets(%dma_start3A_305 : memref<128xi32, #tpu.memory_space<vmem>>) semaphore(%run_scoped3A_294 : memref<!tpu.dma_semaphore, #tpu.memory_space<semaphore_mem>>)
            %dma_wait3A = arith.constant 0 : i32
            %dma_wait3A_309 = arith.constant 0 : i32
            %dma_wait3A_310 = tpu.memref_slice %run_scoped3A_18[%rem3A_228, %dma_wait3A, %dma_wait3A_309] : memref<2x128x128xf32, #tpu.memory_space<vmem>> -> memref<1x128x128xf32, #tpu.memory_space<vmem>>
            %dma_wait3A_311 = tpu.memref_squeeze %dma_wait3A_310 : memref<1x128x128xf32, #tpu.memory_space<vmem>> -> memref<128x128xf32, #tpu.memory_space<vmem>>
            %dma_wait3A_312 = arith.constant 0 : i32
            %dma_wait3A_313 = arith.constant 0 : i32
            %dma_wait3A_314 = tpu.memref_slice %run_scoped3A[%rem3A_226, %dma_wait3A_312, %dma_wait3A_313] : memref<2x1x128xi32, #tpu.memory_space<vmem>> -> memref<1x1x128xi32, #tpu.memory_space<vmem>>
            %dma_wait3A_315 = tpu.memref_squeeze %dma_wait3A_314 : memref<1x1x128xi32, #tpu.memory_space<vmem>> -> memref<1x128xi32, #tpu.memory_space<vmem>>
            %dma_wait3A_316 = arith.constant 0 : i32
            %dma_wait3A_317 = tpu.memref_slice %dma_wait3A_315[%run_scoped3A_229, %dma_wait3A_316] : memref<1x128xi32, #tpu.memory_space<vmem>> -> memref<1x128xi32, #tpu.memory_space<vmem>>
            %dma_wait3A_318 = tpu.memref_squeeze %dma_wait3A_317 : memref<1x128xi32, #tpu.memory_space<vmem>> -> memref<128xi32, #tpu.memory_space<vmem>>
            %dma_wait3A_319 = arith.constant 0 : i32
            %dma_wait3A_320 = arith.constant 0 : i32
            %dma_wait3A_321 = tpu.memref_slice %arg2[%dma_wait3A_319, %dma_wait3A_320] : memref<10000x128xf32, #tpu.memory_space<hbm>> -> memref<10000x128xf32, #tpu.memory_space<hbm>>
            tpu.wait_indirect_dma semaphore(%run_scoped3A_294 : memref<!tpu.dma_semaphore, #tpu.memory_space<semaphore_mem>>) src(%dma_wait3A_321 : memref<10000x128xf32, #tpu.memory_space<hbm>>) dst(%dma_wait3A_311 : memref<128x128xf32, #tpu.memory_space<vmem>>)
            tpu.yield
          }) : () -> ()
          "tpu.trace_stop"() : () -> ()
          %ne3A_230 = arith.cmpi ne, %add3A_155, %add3A_173 : i32
          %or3A_231 = arith.constant false
          %or3A_232 = arith.ori %or3A_231, %ne3A_230 : i1
          %or3A_233 = arith.ori %or3A_232, %eq3A_154 : i1
          %convert_element_type3A_234 = arith.extui %or3A_233 : i1 to i32
          %cond3A_235 = arith.constant 0 : i32
          %cond3A_236 = arith.cmpi ne, %convert_element_type3A_234, %cond3A_235 : i32
          scf.if %cond3A_236 {
          } else {
          }
          %and3A_237 = arith.constant false
          %and3A_238 = arith.andi %or3A_233, %and3A_237 : i1
          %ne3A_239 = arith.cmpi ne, %add3A_155, %add3A_173 : i32
          %or3A_240 = arith.constant false
          %or3A_241 = arith.ori %or3A_240, %ne3A_239 : i1
          %or3A_242 = arith.constant false
          %or3A_243 = arith.ori %or3A_241, %or3A_242 : i1
          %or3A_244 = arith.ori %or3A_243, %eq3A_154 : i1
          %convert_element_type3A_245 = arith.extui %or3A_244 : i1 to i32
          %cond3A_246 = arith.constant 0 : i32
          %cond3A_247 = arith.cmpi ne, %convert_element_type3A_245, %cond3A_246 : i32
          scf.if %cond3A_247 {
            "tpu.trace_start"() <{level = 10 : i32, message = "ep_copy_out"}> : () -> ()
            %rem3A_294 = arith.constant 2 : i32
            %rem3A_295 = arith.remui %while3A_145, %rem3A_294 : i32
            %mul3A_296 = arith.constant 128 : i32
            %mul3A_297 = arith.muli %mul3A_296, %add3A_155 : i32
            %dma_start3A_298 = arith.constant 0 : i32
            %dma_start3A_299 = arith.constant 0 : i32
            %dma_start3A_300 = tpu.memref_slice %run_scoped3A_18[%rem3A_295, %dma_start3A_298, %dma_start3A_299] : memref<2x128x128xf32, #tpu.memory_space<vmem>> -> memref<1x128x128xf32, #tpu.memory_space<vmem>>
            %dma_start3A_301 = tpu.memref_squeeze %dma_start3A_300 : memref<1x128x128xf32, #tpu.memory_space<vmem>> -> memref<128x128xf32, #tpu.memory_space<vmem>>
            %dma_start3A_302 = arith.constant 0 : i32
            %dma_start3A_303 = tpu.memref_slice %arg4[%mul3A_297, %dma_start3A_302] : memref<51200x128xf32, #tpu.memory_space<hbm>> -> memref<128x128xf32, #tpu.memory_space<hbm>>
            %dma_start3A_304 = tpu.memref_slice %run_scoped3A_19[%rem3A_295] : memref<2x!tpu.dma_semaphore, #tpu.memory_space<semaphore_mem>> -> memref<1x!tpu.dma_semaphore, #tpu.memory_space<semaphore_mem>>
            %dma_start3A_305 = tpu.memref_squeeze %dma_start3A_304 : memref<1x!tpu.dma_semaphore, #tpu.memory_space<semaphore_mem>> -> memref<!tpu.dma_semaphore, #tpu.memory_space<semaphore_mem>>
            %dma_start3A_306 = arith.constant 0 : i32
            %dma_start3A_307 = tpu.memref_slice %arg4[%mul3A_297, %dma_start3A_306] : memref<51200x128xf32, #tpu.memory_space<hbm>> -> memref<128x128xf32, #tpu.memory_space<hbm>>
            %dma_start3A_308 = arith.constant 0 : i32
            %dma_start3A_309 = arith.constant 0 : i32
            %dma_start3A_310 = tpu.memref_slice %run_scoped3A_18[%rem3A_295, %dma_start3A_308, %dma_start3A_309] : memref<2x128x128xf32, #tpu.memory_space<vmem>> -> memref<1x128x128xf32, #tpu.memory_space<vmem>>
            %dma_start3A_311 = tpu.memref_squeeze %dma_start3A_310 : memref<1x128x128xf32, #tpu.memory_space<vmem>> -> memref<128x128xf32, #tpu.memory_space<vmem>>
            tpu.enqueue_dma source(%dma_start3A_311 : memref<128x128xf32, #tpu.memory_space<vmem>>) target(%dma_start3A_307 : memref<128x128xf32, #tpu.memory_space<hbm>>) target_semaphore(%dma_start3A_305 : memref<!tpu.dma_semaphore, #tpu.memory_space<semaphore_mem>>)
            "tpu.trace_stop"() : () -> ()
          } else {
          }
          %and3A_248 = arith.constant true
          %and3A_249 = arith.andi %or3A_244, %and3A_248 : i1
          %add3A_250 = arith.constant 1 : i32
          %add3A_251 = arith.addi %while3A_145, %add3A_250 : i32
          %select_n3A_252 = arith.select %and3A_249, %add3A_251, %while3A_145 : i32
          %ne3A_253 = arith.cmpi ne, %add3A_155, %add3A_165 : i32
          %or3A_254 = arith.constant false
          %or3A_255 = arith.ori %or3A_254, %ne3A_253 : i1
          %not3A_256 = arith.constant true
          %not3A_257 = arith.xori %eq3A_151, %not3A_256 : i1
          %and3A_258 = arith.andi %or3A_255, %not3A_257 : i1
          %convert_element_type3A_259 = arith.extui %and3A_258 : i1 to i32
          %cond3A_260 = arith.constant 0 : i32
          %cond3A_261 = arith.cmpi ne, %convert_element_type3A_259, %cond3A_260 : i32
          scf.if %cond3A_261 {
          } else {
          }
          %and3A_262 = arith.constant false
          %and3A_263 = arith.andi %and3A_258, %and3A_262 : i1
          %ne3A_264 = arith.cmpi ne, %add3A_155, %add3A_165 : i32
          %or3A_265 = arith.constant false
          %or3A_266 = arith.ori %or3A_265, %ne3A_264 : i1
          %or3A_267 = arith.constant false
          %or3A_268 = arith.ori %or3A_266, %or3A_267 : i1
          %not3A_269 = arith.constant true
          %not3A_270 = arith.xori %eq3A_151, %not3A_269 : i1
          %and3A_271 = arith.andi %or3A_268, %not3A_270 : i1
          %convert_element_type3A_272 = arith.extui %and3A_271 : i1 to i32
          %cond3A_273 = arith.constant 0 : i32
          %cond3A_274 = arith.cmpi ne, %convert_element_type3A_272, %cond3A_273 : i32
          scf.if %cond3A_274 {
            "tpu.trace_start"() <{level = 10 : i32, message = "ep_wait_out"}> : () -> ()
            %rem3A_294 = arith.constant 2 : i32
            %rem3A_295 = arith.remui %while3A_146, %rem3A_294 : i32
            %mul3A_296 = arith.constant 128 : i32
            %mul3A_297 = arith.muli %mul3A_296, %add3A_165 : i32
            %dma_wait3A = arith.constant 0 : i32
            %dma_wait3A_298 = arith.constant 0 : i32
            %dma_wait3A_299 = tpu.memref_slice %run_scoped3A_18[%rem3A_295, %dma_wait3A, %dma_wait3A_298] : memref<2x128x128xf32, #tpu.memory_space<vmem>> -> memref<1x128x128xf32, #tpu.memory_space<vmem>>
            %dma_wait3A_300 = tpu.memref_squeeze %dma_wait3A_299 : memref<1x128x128xf32, #tpu.memory_space<vmem>> -> memref<128x128xf32, #tpu.memory_space<vmem>>
            %dma_wait3A_301 = arith.constant 0 : i32
            %dma_wait3A_302 = tpu.memref_slice %arg4[%mul3A_297, %dma_wait3A_301] : memref<51200x128xf32, #tpu.memory_space<hbm>> -> memref<128x128xf32, #tpu.memory_space<hbm>>
            %dma_wait3A_303 = tpu.memref_slice %run_scoped3A_19[%rem3A_295] : memref<2x!tpu.dma_semaphore, #tpu.memory_space<semaphore_mem>> -> memref<1x!tpu.dma_semaphore, #tpu.memory_space<semaphore_mem>>
            %dma_wait3A_304 = tpu.memref_squeeze %dma_wait3A_303 : memref<1x!tpu.dma_semaphore, #tpu.memory_space<semaphore_mem>> -> memref<!tpu.dma_semaphore, #tpu.memory_space<semaphore_mem>>
            %dma_wait3A_305 = arith.constant 0 : i32
            %dma_wait3A_306 = tpu.memref_slice %arg4[%mul3A_297, %dma_wait3A_305] : memref<51200x128xf32, #tpu.memory_space<hbm>> -> memref<128x128xf32, #tpu.memory_space<hbm>>
            %dma_wait3A_307 = arith.constant 0 : i32
            %dma_wait3A_308 = arith.constant 0 : i32
            %dma_wait3A_309 = tpu.memref_slice %run_scoped3A_18[%rem3A_295, %dma_wait3A_307, %dma_wait3A_308] : memref<2x128x128xf32, #tpu.memory_space<vmem>> -> memref<1x128x128xf32, #tpu.memory_space<vmem>>
            %dma_wait3A_310 = tpu.memref_squeeze %dma_wait3A_309 : memref<1x128x128xf32, #tpu.memory_space<vmem>> -> memref<128x128xf32, #tpu.memory_space<vmem>>
            tpu.wait_dma2 semaphore(%dma_wait3A_304 : memref<!tpu.dma_semaphore, #tpu.memory_space<semaphore_mem>>) src(%dma_wait3A_310 : memref<128x128xf32, #tpu.memory_space<vmem>>) dst(%dma_wait3A_306 : memref<128x128xf32, #tpu.memory_space<hbm>>)
            "tpu.trace_stop"() : () -> ()
          } else {
          }
          %and3A_275 = arith.constant true
          %and3A_276 = arith.andi %and3A_271, %and3A_275 : i1
          %add3A_277 = arith.constant 1 : i32
          %add3A_278 = arith.addi %while3A_146, %add3A_277 : i32
          %select_n3A_279 = arith.select %and3A_276, %add3A_278, %while3A_146 : i32
          %ne3A_280 = arith.cmpi ne, %add3A_155, %add3A_173 : i32
          %or3A_281 = arith.constant false
          %or3A_282 = arith.ori %or3A_281, %ne3A_280 : i1
          %or3A_283 = arith.ori %or3A_282, %eq3A_154 : i1
          %add3A_284 = arith.constant 1 : i32
          %add3A_285 = arith.addi %while3A_144, %add3A_284 : i32
          %select_n3A_286 = arith.select %or3A_283, %add3A_285, %while3A_144 : i32
          %add3A_287 = arith.constant 1 : i32
          %add3A_288 = arith.addi %while3A_147, %add3A_287 : i32
          %select_n3A_289 = arith.constant true
          %select_n3A_290 = arith.select %select_n3A_289, %add3A_288, %while3A_147 : i32
          %eq3A_291 = arith.cmpi eq, %select_n3A_290, %select_n3A : i32
          %select_n3A_292 = arith.constant 0 : i32
          %select_n3A_293 = arith.select %eq3A_291, %select_n3A_292, %select_n3A_290 : i32
          scf.yield %select_n3A_195, %select_n3A_286, %select_n3A_252, %select_n3A_279, %select_n3A_293 : i32, i32, i32, i32, i32
        }
        %sub3A_91 = arith.constant 1 : i32
        %sub3A_92 = arith.subi %while3A_90#4, %sub3A_91 : i32
        %select_n3A_93 = arith.constant true
        %select_n3A_94 = arith.select %select_n3A_93, %sub3A_92, %while3A_90#4 : i32
        %eq3A_95 = arith.constant -1 : i32
        %eq3A_96 = arith.cmpi eq, %select_n3A_94, %eq3A_95 : i32
        %sub3A_97 = arith.constant 1 : i32
        %sub3A_98 = arith.subi %select_n3A, %sub3A_97 : i32
        %select_n3A_99 = arith.select %eq3A_96, %sub3A_98, %select_n3A_94 : i32
        %sub3A_100 = arith.constant 1 : i32
        %sub3A_101 = arith.subi %mul3A_16, %sub3A_100 : i32
        %mul3A_102 = arith.constant 1 : i32
        %mul3A_103 = arith.muli %mul3A_102, %select_n3A : i32
        %eq3A_104 = arith.constant 0 : i32
        %eq3A_105 = arith.cmpi eq, %sub3A_101, %eq3A_104 : i32
        %sub3A_106 = arith.constant 1 : i32
        %sub3A_107 = arith.subi %mul3A_103, %sub3A_106 : i32
        %eq3A_108 = arith.cmpi eq, %sub3A_101, %sub3A_107 : i32
        %add3A_109 = arith.addi %select_n3A_99, %select_n3A_14 : i32
        %sub3A_110 = arith.constant 1 : i32
        %sub3A_111 = arith.subi %select_n3A_99, %sub3A_110 : i32
        %select_n3A_112 = arith.constant true
        %select_n3A_113 = arith.select %select_n3A_112, %sub3A_111, %select_n3A_99 : i32
        %eq3A_114 = arith.constant -1 : i32
        %eq3A_115 = arith.cmpi eq, %select_n3A_113, %eq3A_114 : i32
        %sub3A_116 = arith.constant 1 : i32
        %sub3A_117 = arith.subi %select_n3A, %sub3A_116 : i32
        %select_n3A_118 = arith.select %eq3A_115, %sub3A_117, %select_n3A_113 : i32
        %add3A_119 = arith.addi %select_n3A_118, %select_n3A_14 : i32
        %add3A_120 = arith.constant 1 : i32
        %add3A_121 = arith.addi %select_n3A_99, %add3A_120 : i32
        %select_n3A_122 = arith.constant true
        %select_n3A_123 = arith.select %select_n3A_122, %add3A_121, %select_n3A_99 : i32
        %eq3A_124 = arith.cmpi eq, %select_n3A_123, %select_n3A : i32
        %select_n3A_125 = arith.constant 0 : i32
        %select_n3A_126 = arith.select %eq3A_124, %select_n3A_125, %select_n3A_123 : i32
        %add3A_127 = arith.addi %select_n3A_126, %select_n3A_14 : i32
        %add3A_128 = arith.constant 1 : i32
        %add3A_129 = arith.addi %select_n3A_126, %add3A_128 : i32
        %select_n3A_130 = arith.constant true
        %select_n3A_131 = arith.select %select_n3A_130, %add3A_129, %select_n3A_126 : i32
        %eq3A_132 = arith.cmpi eq, %select_n3A_131, %select_n3A : i32
        %select_n3A_133 = arith.constant 0 : i32
        %select_n3A_134 = arith.select %eq3A_132, %select_n3A_133, %select_n3A_131 : i32
        %add3A_135 = arith.addi %select_n3A_134, %select_n3A_14 : i32
        %convert_element_type3A_136 = arith.extui %eq3A_108 : i1 to i32
        %cond3A_137 = arith.constant 0 : i32
        %cond3A_138 = arith.cmpi ne, %convert_element_type3A_136, %cond3A_137 : i32
        scf.if %cond3A_138 {
        } else {
        }
        %convert_element_type3A_139 = arith.extui %eq3A_108 : i1 to i32
        %cond3A_140 = arith.constant 0 : i32
        %cond3A_141 = arith.cmpi ne, %convert_element_type3A_139, %cond3A_140 : i32
        scf.if %cond3A_141 {
          "tpu.trace_start"() <{level = 10 : i32, message = "ep_finalize"}> : () -> ()
          %rem3A_142 = arith.constant 2 : i32
          %rem3A_143 = arith.remui %while3A_90#3, %rem3A_142 : i32
          %mul3A_144 = arith.constant 128 : i32
          %mul3A_145 = arith.muli %mul3A_144, %add3A_109 : i32
          %dma_wait3A = arith.constant 0 : i32
          %dma_wait3A_146 = arith.constant 0 : i32
          %dma_wait3A_147 = tpu.memref_slice %run_scoped3A_18[%rem3A_143, %dma_wait3A, %dma_wait3A_146] : memref<2x128x128xf32, #tpu.memory_space<vmem>> -> memref<1x128x128xf32, #tpu.memory_space<vmem>>
          %dma_wait3A_148 = tpu.memref_squeeze %dma_wait3A_147 : memref<1x128x128xf32, #tpu.memory_space<vmem>> -> memref<128x128xf32, #tpu.memory_space<vmem>>
          %dma_wait3A_149 = arith.constant 0 : i32
          %dma_wait3A_150 = tpu.memref_slice %arg4[%mul3A_145, %dma_wait3A_149] : memref<51200x128xf32, #tpu.memory_space<hbm>> -> memref<128x128xf32, #tpu.memory_space<hbm>>
          %dma_wait3A_151 = tpu.memref_slice %run_scoped3A_19[%rem3A_143] : memref<2x!tpu.dma_semaphore, #tpu.memory_space<semaphore_mem>> -> memref<1x!tpu.dma_semaphore, #tpu.memory_space<semaphore_mem>>
          %dma_wait3A_152 = tpu.memref_squeeze %dma_wait3A_151 : memref<1x!tpu.dma_semaphore, #tpu.memory_space<semaphore_mem>> -> memref<!tpu.dma_semaphore, #tpu.memory_space<semaphore_mem>>
          %dma_wait3A_153 = arith.constant 0 : i32
          %dma_wait3A_154 = tpu.memref_slice %arg4[%mul3A_145, %dma_wait3A_153] : memref<51200x128xf32, #tpu.memory_space<hbm>> -> memref<128x128xf32, #tpu.memory_space<hbm>>
          %dma_wait3A_155 = arith.constant 0 : i32
          %dma_wait3A_156 = arith.constant 0 : i32
          %dma_wait3A_157 = tpu.memref_slice %run_scoped3A_18[%rem3A_143, %dma_wait3A_155, %dma_wait3A_156] : memref<2x128x128xf32, #tpu.memory_space<vmem>> -> memref<1x128x128xf32, #tpu.memory_space<vmem>>
          %dma_wait3A_158 = tpu.memref_squeeze %dma_wait3A_157 : memref<1x128x128xf32, #tpu.memory_space<vmem>> -> memref<128x128xf32, #tpu.memory_space<vmem>>
          tpu.wait_dma2 semaphore(%dma_wait3A_152 : memref<!tpu.dma_semaphore, #tpu.memory_space<semaphore_mem>>) src(%dma_wait3A_158 : memref<128x128xf32, #tpu.memory_space<vmem>>) dst(%dma_wait3A_154 : memref<128x128xf32, #tpu.memory_space<hbm>>)
          "tpu.trace_stop"() : () -> ()
        } else {
        }
      } else {
      }
      tpu.yield
    }) : () -> ()
    return
  }
}

#map = affine_map<(d0, d1) -> (0, 0)>
module attributes {stable_mosaic.version = 14 : i64} {
  func.func @gather_kernel(%arg0: i32, %arg1: i32, %arg2: memref<10000x128xf32, #tpu.memory_space<hbm>>, %arg3: memref<1x64000xi32, #tpu.memory_space<hbm>>, %arg4: memref<64000x128xf32, #tpu.memory_space<hbm>>) attributes {dimension_semantics = [#tpu.dimension_semantics<core_parallel>, #tpu.dimension_semantics<subcore_parallel>], iteration_bounds = array<i64: 2, 16>, scalar_prefetch = 0 : i64, scratch_operands = 0 : i64, tpu.core_type = #tpu.core_type<sc_vector_subcore>, window_params = [{transform_indices = #map}, {transform_indices = #map}, {transform_indices = #map}]} {
    %mul3A = arith.constant 1 : i32
    %mul3A_0 = arith.muli %arg1, %mul3A : i32
    %add3A = arith.constant 0 : i32
    %add3A_1 = arith.addi %add3A, %mul3A_0 : i32
    %mul3A_2 = arith.constant 16 : i32
    %mul3A_3 = arith.muli %arg0, %mul3A_2 : i32
    %add3A_4 = arith.addi %add3A_1, %mul3A_3 : i32
    %lt3A = arith.constant 20 : i32
    %lt3A_5 = arith.cmpi slt, %add3A_4, %lt3A : i32
    %jit3A = arith.constant 16 : i32
    %jit3A_6 = arith.constant 15 : i32
    %select_n3A = arith.select %lt3A_5, %jit3A, %jit3A_6 : i32
    %lt3A_7 = arith.constant 20 : i32
    %lt3A_8 = arith.cmpi slt, %add3A_4, %lt3A_7 : i32
    %mul3A_9 = arith.muli %add3A_4, %select_n3A : i32
    %mul3A_10 = arith.constant 15 : i32
    %mul3A_11 = arith.muli %add3A_4, %mul3A_10 : i32
    %add3A_12 = arith.constant 20 : i32
    %add3A_13 = arith.addi %mul3A_11, %add3A_12 : i32
    %select_n3A_14 = arith.select %lt3A_8, %mul3A_9, %add3A_13 : i32
    %mul3A_15 = arith.constant 1 : i32
    %mul3A_16 = arith.muli %mul3A_15, %select_n3A : i32
    "tpu.region"() ({
      %run_scoped3A = memref.alloca() : memref<2x1x128xi32, #tpu.memory_space<vmem>>
      %run_scoped3A_17 = tpu.sem_alloc : memref<2x!tpu.dma_semaphore, #tpu.memory_space<semaphore_mem>>
      %run_scoped3A_18 = memref.alloca() : memref<2x128x128xf32, #tpu.memory_space<vmem>>
      %run_scoped3A_19 = tpu.sem_alloc : memref<2x!tpu.dma_semaphore, #tpu.memory_space<semaphore_mem>>
      %gt3A = arith.constant 0 : i32
      %gt3A_20 = arith.cmpi sgt, %mul3A_16, %gt3A : i32
      %convert_element_type3A = arith.extui %gt3A_20 : i1 to i32
      %cond3A = arith.constant 0 : i32
      %cond3A_21 = arith.cmpi ne, %convert_element_type3A, %cond3A : i32
      scf.if %cond3A_21 {
        %mul3A_22 = arith.constant 1 : i32
        %mul3A_23 = arith.muli %mul3A_22, %select_n3A : i32
        %sub3A = arith.constant 1 : i32
        %sub3A_24 = arith.subi %mul3A_23, %sub3A : i32
        %eq3A = arith.constant 0 : i32
        %eq3A_25 = arith.cmpi eq, %sub3A_24, %eq3A : i32
        %add3A_26 = arith.constant 0 : i32
        %add3A_27 = arith.addi %add3A_26, %select_n3A_14 : i32
        %select_n3A_28 = arith.constant true
        %select_n3A_29 = arith.constant 0 : i32
        %select_n3A_30 = arith.constant -1 : i32
        %select_n3A_31 = arith.select %select_n3A_28, %select_n3A_30, %select_n3A_29 : i32
        %eq3A_32 = arith.constant -1 : i32
        %eq3A_33 = arith.cmpi eq, %select_n3A_31, %eq3A_32 : i32
        %sub3A_34 = arith.constant 1 : i32
        %sub3A_35 = arith.subi %select_n3A, %sub3A_34 : i32
        %select_n3A_36 = arith.select %eq3A_33, %sub3A_35, %select_n3A_31 : i32
        %add3A_37 = arith.addi %select_n3A_36, %select_n3A_14 : i32
        %select_n3A_38 = arith.constant true
        %select_n3A_39 = arith.constant 0 : i32
        %select_n3A_40 = arith.constant 1 : i32
        %select_n3A_41 = arith.select %select_n3A_38, %select_n3A_40, %select_n3A_39 : i32
        %eq3A_42 = arith.cmpi eq, %select_n3A_41, %select_n3A : i32
        %select_n3A_43 = arith.constant 0 : i32
        %select_n3A_44 = arith.select %eq3A_42, %select_n3A_43, %select_n3A_41 : i32
        %add3A_45 = arith.addi %select_n3A_44, %select_n3A_14 : i32
        %add3A_46 = arith.constant 1 : i32
        %add3A_47 = arith.addi %select_n3A_44, %add3A_46 : i32
        %select_n3A_48 = arith.constant true
        %select_n3A_49 = arith.select %select_n3A_48, %add3A_47, %select_n3A_44 : i32
        %eq3A_50 = arith.cmpi eq, %select_n3A_49, %select_n3A : i32
        %select_n3A_51 = arith.constant 0 : i32
        %select_n3A_52 = arith.select %eq3A_50, %select_n3A_51, %select_n3A_49 : i32
        %add3A_53 = arith.addi %select_n3A_52, %select_n3A_14 : i32
        "tpu.trace_start"() <{level = 10 : i32, message = "ep_initialize_0"}> : () -> ()
        %rem3A = arith.constant 0 : i32
        %rem3A_54 = arith.constant 2 : i32
        %rem3A_55 = arith.remui %rem3A, %rem3A_54 : i32
        %mul3A_56 = arith.constant 128 : i32
        %mul3A_57 = arith.muli %mul3A_56, %add3A_27 : i32
        %dma_start3A = arith.constant 0 : i32
        %dma_start3A_58 = arith.constant 0 : i32
        %dma_start3A_59 = tpu.memref_slice %run_scoped3A[%rem3A_55, %dma_start3A, %dma_start3A_58] : memref<2x1x128xi32, #tpu.memory_space<vmem>> -> memref<1x1x128xi32, #tpu.memory_space<vmem>>
        %dma_start3A_60 = tpu.memref_squeeze %dma_start3A_59 : memref<1x1x128xi32, #tpu.memory_space<vmem>> -> memref<1x128xi32, #tpu.memory_space<vmem>>
        %dma_start3A_61 = arith.constant 0 : i32
        %dma_start3A_62 = tpu.memref_slice %arg3[%dma_start3A_61, %mul3A_57] : memref<1x64000xi32, #tpu.memory_space<hbm>> -> memref<1x128xi32, #tpu.memory_space<hbm>>
        %dma_start3A_63 = tpu.memref_slice %run_scoped3A_17[%rem3A_55] : memref<2x!tpu.dma_semaphore, #tpu.memory_space<semaphore_mem>> -> memref<1x!tpu.dma_semaphore, #tpu.memory_space<semaphore_mem>>
        %dma_start3A_64 = tpu.memref_squeeze %dma_start3A_63 : memref<1x!tpu.dma_semaphore, #tpu.memory_space<semaphore_mem>> -> memref<!tpu.dma_semaphore, #tpu.memory_space<semaphore_mem>>
        %dma_start3A_65 = arith.constant 0 : i32
        %dma_start3A_66 = arith.constant 0 : i32
        %dma_start3A_67 = tpu.memref_slice %run_scoped3A[%rem3A_55, %dma_start3A_65, %dma_start3A_66] : memref<2x1x128xi32, #tpu.memory_space<vmem>> -> memref<1x1x128xi32, #tpu.memory_space<vmem>>
        %dma_start3A_68 = tpu.memref_squeeze %dma_start3A_67 : memref<1x1x128xi32, #tpu.memory_space<vmem>> -> memref<1x128xi32, #tpu.memory_space<vmem>>
        %dma_start3A_69 = arith.constant 0 : i32
        %dma_start3A_70 = tpu.memref_slice %arg3[%dma_start3A_69, %mul3A_57] : memref<1x64000xi32, #tpu.memory_space<hbm>> -> memref<1x128xi32, #tpu.memory_space<hbm>>
        tpu.enqueue_dma source(%dma_start3A_70 : memref<1x128xi32, #tpu.memory_space<hbm>>) target(%dma_start3A_68 : memref<1x128xi32, #tpu.memory_space<vmem>>) target_semaphore(%dma_start3A_64 : memref<!tpu.dma_semaphore, #tpu.memory_space<semaphore_mem>>)
        %add3A_71 = arith.constant 0 : i32
        %add3A_72 = arith.constant 1 : i32
        %add3A_73 = arith.addi %add3A_71, %add3A_72 : i32
        %select_n3A_74 = arith.constant true
        %select_n3A_75 = arith.constant 0 : i32
        %select_n3A_76 = arith.select %select_n3A_74, %add3A_73, %select_n3A_75 : i32
        %while3A = arith.constant 0 : i32
        %while3A_77 = arith.constant 0 : i32
        %while3A_78 = arith.constant 0 : i32
        %while3A_79 = arith.constant 0 : i32
        %while3A_80 = arith.constant 0 : i32
        "tpu.trace_stop"() : () -> ()
        %while3A_81 = arith.subi %mul3A_16, %while3A : i32
        %while3A_82 = arith.addi %while3A, %while3A_81 : i32
        %while3A_83 = arith.constant 1 : i32
        %while3A_84 = arith.divsi %while3A_81, %while3A_83 : i32
        %while3A_85 = arith.muli %while3A_84, %while3A_83 : i32
        %while3A_86 = arith.addi %while3A, %while3A_85 : i32
        %while3A_87 = arith.constant 1 : i32
        %while3A_88:5 = scf.for %while3A_142 = %while3A to %while3A_86 step %while3A_87 iter_args(%while3A_143 = %select_n3A_76, %while3A_144 = %while3A_77, %while3A_145 = %while3A_78, %while3A_146 = %while3A_79, %while3A_147 = %while3A_80) -> (i32, i32, i32, i32, i32)  : i32 {
          %mul3A_148 = arith.constant 1 : i32
          %mul3A_149 = arith.muli %mul3A_148, %select_n3A : i32
          %eq3A_150 = arith.constant 0 : i32
          %eq3A_151 = arith.cmpi eq, %while3A_142, %eq3A_150 : i32
          %sub3A_152 = arith.constant 1 : i32
          %sub3A_153 = arith.subi %mul3A_149, %sub3A_152 : i32
          %eq3A_154 = arith.cmpi eq, %while3A_142, %sub3A_153 : i32
          %add3A_155 = arith.addi %while3A_147, %select_n3A_14 : i32
          %sub3A_156 = arith.constant 1 : i32
          %sub3A_157 = arith.subi %while3A_147, %sub3A_156 : i32
          %select_n3A_158 = arith.constant true
          %select_n3A_159 = arith.select %select_n3A_158, %sub3A_157, %while3A_147 : i32
          %eq3A_160 = arith.constant -1 : i32
          %eq3A_161 = arith.cmpi eq, %select_n3A_159, %eq3A_160 : i32
          %sub3A_162 = arith.constant 1 : i32
          %sub3A_163 = arith.subi %select_n3A, %sub3A_162 : i32
          %select_n3A_164 = arith.select %eq3A_161, %sub3A_163, %select_n3A_159 : i32
          %add3A_165 = arith.addi %select_n3A_164, %select_n3A_14 : i32
          %add3A_166 = arith.constant 1 : i32
          %add3A_167 = arith.addi %while3A_147, %add3A_166 : i32
          %select_n3A_168 = arith.constant true
          %select_n3A_169 = arith.select %select_n3A_168, %add3A_167, %while3A_147 : i32
          %eq3A_170 = arith.cmpi eq, %select_n3A_169, %select_n3A : i32
          %select_n3A_171 = arith.constant 0 : i32
          %select_n3A_172 = arith.select %eq3A_170, %select_n3A_171, %select_n3A_169 : i32
          %add3A_173 = arith.addi %select_n3A_172, %select_n3A_14 : i32
          %add3A_174 = arith.constant 1 : i32
          %add3A_175 = arith.addi %select_n3A_172, %add3A_174 : i32
          %select_n3A_176 = arith.constant true
          %select_n3A_177 = arith.select %select_n3A_176, %add3A_175, %select_n3A_172 : i32
          %eq3A_178 = arith.cmpi eq, %select_n3A_177, %select_n3A : i32
          %select_n3A_179 = arith.constant 0 : i32
          %select_n3A_180 = arith.select %eq3A_178, %select_n3A_179, %select_n3A_177 : i32
          %add3A_181 = arith.addi %select_n3A_180, %select_n3A_14 : i32
          %ne3A = arith.cmpi ne, %add3A_155, %add3A_173 : i32
          %or3A = arith.constant false
          %or3A_182 = arith.ori %or3A, %ne3A : i1
          %sub3A_183 = arith.constant 2 : i32
          %sub3A_184 = arith.subi %mul3A_149, %sub3A_183 : i32
          %add3A_185 = arith.constant 1 : i32
          %add3A_186 = arith.addi %sub3A_184, %add3A_185 : i32
          %ge3A = arith.cmpi sge, %while3A_142, %add3A_186 : i32
          %not3A = arith.constant true
          %not3A_187 = arith.xori %ge3A, %not3A : i1
          %and3A = arith.andi %or3A_182, %not3A_187 : i1
          %convert_element_type3A_188 = arith.extui %and3A : i1 to i32
          %cond3A_189 = arith.constant 0 : i32
          %cond3A_190 = arith.cmpi ne, %convert_element_type3A_188, %cond3A_189 : i32
          scf.if %cond3A_190 {
            "tpu.trace_start"() <{level = 10 : i32, message = "ep_copy_in"}> : () -> ()
            %rem3A_294 = arith.constant 2 : i32
            %rem3A_295 = arith.remui %while3A_143, %rem3A_294 : i32
            %mul3A_296 = arith.constant 128 : i32
            %mul3A_297 = arith.muli %mul3A_296, %add3A_173 : i32
            %dma_start3A_298 = arith.constant 0 : i32
            %dma_start3A_299 = arith.constant 0 : i32
            %dma_start3A_300 = tpu.memref_slice %run_scoped3A[%rem3A_295, %dma_start3A_298, %dma_start3A_299] : memref<2x1x128xi32, #tpu.memory_space<vmem>> -> memref<1x1x128xi32, #tpu.memory_space<vmem>>
            %dma_start3A_301 = tpu.memref_squeeze %dma_start3A_300 : memref<1x1x128xi32, #tpu.memory_space<vmem>> -> memref<1x128xi32, #tpu.memory_space<vmem>>
            %dma_start3A_302 = arith.constant 0 : i32
            %dma_start3A_303 = tpu.memref_slice %arg3[%dma_start3A_302, %mul3A_297] : memref<1x64000xi32, #tpu.memory_space<hbm>> -> memref<1x128xi32, #tpu.memory_space<hbm>>
            %dma_start3A_304 = tpu.memref_slice %run_scoped3A_17[%rem3A_295] : memref<2x!tpu.dma_semaphore, #tpu.memory_space<semaphore_mem>> -> memref<1x!tpu.dma_semaphore, #tpu.memory_space<semaphore_mem>>
            %dma_start3A_305 = tpu.memref_squeeze %dma_start3A_304 : memref<1x!tpu.dma_semaphore, #tpu.memory_space<semaphore_mem>> -> memref<!tpu.dma_semaphore, #tpu.memory_space<semaphore_mem>>
            %dma_start3A_306 = arith.constant 0 : i32
            %dma_start3A_307 = arith.constant 0 : i32
            %dma_start3A_308 = tpu.memref_slice %run_scoped3A[%rem3A_295, %dma_start3A_306, %dma_start3A_307] : memref<2x1x128xi32, #tpu.memory_space<vmem>> -> memref<1x1x128xi32, #tpu.memory_space<vmem>>
            %dma_start3A_309 = tpu.memref_squeeze %dma_start3A_308 : memref<1x1x128xi32, #tpu.memory_space<vmem>> -> memref<1x128xi32, #tpu.memory_space<vmem>>
            %dma_start3A_310 = arith.constant 0 : i32
            %dma_start3A_311 = tpu.memref_slice %arg3[%dma_start3A_310, %mul3A_297] : memref<1x64000xi32, #tpu.memory_space<hbm>> -> memref<1x128xi32, #tpu.memory_space<hbm>>
            tpu.enqueue_dma source(%dma_start3A_311 : memref<1x128xi32, #tpu.memory_space<hbm>>) target(%dma_start3A_309 : memref<1x128xi32, #tpu.memory_space<vmem>>) target_semaphore(%dma_start3A_305 : memref<!tpu.dma_semaphore, #tpu.memory_space<semaphore_mem>>)
            "tpu.trace_stop"() : () -> ()
          } else {
          }
          %and3A_191 = arith.constant true
          %and3A_192 = arith.andi %and3A, %and3A_191 : i1
          %add3A_193 = arith.constant 1 : i32
          %add3A_194 = arith.addi %while3A_143, %add3A_193 : i32
          %select_n3A_195 = arith.select %and3A_192, %add3A_194, %while3A_143 : i32
          %ne3A_196 = arith.cmpi ne, %add3A_155, %add3A_173 : i32
          %or3A_197 = arith.constant false
          %or3A_198 = arith.ori %or3A_197, %ne3A_196 : i1
          %or3A_199 = arith.constant false
          %or3A_200 = arith.ori %or3A_198, %or3A_199 : i1
          %sub3A_201 = arith.constant 2 : i32
          %sub3A_202 = arith.subi %mul3A_149, %sub3A_201 : i32
          %add3A_203 = arith.constant 1 : i32
          %add3A_204 = arith.addi %sub3A_202, %add3A_203 : i32
          %ge3A_205 = arith.cmpi sge, %while3A_142, %add3A_204 : i32
          %not3A_206 = arith.constant true
          %not3A_207 = arith.xori %ge3A_205, %not3A_206 : i1
          %and3A_208 = arith.andi %or3A_200, %not3A_207 : i1
          %ne3A_209 = arith.cmpi ne, %add3A_155, %add3A_165 : i32
          %or3A_210 = arith.constant false
          %or3A_211 = arith.ori %or3A_210, %ne3A_209 : i1
          %or3A_212 = arith.ori %or3A_211, %eq3A_151 : i1
          %convert_element_type3A_213 = arith.extui %or3A_212 : i1 to i32
          %cond3A_214 = arith.constant 0 : i32
          %cond3A_215 = arith.cmpi ne, %convert_element_type3A_213, %cond3A_214 : i32
          scf.if %cond3A_215 {
            "tpu.trace_start"() <{level = 10 : i32, message = "ep_wait_in"}> : () -> ()
            %mul3A_294 = arith.constant 128 : i32
            %mul3A_295 = arith.muli %mul3A_294, %add3A_155 : i32
            %rem3A_296 = arith.constant 2 : i32
            %rem3A_297 = arith.remui %while3A_144, %rem3A_296 : i32
            %dma_wait3A = arith.constant 0 : i32
            %dma_wait3A_298 = arith.constant 0 : i32
            %dma_wait3A_299 = tpu.memref_slice %run_scoped3A[%rem3A_297, %dma_wait3A, %dma_wait3A_298] : memref<2x1x128xi32, #tpu.memory_space<vmem>> -> memref<1x1x128xi32, #tpu.memory_space<vmem>>
            %dma_wait3A_300 = tpu.memref_squeeze %dma_wait3A_299 : memref<1x1x128xi32, #tpu.memory_space<vmem>> -> memref<1x128xi32, #tpu.memory_space<vmem>>
            %dma_wait3A_301 = arith.constant 0 : i32
            %dma_wait3A_302 = tpu.memref_slice %arg3[%dma_wait3A_301, %mul3A_295] : memref<1x64000xi32, #tpu.memory_space<hbm>> -> memref<1x128xi32, #tpu.memory_space<hbm>>
            %dma_wait3A_303 = tpu.memref_slice %run_scoped3A_17[%rem3A_297] : memref<2x!tpu.dma_semaphore, #tpu.memory_space<semaphore_mem>> -> memref<1x!tpu.dma_semaphore, #tpu.memory_space<semaphore_mem>>
            %dma_wait3A_304 = tpu.memref_squeeze %dma_wait3A_303 : memref<1x!tpu.dma_semaphore, #tpu.memory_space<semaphore_mem>> -> memref<!tpu.dma_semaphore, #tpu.memory_space<semaphore_mem>>
            %dma_wait3A_305 = arith.constant 0 : i32
            %dma_wait3A_306 = arith.constant 0 : i32
            %dma_wait3A_307 = tpu.memref_slice %run_scoped3A[%rem3A_297, %dma_wait3A_305, %dma_wait3A_306] : memref<2x1x128xi32, #tpu.memory_space<vmem>> -> memref<1x1x128xi32, #tpu.memory_space<vmem>>
            %dma_wait3A_308 = tpu.memref_squeeze %dma_wait3A_307 : memref<1x1x128xi32, #tpu.memory_space<vmem>> -> memref<1x128xi32, #tpu.memory_space<vmem>>
            %dma_wait3A_309 = arith.constant 0 : i32
            %dma_wait3A_310 = tpu.memref_slice %arg3[%dma_wait3A_309, %mul3A_295] : memref<1x64000xi32, #tpu.memory_space<hbm>> -> memref<1x128xi32, #tpu.memory_space<hbm>>
            tpu.wait_dma2 semaphore(%dma_wait3A_304 : memref<!tpu.dma_semaphore, #tpu.memory_space<semaphore_mem>>) src(%dma_wait3A_310 : memref<1x128xi32, #tpu.memory_space<hbm>>) dst(%dma_wait3A_308 : memref<1x128xi32, #tpu.memory_space<vmem>>)
            "tpu.trace_stop"() : () -> ()
          } else {
          }
          %ne3A_216 = arith.cmpi ne, %add3A_155, %add3A_165 : i32
          %or3A_217 = arith.constant false
          %or3A_218 = arith.ori %or3A_217, %ne3A_216 : i1
          %or3A_219 = arith.constant false
          %or3A_220 = arith.ori %or3A_218, %or3A_219 : i1
          %or3A_221 = arith.ori %or3A_220, %eq3A_151 : i1
          %convert_element_type3A_222 = arith.extui %or3A_221 : i1 to i32
          %cond3A_223 = arith.constant 0 : i32
          %cond3A_224 = arith.cmpi ne, %convert_element_type3A_222, %cond3A_223 : i32
          scf.if %cond3A_224 {
          } else {
          }
          %rem3A_225 = arith.constant 2 : i32
          %rem3A_226 = arith.remui %while3A_144, %rem3A_225 : i32
          %rem3A_227 = arith.constant 2 : i32
          %rem3A_228 = arith.remui %while3A_145, %rem3A_227 : i32
          %run_scoped3A_229 = arith.constant 0 : i32
          "tpu.trace_start"() <{level = 10 : i32, message = "ep_run_kernel"}> : () -> ()
          "tpu.region"() ({
            %run_scoped3A_294 = tpu.sem_alloc : memref<!tpu.dma_semaphore, #tpu.memory_space<semaphore_mem>>
            %dma_start3A_295 = arith.constant 0 : i32
            %dma_start3A_296 = arith.constant 0 : i32
            %dma_start3A_297 = tpu.memref_slice %run_scoped3A_18[%rem3A_228, %dma_start3A_295, %dma_start3A_296] : memref<2x128x128xf32, #tpu.memory_space<vmem>> -> memref<1x128x128xf32, #tpu.memory_space<vmem>>
            %dma_start3A_298 = tpu.memref_squeeze %dma_start3A_297 : memref<1x128x128xf32, #tpu.memory_space<vmem>> -> memref<128x128xf32, #tpu.memory_space<vmem>>
            %dma_start3A_299 = arith.constant 0 : i32
            %dma_start3A_300 = arith.constant 0 : i32
            %dma_start3A_301 = tpu.memref_slice %run_scoped3A[%rem3A_226, %dma_start3A_299, %dma_start3A_300] : memref<2x1x128xi32, #tpu.memory_space<vmem>> -> memref<1x1x128xi32, #tpu.memory_space<vmem>>
            %dma_start3A_302 = tpu.memref_squeeze %dma_start3A_301 : memref<1x1x128xi32, #tpu.memory_space<vmem>> -> memref<1x128xi32, #tpu.memory_space<vmem>>
            %dma_start3A_303 = arith.constant 0 : i32
            %dma_start3A_304 = tpu.memref_slice %dma_start3A_302[%run_scoped3A_229, %dma_start3A_303] : memref<1x128xi32, #tpu.memory_space<vmem>> -> memref<1x128xi32, #tpu.memory_space<vmem>>
            %dma_start3A_305 = tpu.memref_squeeze %dma_start3A_304 : memref<1x128xi32, #tpu.memory_space<vmem>> -> memref<128xi32, #tpu.memory_space<vmem>>
            %dma_start3A_306 = arith.constant 0 : i32
            %dma_start3A_307 = arith.constant 0 : i32
            %dma_start3A_308 = tpu.memref_slice %arg2[%dma_start3A_306, %dma_start3A_307] : memref<10000x128xf32, #tpu.memory_space<hbm>> -> memref<10000x128xf32, #tpu.memory_space<hbm>>
            tpu.enqueue_indirect_dma source(%dma_start3A_308 : memref<10000x128xf32, #tpu.memory_space<hbm>>) target(%dma_start3A_298 : memref<128x128xf32, #tpu.memory_space<vmem>>) offsets(%dma_start3A_305 : memref<128xi32, #tpu.memory_space<vmem>>) semaphore(%run_scoped3A_294 : memref<!tpu.dma_semaphore, #tpu.memory_space<semaphore_mem>>)
            %dma_wait3A = arith.constant 0 : i32
            %dma_wait3A_309 = arith.constant 0 : i32
            %dma_wait3A_310 = tpu.memref_slice %run_scoped3A_18[%rem3A_228, %dma_wait3A, %dma_wait3A_309] : memref<2x128x128xf32, #tpu.memory_space<vmem>> -> memref<1x128x128xf32, #tpu.memory_space<vmem>>
            %dma_wait3A_311 = tpu.memref_squeeze %dma_wait3A_310 : memref<1x128x128xf32, #tpu.memory_space<vmem>> -> memref<128x128xf32, #tpu.memory_space<vmem>>
            %dma_wait3A_312 = arith.constant 0 : i32
            %dma_wait3A_313 = arith.constant 0 : i32
            %dma_wait3A_314 = tpu.memref_slice %run_scoped3A[%rem3A_226, %dma_wait3A_312, %dma_wait3A_313] : memref<2x1x128xi32, #tpu.memory_space<vmem>> -> memref<1x1x128xi32, #tpu.memory_space<vmem>>
            %dma_wait3A_315 = tpu.memref_squeeze %dma_wait3A_314 : memref<1x1x128xi32, #tpu.memory_space<vmem>> -> memref<1x128xi32, #tpu.memory_space<vmem>>
            %dma_wait3A_316 = arith.constant 0 : i32
            %dma_wait3A_317 = tpu.memref_slice %dma_wait3A_315[%run_scoped3A_229, %dma_wait3A_316] : memref<1x128xi32, #tpu.memory_space<vmem>> -> memref<1x128xi32, #tpu.memory_space<vmem>>
            %dma_wait3A_318 = tpu.memref_squeeze %dma_wait3A_317 : memref<1x128xi32, #tpu.memory_space<vmem>> -> memref<128xi32, #tpu.memory_space<vmem>>
            %dma_wait3A_319 = arith.constant 0 : i32
            %dma_wait3A_320 = arith.constant 0 : i32
            %dma_wait3A_321 = tpu.memref_slice %arg2[%dma_wait3A_319, %dma_wait3A_320] : memref<10000x128xf32, #tpu.memory_space<hbm>> -> memref<10000x128xf32, #tpu.memory_space<hbm>>
            tpu.wait_indirect_dma semaphore(%run_scoped3A_294 : memref<!tpu.dma_semaphore, #tpu.memory_space<semaphore_mem>>) src(%dma_wait3A_321 : memref<10000x128xf32, #tpu.memory_space<hbm>>) dst(%dma_wait3A_311 : memref<128x128xf32, #tpu.memory_space<vmem>>)
            tpu.yield
          }) : () -> ()
          "tpu.trace_stop"() : () -> ()
          %ne3A_230 = arith.cmpi ne, %add3A_155, %add3A_173 : i32
          %or3A_231 = arith.constant false
          %or3A_232 = arith.ori %or3A_231, %ne3A_230 : i1
          %or3A_233 = arith.ori %or3A_232, %eq3A_154 : i1
          %convert_element_type3A_234 = arith.extui %or3A_233 : i1 to i32
          %cond3A_235 = arith.constant 0 : i32
          %cond3A_236 = arith.cmpi ne, %convert_element_type3A_234, %cond3A_235 : i32
          scf.if %cond3A_236 {
          } else {
          }
          %and3A_237 = arith.constant false
          %and3A_238 = arith.andi %or3A_233, %and3A_237 : i1
          %ne3A_239 = arith.cmpi ne, %add3A_155, %add3A_173 : i32
          %or3A_240 = arith.constant false
          %or3A_241 = arith.ori %or3A_240, %ne3A_239 : i1
          %or3A_242 = arith.constant false
          %or3A_243 = arith.ori %or3A_241, %or3A_242 : i1
          %or3A_244 = arith.ori %or3A_243, %eq3A_154 : i1
          %convert_element_type3A_245 = arith.extui %or3A_244 : i1 to i32
          %cond3A_246 = arith.constant 0 : i32
          %cond3A_247 = arith.cmpi ne, %convert_element_type3A_245, %cond3A_246 : i32
          scf.if %cond3A_247 {
            "tpu.trace_start"() <{level = 10 : i32, message = "ep_copy_out"}> : () -> ()
            %rem3A_294 = arith.constant 2 : i32
            %rem3A_295 = arith.remui %while3A_145, %rem3A_294 : i32
            %mul3A_296 = arith.constant 128 : i32
            %mul3A_297 = arith.muli %mul3A_296, %add3A_155 : i32
            %dma_start3A_298 = arith.constant 0 : i32
            %dma_start3A_299 = arith.constant 0 : i32
            %dma_start3A_300 = tpu.memref_slice %run_scoped3A_18[%rem3A_295, %dma_start3A_298, %dma_start3A_299] : memref<2x128x128xf32, #tpu.memory_space<vmem>> -> memref<1x128x128xf32, #tpu.memory_space<vmem>>
            %dma_start3A_301 = tpu.memref_squeeze %dma_start3A_300 : memref<1x128x128xf32, #tpu.memory_space<vmem>> -> memref<128x128xf32, #tpu.memory_space<vmem>>
            %dma_start3A_302 = arith.constant 0 : i32
            %dma_start3A_303 = tpu.memref_slice %arg4[%mul3A_297, %dma_start3A_302] : memref<64000x128xf32, #tpu.memory_space<hbm>> -> memref<128x128xf32, #tpu.memory_space<hbm>>
            %dma_start3A_304 = tpu.memref_slice %run_scoped3A_19[%rem3A_295] : memref<2x!tpu.dma_semaphore, #tpu.memory_space<semaphore_mem>> -> memref<1x!tpu.dma_semaphore, #tpu.memory_space<semaphore_mem>>
            %dma_start3A_305 = tpu.memref_squeeze %dma_start3A_304 : memref<1x!tpu.dma_semaphore, #tpu.memory_space<semaphore_mem>> -> memref<!tpu.dma_semaphore, #tpu.memory_space<semaphore_mem>>
            %dma_start3A_306 = arith.constant 0 : i32
            %dma_start3A_307 = tpu.memref_slice %arg4[%mul3A_297, %dma_start3A_306] : memref<64000x128xf32, #tpu.memory_space<hbm>> -> memref<128x128xf32, #tpu.memory_space<hbm>>
            %dma_start3A_308 = arith.constant 0 : i32
            %dma_start3A_309 = arith.constant 0 : i32
            %dma_start3A_310 = tpu.memref_slice %run_scoped3A_18[%rem3A_295, %dma_start3A_308, %dma_start3A_309] : memref<2x128x128xf32, #tpu.memory_space<vmem>> -> memref<1x128x128xf32, #tpu.memory_space<vmem>>
            %dma_start3A_311 = tpu.memref_squeeze %dma_start3A_310 : memref<1x128x128xf32, #tpu.memory_space<vmem>> -> memref<128x128xf32, #tpu.memory_space<vmem>>
            tpu.enqueue_dma source(%dma_start3A_311 : memref<128x128xf32, #tpu.memory_space<vmem>>) target(%dma_start3A_307 : memref<128x128xf32, #tpu.memory_space<hbm>>) target_semaphore(%dma_start3A_305 : memref<!tpu.dma_semaphore, #tpu.memory_space<semaphore_mem>>)
            "tpu.trace_stop"() : () -> ()
          } else {
          }
          %and3A_248 = arith.constant true
          %and3A_249 = arith.andi %or3A_244, %and3A_248 : i1
          %add3A_250 = arith.constant 1 : i32
          %add3A_251 = arith.addi %while3A_145, %add3A_250 : i32
          %select_n3A_252 = arith.select %and3A_249, %add3A_251, %while3A_145 : i32
          %ne3A_253 = arith.cmpi ne, %add3A_155, %add3A_165 : i32
          %or3A_254 = arith.constant false
          %or3A_255 = arith.ori %or3A_254, %ne3A_253 : i1
          %not3A_256 = arith.constant true
          %not3A_257 = arith.xori %eq3A_151, %not3A_256 : i1
          %and3A_258 = arith.andi %or3A_255, %not3A_257 : i1
          %convert_element_type3A_259 = arith.extui %and3A_258 : i1 to i32
          %cond3A_260 = arith.constant 0 : i32
          %cond3A_261 = arith.cmpi ne, %convert_element_type3A_259, %cond3A_260 : i32
          scf.if %cond3A_261 {
          } else {
          }
          %and3A_262 = arith.constant false
          %and3A_263 = arith.andi %and3A_258, %and3A_262 : i1
          %ne3A_264 = arith.cmpi ne, %add3A_155, %add3A_165 : i32
          %or3A_265 = arith.constant false
          %or3A_266 = arith.ori %or3A_265, %ne3A_264 : i1
          %or3A_267 = arith.constant false
          %or3A_268 = arith.ori %or3A_266, %or3A_267 : i1
          %not3A_269 = arith.constant true
          %not3A_270 = arith.xori %eq3A_151, %not3A_269 : i1
          %and3A_271 = arith.andi %or3A_268, %not3A_270 : i1
          %convert_element_type3A_272 = arith.extui %and3A_271 : i1 to i32
          %cond3A_273 = arith.constant 0 : i32
          %cond3A_274 = arith.cmpi ne, %convert_element_type3A_272, %cond3A_273 : i32
          scf.if %cond3A_274 {
            "tpu.trace_start"() <{level = 10 : i32, message = "ep_wait_out"}> : () -> ()
            %rem3A_294 = arith.constant 2 : i32
            %rem3A_295 = arith.remui %while3A_146, %rem3A_294 : i32
            %mul3A_296 = arith.constant 128 : i32
            %mul3A_297 = arith.muli %mul3A_296, %add3A_165 : i32
            %dma_wait3A = arith.constant 0 : i32
            %dma_wait3A_298 = arith.constant 0 : i32
            %dma_wait3A_299 = tpu.memref_slice %run_scoped3A_18[%rem3A_295, %dma_wait3A, %dma_wait3A_298] : memref<2x128x128xf32, #tpu.memory_space<vmem>> -> memref<1x128x128xf32, #tpu.memory_space<vmem>>
            %dma_wait3A_300 = tpu.memref_squeeze %dma_wait3A_299 : memref<1x128x128xf32, #tpu.memory_space<vmem>> -> memref<128x128xf32, #tpu.memory_space<vmem>>
            %dma_wait3A_301 = arith.constant 0 : i32
            %dma_wait3A_302 = tpu.memref_slice %arg4[%mul3A_297, %dma_wait3A_301] : memref<64000x128xf32, #tpu.memory_space<hbm>> -> memref<128x128xf32, #tpu.memory_space<hbm>>
            %dma_wait3A_303 = tpu.memref_slice %run_scoped3A_19[%rem3A_295] : memref<2x!tpu.dma_semaphore, #tpu.memory_space<semaphore_mem>> -> memref<1x!tpu.dma_semaphore, #tpu.memory_space<semaphore_mem>>
            %dma_wait3A_304 = tpu.memref_squeeze %dma_wait3A_303 : memref<1x!tpu.dma_semaphore, #tpu.memory_space<semaphore_mem>> -> memref<!tpu.dma_semaphore, #tpu.memory_space<semaphore_mem>>
            %dma_wait3A_305 = arith.constant 0 : i32
            %dma_wait3A_306 = tpu.memref_slice %arg4[%mul3A_297, %dma_wait3A_305] : memref<64000x128xf32, #tpu.memory_space<hbm>> -> memref<128x128xf32, #tpu.memory_space<hbm>>
            %dma_wait3A_307 = arith.constant 0 : i32
            %dma_wait3A_308 = arith.constant 0 : i32
            %dma_wait3A_309 = tpu.memref_slice %run_scoped3A_18[%rem3A_295, %dma_wait3A_307, %dma_wait3A_308] : memref<2x128x128xf32, #tpu.memory_space<vmem>> -> memref<1x128x128xf32, #tpu.memory_space<vmem>>
            %dma_wait3A_310 = tpu.memref_squeeze %dma_wait3A_309 : memref<1x128x128xf32, #tpu.memory_space<vmem>> -> memref<128x128xf32, #tpu.memory_space<vmem>>
            tpu.wait_dma2 semaphore(%dma_wait3A_304 : memref<!tpu.dma_semaphore, #tpu.memory_space<semaphore_mem>>) src(%dma_wait3A_310 : memref<128x128xf32, #tpu.memory_space<vmem>>) dst(%dma_wait3A_306 : memref<128x128xf32, #tpu.memory_space<hbm>>)
            "tpu.trace_stop"() : () -> ()
          } else {
          }
          %and3A_275 = arith.constant true
          %and3A_276 = arith.andi %and3A_271, %and3A_275 : i1
          %add3A_277 = arith.constant 1 : i32
          %add3A_278 = arith.addi %while3A_146, %add3A_277 : i32
          %select_n3A_279 = arith.select %and3A_276, %add3A_278, %while3A_146 : i32
          %ne3A_280 = arith.cmpi ne, %add3A_155, %add3A_173 : i32
          %or3A_281 = arith.constant false
          %or3A_282 = arith.ori %or3A_281, %ne3A_280 : i1
          %or3A_283 = arith.ori %or3A_282, %eq3A_154 : i1
          %add3A_284 = arith.constant 1 : i32
          %add3A_285 = arith.addi %while3A_144, %add3A_284 : i32
          %select_n3A_286 = arith.select %or3A_283, %add3A_285, %while3A_144 : i32
          %add3A_287 = arith.constant 1 : i32
          %add3A_288 = arith.addi %while3A_147, %add3A_287 : i32
          %select_n3A_289 = arith.constant true
          %select_n3A_290 = arith.select %select_n3A_289, %add3A_288, %while3A_147 : i32
          %eq3A_291 = arith.cmpi eq, %select_n3A_290, %select_n3A : i32
          %select_n3A_292 = arith.constant 0 : i32
          %select_n3A_293 = arith.select %eq3A_291, %select_n3A_292, %select_n3A_290 : i32
          scf.yield %select_n3A_195, %select_n3A_286, %select_n3A_252, %select_n3A_279, %select_n3A_293 : i32, i32, i32, i32, i32
        }
        %while3A_89 = arith.constant 1 : i32
        %while3A_90:5 = scf.for %while3A_142 = %while3A_86 to %while3A_82 step %while3A_89 iter_args(%while3A_143 = %while3A_88#0, %while3A_144 = %while3A_88#1, %while3A_145 = %while3A_88#2, %while3A_146 = %while3A_88#3, %while3A_147 = %while3A_88#4) -> (i32, i32, i32, i32, i32)  : i32 {
          %mul3A_148 = arith.constant 1 : i32
          %mul3A_149 = arith.muli %mul3A_148, %select_n3A : i32
          %eq3A_150 = arith.constant 0 : i32
          %eq3A_151 = arith.cmpi eq, %while3A_142, %eq3A_150 : i32
          %sub3A_152 = arith.constant 1 : i32
          %sub3A_153 = arith.subi %mul3A_149, %sub3A_152 : i32
          %eq3A_154 = arith.cmpi eq, %while3A_142, %sub3A_153 : i32
          %add3A_155 = arith.addi %while3A_147, %select_n3A_14 : i32
          %sub3A_156 = arith.constant 1 : i32
          %sub3A_157 = arith.subi %while3A_147, %sub3A_156 : i32
          %select_n3A_158 = arith.constant true
          %select_n3A_159 = arith.select %select_n3A_158, %sub3A_157, %while3A_147 : i32
          %eq3A_160 = arith.constant -1 : i32
          %eq3A_161 = arith.cmpi eq, %select_n3A_159, %eq3A_160 : i32
          %sub3A_162 = arith.constant 1 : i32
          %sub3A_163 = arith.subi %select_n3A, %sub3A_162 : i32
          %select_n3A_164 = arith.select %eq3A_161, %sub3A_163, %select_n3A_159 : i32
          %add3A_165 = arith.addi %select_n3A_164, %select_n3A_14 : i32
          %add3A_166 = arith.constant 1 : i32
          %add3A_167 = arith.addi %while3A_147, %add3A_166 : i32
          %select_n3A_168 = arith.constant true
          %select_n3A_169 = arith.select %select_n3A_168, %add3A_167, %while3A_147 : i32
          %eq3A_170 = arith.cmpi eq, %select_n3A_169, %select_n3A : i32
          %select_n3A_171 = arith.constant 0 : i32
          %select_n3A_172 = arith.select %eq3A_170, %select_n3A_171, %select_n3A_169 : i32
          %add3A_173 = arith.addi %select_n3A_172, %select_n3A_14 : i32
          %add3A_174 = arith.constant 1 : i32
          %add3A_175 = arith.addi %select_n3A_172, %add3A_174 : i32
          %select_n3A_176 = arith.constant true
          %select_n3A_177 = arith.select %select_n3A_176, %add3A_175, %select_n3A_172 : i32
          %eq3A_178 = arith.cmpi eq, %select_n3A_177, %select_n3A : i32
          %select_n3A_179 = arith.constant 0 : i32
          %select_n3A_180 = arith.select %eq3A_178, %select_n3A_179, %select_n3A_177 : i32
          %add3A_181 = arith.addi %select_n3A_180, %select_n3A_14 : i32
          %ne3A = arith.cmpi ne, %add3A_155, %add3A_173 : i32
          %or3A = arith.constant false
          %or3A_182 = arith.ori %or3A, %ne3A : i1
          %sub3A_183 = arith.constant 2 : i32
          %sub3A_184 = arith.subi %mul3A_149, %sub3A_183 : i32
          %add3A_185 = arith.constant 1 : i32
          %add3A_186 = arith.addi %sub3A_184, %add3A_185 : i32
          %ge3A = arith.cmpi sge, %while3A_142, %add3A_186 : i32
          %not3A = arith.constant true
          %not3A_187 = arith.xori %ge3A, %not3A : i1
          %and3A = arith.andi %or3A_182, %not3A_187 : i1
          %convert_element_type3A_188 = arith.extui %and3A : i1 to i32
          %cond3A_189 = arith.constant 0 : i32
          %cond3A_190 = arith.cmpi ne, %convert_element_type3A_188, %cond3A_189 : i32
          scf.if %cond3A_190 {
            "tpu.trace_start"() <{level = 10 : i32, message = "ep_copy_in"}> : () -> ()
            %rem3A_294 = arith.constant 2 : i32
            %rem3A_295 = arith.remui %while3A_143, %rem3A_294 : i32
            %mul3A_296 = arith.constant 128 : i32
            %mul3A_297 = arith.muli %mul3A_296, %add3A_173 : i32
            %dma_start3A_298 = arith.constant 0 : i32
            %dma_start3A_299 = arith.constant 0 : i32
            %dma_start3A_300 = tpu.memref_slice %run_scoped3A[%rem3A_295, %dma_start3A_298, %dma_start3A_299] : memref<2x1x128xi32, #tpu.memory_space<vmem>> -> memref<1x1x128xi32, #tpu.memory_space<vmem>>
            %dma_start3A_301 = tpu.memref_squeeze %dma_start3A_300 : memref<1x1x128xi32, #tpu.memory_space<vmem>> -> memref<1x128xi32, #tpu.memory_space<vmem>>
            %dma_start3A_302 = arith.constant 0 : i32
            %dma_start3A_303 = tpu.memref_slice %arg3[%dma_start3A_302, %mul3A_297] : memref<1x64000xi32, #tpu.memory_space<hbm>> -> memref<1x128xi32, #tpu.memory_space<hbm>>
            %dma_start3A_304 = tpu.memref_slice %run_scoped3A_17[%rem3A_295] : memref<2x!tpu.dma_semaphore, #tpu.memory_space<semaphore_mem>> -> memref<1x!tpu.dma_semaphore, #tpu.memory_space<semaphore_mem>>
            %dma_start3A_305 = tpu.memref_squeeze %dma_start3A_304 : memref<1x!tpu.dma_semaphore, #tpu.memory_space<semaphore_mem>> -> memref<!tpu.dma_semaphore, #tpu.memory_space<semaphore_mem>>
            %dma_start3A_306 = arith.constant 0 : i32
            %dma_start3A_307 = arith.constant 0 : i32
            %dma_start3A_308 = tpu.memref_slice %run_scoped3A[%rem3A_295, %dma_start3A_306, %dma_start3A_307] : memref<2x1x128xi32, #tpu.memory_space<vmem>> -> memref<1x1x128xi32, #tpu.memory_space<vmem>>
            %dma_start3A_309 = tpu.memref_squeeze %dma_start3A_308 : memref<1x1x128xi32, #tpu.memory_space<vmem>> -> memref<1x128xi32, #tpu.memory_space<vmem>>
            %dma_start3A_310 = arith.constant 0 : i32
            %dma_start3A_311 = tpu.memref_slice %arg3[%dma_start3A_310, %mul3A_297] : memref<1x64000xi32, #tpu.memory_space<hbm>> -> memref<1x128xi32, #tpu.memory_space<hbm>>
            tpu.enqueue_dma source(%dma_start3A_311 : memref<1x128xi32, #tpu.memory_space<hbm>>) target(%dma_start3A_309 : memref<1x128xi32, #tpu.memory_space<vmem>>) target_semaphore(%dma_start3A_305 : memref<!tpu.dma_semaphore, #tpu.memory_space<semaphore_mem>>)
            "tpu.trace_stop"() : () -> ()
          } else {
          }
          %and3A_191 = arith.constant true
          %and3A_192 = arith.andi %and3A, %and3A_191 : i1
          %add3A_193 = arith.constant 1 : i32
          %add3A_194 = arith.addi %while3A_143, %add3A_193 : i32
          %select_n3A_195 = arith.select %and3A_192, %add3A_194, %while3A_143 : i32
          %ne3A_196 = arith.cmpi ne, %add3A_155, %add3A_173 : i32
          %or3A_197 = arith.constant false
          %or3A_198 = arith.ori %or3A_197, %ne3A_196 : i1
          %or3A_199 = arith.constant false
          %or3A_200 = arith.ori %or3A_198, %or3A_199 : i1
          %sub3A_201 = arith.constant 2 : i32
          %sub3A_202 = arith.subi %mul3A_149, %sub3A_201 : i32
          %add3A_203 = arith.constant 1 : i32
          %add3A_204 = arith.addi %sub3A_202, %add3A_203 : i32
          %ge3A_205 = arith.cmpi sge, %while3A_142, %add3A_204 : i32
          %not3A_206 = arith.constant true
          %not3A_207 = arith.xori %ge3A_205, %not3A_206 : i1
          %and3A_208 = arith.andi %or3A_200, %not3A_207 : i1
          %ne3A_209 = arith.cmpi ne, %add3A_155, %add3A_165 : i32
          %or3A_210 = arith.constant false
          %or3A_211 = arith.ori %or3A_210, %ne3A_209 : i1
          %or3A_212 = arith.ori %or3A_211, %eq3A_151 : i1
          %convert_element_type3A_213 = arith.extui %or3A_212 : i1 to i32
          %cond3A_214 = arith.constant 0 : i32
          %cond3A_215 = arith.cmpi ne, %convert_element_type3A_213, %cond3A_214 : i32
          scf.if %cond3A_215 {
            "tpu.trace_start"() <{level = 10 : i32, message = "ep_wait_in"}> : () -> ()
            %mul3A_294 = arith.constant 128 : i32
            %mul3A_295 = arith.muli %mul3A_294, %add3A_155 : i32
            %rem3A_296 = arith.constant 2 : i32
            %rem3A_297 = arith.remui %while3A_144, %rem3A_296 : i32
            %dma_wait3A = arith.constant 0 : i32
            %dma_wait3A_298 = arith.constant 0 : i32
            %dma_wait3A_299 = tpu.memref_slice %run_scoped3A[%rem3A_297, %dma_wait3A, %dma_wait3A_298] : memref<2x1x128xi32, #tpu.memory_space<vmem>> -> memref<1x1x128xi32, #tpu.memory_space<vmem>>
            %dma_wait3A_300 = tpu.memref_squeeze %dma_wait3A_299 : memref<1x1x128xi32, #tpu.memory_space<vmem>> -> memref<1x128xi32, #tpu.memory_space<vmem>>
            %dma_wait3A_301 = arith.constant 0 : i32
            %dma_wait3A_302 = tpu.memref_slice %arg3[%dma_wait3A_301, %mul3A_295] : memref<1x64000xi32, #tpu.memory_space<hbm>> -> memref<1x128xi32, #tpu.memory_space<hbm>>
            %dma_wait3A_303 = tpu.memref_slice %run_scoped3A_17[%rem3A_297] : memref<2x!tpu.dma_semaphore, #tpu.memory_space<semaphore_mem>> -> memref<1x!tpu.dma_semaphore, #tpu.memory_space<semaphore_mem>>
            %dma_wait3A_304 = tpu.memref_squeeze %dma_wait3A_303 : memref<1x!tpu.dma_semaphore, #tpu.memory_space<semaphore_mem>> -> memref<!tpu.dma_semaphore, #tpu.memory_space<semaphore_mem>>
            %dma_wait3A_305 = arith.constant 0 : i32
            %dma_wait3A_306 = arith.constant 0 : i32
            %dma_wait3A_307 = tpu.memref_slice %run_scoped3A[%rem3A_297, %dma_wait3A_305, %dma_wait3A_306] : memref<2x1x128xi32, #tpu.memory_space<vmem>> -> memref<1x1x128xi32, #tpu.memory_space<vmem>>
            %dma_wait3A_308 = tpu.memref_squeeze %dma_wait3A_307 : memref<1x1x128xi32, #tpu.memory_space<vmem>> -> memref<1x128xi32, #tpu.memory_space<vmem>>
            %dma_wait3A_309 = arith.constant 0 : i32
            %dma_wait3A_310 = tpu.memref_slice %arg3[%dma_wait3A_309, %mul3A_295] : memref<1x64000xi32, #tpu.memory_space<hbm>> -> memref<1x128xi32, #tpu.memory_space<hbm>>
            tpu.wait_dma2 semaphore(%dma_wait3A_304 : memref<!tpu.dma_semaphore, #tpu.memory_space<semaphore_mem>>) src(%dma_wait3A_310 : memref<1x128xi32, #tpu.memory_space<hbm>>) dst(%dma_wait3A_308 : memref<1x128xi32, #tpu.memory_space<vmem>>)
            "tpu.trace_stop"() : () -> ()
          } else {
          }
          %ne3A_216 = arith.cmpi ne, %add3A_155, %add3A_165 : i32
          %or3A_217 = arith.constant false
          %or3A_218 = arith.ori %or3A_217, %ne3A_216 : i1
          %or3A_219 = arith.constant false
          %or3A_220 = arith.ori %or3A_218, %or3A_219 : i1
          %or3A_221 = arith.ori %or3A_220, %eq3A_151 : i1
          %convert_element_type3A_222 = arith.extui %or3A_221 : i1 to i32
          %cond3A_223 = arith.constant 0 : i32
          %cond3A_224 = arith.cmpi ne, %convert_element_type3A_222, %cond3A_223 : i32
          scf.if %cond3A_224 {
          } else {
          }
          %rem3A_225 = arith.constant 2 : i32
          %rem3A_226 = arith.remui %while3A_144, %rem3A_225 : i32
          %rem3A_227 = arith.constant 2 : i32
          %rem3A_228 = arith.remui %while3A_145, %rem3A_227 : i32
          %run_scoped3A_229 = arith.constant 0 : i32
          "tpu.trace_start"() <{level = 10 : i32, message = "ep_run_kernel"}> : () -> ()
          "tpu.region"() ({
            %run_scoped3A_294 = tpu.sem_alloc : memref<!tpu.dma_semaphore, #tpu.memory_space<semaphore_mem>>
            %dma_start3A_295 = arith.constant 0 : i32
            %dma_start3A_296 = arith.constant 0 : i32
            %dma_start3A_297 = tpu.memref_slice %run_scoped3A_18[%rem3A_228, %dma_start3A_295, %dma_start3A_296] : memref<2x128x128xf32, #tpu.memory_space<vmem>> -> memref<1x128x128xf32, #tpu.memory_space<vmem>>
            %dma_start3A_298 = tpu.memref_squeeze %dma_start3A_297 : memref<1x128x128xf32, #tpu.memory_space<vmem>> -> memref<128x128xf32, #tpu.memory_space<vmem>>
            %dma_start3A_299 = arith.constant 0 : i32
            %dma_start3A_300 = arith.constant 0 : i32
            %dma_start3A_301 = tpu.memref_slice %run_scoped3A[%rem3A_226, %dma_start3A_299, %dma_start3A_300] : memref<2x1x128xi32, #tpu.memory_space<vmem>> -> memref<1x1x128xi32, #tpu.memory_space<vmem>>
            %dma_start3A_302 = tpu.memref_squeeze %dma_start3A_301 : memref<1x1x128xi32, #tpu.memory_space<vmem>> -> memref<1x128xi32, #tpu.memory_space<vmem>>
            %dma_start3A_303 = arith.constant 0 : i32
            %dma_start3A_304 = tpu.memref_slice %dma_start3A_302[%run_scoped3A_229, %dma_start3A_303] : memref<1x128xi32, #tpu.memory_space<vmem>> -> memref<1x128xi32, #tpu.memory_space<vmem>>
            %dma_start3A_305 = tpu.memref_squeeze %dma_start3A_304 : memref<1x128xi32, #tpu.memory_space<vmem>> -> memref<128xi32, #tpu.memory_space<vmem>>
            %dma_start3A_306 = arith.constant 0 : i32
            %dma_start3A_307 = arith.constant 0 : i32
            %dma_start3A_308 = tpu.memref_slice %arg2[%dma_start3A_306, %dma_start3A_307] : memref<10000x128xf32, #tpu.memory_space<hbm>> -> memref<10000x128xf32, #tpu.memory_space<hbm>>
            tpu.enqueue_indirect_dma source(%dma_start3A_308 : memref<10000x128xf32, #tpu.memory_space<hbm>>) target(%dma_start3A_298 : memref<128x128xf32, #tpu.memory_space<vmem>>) offsets(%dma_start3A_305 : memref<128xi32, #tpu.memory_space<vmem>>) semaphore(%run_scoped3A_294 : memref<!tpu.dma_semaphore, #tpu.memory_space<semaphore_mem>>)
            %dma_wait3A = arith.constant 0 : i32
            %dma_wait3A_309 = arith.constant 0 : i32
            %dma_wait3A_310 = tpu.memref_slice %run_scoped3A_18[%rem3A_228, %dma_wait3A, %dma_wait3A_309] : memref<2x128x128xf32, #tpu.memory_space<vmem>> -> memref<1x128x128xf32, #tpu.memory_space<vmem>>
            %dma_wait3A_311 = tpu.memref_squeeze %dma_wait3A_310 : memref<1x128x128xf32, #tpu.memory_space<vmem>> -> memref<128x128xf32, #tpu.memory_space<vmem>>
            %dma_wait3A_312 = arith.constant 0 : i32
            %dma_wait3A_313 = arith.constant 0 : i32
            %dma_wait3A_314 = tpu.memref_slice %run_scoped3A[%rem3A_226, %dma_wait3A_312, %dma_wait3A_313] : memref<2x1x128xi32, #tpu.memory_space<vmem>> -> memref<1x1x128xi32, #tpu.memory_space<vmem>>
            %dma_wait3A_315 = tpu.memref_squeeze %dma_wait3A_314 : memref<1x1x128xi32, #tpu.memory_space<vmem>> -> memref<1x128xi32, #tpu.memory_space<vmem>>
            %dma_wait3A_316 = arith.constant 0 : i32
            %dma_wait3A_317 = tpu.memref_slice %dma_wait3A_315[%run_scoped3A_229, %dma_wait3A_316] : memref<1x128xi32, #tpu.memory_space<vmem>> -> memref<1x128xi32, #tpu.memory_space<vmem>>
            %dma_wait3A_318 = tpu.memref_squeeze %dma_wait3A_317 : memref<1x128xi32, #tpu.memory_space<vmem>> -> memref<128xi32, #tpu.memory_space<vmem>>
            %dma_wait3A_319 = arith.constant 0 : i32
            %dma_wait3A_320 = arith.constant 0 : i32
            %dma_wait3A_321 = tpu.memref_slice %arg2[%dma_wait3A_319, %dma_wait3A_320] : memref<10000x128xf32, #tpu.memory_space<hbm>> -> memref<10000x128xf32, #tpu.memory_space<hbm>>
            tpu.wait_indirect_dma semaphore(%run_scoped3A_294 : memref<!tpu.dma_semaphore, #tpu.memory_space<semaphore_mem>>) src(%dma_wait3A_321 : memref<10000x128xf32, #tpu.memory_space<hbm>>) dst(%dma_wait3A_311 : memref<128x128xf32, #tpu.memory_space<vmem>>)
            tpu.yield
          }) : () -> ()
          "tpu.trace_stop"() : () -> ()
          %ne3A_230 = arith.cmpi ne, %add3A_155, %add3A_173 : i32
          %or3A_231 = arith.constant false
          %or3A_232 = arith.ori %or3A_231, %ne3A_230 : i1
          %or3A_233 = arith.ori %or3A_232, %eq3A_154 : i1
          %convert_element_type3A_234 = arith.extui %or3A_233 : i1 to i32
          %cond3A_235 = arith.constant 0 : i32
          %cond3A_236 = arith.cmpi ne, %convert_element_type3A_234, %cond3A_235 : i32
          scf.if %cond3A_236 {
          } else {
          }
          %and3A_237 = arith.constant false
          %and3A_238 = arith.andi %or3A_233, %and3A_237 : i1
          %ne3A_239 = arith.cmpi ne, %add3A_155, %add3A_173 : i32
          %or3A_240 = arith.constant false
          %or3A_241 = arith.ori %or3A_240, %ne3A_239 : i1
          %or3A_242 = arith.constant false
          %or3A_243 = arith.ori %or3A_241, %or3A_242 : i1
          %or3A_244 = arith.ori %or3A_243, %eq3A_154 : i1
          %convert_element_type3A_245 = arith.extui %or3A_244 : i1 to i32
          %cond3A_246 = arith.constant 0 : i32
          %cond3A_247 = arith.cmpi ne, %convert_element_type3A_245, %cond3A_246 : i32
          scf.if %cond3A_247 {
            "tpu.trace_start"() <{level = 10 : i32, message = "ep_copy_out"}> : () -> ()
            %rem3A_294 = arith.constant 2 : i32
            %rem3A_295 = arith.remui %while3A_145, %rem3A_294 : i32
            %mul3A_296 = arith.constant 128 : i32
            %mul3A_297 = arith.muli %mul3A_296, %add3A_155 : i32
            %dma_start3A_298 = arith.constant 0 : i32
            %dma_start3A_299 = arith.constant 0 : i32
            %dma_start3A_300 = tpu.memref_slice %run_scoped3A_18[%rem3A_295, %dma_start3A_298, %dma_start3A_299] : memref<2x128x128xf32, #tpu.memory_space<vmem>> -> memref<1x128x128xf32, #tpu.memory_space<vmem>>
            %dma_start3A_301 = tpu.memref_squeeze %dma_start3A_300 : memref<1x128x128xf32, #tpu.memory_space<vmem>> -> memref<128x128xf32, #tpu.memory_space<vmem>>
            %dma_start3A_302 = arith.constant 0 : i32
            %dma_start3A_303 = tpu.memref_slice %arg4[%mul3A_297, %dma_start3A_302] : memref<64000x128xf32, #tpu.memory_space<hbm>> -> memref<128x128xf32, #tpu.memory_space<hbm>>
            %dma_start3A_304 = tpu.memref_slice %run_scoped3A_19[%rem3A_295] : memref<2x!tpu.dma_semaphore, #tpu.memory_space<semaphore_mem>> -> memref<1x!tpu.dma_semaphore, #tpu.memory_space<semaphore_mem>>
            %dma_start3A_305 = tpu.memref_squeeze %dma_start3A_304 : memref<1x!tpu.dma_semaphore, #tpu.memory_space<semaphore_mem>> -> memref<!tpu.dma_semaphore, #tpu.memory_space<semaphore_mem>>
            %dma_start3A_306 = arith.constant 0 : i32
            %dma_start3A_307 = tpu.memref_slice %arg4[%mul3A_297, %dma_start3A_306] : memref<64000x128xf32, #tpu.memory_space<hbm>> -> memref<128x128xf32, #tpu.memory_space<hbm>>
            %dma_start3A_308 = arith.constant 0 : i32
            %dma_start3A_309 = arith.constant 0 : i32
            %dma_start3A_310 = tpu.memref_slice %run_scoped3A_18[%rem3A_295, %dma_start3A_308, %dma_start3A_309] : memref<2x128x128xf32, #tpu.memory_space<vmem>> -> memref<1x128x128xf32, #tpu.memory_space<vmem>>
            %dma_start3A_311 = tpu.memref_squeeze %dma_start3A_310 : memref<1x128x128xf32, #tpu.memory_space<vmem>> -> memref<128x128xf32, #tpu.memory_space<vmem>>
            tpu.enqueue_dma source(%dma_start3A_311 : memref<128x128xf32, #tpu.memory_space<vmem>>) target(%dma_start3A_307 : memref<128x128xf32, #tpu.memory_space<hbm>>) target_semaphore(%dma_start3A_305 : memref<!tpu.dma_semaphore, #tpu.memory_space<semaphore_mem>>)
            "tpu.trace_stop"() : () -> ()
          } else {
          }
          %and3A_248 = arith.constant true
          %and3A_249 = arith.andi %or3A_244, %and3A_248 : i1
          %add3A_250 = arith.constant 1 : i32
          %add3A_251 = arith.addi %while3A_145, %add3A_250 : i32
          %select_n3A_252 = arith.select %and3A_249, %add3A_251, %while3A_145 : i32
          %ne3A_253 = arith.cmpi ne, %add3A_155, %add3A_165 : i32
          %or3A_254 = arith.constant false
          %or3A_255 = arith.ori %or3A_254, %ne3A_253 : i1
          %not3A_256 = arith.constant true
          %not3A_257 = arith.xori %eq3A_151, %not3A_256 : i1
          %and3A_258 = arith.andi %or3A_255, %not3A_257 : i1
          %convert_element_type3A_259 = arith.extui %and3A_258 : i1 to i32
          %cond3A_260 = arith.constant 0 : i32
          %cond3A_261 = arith.cmpi ne, %convert_element_type3A_259, %cond3A_260 : i32
          scf.if %cond3A_261 {
          } else {
          }
          %and3A_262 = arith.constant false
          %and3A_263 = arith.andi %and3A_258, %and3A_262 : i1
          %ne3A_264 = arith.cmpi ne, %add3A_155, %add3A_165 : i32
          %or3A_265 = arith.constant false
          %or3A_266 = arith.ori %or3A_265, %ne3A_264 : i1
          %or3A_267 = arith.constant false
          %or3A_268 = arith.ori %or3A_266, %or3A_267 : i1
          %not3A_269 = arith.constant true
          %not3A_270 = arith.xori %eq3A_151, %not3A_269 : i1
          %and3A_271 = arith.andi %or3A_268, %not3A_270 : i1
          %convert_element_type3A_272 = arith.extui %and3A_271 : i1 to i32
          %cond3A_273 = arith.constant 0 : i32
          %cond3A_274 = arith.cmpi ne, %convert_element_type3A_272, %cond3A_273 : i32
          scf.if %cond3A_274 {
            "tpu.trace_start"() <{level = 10 : i32, message = "ep_wait_out"}> : () -> ()
            %rem3A_294 = arith.constant 2 : i32
            %rem3A_295 = arith.remui %while3A_146, %rem3A_294 : i32
            %mul3A_296 = arith.constant 128 : i32
            %mul3A_297 = arith.muli %mul3A_296, %add3A_165 : i32
            %dma_wait3A = arith.constant 0 : i32
            %dma_wait3A_298 = arith.constant 0 : i32
            %dma_wait3A_299 = tpu.memref_slice %run_scoped3A_18[%rem3A_295, %dma_wait3A, %dma_wait3A_298] : memref<2x128x128xf32, #tpu.memory_space<vmem>> -> memref<1x128x128xf32, #tpu.memory_space<vmem>>
            %dma_wait3A_300 = tpu.memref_squeeze %dma_wait3A_299 : memref<1x128x128xf32, #tpu.memory_space<vmem>> -> memref<128x128xf32, #tpu.memory_space<vmem>>
            %dma_wait3A_301 = arith.constant 0 : i32
            %dma_wait3A_302 = tpu.memref_slice %arg4[%mul3A_297, %dma_wait3A_301] : memref<64000x128xf32, #tpu.memory_space<hbm>> -> memref<128x128xf32, #tpu.memory_space<hbm>>
            %dma_wait3A_303 = tpu.memref_slice %run_scoped3A_19[%rem3A_295] : memref<2x!tpu.dma_semaphore, #tpu.memory_space<semaphore_mem>> -> memref<1x!tpu.dma_semaphore, #tpu.memory_space<semaphore_mem>>
            %dma_wait3A_304 = tpu.memref_squeeze %dma_wait3A_303 : memref<1x!tpu.dma_semaphore, #tpu.memory_space<semaphore_mem>> -> memref<!tpu.dma_semaphore, #tpu.memory_space<semaphore_mem>>
            %dma_wait3A_305 = arith.constant 0 : i32
            %dma_wait3A_306 = tpu.memref_slice %arg4[%mul3A_297, %dma_wait3A_305] : memref<64000x128xf32, #tpu.memory_space<hbm>> -> memref<128x128xf32, #tpu.memory_space<hbm>>
            %dma_wait3A_307 = arith.constant 0 : i32
            %dma_wait3A_308 = arith.constant 0 : i32
            %dma_wait3A_309 = tpu.memref_slice %run_scoped3A_18[%rem3A_295, %dma_wait3A_307, %dma_wait3A_308] : memref<2x128x128xf32, #tpu.memory_space<vmem>> -> memref<1x128x128xf32, #tpu.memory_space<vmem>>
            %dma_wait3A_310 = tpu.memref_squeeze %dma_wait3A_309 : memref<1x128x128xf32, #tpu.memory_space<vmem>> -> memref<128x128xf32, #tpu.memory_space<vmem>>
            tpu.wait_dma2 semaphore(%dma_wait3A_304 : memref<!tpu.dma_semaphore, #tpu.memory_space<semaphore_mem>>) src(%dma_wait3A_310 : memref<128x128xf32, #tpu.memory_space<vmem>>) dst(%dma_wait3A_306 : memref<128x128xf32, #tpu.memory_space<hbm>>)
            "tpu.trace_stop"() : () -> ()
          } else {
          }
          %and3A_275 = arith.constant true
          %and3A_276 = arith.andi %and3A_271, %and3A_275 : i1
          %add3A_277 = arith.constant 1 : i32
          %add3A_278 = arith.addi %while3A_146, %add3A_277 : i32
          %select_n3A_279 = arith.select %and3A_276, %add3A_278, %while3A_146 : i32
          %ne3A_280 = arith.cmpi ne, %add3A_155, %add3A_173 : i32
          %or3A_281 = arith.constant false
          %or3A_282 = arith.ori %or3A_281, %ne3A_280 : i1
          %or3A_283 = arith.ori %or3A_282, %eq3A_154 : i1
          %add3A_284 = arith.constant 1 : i32
          %add3A_285 = arith.addi %while3A_144, %add3A_284 : i32
          %select_n3A_286 = arith.select %or3A_283, %add3A_285, %while3A_144 : i32
          %add3A_287 = arith.constant 1 : i32
          %add3A_288 = arith.addi %while3A_147, %add3A_287 : i32
          %select_n3A_289 = arith.constant true
          %select_n3A_290 = arith.select %select_n3A_289, %add3A_288, %while3A_147 : i32
          %eq3A_291 = arith.cmpi eq, %select_n3A_290, %select_n3A : i32
          %select_n3A_292 = arith.constant 0 : i32
          %select_n3A_293 = arith.select %eq3A_291, %select_n3A_292, %select_n3A_290 : i32
          scf.yield %select_n3A_195, %select_n3A_286, %select_n3A_252, %select_n3A_279, %select_n3A_293 : i32, i32, i32, i32, i32
        }
        %sub3A_91 = arith.constant 1 : i32
        %sub3A_92 = arith.subi %while3A_90#4, %sub3A_91 : i32
        %select_n3A_93 = arith.constant true
        %select_n3A_94 = arith.select %select_n3A_93, %sub3A_92, %while3A_90#4 : i32
        %eq3A_95 = arith.constant -1 : i32
        %eq3A_96 = arith.cmpi eq, %select_n3A_94, %eq3A_95 : i32
        %sub3A_97 = arith.constant 1 : i32
        %sub3A_98 = arith.subi %select_n3A, %sub3A_97 : i32
        %select_n3A_99 = arith.select %eq3A_96, %sub3A_98, %select_n3A_94 : i32
        %sub3A_100 = arith.constant 1 : i32
        %sub3A_101 = arith.subi %mul3A_16, %sub3A_100 : i32
        %mul3A_102 = arith.constant 1 : i32
        %mul3A_103 = arith.muli %mul3A_102, %select_n3A : i32
        %eq3A_104 = arith.constant 0 : i32
        %eq3A_105 = arith.cmpi eq, %sub3A_101, %eq3A_104 : i32
        %sub3A_106 = arith.constant 1 : i32
        %sub3A_107 = arith.subi %mul3A_103, %sub3A_106 : i32
        %eq3A_108 = arith.cmpi eq, %sub3A_101, %sub3A_107 : i32
        %add3A_109 = arith.addi %select_n3A_99, %select_n3A_14 : i32
        %sub3A_110 = arith.constant 1 : i32
        %sub3A_111 = arith.subi %select_n3A_99, %sub3A_110 : i32
        %select_n3A_112 = arith.constant true
        %select_n3A_113 = arith.select %select_n3A_112, %sub3A_111, %select_n3A_99 : i32
        %eq3A_114 = arith.constant -1 : i32
        %eq3A_115 = arith.cmpi eq, %select_n3A_113, %eq3A_114 : i32
        %sub3A_116 = arith.constant 1 : i32
        %sub3A_117 = arith.subi %select_n3A, %sub3A_116 : i32
        %select_n3A_118 = arith.select %eq3A_115, %sub3A_117, %select_n3A_113 : i32
        %add3A_119 = arith.addi %select_n3A_118, %select_n3A_14 : i32
        %add3A_120 = arith.constant 1 : i32
        %add3A_121 = arith.addi %select_n3A_99, %add3A_120 : i32
        %select_n3A_122 = arith.constant true
        %select_n3A_123 = arith.select %select_n3A_122, %add3A_121, %select_n3A_99 : i32
        %eq3A_124 = arith.cmpi eq, %select_n3A_123, %select_n3A : i32
        %select_n3A_125 = arith.constant 0 : i32
        %select_n3A_126 = arith.select %eq3A_124, %select_n3A_125, %select_n3A_123 : i32
        %add3A_127 = arith.addi %select_n3A_126, %select_n3A_14 : i32
        %add3A_128 = arith.constant 1 : i32
        %add3A_129 = arith.addi %select_n3A_126, %add3A_128 : i32
        %select_n3A_130 = arith.constant true
        %select_n3A_131 = arith.select %select_n3A_130, %add3A_129, %select_n3A_126 : i32
        %eq3A_132 = arith.cmpi eq, %select_n3A_131, %select_n3A : i32
        %select_n3A_133 = arith.constant 0 : i32
        %select_n3A_134 = arith.select %eq3A_132, %select_n3A_133, %select_n3A_131 : i32
        %add3A_135 = arith.addi %select_n3A_134, %select_n3A_14 : i32
        %convert_element_type3A_136 = arith.extui %eq3A_108 : i1 to i32
        %cond3A_137 = arith.constant 0 : i32
        %cond3A_138 = arith.cmpi ne, %convert_element_type3A_136, %cond3A_137 : i32
        scf.if %cond3A_138 {
        } else {
        }
        %convert_element_type3A_139 = arith.extui %eq3A_108 : i1 to i32
        %cond3A_140 = arith.constant 0 : i32
        %cond3A_141 = arith.cmpi ne, %convert_element_type3A_139, %cond3A_140 : i32
        scf.if %cond3A_141 {
          "tpu.trace_start"() <{level = 10 : i32, message = "ep_finalize"}> : () -> ()
          %rem3A_142 = arith.constant 2 : i32
          %rem3A_143 = arith.remui %while3A_90#3, %rem3A_142 : i32
          %mul3A_144 = arith.constant 128 : i32
          %mul3A_145 = arith.muli %mul3A_144, %add3A_109 : i32
          %dma_wait3A = arith.constant 0 : i32
          %dma_wait3A_146 = arith.constant 0 : i32
          %dma_wait3A_147 = tpu.memref_slice %run_scoped3A_18[%rem3A_143, %dma_wait3A, %dma_wait3A_146] : memref<2x128x128xf32, #tpu.memory_space<vmem>> -> memref<1x128x128xf32, #tpu.memory_space<vmem>>
          %dma_wait3A_148 = tpu.memref_squeeze %dma_wait3A_147 : memref<1x128x128xf32, #tpu.memory_space<vmem>> -> memref<128x128xf32, #tpu.memory_space<vmem>>
          %dma_wait3A_149 = arith.constant 0 : i32
          %dma_wait3A_150 = tpu.memref_slice %arg4[%mul3A_145, %dma_wait3A_149] : memref<64000x128xf32, #tpu.memory_space<hbm>> -> memref<128x128xf32, #tpu.memory_space<hbm>>
          %dma_wait3A_151 = tpu.memref_slice %run_scoped3A_19[%rem3A_143] : memref<2x!tpu.dma_semaphore, #tpu.memory_space<semaphore_mem>> -> memref<1x!tpu.dma_semaphore, #tpu.memory_space<semaphore_mem>>
          %dma_wait3A_152 = tpu.memref_squeeze %dma_wait3A_151 : memref<1x!tpu.dma_semaphore, #tpu.memory_space<semaphore_mem>> -> memref<!tpu.dma_semaphore, #tpu.memory_space<semaphore_mem>>
          %dma_wait3A_153 = arith.constant 0 : i32
          %dma_wait3A_154 = tpu.memref_slice %arg4[%mul3A_145, %dma_wait3A_153] : memref<64000x128xf32, #tpu.memory_space<hbm>> -> memref<128x128xf32, #tpu.memory_space<hbm>>
          %dma_wait3A_155 = arith.constant 0 : i32
          %dma_wait3A_156 = arith.constant 0 : i32
          %dma_wait3A_157 = tpu.memref_slice %run_scoped3A_18[%rem3A_143, %dma_wait3A_155, %dma_wait3A_156] : memref<2x128x128xf32, #tpu.memory_space<vmem>> -> memref<1x128x128xf32, #tpu.memory_space<vmem>>
          %dma_wait3A_158 = tpu.memref_squeeze %dma_wait3A_157 : memref<1x128x128xf32, #tpu.memory_space<vmem>> -> memref<128x128xf32, #tpu.memory_space<vmem>>
          tpu.wait_dma2 semaphore(%dma_wait3A_152 : memref<!tpu.dma_semaphore, #tpu.memory_space<semaphore_mem>>) src(%dma_wait3A_158 : memref<128x128xf32, #tpu.memory_space<vmem>>) dst(%dma_wait3A_154 : memref<128x128xf32, #tpu.memory_space<hbm>>)
          "tpu.trace_stop"() : () -> ()
        } else {
        }
      } else {
      }
      tpu.yield
    }) : () -> ()
    return
  }
}

#map = affine_map<(d0, d1) -> (0, 0)>
module attributes {stable_mosaic.version = 14 : i64} {
  func.func @gather_kernel(%arg0: i32, %arg1: i32, %arg2: memref<10000x128xf32, #tpu.memory_space<hbm>>, %arg3: memref<1x38400xi32, #tpu.memory_space<hbm>>, %arg4: memref<38400x128xf32, #tpu.memory_space<hbm>>) attributes {dimension_semantics = [#tpu.dimension_semantics<core_parallel>, #tpu.dimension_semantics<subcore_parallel>], iteration_bounds = array<i64: 2, 16>, scalar_prefetch = 0 : i64, scratch_operands = 0 : i64, tpu.core_type = #tpu.core_type<sc_vector_subcore>, window_params = [{transform_indices = #map}, {transform_indices = #map}, {transform_indices = #map}]} {
    %mul3A = arith.constant 1 : i32
    %mul3A_0 = arith.muli %arg1, %mul3A : i32
    %add3A = arith.constant 0 : i32
    %add3A_1 = arith.addi %add3A, %mul3A_0 : i32
    %mul3A_2 = arith.constant 16 : i32
    %mul3A_3 = arith.muli %arg0, %mul3A_2 : i32
    %add3A_4 = arith.addi %add3A_1, %mul3A_3 : i32
    %lt3A = arith.constant 12 : i32
    %lt3A_5 = arith.cmpi slt, %add3A_4, %lt3A : i32
    %jit3A = arith.constant 10 : i32
    %jit3A_6 = arith.constant 9 : i32
    %select_n3A = arith.select %lt3A_5, %jit3A, %jit3A_6 : i32
    %lt3A_7 = arith.constant 12 : i32
    %lt3A_8 = arith.cmpi slt, %add3A_4, %lt3A_7 : i32
    %mul3A_9 = arith.muli %add3A_4, %select_n3A : i32
    %mul3A_10 = arith.constant 9 : i32
    %mul3A_11 = arith.muli %add3A_4, %mul3A_10 : i32
    %add3A_12 = arith.constant 12 : i32
    %add3A_13 = arith.addi %mul3A_11, %add3A_12 : i32
    %select_n3A_14 = arith.select %lt3A_8, %mul3A_9, %add3A_13 : i32
    %mul3A_15 = arith.constant 1 : i32
    %mul3A_16 = arith.muli %mul3A_15, %select_n3A : i32
    "tpu.region"() ({
      %run_scoped3A = memref.alloca() : memref<2x1x128xi32, #tpu.memory_space<vmem>>
      %run_scoped3A_17 = tpu.sem_alloc : memref<2x!tpu.dma_semaphore, #tpu.memory_space<semaphore_mem>>
      %run_scoped3A_18 = memref.alloca() : memref<2x128x128xf32, #tpu.memory_space<vmem>>
      %run_scoped3A_19 = tpu.sem_alloc : memref<2x!tpu.dma_semaphore, #tpu.memory_space<semaphore_mem>>
      %gt3A = arith.constant 0 : i32
      %gt3A_20 = arith.cmpi sgt, %mul3A_16, %gt3A : i32
      %convert_element_type3A = arith.extui %gt3A_20 : i1 to i32
      %cond3A = arith.constant 0 : i32
      %cond3A_21 = arith.cmpi ne, %convert_element_type3A, %cond3A : i32
      scf.if %cond3A_21 {
        %mul3A_22 = arith.constant 1 : i32
        %mul3A_23 = arith.muli %mul3A_22, %select_n3A : i32
        %sub3A = arith.constant 1 : i32
        %sub3A_24 = arith.subi %mul3A_23, %sub3A : i32
        %eq3A = arith.constant 0 : i32
        %eq3A_25 = arith.cmpi eq, %sub3A_24, %eq3A : i32
        %add3A_26 = arith.constant 0 : i32
        %add3A_27 = arith.addi %add3A_26, %select_n3A_14 : i32
        %select_n3A_28 = arith.constant true
        %select_n3A_29 = arith.constant 0 : i32
        %select_n3A_30 = arith.constant -1 : i32
        %select_n3A_31 = arith.select %select_n3A_28, %select_n3A_30, %select_n3A_29 : i32
        %eq3A_32 = arith.constant -1 : i32
        %eq3A_33 = arith.cmpi eq, %select_n3A_31, %eq3A_32 : i32
        %sub3A_34 = arith.constant 1 : i32
        %sub3A_35 = arith.subi %select_n3A, %sub3A_34 : i32
        %select_n3A_36 = arith.select %eq3A_33, %sub3A_35, %select_n3A_31 : i32
        %add3A_37 = arith.addi %select_n3A_36, %select_n3A_14 : i32
        %select_n3A_38 = arith.constant true
        %select_n3A_39 = arith.constant 0 : i32
        %select_n3A_40 = arith.constant 1 : i32
        %select_n3A_41 = arith.select %select_n3A_38, %select_n3A_40, %select_n3A_39 : i32
        %eq3A_42 = arith.cmpi eq, %select_n3A_41, %select_n3A : i32
        %select_n3A_43 = arith.constant 0 : i32
        %select_n3A_44 = arith.select %eq3A_42, %select_n3A_43, %select_n3A_41 : i32
        %add3A_45 = arith.addi %select_n3A_44, %select_n3A_14 : i32
        %add3A_46 = arith.constant 1 : i32
        %add3A_47 = arith.addi %select_n3A_44, %add3A_46 : i32
        %select_n3A_48 = arith.constant true
        %select_n3A_49 = arith.select %select_n3A_48, %add3A_47, %select_n3A_44 : i32
        %eq3A_50 = arith.cmpi eq, %select_n3A_49, %select_n3A : i32
        %select_n3A_51 = arith.constant 0 : i32
        %select_n3A_52 = arith.select %eq3A_50, %select_n3A_51, %select_n3A_49 : i32
        %add3A_53 = arith.addi %select_n3A_52, %select_n3A_14 : i32
        "tpu.trace_start"() <{level = 10 : i32, message = "ep_initialize_0"}> : () -> ()
        %rem3A = arith.constant 0 : i32
        %rem3A_54 = arith.constant 2 : i32
        %rem3A_55 = arith.remui %rem3A, %rem3A_54 : i32
        %mul3A_56 = arith.constant 128 : i32
        %mul3A_57 = arith.muli %mul3A_56, %add3A_27 : i32
        %dma_start3A = arith.constant 0 : i32
        %dma_start3A_58 = arith.constant 0 : i32
        %dma_start3A_59 = tpu.memref_slice %run_scoped3A[%rem3A_55, %dma_start3A, %dma_start3A_58] : memref<2x1x128xi32, #tpu.memory_space<vmem>> -> memref<1x1x128xi32, #tpu.memory_space<vmem>>
        %dma_start3A_60 = tpu.memref_squeeze %dma_start3A_59 : memref<1x1x128xi32, #tpu.memory_space<vmem>> -> memref<1x128xi32, #tpu.memory_space<vmem>>
        %dma_start3A_61 = arith.constant 0 : i32
        %dma_start3A_62 = tpu.memref_slice %arg3[%dma_start3A_61, %mul3A_57] : memref<1x38400xi32, #tpu.memory_space<hbm>> -> memref<1x128xi32, #tpu.memory_space<hbm>>
        %dma_start3A_63 = tpu.memref_slice %run_scoped3A_17[%rem3A_55] : memref<2x!tpu.dma_semaphore, #tpu.memory_space<semaphore_mem>> -> memref<1x!tpu.dma_semaphore, #tpu.memory_space<semaphore_mem>>
        %dma_start3A_64 = tpu.memref_squeeze %dma_start3A_63 : memref<1x!tpu.dma_semaphore, #tpu.memory_space<semaphore_mem>> -> memref<!tpu.dma_semaphore, #tpu.memory_space<semaphore_mem>>
        %dma_start3A_65 = arith.constant 0 : i32
        %dma_start3A_66 = arith.constant 0 : i32
        %dma_start3A_67 = tpu.memref_slice %run_scoped3A[%rem3A_55, %dma_start3A_65, %dma_start3A_66] : memref<2x1x128xi32, #tpu.memory_space<vmem>> -> memref<1x1x128xi32, #tpu.memory_space<vmem>>
        %dma_start3A_68 = tpu.memref_squeeze %dma_start3A_67 : memref<1x1x128xi32, #tpu.memory_space<vmem>> -> memref<1x128xi32, #tpu.memory_space<vmem>>
        %dma_start3A_69 = arith.constant 0 : i32
        %dma_start3A_70 = tpu.memref_slice %arg3[%dma_start3A_69, %mul3A_57] : memref<1x38400xi32, #tpu.memory_space<hbm>> -> memref<1x128xi32, #tpu.memory_space<hbm>>
        tpu.enqueue_dma source(%dma_start3A_70 : memref<1x128xi32, #tpu.memory_space<hbm>>) target(%dma_start3A_68 : memref<1x128xi32, #tpu.memory_space<vmem>>) target_semaphore(%dma_start3A_64 : memref<!tpu.dma_semaphore, #tpu.memory_space<semaphore_mem>>)
        %add3A_71 = arith.constant 0 : i32
        %add3A_72 = arith.constant 1 : i32
        %add3A_73 = arith.addi %add3A_71, %add3A_72 : i32
        %select_n3A_74 = arith.constant true
        %select_n3A_75 = arith.constant 0 : i32
        %select_n3A_76 = arith.select %select_n3A_74, %add3A_73, %select_n3A_75 : i32
        %while3A = arith.constant 0 : i32
        %while3A_77 = arith.constant 0 : i32
        %while3A_78 = arith.constant 0 : i32
        %while3A_79 = arith.constant 0 : i32
        %while3A_80 = arith.constant 0 : i32
        "tpu.trace_stop"() : () -> ()
        %while3A_81 = arith.subi %mul3A_16, %while3A : i32
        %while3A_82 = arith.addi %while3A, %while3A_81 : i32
        %while3A_83 = arith.constant 1 : i32
        %while3A_84 = arith.divsi %while3A_81, %while3A_83 : i32
        %while3A_85 = arith.muli %while3A_84, %while3A_83 : i32
        %while3A_86 = arith.addi %while3A, %while3A_85 : i32
        %while3A_87 = arith.constant 1 : i32
        %while3A_88:5 = scf.for %while3A_142 = %while3A to %while3A_86 step %while3A_87 iter_args(%while3A_143 = %select_n3A_76, %while3A_144 = %while3A_77, %while3A_145 = %while3A_78, %while3A_146 = %while3A_79, %while3A_147 = %while3A_80) -> (i32, i32, i32, i32, i32)  : i32 {
          %mul3A_148 = arith.constant 1 : i32
          %mul3A_149 = arith.muli %mul3A_148, %select_n3A : i32
          %eq3A_150 = arith.constant 0 : i32
          %eq3A_151 = arith.cmpi eq, %while3A_142, %eq3A_150 : i32
          %sub3A_152 = arith.constant 1 : i32
          %sub3A_153 = arith.subi %mul3A_149, %sub3A_152 : i32
          %eq3A_154 = arith.cmpi eq, %while3A_142, %sub3A_153 : i32
          %add3A_155 = arith.addi %while3A_147, %select_n3A_14 : i32
          %sub3A_156 = arith.constant 1 : i32
          %sub3A_157 = arith.subi %while3A_147, %sub3A_156 : i32
          %select_n3A_158 = arith.constant true
          %select_n3A_159 = arith.select %select_n3A_158, %sub3A_157, %while3A_147 : i32
          %eq3A_160 = arith.constant -1 : i32
          %eq3A_161 = arith.cmpi eq, %select_n3A_159, %eq3A_160 : i32
          %sub3A_162 = arith.constant 1 : i32
          %sub3A_163 = arith.subi %select_n3A, %sub3A_162 : i32
          %select_n3A_164 = arith.select %eq3A_161, %sub3A_163, %select_n3A_159 : i32
          %add3A_165 = arith.addi %select_n3A_164, %select_n3A_14 : i32
          %add3A_166 = arith.constant 1 : i32
          %add3A_167 = arith.addi %while3A_147, %add3A_166 : i32
          %select_n3A_168 = arith.constant true
          %select_n3A_169 = arith.select %select_n3A_168, %add3A_167, %while3A_147 : i32
          %eq3A_170 = arith.cmpi eq, %select_n3A_169, %select_n3A : i32
          %select_n3A_171 = arith.constant 0 : i32
          %select_n3A_172 = arith.select %eq3A_170, %select_n3A_171, %select_n3A_169 : i32
          %add3A_173 = arith.addi %select_n3A_172, %select_n3A_14 : i32
          %add3A_174 = arith.constant 1 : i32
          %add3A_175 = arith.addi %select_n3A_172, %add3A_174 : i32
          %select_n3A_176 = arith.constant true
          %select_n3A_177 = arith.select %select_n3A_176, %add3A_175, %select_n3A_172 : i32
          %eq3A_178 = arith.cmpi eq, %select_n3A_177, %select_n3A : i32
          %select_n3A_179 = arith.constant 0 : i32
          %select_n3A_180 = arith.select %eq3A_178, %select_n3A_179, %select_n3A_177 : i32
          %add3A_181 = arith.addi %select_n3A_180, %select_n3A_14 : i32
          %ne3A = arith.cmpi ne, %add3A_155, %add3A_173 : i32
          %or3A = arith.constant false
          %or3A_182 = arith.ori %or3A, %ne3A : i1
          %sub3A_183 = arith.constant 2 : i32
          %sub3A_184 = arith.subi %mul3A_149, %sub3A_183 : i32
          %add3A_185 = arith.constant 1 : i32
          %add3A_186 = arith.addi %sub3A_184, %add3A_185 : i32
          %ge3A = arith.cmpi sge, %while3A_142, %add3A_186 : i32
          %not3A = arith.constant true
          %not3A_187 = arith.xori %ge3A, %not3A : i1
          %and3A = arith.andi %or3A_182, %not3A_187 : i1
          %convert_element_type3A_188 = arith.extui %and3A : i1 to i32
          %cond3A_189 = arith.constant 0 : i32
          %cond3A_190 = arith.cmpi ne, %convert_element_type3A_188, %cond3A_189 : i32
          scf.if %cond3A_190 {
            "tpu.trace_start"() <{level = 10 : i32, message = "ep_copy_in"}> : () -> ()
            %rem3A_294 = arith.constant 2 : i32
            %rem3A_295 = arith.remui %while3A_143, %rem3A_294 : i32
            %mul3A_296 = arith.constant 128 : i32
            %mul3A_297 = arith.muli %mul3A_296, %add3A_173 : i32
            %dma_start3A_298 = arith.constant 0 : i32
            %dma_start3A_299 = arith.constant 0 : i32
            %dma_start3A_300 = tpu.memref_slice %run_scoped3A[%rem3A_295, %dma_start3A_298, %dma_start3A_299] : memref<2x1x128xi32, #tpu.memory_space<vmem>> -> memref<1x1x128xi32, #tpu.memory_space<vmem>>
            %dma_start3A_301 = tpu.memref_squeeze %dma_start3A_300 : memref<1x1x128xi32, #tpu.memory_space<vmem>> -> memref<1x128xi32, #tpu.memory_space<vmem>>
            %dma_start3A_302 = arith.constant 0 : i32
            %dma_start3A_303 = tpu.memref_slice %arg3[%dma_start3A_302, %mul3A_297] : memref<1x38400xi32, #tpu.memory_space<hbm>> -> memref<1x128xi32, #tpu.memory_space<hbm>>
            %dma_start3A_304 = tpu.memref_slice %run_scoped3A_17[%rem3A_295] : memref<2x!tpu.dma_semaphore, #tpu.memory_space<semaphore_mem>> -> memref<1x!tpu.dma_semaphore, #tpu.memory_space<semaphore_mem>>
            %dma_start3A_305 = tpu.memref_squeeze %dma_start3A_304 : memref<1x!tpu.dma_semaphore, #tpu.memory_space<semaphore_mem>> -> memref<!tpu.dma_semaphore, #tpu.memory_space<semaphore_mem>>
            %dma_start3A_306 = arith.constant 0 : i32
            %dma_start3A_307 = arith.constant 0 : i32
            %dma_start3A_308 = tpu.memref_slice %run_scoped3A[%rem3A_295, %dma_start3A_306, %dma_start3A_307] : memref<2x1x128xi32, #tpu.memory_space<vmem>> -> memref<1x1x128xi32, #tpu.memory_space<vmem>>
            %dma_start3A_309 = tpu.memref_squeeze %dma_start3A_308 : memref<1x1x128xi32, #tpu.memory_space<vmem>> -> memref<1x128xi32, #tpu.memory_space<vmem>>
            %dma_start3A_310 = arith.constant 0 : i32
            %dma_start3A_311 = tpu.memref_slice %arg3[%dma_start3A_310, %mul3A_297] : memref<1x38400xi32, #tpu.memory_space<hbm>> -> memref<1x128xi32, #tpu.memory_space<hbm>>
            tpu.enqueue_dma source(%dma_start3A_311 : memref<1x128xi32, #tpu.memory_space<hbm>>) target(%dma_start3A_309 : memref<1x128xi32, #tpu.memory_space<vmem>>) target_semaphore(%dma_start3A_305 : memref<!tpu.dma_semaphore, #tpu.memory_space<semaphore_mem>>)
            "tpu.trace_stop"() : () -> ()
          } else {
          }
          %and3A_191 = arith.constant true
          %and3A_192 = arith.andi %and3A, %and3A_191 : i1
          %add3A_193 = arith.constant 1 : i32
          %add3A_194 = arith.addi %while3A_143, %add3A_193 : i32
          %select_n3A_195 = arith.select %and3A_192, %add3A_194, %while3A_143 : i32
          %ne3A_196 = arith.cmpi ne, %add3A_155, %add3A_173 : i32
          %or3A_197 = arith.constant false
          %or3A_198 = arith.ori %or3A_197, %ne3A_196 : i1
          %or3A_199 = arith.constant false
          %or3A_200 = arith.ori %or3A_198, %or3A_199 : i1
          %sub3A_201 = arith.constant 2 : i32
          %sub3A_202 = arith.subi %mul3A_149, %sub3A_201 : i32
          %add3A_203 = arith.constant 1 : i32
          %add3A_204 = arith.addi %sub3A_202, %add3A_203 : i32
          %ge3A_205 = arith.cmpi sge, %while3A_142, %add3A_204 : i32
          %not3A_206 = arith.constant true
          %not3A_207 = arith.xori %ge3A_205, %not3A_206 : i1
          %and3A_208 = arith.andi %or3A_200, %not3A_207 : i1
          %ne3A_209 = arith.cmpi ne, %add3A_155, %add3A_165 : i32
          %or3A_210 = arith.constant false
          %or3A_211 = arith.ori %or3A_210, %ne3A_209 : i1
          %or3A_212 = arith.ori %or3A_211, %eq3A_151 : i1
          %convert_element_type3A_213 = arith.extui %or3A_212 : i1 to i32
          %cond3A_214 = arith.constant 0 : i32
          %cond3A_215 = arith.cmpi ne, %convert_element_type3A_213, %cond3A_214 : i32
          scf.if %cond3A_215 {
            "tpu.trace_start"() <{level = 10 : i32, message = "ep_wait_in"}> : () -> ()
            %mul3A_294 = arith.constant 128 : i32
            %mul3A_295 = arith.muli %mul3A_294, %add3A_155 : i32
            %rem3A_296 = arith.constant 2 : i32
            %rem3A_297 = arith.remui %while3A_144, %rem3A_296 : i32
            %dma_wait3A = arith.constant 0 : i32
            %dma_wait3A_298 = arith.constant 0 : i32
            %dma_wait3A_299 = tpu.memref_slice %run_scoped3A[%rem3A_297, %dma_wait3A, %dma_wait3A_298] : memref<2x1x128xi32, #tpu.memory_space<vmem>> -> memref<1x1x128xi32, #tpu.memory_space<vmem>>
            %dma_wait3A_300 = tpu.memref_squeeze %dma_wait3A_299 : memref<1x1x128xi32, #tpu.memory_space<vmem>> -> memref<1x128xi32, #tpu.memory_space<vmem>>
            %dma_wait3A_301 = arith.constant 0 : i32
            %dma_wait3A_302 = tpu.memref_slice %arg3[%dma_wait3A_301, %mul3A_295] : memref<1x38400xi32, #tpu.memory_space<hbm>> -> memref<1x128xi32, #tpu.memory_space<hbm>>
            %dma_wait3A_303 = tpu.memref_slice %run_scoped3A_17[%rem3A_297] : memref<2x!tpu.dma_semaphore, #tpu.memory_space<semaphore_mem>> -> memref<1x!tpu.dma_semaphore, #tpu.memory_space<semaphore_mem>>
            %dma_wait3A_304 = tpu.memref_squeeze %dma_wait3A_303 : memref<1x!tpu.dma_semaphore, #tpu.memory_space<semaphore_mem>> -> memref<!tpu.dma_semaphore, #tpu.memory_space<semaphore_mem>>
            %dma_wait3A_305 = arith.constant 0 : i32
            %dma_wait3A_306 = arith.constant 0 : i32
            %dma_wait3A_307 = tpu.memref_slice %run_scoped3A[%rem3A_297, %dma_wait3A_305, %dma_wait3A_306] : memref<2x1x128xi32, #tpu.memory_space<vmem>> -> memref<1x1x128xi32, #tpu.memory_space<vmem>>
            %dma_wait3A_308 = tpu.memref_squeeze %dma_wait3A_307 : memref<1x1x128xi32, #tpu.memory_space<vmem>> -> memref<1x128xi32, #tpu.memory_space<vmem>>
            %dma_wait3A_309 = arith.constant 0 : i32
            %dma_wait3A_310 = tpu.memref_slice %arg3[%dma_wait3A_309, %mul3A_295] : memref<1x38400xi32, #tpu.memory_space<hbm>> -> memref<1x128xi32, #tpu.memory_space<hbm>>
            tpu.wait_dma2 semaphore(%dma_wait3A_304 : memref<!tpu.dma_semaphore, #tpu.memory_space<semaphore_mem>>) src(%dma_wait3A_310 : memref<1x128xi32, #tpu.memory_space<hbm>>) dst(%dma_wait3A_308 : memref<1x128xi32, #tpu.memory_space<vmem>>)
            "tpu.trace_stop"() : () -> ()
          } else {
          }
          %ne3A_216 = arith.cmpi ne, %add3A_155, %add3A_165 : i32
          %or3A_217 = arith.constant false
          %or3A_218 = arith.ori %or3A_217, %ne3A_216 : i1
          %or3A_219 = arith.constant false
          %or3A_220 = arith.ori %or3A_218, %or3A_219 : i1
          %or3A_221 = arith.ori %or3A_220, %eq3A_151 : i1
          %convert_element_type3A_222 = arith.extui %or3A_221 : i1 to i32
          %cond3A_223 = arith.constant 0 : i32
          %cond3A_224 = arith.cmpi ne, %convert_element_type3A_222, %cond3A_223 : i32
          scf.if %cond3A_224 {
          } else {
          }
          %rem3A_225 = arith.constant 2 : i32
          %rem3A_226 = arith.remui %while3A_144, %rem3A_225 : i32
          %rem3A_227 = arith.constant 2 : i32
          %rem3A_228 = arith.remui %while3A_145, %rem3A_227 : i32
          %run_scoped3A_229 = arith.constant 0 : i32
          "tpu.trace_start"() <{level = 10 : i32, message = "ep_run_kernel"}> : () -> ()
          "tpu.region"() ({
            %run_scoped3A_294 = tpu.sem_alloc : memref<!tpu.dma_semaphore, #tpu.memory_space<semaphore_mem>>
            %dma_start3A_295 = arith.constant 0 : i32
            %dma_start3A_296 = arith.constant 0 : i32
            %dma_start3A_297 = tpu.memref_slice %run_scoped3A_18[%rem3A_228, %dma_start3A_295, %dma_start3A_296] : memref<2x128x128xf32, #tpu.memory_space<vmem>> -> memref<1x128x128xf32, #tpu.memory_space<vmem>>
            %dma_start3A_298 = tpu.memref_squeeze %dma_start3A_297 : memref<1x128x128xf32, #tpu.memory_space<vmem>> -> memref<128x128xf32, #tpu.memory_space<vmem>>
            %dma_start3A_299 = arith.constant 0 : i32
            %dma_start3A_300 = arith.constant 0 : i32
            %dma_start3A_301 = tpu.memref_slice %run_scoped3A[%rem3A_226, %dma_start3A_299, %dma_start3A_300] : memref<2x1x128xi32, #tpu.memory_space<vmem>> -> memref<1x1x128xi32, #tpu.memory_space<vmem>>
            %dma_start3A_302 = tpu.memref_squeeze %dma_start3A_301 : memref<1x1x128xi32, #tpu.memory_space<vmem>> -> memref<1x128xi32, #tpu.memory_space<vmem>>
            %dma_start3A_303 = arith.constant 0 : i32
            %dma_start3A_304 = tpu.memref_slice %dma_start3A_302[%run_scoped3A_229, %dma_start3A_303] : memref<1x128xi32, #tpu.memory_space<vmem>> -> memref<1x128xi32, #tpu.memory_space<vmem>>
            %dma_start3A_305 = tpu.memref_squeeze %dma_start3A_304 : memref<1x128xi32, #tpu.memory_space<vmem>> -> memref<128xi32, #tpu.memory_space<vmem>>
            %dma_start3A_306 = arith.constant 0 : i32
            %dma_start3A_307 = arith.constant 0 : i32
            %dma_start3A_308 = tpu.memref_slice %arg2[%dma_start3A_306, %dma_start3A_307] : memref<10000x128xf32, #tpu.memory_space<hbm>> -> memref<10000x128xf32, #tpu.memory_space<hbm>>
            tpu.enqueue_indirect_dma source(%dma_start3A_308 : memref<10000x128xf32, #tpu.memory_space<hbm>>) target(%dma_start3A_298 : memref<128x128xf32, #tpu.memory_space<vmem>>) offsets(%dma_start3A_305 : memref<128xi32, #tpu.memory_space<vmem>>) semaphore(%run_scoped3A_294 : memref<!tpu.dma_semaphore, #tpu.memory_space<semaphore_mem>>)
            %dma_wait3A = arith.constant 0 : i32
            %dma_wait3A_309 = arith.constant 0 : i32
            %dma_wait3A_310 = tpu.memref_slice %run_scoped3A_18[%rem3A_228, %dma_wait3A, %dma_wait3A_309] : memref<2x128x128xf32, #tpu.memory_space<vmem>> -> memref<1x128x128xf32, #tpu.memory_space<vmem>>
            %dma_wait3A_311 = tpu.memref_squeeze %dma_wait3A_310 : memref<1x128x128xf32, #tpu.memory_space<vmem>> -> memref<128x128xf32, #tpu.memory_space<vmem>>
            %dma_wait3A_312 = arith.constant 0 : i32
            %dma_wait3A_313 = arith.constant 0 : i32
            %dma_wait3A_314 = tpu.memref_slice %run_scoped3A[%rem3A_226, %dma_wait3A_312, %dma_wait3A_313] : memref<2x1x128xi32, #tpu.memory_space<vmem>> -> memref<1x1x128xi32, #tpu.memory_space<vmem>>
            %dma_wait3A_315 = tpu.memref_squeeze %dma_wait3A_314 : memref<1x1x128xi32, #tpu.memory_space<vmem>> -> memref<1x128xi32, #tpu.memory_space<vmem>>
            %dma_wait3A_316 = arith.constant 0 : i32
            %dma_wait3A_317 = tpu.memref_slice %dma_wait3A_315[%run_scoped3A_229, %dma_wait3A_316] : memref<1x128xi32, #tpu.memory_space<vmem>> -> memref<1x128xi32, #tpu.memory_space<vmem>>
            %dma_wait3A_318 = tpu.memref_squeeze %dma_wait3A_317 : memref<1x128xi32, #tpu.memory_space<vmem>> -> memref<128xi32, #tpu.memory_space<vmem>>
            %dma_wait3A_319 = arith.constant 0 : i32
            %dma_wait3A_320 = arith.constant 0 : i32
            %dma_wait3A_321 = tpu.memref_slice %arg2[%dma_wait3A_319, %dma_wait3A_320] : memref<10000x128xf32, #tpu.memory_space<hbm>> -> memref<10000x128xf32, #tpu.memory_space<hbm>>
            tpu.wait_indirect_dma semaphore(%run_scoped3A_294 : memref<!tpu.dma_semaphore, #tpu.memory_space<semaphore_mem>>) src(%dma_wait3A_321 : memref<10000x128xf32, #tpu.memory_space<hbm>>) dst(%dma_wait3A_311 : memref<128x128xf32, #tpu.memory_space<vmem>>)
            tpu.yield
          }) : () -> ()
          "tpu.trace_stop"() : () -> ()
          %ne3A_230 = arith.cmpi ne, %add3A_155, %add3A_173 : i32
          %or3A_231 = arith.constant false
          %or3A_232 = arith.ori %or3A_231, %ne3A_230 : i1
          %or3A_233 = arith.ori %or3A_232, %eq3A_154 : i1
          %convert_element_type3A_234 = arith.extui %or3A_233 : i1 to i32
          %cond3A_235 = arith.constant 0 : i32
          %cond3A_236 = arith.cmpi ne, %convert_element_type3A_234, %cond3A_235 : i32
          scf.if %cond3A_236 {
          } else {
          }
          %and3A_237 = arith.constant false
          %and3A_238 = arith.andi %or3A_233, %and3A_237 : i1
          %ne3A_239 = arith.cmpi ne, %add3A_155, %add3A_173 : i32
          %or3A_240 = arith.constant false
          %or3A_241 = arith.ori %or3A_240, %ne3A_239 : i1
          %or3A_242 = arith.constant false
          %or3A_243 = arith.ori %or3A_241, %or3A_242 : i1
          %or3A_244 = arith.ori %or3A_243, %eq3A_154 : i1
          %convert_element_type3A_245 = arith.extui %or3A_244 : i1 to i32
          %cond3A_246 = arith.constant 0 : i32
          %cond3A_247 = arith.cmpi ne, %convert_element_type3A_245, %cond3A_246 : i32
          scf.if %cond3A_247 {
            "tpu.trace_start"() <{level = 10 : i32, message = "ep_copy_out"}> : () -> ()
            %rem3A_294 = arith.constant 2 : i32
            %rem3A_295 = arith.remui %while3A_145, %rem3A_294 : i32
            %mul3A_296 = arith.constant 128 : i32
            %mul3A_297 = arith.muli %mul3A_296, %add3A_155 : i32
            %dma_start3A_298 = arith.constant 0 : i32
            %dma_start3A_299 = arith.constant 0 : i32
            %dma_start3A_300 = tpu.memref_slice %run_scoped3A_18[%rem3A_295, %dma_start3A_298, %dma_start3A_299] : memref<2x128x128xf32, #tpu.memory_space<vmem>> -> memref<1x128x128xf32, #tpu.memory_space<vmem>>
            %dma_start3A_301 = tpu.memref_squeeze %dma_start3A_300 : memref<1x128x128xf32, #tpu.memory_space<vmem>> -> memref<128x128xf32, #tpu.memory_space<vmem>>
            %dma_start3A_302 = arith.constant 0 : i32
            %dma_start3A_303 = tpu.memref_slice %arg4[%mul3A_297, %dma_start3A_302] : memref<38400x128xf32, #tpu.memory_space<hbm>> -> memref<128x128xf32, #tpu.memory_space<hbm>>
            %dma_start3A_304 = tpu.memref_slice %run_scoped3A_19[%rem3A_295] : memref<2x!tpu.dma_semaphore, #tpu.memory_space<semaphore_mem>> -> memref<1x!tpu.dma_semaphore, #tpu.memory_space<semaphore_mem>>
            %dma_start3A_305 = tpu.memref_squeeze %dma_start3A_304 : memref<1x!tpu.dma_semaphore, #tpu.memory_space<semaphore_mem>> -> memref<!tpu.dma_semaphore, #tpu.memory_space<semaphore_mem>>
            %dma_start3A_306 = arith.constant 0 : i32
            %dma_start3A_307 = tpu.memref_slice %arg4[%mul3A_297, %dma_start3A_306] : memref<38400x128xf32, #tpu.memory_space<hbm>> -> memref<128x128xf32, #tpu.memory_space<hbm>>
            %dma_start3A_308 = arith.constant 0 : i32
            %dma_start3A_309 = arith.constant 0 : i32
            %dma_start3A_310 = tpu.memref_slice %run_scoped3A_18[%rem3A_295, %dma_start3A_308, %dma_start3A_309] : memref<2x128x128xf32, #tpu.memory_space<vmem>> -> memref<1x128x128xf32, #tpu.memory_space<vmem>>
            %dma_start3A_311 = tpu.memref_squeeze %dma_start3A_310 : memref<1x128x128xf32, #tpu.memory_space<vmem>> -> memref<128x128xf32, #tpu.memory_space<vmem>>
            tpu.enqueue_dma source(%dma_start3A_311 : memref<128x128xf32, #tpu.memory_space<vmem>>) target(%dma_start3A_307 : memref<128x128xf32, #tpu.memory_space<hbm>>) target_semaphore(%dma_start3A_305 : memref<!tpu.dma_semaphore, #tpu.memory_space<semaphore_mem>>)
            "tpu.trace_stop"() : () -> ()
          } else {
          }
          %and3A_248 = arith.constant true
          %and3A_249 = arith.andi %or3A_244, %and3A_248 : i1
          %add3A_250 = arith.constant 1 : i32
          %add3A_251 = arith.addi %while3A_145, %add3A_250 : i32
          %select_n3A_252 = arith.select %and3A_249, %add3A_251, %while3A_145 : i32
          %ne3A_253 = arith.cmpi ne, %add3A_155, %add3A_165 : i32
          %or3A_254 = arith.constant false
          %or3A_255 = arith.ori %or3A_254, %ne3A_253 : i1
          %not3A_256 = arith.constant true
          %not3A_257 = arith.xori %eq3A_151, %not3A_256 : i1
          %and3A_258 = arith.andi %or3A_255, %not3A_257 : i1
          %convert_element_type3A_259 = arith.extui %and3A_258 : i1 to i32
          %cond3A_260 = arith.constant 0 : i32
          %cond3A_261 = arith.cmpi ne, %convert_element_type3A_259, %cond3A_260 : i32
          scf.if %cond3A_261 {
          } else {
          }
          %and3A_262 = arith.constant false
          %and3A_263 = arith.andi %and3A_258, %and3A_262 : i1
          %ne3A_264 = arith.cmpi ne, %add3A_155, %add3A_165 : i32
          %or3A_265 = arith.constant false
          %or3A_266 = arith.ori %or3A_265, %ne3A_264 : i1
          %or3A_267 = arith.constant false
          %or3A_268 = arith.ori %or3A_266, %or3A_267 : i1
          %not3A_269 = arith.constant true
          %not3A_270 = arith.xori %eq3A_151, %not3A_269 : i1
          %and3A_271 = arith.andi %or3A_268, %not3A_270 : i1
          %convert_element_type3A_272 = arith.extui %and3A_271 : i1 to i32
          %cond3A_273 = arith.constant 0 : i32
          %cond3A_274 = arith.cmpi ne, %convert_element_type3A_272, %cond3A_273 : i32
          scf.if %cond3A_274 {
            "tpu.trace_start"() <{level = 10 : i32, message = "ep_wait_out"}> : () -> ()
            %rem3A_294 = arith.constant 2 : i32
            %rem3A_295 = arith.remui %while3A_146, %rem3A_294 : i32
            %mul3A_296 = arith.constant 128 : i32
            %mul3A_297 = arith.muli %mul3A_296, %add3A_165 : i32
            %dma_wait3A = arith.constant 0 : i32
            %dma_wait3A_298 = arith.constant 0 : i32
            %dma_wait3A_299 = tpu.memref_slice %run_scoped3A_18[%rem3A_295, %dma_wait3A, %dma_wait3A_298] : memref<2x128x128xf32, #tpu.memory_space<vmem>> -> memref<1x128x128xf32, #tpu.memory_space<vmem>>
            %dma_wait3A_300 = tpu.memref_squeeze %dma_wait3A_299 : memref<1x128x128xf32, #tpu.memory_space<vmem>> -> memref<128x128xf32, #tpu.memory_space<vmem>>
            %dma_wait3A_301 = arith.constant 0 : i32
            %dma_wait3A_302 = tpu.memref_slice %arg4[%mul3A_297, %dma_wait3A_301] : memref<38400x128xf32, #tpu.memory_space<hbm>> -> memref<128x128xf32, #tpu.memory_space<hbm>>
            %dma_wait3A_303 = tpu.memref_slice %run_scoped3A_19[%rem3A_295] : memref<2x!tpu.dma_semaphore, #tpu.memory_space<semaphore_mem>> -> memref<1x!tpu.dma_semaphore, #tpu.memory_space<semaphore_mem>>
            %dma_wait3A_304 = tpu.memref_squeeze %dma_wait3A_303 : memref<1x!tpu.dma_semaphore, #tpu.memory_space<semaphore_mem>> -> memref<!tpu.dma_semaphore, #tpu.memory_space<semaphore_mem>>
            %dma_wait3A_305 = arith.constant 0 : i32
            %dma_wait3A_306 = tpu.memref_slice %arg4[%mul3A_297, %dma_wait3A_305] : memref<38400x128xf32, #tpu.memory_space<hbm>> -> memref<128x128xf32, #tpu.memory_space<hbm>>
            %dma_wait3A_307 = arith.constant 0 : i32
            %dma_wait3A_308 = arith.constant 0 : i32
            %dma_wait3A_309 = tpu.memref_slice %run_scoped3A_18[%rem3A_295, %dma_wait3A_307, %dma_wait3A_308] : memref<2x128x128xf32, #tpu.memory_space<vmem>> -> memref<1x128x128xf32, #tpu.memory_space<vmem>>
            %dma_wait3A_310 = tpu.memref_squeeze %dma_wait3A_309 : memref<1x128x128xf32, #tpu.memory_space<vmem>> -> memref<128x128xf32, #tpu.memory_space<vmem>>
            tpu.wait_dma2 semaphore(%dma_wait3A_304 : memref<!tpu.dma_semaphore, #tpu.memory_space<semaphore_mem>>) src(%dma_wait3A_310 : memref<128x128xf32, #tpu.memory_space<vmem>>) dst(%dma_wait3A_306 : memref<128x128xf32, #tpu.memory_space<hbm>>)
            "tpu.trace_stop"() : () -> ()
          } else {
          }
          %and3A_275 = arith.constant true
          %and3A_276 = arith.andi %and3A_271, %and3A_275 : i1
          %add3A_277 = arith.constant 1 : i32
          %add3A_278 = arith.addi %while3A_146, %add3A_277 : i32
          %select_n3A_279 = arith.select %and3A_276, %add3A_278, %while3A_146 : i32
          %ne3A_280 = arith.cmpi ne, %add3A_155, %add3A_173 : i32
          %or3A_281 = arith.constant false
          %or3A_282 = arith.ori %or3A_281, %ne3A_280 : i1
          %or3A_283 = arith.ori %or3A_282, %eq3A_154 : i1
          %add3A_284 = arith.constant 1 : i32
          %add3A_285 = arith.addi %while3A_144, %add3A_284 : i32
          %select_n3A_286 = arith.select %or3A_283, %add3A_285, %while3A_144 : i32
          %add3A_287 = arith.constant 1 : i32
          %add3A_288 = arith.addi %while3A_147, %add3A_287 : i32
          %select_n3A_289 = arith.constant true
          %select_n3A_290 = arith.select %select_n3A_289, %add3A_288, %while3A_147 : i32
          %eq3A_291 = arith.cmpi eq, %select_n3A_290, %select_n3A : i32
          %select_n3A_292 = arith.constant 0 : i32
          %select_n3A_293 = arith.select %eq3A_291, %select_n3A_292, %select_n3A_290 : i32
          scf.yield %select_n3A_195, %select_n3A_286, %select_n3A_252, %select_n3A_279, %select_n3A_293 : i32, i32, i32, i32, i32
        }
        %while3A_89 = arith.constant 1 : i32
        %while3A_90:5 = scf.for %while3A_142 = %while3A_86 to %while3A_82 step %while3A_89 iter_args(%while3A_143 = %while3A_88#0, %while3A_144 = %while3A_88#1, %while3A_145 = %while3A_88#2, %while3A_146 = %while3A_88#3, %while3A_147 = %while3A_88#4) -> (i32, i32, i32, i32, i32)  : i32 {
          %mul3A_148 = arith.constant 1 : i32
          %mul3A_149 = arith.muli %mul3A_148, %select_n3A : i32
          %eq3A_150 = arith.constant 0 : i32
          %eq3A_151 = arith.cmpi eq, %while3A_142, %eq3A_150 : i32
          %sub3A_152 = arith.constant 1 : i32
          %sub3A_153 = arith.subi %mul3A_149, %sub3A_152 : i32
          %eq3A_154 = arith.cmpi eq, %while3A_142, %sub3A_153 : i32
          %add3A_155 = arith.addi %while3A_147, %select_n3A_14 : i32
          %sub3A_156 = arith.constant 1 : i32
          %sub3A_157 = arith.subi %while3A_147, %sub3A_156 : i32
          %select_n3A_158 = arith.constant true
          %select_n3A_159 = arith.select %select_n3A_158, %sub3A_157, %while3A_147 : i32
          %eq3A_160 = arith.constant -1 : i32
          %eq3A_161 = arith.cmpi eq, %select_n3A_159, %eq3A_160 : i32
          %sub3A_162 = arith.constant 1 : i32
          %sub3A_163 = arith.subi %select_n3A, %sub3A_162 : i32
          %select_n3A_164 = arith.select %eq3A_161, %sub3A_163, %select_n3A_159 : i32
          %add3A_165 = arith.addi %select_n3A_164, %select_n3A_14 : i32
          %add3A_166 = arith.constant 1 : i32
          %add3A_167 = arith.addi %while3A_147, %add3A_166 : i32
          %select_n3A_168 = arith.constant true
          %select_n3A_169 = arith.select %select_n3A_168, %add3A_167, %while3A_147 : i32
          %eq3A_170 = arith.cmpi eq, %select_n3A_169, %select_n3A : i32
          %select_n3A_171 = arith.constant 0 : i32
          %select_n3A_172 = arith.select %eq3A_170, %select_n3A_171, %select_n3A_169 : i32
          %add3A_173 = arith.addi %select_n3A_172, %select_n3A_14 : i32
          %add3A_174 = arith.constant 1 : i32
          %add3A_175 = arith.addi %select_n3A_172, %add3A_174 : i32
          %select_n3A_176 = arith.constant true
          %select_n3A_177 = arith.select %select_n3A_176, %add3A_175, %select_n3A_172 : i32
          %eq3A_178 = arith.cmpi eq, %select_n3A_177, %select_n3A : i32
          %select_n3A_179 = arith.constant 0 : i32
          %select_n3A_180 = arith.select %eq3A_178, %select_n3A_179, %select_n3A_177 : i32
          %add3A_181 = arith.addi %select_n3A_180, %select_n3A_14 : i32
          %ne3A = arith.cmpi ne, %add3A_155, %add3A_173 : i32
          %or3A = arith.constant false
          %or3A_182 = arith.ori %or3A, %ne3A : i1
          %sub3A_183 = arith.constant 2 : i32
          %sub3A_184 = arith.subi %mul3A_149, %sub3A_183 : i32
          %add3A_185 = arith.constant 1 : i32
          %add3A_186 = arith.addi %sub3A_184, %add3A_185 : i32
          %ge3A = arith.cmpi sge, %while3A_142, %add3A_186 : i32
          %not3A = arith.constant true
          %not3A_187 = arith.xori %ge3A, %not3A : i1
          %and3A = arith.andi %or3A_182, %not3A_187 : i1
          %convert_element_type3A_188 = arith.extui %and3A : i1 to i32
          %cond3A_189 = arith.constant 0 : i32
          %cond3A_190 = arith.cmpi ne, %convert_element_type3A_188, %cond3A_189 : i32
          scf.if %cond3A_190 {
            "tpu.trace_start"() <{level = 10 : i32, message = "ep_copy_in"}> : () -> ()
            %rem3A_294 = arith.constant 2 : i32
            %rem3A_295 = arith.remui %while3A_143, %rem3A_294 : i32
            %mul3A_296 = arith.constant 128 : i32
            %mul3A_297 = arith.muli %mul3A_296, %add3A_173 : i32
            %dma_start3A_298 = arith.constant 0 : i32
            %dma_start3A_299 = arith.constant 0 : i32
            %dma_start3A_300 = tpu.memref_slice %run_scoped3A[%rem3A_295, %dma_start3A_298, %dma_start3A_299] : memref<2x1x128xi32, #tpu.memory_space<vmem>> -> memref<1x1x128xi32, #tpu.memory_space<vmem>>
            %dma_start3A_301 = tpu.memref_squeeze %dma_start3A_300 : memref<1x1x128xi32, #tpu.memory_space<vmem>> -> memref<1x128xi32, #tpu.memory_space<vmem>>
            %dma_start3A_302 = arith.constant 0 : i32
            %dma_start3A_303 = tpu.memref_slice %arg3[%dma_start3A_302, %mul3A_297] : memref<1x38400xi32, #tpu.memory_space<hbm>> -> memref<1x128xi32, #tpu.memory_space<hbm>>
            %dma_start3A_304 = tpu.memref_slice %run_scoped3A_17[%rem3A_295] : memref<2x!tpu.dma_semaphore, #tpu.memory_space<semaphore_mem>> -> memref<1x!tpu.dma_semaphore, #tpu.memory_space<semaphore_mem>>
            %dma_start3A_305 = tpu.memref_squeeze %dma_start3A_304 : memref<1x!tpu.dma_semaphore, #tpu.memory_space<semaphore_mem>> -> memref<!tpu.dma_semaphore, #tpu.memory_space<semaphore_mem>>
            %dma_start3A_306 = arith.constant 0 : i32
            %dma_start3A_307 = arith.constant 0 : i32
            %dma_start3A_308 = tpu.memref_slice %run_scoped3A[%rem3A_295, %dma_start3A_306, %dma_start3A_307] : memref<2x1x128xi32, #tpu.memory_space<vmem>> -> memref<1x1x128xi32, #tpu.memory_space<vmem>>
            %dma_start3A_309 = tpu.memref_squeeze %dma_start3A_308 : memref<1x1x128xi32, #tpu.memory_space<vmem>> -> memref<1x128xi32, #tpu.memory_space<vmem>>
            %dma_start3A_310 = arith.constant 0 : i32
            %dma_start3A_311 = tpu.memref_slice %arg3[%dma_start3A_310, %mul3A_297] : memref<1x38400xi32, #tpu.memory_space<hbm>> -> memref<1x128xi32, #tpu.memory_space<hbm>>
            tpu.enqueue_dma source(%dma_start3A_311 : memref<1x128xi32, #tpu.memory_space<hbm>>) target(%dma_start3A_309 : memref<1x128xi32, #tpu.memory_space<vmem>>) target_semaphore(%dma_start3A_305 : memref<!tpu.dma_semaphore, #tpu.memory_space<semaphore_mem>>)
            "tpu.trace_stop"() : () -> ()
          } else {
          }
          %and3A_191 = arith.constant true
          %and3A_192 = arith.andi %and3A, %and3A_191 : i1
          %add3A_193 = arith.constant 1 : i32
          %add3A_194 = arith.addi %while3A_143, %add3A_193 : i32
          %select_n3A_195 = arith.select %and3A_192, %add3A_194, %while3A_143 : i32
          %ne3A_196 = arith.cmpi ne, %add3A_155, %add3A_173 : i32
          %or3A_197 = arith.constant false
          %or3A_198 = arith.ori %or3A_197, %ne3A_196 : i1
          %or3A_199 = arith.constant false
          %or3A_200 = arith.ori %or3A_198, %or3A_199 : i1
          %sub3A_201 = arith.constant 2 : i32
          %sub3A_202 = arith.subi %mul3A_149, %sub3A_201 : i32
          %add3A_203 = arith.constant 1 : i32
          %add3A_204 = arith.addi %sub3A_202, %add3A_203 : i32
          %ge3A_205 = arith.cmpi sge, %while3A_142, %add3A_204 : i32
          %not3A_206 = arith.constant true
          %not3A_207 = arith.xori %ge3A_205, %not3A_206 : i1
          %and3A_208 = arith.andi %or3A_200, %not3A_207 : i1
          %ne3A_209 = arith.cmpi ne, %add3A_155, %add3A_165 : i32
          %or3A_210 = arith.constant false
          %or3A_211 = arith.ori %or3A_210, %ne3A_209 : i1
          %or3A_212 = arith.ori %or3A_211, %eq3A_151 : i1
          %convert_element_type3A_213 = arith.extui %or3A_212 : i1 to i32
          %cond3A_214 = arith.constant 0 : i32
          %cond3A_215 = arith.cmpi ne, %convert_element_type3A_213, %cond3A_214 : i32
          scf.if %cond3A_215 {
            "tpu.trace_start"() <{level = 10 : i32, message = "ep_wait_in"}> : () -> ()
            %mul3A_294 = arith.constant 128 : i32
            %mul3A_295 = arith.muli %mul3A_294, %add3A_155 : i32
            %rem3A_296 = arith.constant 2 : i32
            %rem3A_297 = arith.remui %while3A_144, %rem3A_296 : i32
            %dma_wait3A = arith.constant 0 : i32
            %dma_wait3A_298 = arith.constant 0 : i32
            %dma_wait3A_299 = tpu.memref_slice %run_scoped3A[%rem3A_297, %dma_wait3A, %dma_wait3A_298] : memref<2x1x128xi32, #tpu.memory_space<vmem>> -> memref<1x1x128xi32, #tpu.memory_space<vmem>>
            %dma_wait3A_300 = tpu.memref_squeeze %dma_wait3A_299 : memref<1x1x128xi32, #tpu.memory_space<vmem>> -> memref<1x128xi32, #tpu.memory_space<vmem>>
            %dma_wait3A_301 = arith.constant 0 : i32
            %dma_wait3A_302 = tpu.memref_slice %arg3[%dma_wait3A_301, %mul3A_295] : memref<1x38400xi32, #tpu.memory_space<hbm>> -> memref<1x128xi32, #tpu.memory_space<hbm>>
            %dma_wait3A_303 = tpu.memref_slice %run_scoped3A_17[%rem3A_297] : memref<2x!tpu.dma_semaphore, #tpu.memory_space<semaphore_mem>> -> memref<1x!tpu.dma_semaphore, #tpu.memory_space<semaphore_mem>>
            %dma_wait3A_304 = tpu.memref_squeeze %dma_wait3A_303 : memref<1x!tpu.dma_semaphore, #tpu.memory_space<semaphore_mem>> -> memref<!tpu.dma_semaphore, #tpu.memory_space<semaphore_mem>>
            %dma_wait3A_305 = arith.constant 0 : i32
            %dma_wait3A_306 = arith.constant 0 : i32
            %dma_wait3A_307 = tpu.memref_slice %run_scoped3A[%rem3A_297, %dma_wait3A_305, %dma_wait3A_306] : memref<2x1x128xi32, #tpu.memory_space<vmem>> -> memref<1x1x128xi32, #tpu.memory_space<vmem>>
            %dma_wait3A_308 = tpu.memref_squeeze %dma_wait3A_307 : memref<1x1x128xi32, #tpu.memory_space<vmem>> -> memref<1x128xi32, #tpu.memory_space<vmem>>
            %dma_wait3A_309 = arith.constant 0 : i32
            %dma_wait3A_310 = tpu.memref_slice %arg3[%dma_wait3A_309, %mul3A_295] : memref<1x38400xi32, #tpu.memory_space<hbm>> -> memref<1x128xi32, #tpu.memory_space<hbm>>
            tpu.wait_dma2 semaphore(%dma_wait3A_304 : memref<!tpu.dma_semaphore, #tpu.memory_space<semaphore_mem>>) src(%dma_wait3A_310 : memref<1x128xi32, #tpu.memory_space<hbm>>) dst(%dma_wait3A_308 : memref<1x128xi32, #tpu.memory_space<vmem>>)
            "tpu.trace_stop"() : () -> ()
          } else {
          }
          %ne3A_216 = arith.cmpi ne, %add3A_155, %add3A_165 : i32
          %or3A_217 = arith.constant false
          %or3A_218 = arith.ori %or3A_217, %ne3A_216 : i1
          %or3A_219 = arith.constant false
          %or3A_220 = arith.ori %or3A_218, %or3A_219 : i1
          %or3A_221 = arith.ori %or3A_220, %eq3A_151 : i1
          %convert_element_type3A_222 = arith.extui %or3A_221 : i1 to i32
          %cond3A_223 = arith.constant 0 : i32
          %cond3A_224 = arith.cmpi ne, %convert_element_type3A_222, %cond3A_223 : i32
          scf.if %cond3A_224 {
          } else {
          }
          %rem3A_225 = arith.constant 2 : i32
          %rem3A_226 = arith.remui %while3A_144, %rem3A_225 : i32
          %rem3A_227 = arith.constant 2 : i32
          %rem3A_228 = arith.remui %while3A_145, %rem3A_227 : i32
          %run_scoped3A_229 = arith.constant 0 : i32
          "tpu.trace_start"() <{level = 10 : i32, message = "ep_run_kernel"}> : () -> ()
          "tpu.region"() ({
            %run_scoped3A_294 = tpu.sem_alloc : memref<!tpu.dma_semaphore, #tpu.memory_space<semaphore_mem>>
            %dma_start3A_295 = arith.constant 0 : i32
            %dma_start3A_296 = arith.constant 0 : i32
            %dma_start3A_297 = tpu.memref_slice %run_scoped3A_18[%rem3A_228, %dma_start3A_295, %dma_start3A_296] : memref<2x128x128xf32, #tpu.memory_space<vmem>> -> memref<1x128x128xf32, #tpu.memory_space<vmem>>
            %dma_start3A_298 = tpu.memref_squeeze %dma_start3A_297 : memref<1x128x128xf32, #tpu.memory_space<vmem>> -> memref<128x128xf32, #tpu.memory_space<vmem>>
            %dma_start3A_299 = arith.constant 0 : i32
            %dma_start3A_300 = arith.constant 0 : i32
            %dma_start3A_301 = tpu.memref_slice %run_scoped3A[%rem3A_226, %dma_start3A_299, %dma_start3A_300] : memref<2x1x128xi32, #tpu.memory_space<vmem>> -> memref<1x1x128xi32, #tpu.memory_space<vmem>>
            %dma_start3A_302 = tpu.memref_squeeze %dma_start3A_301 : memref<1x1x128xi32, #tpu.memory_space<vmem>> -> memref<1x128xi32, #tpu.memory_space<vmem>>
            %dma_start3A_303 = arith.constant 0 : i32
            %dma_start3A_304 = tpu.memref_slice %dma_start3A_302[%run_scoped3A_229, %dma_start3A_303] : memref<1x128xi32, #tpu.memory_space<vmem>> -> memref<1x128xi32, #tpu.memory_space<vmem>>
            %dma_start3A_305 = tpu.memref_squeeze %dma_start3A_304 : memref<1x128xi32, #tpu.memory_space<vmem>> -> memref<128xi32, #tpu.memory_space<vmem>>
            %dma_start3A_306 = arith.constant 0 : i32
            %dma_start3A_307 = arith.constant 0 : i32
            %dma_start3A_308 = tpu.memref_slice %arg2[%dma_start3A_306, %dma_start3A_307] : memref<10000x128xf32, #tpu.memory_space<hbm>> -> memref<10000x128xf32, #tpu.memory_space<hbm>>
            tpu.enqueue_indirect_dma source(%dma_start3A_308 : memref<10000x128xf32, #tpu.memory_space<hbm>>) target(%dma_start3A_298 : memref<128x128xf32, #tpu.memory_space<vmem>>) offsets(%dma_start3A_305 : memref<128xi32, #tpu.memory_space<vmem>>) semaphore(%run_scoped3A_294 : memref<!tpu.dma_semaphore, #tpu.memory_space<semaphore_mem>>)
            %dma_wait3A = arith.constant 0 : i32
            %dma_wait3A_309 = arith.constant 0 : i32
            %dma_wait3A_310 = tpu.memref_slice %run_scoped3A_18[%rem3A_228, %dma_wait3A, %dma_wait3A_309] : memref<2x128x128xf32, #tpu.memory_space<vmem>> -> memref<1x128x128xf32, #tpu.memory_space<vmem>>
            %dma_wait3A_311 = tpu.memref_squeeze %dma_wait3A_310 : memref<1x128x128xf32, #tpu.memory_space<vmem>> -> memref<128x128xf32, #tpu.memory_space<vmem>>
            %dma_wait3A_312 = arith.constant 0 : i32
            %dma_wait3A_313 = arith.constant 0 : i32
            %dma_wait3A_314 = tpu.memref_slice %run_scoped3A[%rem3A_226, %dma_wait3A_312, %dma_wait3A_313] : memref<2x1x128xi32, #tpu.memory_space<vmem>> -> memref<1x1x128xi32, #tpu.memory_space<vmem>>
            %dma_wait3A_315 = tpu.memref_squeeze %dma_wait3A_314 : memref<1x1x128xi32, #tpu.memory_space<vmem>> -> memref<1x128xi32, #tpu.memory_space<vmem>>
            %dma_wait3A_316 = arith.constant 0 : i32
            %dma_wait3A_317 = tpu.memref_slice %dma_wait3A_315[%run_scoped3A_229, %dma_wait3A_316] : memref<1x128xi32, #tpu.memory_space<vmem>> -> memref<1x128xi32, #tpu.memory_space<vmem>>
            %dma_wait3A_318 = tpu.memref_squeeze %dma_wait3A_317 : memref<1x128xi32, #tpu.memory_space<vmem>> -> memref<128xi32, #tpu.memory_space<vmem>>
            %dma_wait3A_319 = arith.constant 0 : i32
            %dma_wait3A_320 = arith.constant 0 : i32
            %dma_wait3A_321 = tpu.memref_slice %arg2[%dma_wait3A_319, %dma_wait3A_320] : memref<10000x128xf32, #tpu.memory_space<hbm>> -> memref<10000x128xf32, #tpu.memory_space<hbm>>
            tpu.wait_indirect_dma semaphore(%run_scoped3A_294 : memref<!tpu.dma_semaphore, #tpu.memory_space<semaphore_mem>>) src(%dma_wait3A_321 : memref<10000x128xf32, #tpu.memory_space<hbm>>) dst(%dma_wait3A_311 : memref<128x128xf32, #tpu.memory_space<vmem>>)
            tpu.yield
          }) : () -> ()
          "tpu.trace_stop"() : () -> ()
          %ne3A_230 = arith.cmpi ne, %add3A_155, %add3A_173 : i32
          %or3A_231 = arith.constant false
          %or3A_232 = arith.ori %or3A_231, %ne3A_230 : i1
          %or3A_233 = arith.ori %or3A_232, %eq3A_154 : i1
          %convert_element_type3A_234 = arith.extui %or3A_233 : i1 to i32
          %cond3A_235 = arith.constant 0 : i32
          %cond3A_236 = arith.cmpi ne, %convert_element_type3A_234, %cond3A_235 : i32
          scf.if %cond3A_236 {
          } else {
          }
          %and3A_237 = arith.constant false
          %and3A_238 = arith.andi %or3A_233, %and3A_237 : i1
          %ne3A_239 = arith.cmpi ne, %add3A_155, %add3A_173 : i32
          %or3A_240 = arith.constant false
          %or3A_241 = arith.ori %or3A_240, %ne3A_239 : i1
          %or3A_242 = arith.constant false
          %or3A_243 = arith.ori %or3A_241, %or3A_242 : i1
          %or3A_244 = arith.ori %or3A_243, %eq3A_154 : i1
          %convert_element_type3A_245 = arith.extui %or3A_244 : i1 to i32
          %cond3A_246 = arith.constant 0 : i32
          %cond3A_247 = arith.cmpi ne, %convert_element_type3A_245, %cond3A_246 : i32
          scf.if %cond3A_247 {
            "tpu.trace_start"() <{level = 10 : i32, message = "ep_copy_out"}> : () -> ()
            %rem3A_294 = arith.constant 2 : i32
            %rem3A_295 = arith.remui %while3A_145, %rem3A_294 : i32
            %mul3A_296 = arith.constant 128 : i32
            %mul3A_297 = arith.muli %mul3A_296, %add3A_155 : i32
            %dma_start3A_298 = arith.constant 0 : i32
            %dma_start3A_299 = arith.constant 0 : i32
            %dma_start3A_300 = tpu.memref_slice %run_scoped3A_18[%rem3A_295, %dma_start3A_298, %dma_start3A_299] : memref<2x128x128xf32, #tpu.memory_space<vmem>> -> memref<1x128x128xf32, #tpu.memory_space<vmem>>
            %dma_start3A_301 = tpu.memref_squeeze %dma_start3A_300 : memref<1x128x128xf32, #tpu.memory_space<vmem>> -> memref<128x128xf32, #tpu.memory_space<vmem>>
            %dma_start3A_302 = arith.constant 0 : i32
            %dma_start3A_303 = tpu.memref_slice %arg4[%mul3A_297, %dma_start3A_302] : memref<38400x128xf32, #tpu.memory_space<hbm>> -> memref<128x128xf32, #tpu.memory_space<hbm>>
            %dma_start3A_304 = tpu.memref_slice %run_scoped3A_19[%rem3A_295] : memref<2x!tpu.dma_semaphore, #tpu.memory_space<semaphore_mem>> -> memref<1x!tpu.dma_semaphore, #tpu.memory_space<semaphore_mem>>
            %dma_start3A_305 = tpu.memref_squeeze %dma_start3A_304 : memref<1x!tpu.dma_semaphore, #tpu.memory_space<semaphore_mem>> -> memref<!tpu.dma_semaphore, #tpu.memory_space<semaphore_mem>>
            %dma_start3A_306 = arith.constant 0 : i32
            %dma_start3A_307 = tpu.memref_slice %arg4[%mul3A_297, %dma_start3A_306] : memref<38400x128xf32, #tpu.memory_space<hbm>> -> memref<128x128xf32, #tpu.memory_space<hbm>>
            %dma_start3A_308 = arith.constant 0 : i32
            %dma_start3A_309 = arith.constant 0 : i32
            %dma_start3A_310 = tpu.memref_slice %run_scoped3A_18[%rem3A_295, %dma_start3A_308, %dma_start3A_309] : memref<2x128x128xf32, #tpu.memory_space<vmem>> -> memref<1x128x128xf32, #tpu.memory_space<vmem>>
            %dma_start3A_311 = tpu.memref_squeeze %dma_start3A_310 : memref<1x128x128xf32, #tpu.memory_space<vmem>> -> memref<128x128xf32, #tpu.memory_space<vmem>>
            tpu.enqueue_dma source(%dma_start3A_311 : memref<128x128xf32, #tpu.memory_space<vmem>>) target(%dma_start3A_307 : memref<128x128xf32, #tpu.memory_space<hbm>>) target_semaphore(%dma_start3A_305 : memref<!tpu.dma_semaphore, #tpu.memory_space<semaphore_mem>>)
            "tpu.trace_stop"() : () -> ()
          } else {
          }
          %and3A_248 = arith.constant true
          %and3A_249 = arith.andi %or3A_244, %and3A_248 : i1
          %add3A_250 = arith.constant 1 : i32
          %add3A_251 = arith.addi %while3A_145, %add3A_250 : i32
          %select_n3A_252 = arith.select %and3A_249, %add3A_251, %while3A_145 : i32
          %ne3A_253 = arith.cmpi ne, %add3A_155, %add3A_165 : i32
          %or3A_254 = arith.constant false
          %or3A_255 = arith.ori %or3A_254, %ne3A_253 : i1
          %not3A_256 = arith.constant true
          %not3A_257 = arith.xori %eq3A_151, %not3A_256 : i1
          %and3A_258 = arith.andi %or3A_255, %not3A_257 : i1
          %convert_element_type3A_259 = arith.extui %and3A_258 : i1 to i32
          %cond3A_260 = arith.constant 0 : i32
          %cond3A_261 = arith.cmpi ne, %convert_element_type3A_259, %cond3A_260 : i32
          scf.if %cond3A_261 {
          } else {
          }
          %and3A_262 = arith.constant false
          %and3A_263 = arith.andi %and3A_258, %and3A_262 : i1
          %ne3A_264 = arith.cmpi ne, %add3A_155, %add3A_165 : i32
          %or3A_265 = arith.constant false
          %or3A_266 = arith.ori %or3A_265, %ne3A_264 : i1
          %or3A_267 = arith.constant false
          %or3A_268 = arith.ori %or3A_266, %or3A_267 : i1
          %not3A_269 = arith.constant true
          %not3A_270 = arith.xori %eq3A_151, %not3A_269 : i1
          %and3A_271 = arith.andi %or3A_268, %not3A_270 : i1
          %convert_element_type3A_272 = arith.extui %and3A_271 : i1 to i32
          %cond3A_273 = arith.constant 0 : i32
          %cond3A_274 = arith.cmpi ne, %convert_element_type3A_272, %cond3A_273 : i32
          scf.if %cond3A_274 {
            "tpu.trace_start"() <{level = 10 : i32, message = "ep_wait_out"}> : () -> ()
            %rem3A_294 = arith.constant 2 : i32
            %rem3A_295 = arith.remui %while3A_146, %rem3A_294 : i32
            %mul3A_296 = arith.constant 128 : i32
            %mul3A_297 = arith.muli %mul3A_296, %add3A_165 : i32
            %dma_wait3A = arith.constant 0 : i32
            %dma_wait3A_298 = arith.constant 0 : i32
            %dma_wait3A_299 = tpu.memref_slice %run_scoped3A_18[%rem3A_295, %dma_wait3A, %dma_wait3A_298] : memref<2x128x128xf32, #tpu.memory_space<vmem>> -> memref<1x128x128xf32, #tpu.memory_space<vmem>>
            %dma_wait3A_300 = tpu.memref_squeeze %dma_wait3A_299 : memref<1x128x128xf32, #tpu.memory_space<vmem>> -> memref<128x128xf32, #tpu.memory_space<vmem>>
            %dma_wait3A_301 = arith.constant 0 : i32
            %dma_wait3A_302 = tpu.memref_slice %arg4[%mul3A_297, %dma_wait3A_301] : memref<38400x128xf32, #tpu.memory_space<hbm>> -> memref<128x128xf32, #tpu.memory_space<hbm>>
            %dma_wait3A_303 = tpu.memref_slice %run_scoped3A_19[%rem3A_295] : memref<2x!tpu.dma_semaphore, #tpu.memory_space<semaphore_mem>> -> memref<1x!tpu.dma_semaphore, #tpu.memory_space<semaphore_mem>>
            %dma_wait3A_304 = tpu.memref_squeeze %dma_wait3A_303 : memref<1x!tpu.dma_semaphore, #tpu.memory_space<semaphore_mem>> -> memref<!tpu.dma_semaphore, #tpu.memory_space<semaphore_mem>>
            %dma_wait3A_305 = arith.constant 0 : i32
            %dma_wait3A_306 = tpu.memref_slice %arg4[%mul3A_297, %dma_wait3A_305] : memref<38400x128xf32, #tpu.memory_space<hbm>> -> memref<128x128xf32, #tpu.memory_space<hbm>>
            %dma_wait3A_307 = arith.constant 0 : i32
            %dma_wait3A_308 = arith.constant 0 : i32
            %dma_wait3A_309 = tpu.memref_slice %run_scoped3A_18[%rem3A_295, %dma_wait3A_307, %dma_wait3A_308] : memref<2x128x128xf32, #tpu.memory_space<vmem>> -> memref<1x128x128xf32, #tpu.memory_space<vmem>>
            %dma_wait3A_310 = tpu.memref_squeeze %dma_wait3A_309 : memref<1x128x128xf32, #tpu.memory_space<vmem>> -> memref<128x128xf32, #tpu.memory_space<vmem>>
            tpu.wait_dma2 semaphore(%dma_wait3A_304 : memref<!tpu.dma_semaphore, #tpu.memory_space<semaphore_mem>>) src(%dma_wait3A_310 : memref<128x128xf32, #tpu.memory_space<vmem>>) dst(%dma_wait3A_306 : memref<128x128xf32, #tpu.memory_space<hbm>>)
            "tpu.trace_stop"() : () -> ()
          } else {
          }
          %and3A_275 = arith.constant true
          %and3A_276 = arith.andi %and3A_271, %and3A_275 : i1
          %add3A_277 = arith.constant 1 : i32
          %add3A_278 = arith.addi %while3A_146, %add3A_277 : i32
          %select_n3A_279 = arith.select %and3A_276, %add3A_278, %while3A_146 : i32
          %ne3A_280 = arith.cmpi ne, %add3A_155, %add3A_173 : i32
          %or3A_281 = arith.constant false
          %or3A_282 = arith.ori %or3A_281, %ne3A_280 : i1
          %or3A_283 = arith.ori %or3A_282, %eq3A_154 : i1
          %add3A_284 = arith.constant 1 : i32
          %add3A_285 = arith.addi %while3A_144, %add3A_284 : i32
          %select_n3A_286 = arith.select %or3A_283, %add3A_285, %while3A_144 : i32
          %add3A_287 = arith.constant 1 : i32
          %add3A_288 = arith.addi %while3A_147, %add3A_287 : i32
          %select_n3A_289 = arith.constant true
          %select_n3A_290 = arith.select %select_n3A_289, %add3A_288, %while3A_147 : i32
          %eq3A_291 = arith.cmpi eq, %select_n3A_290, %select_n3A : i32
          %select_n3A_292 = arith.constant 0 : i32
          %select_n3A_293 = arith.select %eq3A_291, %select_n3A_292, %select_n3A_290 : i32
          scf.yield %select_n3A_195, %select_n3A_286, %select_n3A_252, %select_n3A_279, %select_n3A_293 : i32, i32, i32, i32, i32
        }
        %sub3A_91 = arith.constant 1 : i32
        %sub3A_92 = arith.subi %while3A_90#4, %sub3A_91 : i32
        %select_n3A_93 = arith.constant true
        %select_n3A_94 = arith.select %select_n3A_93, %sub3A_92, %while3A_90#4 : i32
        %eq3A_95 = arith.constant -1 : i32
        %eq3A_96 = arith.cmpi eq, %select_n3A_94, %eq3A_95 : i32
        %sub3A_97 = arith.constant 1 : i32
        %sub3A_98 = arith.subi %select_n3A, %sub3A_97 : i32
        %select_n3A_99 = arith.select %eq3A_96, %sub3A_98, %select_n3A_94 : i32
        %sub3A_100 = arith.constant 1 : i32
        %sub3A_101 = arith.subi %mul3A_16, %sub3A_100 : i32
        %mul3A_102 = arith.constant 1 : i32
        %mul3A_103 = arith.muli %mul3A_102, %select_n3A : i32
        %eq3A_104 = arith.constant 0 : i32
        %eq3A_105 = arith.cmpi eq, %sub3A_101, %eq3A_104 : i32
        %sub3A_106 = arith.constant 1 : i32
        %sub3A_107 = arith.subi %mul3A_103, %sub3A_106 : i32
        %eq3A_108 = arith.cmpi eq, %sub3A_101, %sub3A_107 : i32
        %add3A_109 = arith.addi %select_n3A_99, %select_n3A_14 : i32
        %sub3A_110 = arith.constant 1 : i32
        %sub3A_111 = arith.subi %select_n3A_99, %sub3A_110 : i32
        %select_n3A_112 = arith.constant true
        %select_n3A_113 = arith.select %select_n3A_112, %sub3A_111, %select_n3A_99 : i32
        %eq3A_114 = arith.constant -1 : i32
        %eq3A_115 = arith.cmpi eq, %select_n3A_113, %eq3A_114 : i32
        %sub3A_116 = arith.constant 1 : i32
        %sub3A_117 = arith.subi %select_n3A, %sub3A_116 : i32
        %select_n3A_118 = arith.select %eq3A_115, %sub3A_117, %select_n3A_113 : i32
        %add3A_119 = arith.addi %select_n3A_118, %select_n3A_14 : i32
        %add3A_120 = arith.constant 1 : i32
        %add3A_121 = arith.addi %select_n3A_99, %add3A_120 : i32
        %select_n3A_122 = arith.constant true
        %select_n3A_123 = arith.select %select_n3A_122, %add3A_121, %select_n3A_99 : i32
        %eq3A_124 = arith.cmpi eq, %select_n3A_123, %select_n3A : i32
        %select_n3A_125 = arith.constant 0 : i32
        %select_n3A_126 = arith.select %eq3A_124, %select_n3A_125, %select_n3A_123 : i32
        %add3A_127 = arith.addi %select_n3A_126, %select_n3A_14 : i32
        %add3A_128 = arith.constant 1 : i32
        %add3A_129 = arith.addi %select_n3A_126, %add3A_128 : i32
        %select_n3A_130 = arith.constant true
        %select_n3A_131 = arith.select %select_n3A_130, %add3A_129, %select_n3A_126 : i32
        %eq3A_132 = arith.cmpi eq, %select_n3A_131, %select_n3A : i32
        %select_n3A_133 = arith.constant 0 : i32
        %select_n3A_134 = arith.select %eq3A_132, %select_n3A_133, %select_n3A_131 : i32
        %add3A_135 = arith.addi %select_n3A_134, %select_n3A_14 : i32
        %convert_element_type3A_136 = arith.extui %eq3A_108 : i1 to i32
        %cond3A_137 = arith.constant 0 : i32
        %cond3A_138 = arith.cmpi ne, %convert_element_type3A_136, %cond3A_137 : i32
        scf.if %cond3A_138 {
        } else {
        }
        %convert_element_type3A_139 = arith.extui %eq3A_108 : i1 to i32
        %cond3A_140 = arith.constant 0 : i32
        %cond3A_141 = arith.cmpi ne, %convert_element_type3A_139, %cond3A_140 : i32
        scf.if %cond3A_141 {
          "tpu.trace_start"() <{level = 10 : i32, message = "ep_finalize"}> : () -> ()
          %rem3A_142 = arith.constant 2 : i32
          %rem3A_143 = arith.remui %while3A_90#3, %rem3A_142 : i32
          %mul3A_144 = arith.constant 128 : i32
          %mul3A_145 = arith.muli %mul3A_144, %add3A_109 : i32
          %dma_wait3A = arith.constant 0 : i32
          %dma_wait3A_146 = arith.constant 0 : i32
          %dma_wait3A_147 = tpu.memref_slice %run_scoped3A_18[%rem3A_143, %dma_wait3A, %dma_wait3A_146] : memref<2x128x128xf32, #tpu.memory_space<vmem>> -> memref<1x128x128xf32, #tpu.memory_space<vmem>>
          %dma_wait3A_148 = tpu.memref_squeeze %dma_wait3A_147 : memref<1x128x128xf32, #tpu.memory_space<vmem>> -> memref<128x128xf32, #tpu.memory_space<vmem>>
          %dma_wait3A_149 = arith.constant 0 : i32
          %dma_wait3A_150 = tpu.memref_slice %arg4[%mul3A_145, %dma_wait3A_149] : memref<38400x128xf32, #tpu.memory_space<hbm>> -> memref<128x128xf32, #tpu.memory_space<hbm>>
          %dma_wait3A_151 = tpu.memref_slice %run_scoped3A_19[%rem3A_143] : memref<2x!tpu.dma_semaphore, #tpu.memory_space<semaphore_mem>> -> memref<1x!tpu.dma_semaphore, #tpu.memory_space<semaphore_mem>>
          %dma_wait3A_152 = tpu.memref_squeeze %dma_wait3A_151 : memref<1x!tpu.dma_semaphore, #tpu.memory_space<semaphore_mem>> -> memref<!tpu.dma_semaphore, #tpu.memory_space<semaphore_mem>>
          %dma_wait3A_153 = arith.constant 0 : i32
          %dma_wait3A_154 = tpu.memref_slice %arg4[%mul3A_145, %dma_wait3A_153] : memref<38400x128xf32, #tpu.memory_space<hbm>> -> memref<128x128xf32, #tpu.memory_space<hbm>>
          %dma_wait3A_155 = arith.constant 0 : i32
          %dma_wait3A_156 = arith.constant 0 : i32
          %dma_wait3A_157 = tpu.memref_slice %run_scoped3A_18[%rem3A_143, %dma_wait3A_155, %dma_wait3A_156] : memref<2x128x128xf32, #tpu.memory_space<vmem>> -> memref<1x128x128xf32, #tpu.memory_space<vmem>>
          %dma_wait3A_158 = tpu.memref_squeeze %dma_wait3A_157 : memref<1x128x128xf32, #tpu.memory_space<vmem>> -> memref<128x128xf32, #tpu.memory_space<vmem>>
          tpu.wait_dma2 semaphore(%dma_wait3A_152 : memref<!tpu.dma_semaphore, #tpu.memory_space<semaphore_mem>>) src(%dma_wait3A_158 : memref<128x128xf32, #tpu.memory_space<vmem>>) dst(%dma_wait3A_154 : memref<128x128xf32, #tpu.memory_space<hbm>>)
          "tpu.trace_stop"() : () -> ()
        } else {
        }
      } else {
      }
      tpu.yield
    }) : () -> ()
    return
  }
}

#map = affine_map<(d0, d1) -> (0, 0)>
module attributes {stable_mosaic.version = 14 : i64} {
  func.func @gather_kernel(%arg0: i32, %arg1: i32, %arg2: memref<10000x128xf32, #tpu.memory_space<hbm>>, %arg3: memref<1x76800xi32, #tpu.memory_space<hbm>>, %arg4: memref<76800x128xf32, #tpu.memory_space<hbm>>) attributes {dimension_semantics = [#tpu.dimension_semantics<core_parallel>, #tpu.dimension_semantics<subcore_parallel>], iteration_bounds = array<i64: 2, 16>, scalar_prefetch = 0 : i64, scratch_operands = 0 : i64, tpu.core_type = #tpu.core_type<sc_vector_subcore>, window_params = [{transform_indices = #map}, {transform_indices = #map}, {transform_indices = #map}]} {
    %mul3A = arith.constant 1 : i32
    %mul3A_0 = arith.muli %arg1, %mul3A : i32
    %add3A = arith.constant 0 : i32
    %add3A_1 = arith.addi %add3A, %mul3A_0 : i32
    %mul3A_2 = arith.constant 16 : i32
    %mul3A_3 = arith.muli %arg0, %mul3A_2 : i32
    %add3A_4 = arith.addi %add3A_1, %mul3A_3 : i32
    %lt3A = arith.constant 24 : i32
    %lt3A_5 = arith.cmpi slt, %add3A_4, %lt3A : i32
    %jit3A = arith.constant 19 : i32
    %jit3A_6 = arith.constant 18 : i32
    %select_n3A = arith.select %lt3A_5, %jit3A, %jit3A_6 : i32
    %lt3A_7 = arith.constant 24 : i32
    %lt3A_8 = arith.cmpi slt, %add3A_4, %lt3A_7 : i32
    %mul3A_9 = arith.muli %add3A_4, %select_n3A : i32
    %mul3A_10 = arith.constant 18 : i32
    %mul3A_11 = arith.muli %add3A_4, %mul3A_10 : i32
    %add3A_12 = arith.constant 24 : i32
    %add3A_13 = arith.addi %mul3A_11, %add3A_12 : i32
    %select_n3A_14 = arith.select %lt3A_8, %mul3A_9, %add3A_13 : i32
    %mul3A_15 = arith.constant 1 : i32
    %mul3A_16 = arith.muli %mul3A_15, %select_n3A : i32
    "tpu.region"() ({
      %run_scoped3A = memref.alloca() : memref<2x1x128xi32, #tpu.memory_space<vmem>>
      %run_scoped3A_17 = tpu.sem_alloc : memref<2x!tpu.dma_semaphore, #tpu.memory_space<semaphore_mem>>
      %run_scoped3A_18 = memref.alloca() : memref<2x128x128xf32, #tpu.memory_space<vmem>>
      %run_scoped3A_19 = tpu.sem_alloc : memref<2x!tpu.dma_semaphore, #tpu.memory_space<semaphore_mem>>
      %gt3A = arith.constant 0 : i32
      %gt3A_20 = arith.cmpi sgt, %mul3A_16, %gt3A : i32
      %convert_element_type3A = arith.extui %gt3A_20 : i1 to i32
      %cond3A = arith.constant 0 : i32
      %cond3A_21 = arith.cmpi ne, %convert_element_type3A, %cond3A : i32
      scf.if %cond3A_21 {
        %mul3A_22 = arith.constant 1 : i32
        %mul3A_23 = arith.muli %mul3A_22, %select_n3A : i32
        %sub3A = arith.constant 1 : i32
        %sub3A_24 = arith.subi %mul3A_23, %sub3A : i32
        %eq3A = arith.constant 0 : i32
        %eq3A_25 = arith.cmpi eq, %sub3A_24, %eq3A : i32
        %add3A_26 = arith.constant 0 : i32
        %add3A_27 = arith.addi %add3A_26, %select_n3A_14 : i32
        %select_n3A_28 = arith.constant true
        %select_n3A_29 = arith.constant 0 : i32
        %select_n3A_30 = arith.constant -1 : i32
        %select_n3A_31 = arith.select %select_n3A_28, %select_n3A_30, %select_n3A_29 : i32
        %eq3A_32 = arith.constant -1 : i32
        %eq3A_33 = arith.cmpi eq, %select_n3A_31, %eq3A_32 : i32
        %sub3A_34 = arith.constant 1 : i32
        %sub3A_35 = arith.subi %select_n3A, %sub3A_34 : i32
        %select_n3A_36 = arith.select %eq3A_33, %sub3A_35, %select_n3A_31 : i32
        %add3A_37 = arith.addi %select_n3A_36, %select_n3A_14 : i32
        %select_n3A_38 = arith.constant true
        %select_n3A_39 = arith.constant 0 : i32
        %select_n3A_40 = arith.constant 1 : i32
        %select_n3A_41 = arith.select %select_n3A_38, %select_n3A_40, %select_n3A_39 : i32
        %eq3A_42 = arith.cmpi eq, %select_n3A_41, %select_n3A : i32
        %select_n3A_43 = arith.constant 0 : i32
        %select_n3A_44 = arith.select %eq3A_42, %select_n3A_43, %select_n3A_41 : i32
        %add3A_45 = arith.addi %select_n3A_44, %select_n3A_14 : i32
        %add3A_46 = arith.constant 1 : i32
        %add3A_47 = arith.addi %select_n3A_44, %add3A_46 : i32
        %select_n3A_48 = arith.constant true
        %select_n3A_49 = arith.select %select_n3A_48, %add3A_47, %select_n3A_44 : i32
        %eq3A_50 = arith.cmpi eq, %select_n3A_49, %select_n3A : i32
        %select_n3A_51 = arith.constant 0 : i32
        %select_n3A_52 = arith.select %eq3A_50, %select_n3A_51, %select_n3A_49 : i32
        %add3A_53 = arith.addi %select_n3A_52, %select_n3A_14 : i32
        "tpu.trace_start"() <{level = 10 : i32, message = "ep_initialize_0"}> : () -> ()
        %rem3A = arith.constant 0 : i32
        %rem3A_54 = arith.constant 2 : i32
        %rem3A_55 = arith.remui %rem3A, %rem3A_54 : i32
        %mul3A_56 = arith.constant 128 : i32
        %mul3A_57 = arith.muli %mul3A_56, %add3A_27 : i32
        %dma_start3A = arith.constant 0 : i32
        %dma_start3A_58 = arith.constant 0 : i32
        %dma_start3A_59 = tpu.memref_slice %run_scoped3A[%rem3A_55, %dma_start3A, %dma_start3A_58] : memref<2x1x128xi32, #tpu.memory_space<vmem>> -> memref<1x1x128xi32, #tpu.memory_space<vmem>>
        %dma_start3A_60 = tpu.memref_squeeze %dma_start3A_59 : memref<1x1x128xi32, #tpu.memory_space<vmem>> -> memref<1x128xi32, #tpu.memory_space<vmem>>
        %dma_start3A_61 = arith.constant 0 : i32
        %dma_start3A_62 = tpu.memref_slice %arg3[%dma_start3A_61, %mul3A_57] : memref<1x76800xi32, #tpu.memory_space<hbm>> -> memref<1x128xi32, #tpu.memory_space<hbm>>
        %dma_start3A_63 = tpu.memref_slice %run_scoped3A_17[%rem3A_55] : memref<2x!tpu.dma_semaphore, #tpu.memory_space<semaphore_mem>> -> memref<1x!tpu.dma_semaphore, #tpu.memory_space<semaphore_mem>>
        %dma_start3A_64 = tpu.memref_squeeze %dma_start3A_63 : memref<1x!tpu.dma_semaphore, #tpu.memory_space<semaphore_mem>> -> memref<!tpu.dma_semaphore, #tpu.memory_space<semaphore_mem>>
        %dma_start3A_65 = arith.constant 0 : i32
        %dma_start3A_66 = arith.constant 0 : i32
        %dma_start3A_67 = tpu.memref_slice %run_scoped3A[%rem3A_55, %dma_start3A_65, %dma_start3A_66] : memref<2x1x128xi32, #tpu.memory_space<vmem>> -> memref<1x1x128xi32, #tpu.memory_space<vmem>>
        %dma_start3A_68 = tpu.memref_squeeze %dma_start3A_67 : memref<1x1x128xi32, #tpu.memory_space<vmem>> -> memref<1x128xi32, #tpu.memory_space<vmem>>
        %dma_start3A_69 = arith.constant 0 : i32
        %dma_start3A_70 = tpu.memref_slice %arg3[%dma_start3A_69, %mul3A_57] : memref<1x76800xi32, #tpu.memory_space<hbm>> -> memref<1x128xi32, #tpu.memory_space<hbm>>
        tpu.enqueue_dma source(%dma_start3A_70 : memref<1x128xi32, #tpu.memory_space<hbm>>) target(%dma_start3A_68 : memref<1x128xi32, #tpu.memory_space<vmem>>) target_semaphore(%dma_start3A_64 : memref<!tpu.dma_semaphore, #tpu.memory_space<semaphore_mem>>)
        %add3A_71 = arith.constant 0 : i32
        %add3A_72 = arith.constant 1 : i32
        %add3A_73 = arith.addi %add3A_71, %add3A_72 : i32
        %select_n3A_74 = arith.constant true
        %select_n3A_75 = arith.constant 0 : i32
        %select_n3A_76 = arith.select %select_n3A_74, %add3A_73, %select_n3A_75 : i32
        %while3A = arith.constant 0 : i32
        %while3A_77 = arith.constant 0 : i32
        %while3A_78 = arith.constant 0 : i32
        %while3A_79 = arith.constant 0 : i32
        %while3A_80 = arith.constant 0 : i32
        "tpu.trace_stop"() : () -> ()
        %while3A_81 = arith.subi %mul3A_16, %while3A : i32
        %while3A_82 = arith.addi %while3A, %while3A_81 : i32
        %while3A_83 = arith.constant 1 : i32
        %while3A_84 = arith.divsi %while3A_81, %while3A_83 : i32
        %while3A_85 = arith.muli %while3A_84, %while3A_83 : i32
        %while3A_86 = arith.addi %while3A, %while3A_85 : i32
        %while3A_87 = arith.constant 1 : i32
        %while3A_88:5 = scf.for %while3A_142 = %while3A to %while3A_86 step %while3A_87 iter_args(%while3A_143 = %select_n3A_76, %while3A_144 = %while3A_77, %while3A_145 = %while3A_78, %while3A_146 = %while3A_79, %while3A_147 = %while3A_80) -> (i32, i32, i32, i32, i32)  : i32 {
          %mul3A_148 = arith.constant 1 : i32
          %mul3A_149 = arith.muli %mul3A_148, %select_n3A : i32
          %eq3A_150 = arith.constant 0 : i32
          %eq3A_151 = arith.cmpi eq, %while3A_142, %eq3A_150 : i32
          %sub3A_152 = arith.constant 1 : i32
          %sub3A_153 = arith.subi %mul3A_149, %sub3A_152 : i32
          %eq3A_154 = arith.cmpi eq, %while3A_142, %sub3A_153 : i32
          %add3A_155 = arith.addi %while3A_147, %select_n3A_14 : i32
          %sub3A_156 = arith.constant 1 : i32
          %sub3A_157 = arith.subi %while3A_147, %sub3A_156 : i32
          %select_n3A_158 = arith.constant true
          %select_n3A_159 = arith.select %select_n3A_158, %sub3A_157, %while3A_147 : i32
          %eq3A_160 = arith.constant -1 : i32
          %eq3A_161 = arith.cmpi eq, %select_n3A_159, %eq3A_160 : i32
          %sub3A_162 = arith.constant 1 : i32
          %sub3A_163 = arith.subi %select_n3A, %sub3A_162 : i32
          %select_n3A_164 = arith.select %eq3A_161, %sub3A_163, %select_n3A_159 : i32
          %add3A_165 = arith.addi %select_n3A_164, %select_n3A_14 : i32
          %add3A_166 = arith.constant 1 : i32
          %add3A_167 = arith.addi %while3A_147, %add3A_166 : i32
          %select_n3A_168 = arith.constant true
          %select_n3A_169 = arith.select %select_n3A_168, %add3A_167, %while3A_147 : i32
          %eq3A_170 = arith.cmpi eq, %select_n3A_169, %select_n3A : i32
          %select_n3A_171 = arith.constant 0 : i32
          %select_n3A_172 = arith.select %eq3A_170, %select_n3A_171, %select_n3A_169 : i32
          %add3A_173 = arith.addi %select_n3A_172, %select_n3A_14 : i32
          %add3A_174 = arith.constant 1 : i32
          %add3A_175 = arith.addi %select_n3A_172, %add3A_174 : i32
          %select_n3A_176 = arith.constant true
          %select_n3A_177 = arith.select %select_n3A_176, %add3A_175, %select_n3A_172 : i32
          %eq3A_178 = arith.cmpi eq, %select_n3A_177, %select_n3A : i32
          %select_n3A_179 = arith.constant 0 : i32
          %select_n3A_180 = arith.select %eq3A_178, %select_n3A_179, %select_n3A_177 : i32
          %add3A_181 = arith.addi %select_n3A_180, %select_n3A_14 : i32
          %ne3A = arith.cmpi ne, %add3A_155, %add3A_173 : i32
          %or3A = arith.constant false
          %or3A_182 = arith.ori %or3A, %ne3A : i1
          %sub3A_183 = arith.constant 2 : i32
          %sub3A_184 = arith.subi %mul3A_149, %sub3A_183 : i32
          %add3A_185 = arith.constant 1 : i32
          %add3A_186 = arith.addi %sub3A_184, %add3A_185 : i32
          %ge3A = arith.cmpi sge, %while3A_142, %add3A_186 : i32
          %not3A = arith.constant true
          %not3A_187 = arith.xori %ge3A, %not3A : i1
          %and3A = arith.andi %or3A_182, %not3A_187 : i1
          %convert_element_type3A_188 = arith.extui %and3A : i1 to i32
          %cond3A_189 = arith.constant 0 : i32
          %cond3A_190 = arith.cmpi ne, %convert_element_type3A_188, %cond3A_189 : i32
          scf.if %cond3A_190 {
            "tpu.trace_start"() <{level = 10 : i32, message = "ep_copy_in"}> : () -> ()
            %rem3A_294 = arith.constant 2 : i32
            %rem3A_295 = arith.remui %while3A_143, %rem3A_294 : i32
            %mul3A_296 = arith.constant 128 : i32
            %mul3A_297 = arith.muli %mul3A_296, %add3A_173 : i32
            %dma_start3A_298 = arith.constant 0 : i32
            %dma_start3A_299 = arith.constant 0 : i32
            %dma_start3A_300 = tpu.memref_slice %run_scoped3A[%rem3A_295, %dma_start3A_298, %dma_start3A_299] : memref<2x1x128xi32, #tpu.memory_space<vmem>> -> memref<1x1x128xi32, #tpu.memory_space<vmem>>
            %dma_start3A_301 = tpu.memref_squeeze %dma_start3A_300 : memref<1x1x128xi32, #tpu.memory_space<vmem>> -> memref<1x128xi32, #tpu.memory_space<vmem>>
            %dma_start3A_302 = arith.constant 0 : i32
            %dma_start3A_303 = tpu.memref_slice %arg3[%dma_start3A_302, %mul3A_297] : memref<1x76800xi32, #tpu.memory_space<hbm>> -> memref<1x128xi32, #tpu.memory_space<hbm>>
            %dma_start3A_304 = tpu.memref_slice %run_scoped3A_17[%rem3A_295] : memref<2x!tpu.dma_semaphore, #tpu.memory_space<semaphore_mem>> -> memref<1x!tpu.dma_semaphore, #tpu.memory_space<semaphore_mem>>
            %dma_start3A_305 = tpu.memref_squeeze %dma_start3A_304 : memref<1x!tpu.dma_semaphore, #tpu.memory_space<semaphore_mem>> -> memref<!tpu.dma_semaphore, #tpu.memory_space<semaphore_mem>>
            %dma_start3A_306 = arith.constant 0 : i32
            %dma_start3A_307 = arith.constant 0 : i32
            %dma_start3A_308 = tpu.memref_slice %run_scoped3A[%rem3A_295, %dma_start3A_306, %dma_start3A_307] : memref<2x1x128xi32, #tpu.memory_space<vmem>> -> memref<1x1x128xi32, #tpu.memory_space<vmem>>
            %dma_start3A_309 = tpu.memref_squeeze %dma_start3A_308 : memref<1x1x128xi32, #tpu.memory_space<vmem>> -> memref<1x128xi32, #tpu.memory_space<vmem>>
            %dma_start3A_310 = arith.constant 0 : i32
            %dma_start3A_311 = tpu.memref_slice %arg3[%dma_start3A_310, %mul3A_297] : memref<1x76800xi32, #tpu.memory_space<hbm>> -> memref<1x128xi32, #tpu.memory_space<hbm>>
            tpu.enqueue_dma source(%dma_start3A_311 : memref<1x128xi32, #tpu.memory_space<hbm>>) target(%dma_start3A_309 : memref<1x128xi32, #tpu.memory_space<vmem>>) target_semaphore(%dma_start3A_305 : memref<!tpu.dma_semaphore, #tpu.memory_space<semaphore_mem>>)
            "tpu.trace_stop"() : () -> ()
          } else {
          }
          %and3A_191 = arith.constant true
          %and3A_192 = arith.andi %and3A, %and3A_191 : i1
          %add3A_193 = arith.constant 1 : i32
          %add3A_194 = arith.addi %while3A_143, %add3A_193 : i32
          %select_n3A_195 = arith.select %and3A_192, %add3A_194, %while3A_143 : i32
          %ne3A_196 = arith.cmpi ne, %add3A_155, %add3A_173 : i32
          %or3A_197 = arith.constant false
          %or3A_198 = arith.ori %or3A_197, %ne3A_196 : i1
          %or3A_199 = arith.constant false
          %or3A_200 = arith.ori %or3A_198, %or3A_199 : i1
          %sub3A_201 = arith.constant 2 : i32
          %sub3A_202 = arith.subi %mul3A_149, %sub3A_201 : i32
          %add3A_203 = arith.constant 1 : i32
          %add3A_204 = arith.addi %sub3A_202, %add3A_203 : i32
          %ge3A_205 = arith.cmpi sge, %while3A_142, %add3A_204 : i32
          %not3A_206 = arith.constant true
          %not3A_207 = arith.xori %ge3A_205, %not3A_206 : i1
          %and3A_208 = arith.andi %or3A_200, %not3A_207 : i1
          %ne3A_209 = arith.cmpi ne, %add3A_155, %add3A_165 : i32
          %or3A_210 = arith.constant false
          %or3A_211 = arith.ori %or3A_210, %ne3A_209 : i1
          %or3A_212 = arith.ori %or3A_211, %eq3A_151 : i1
          %convert_element_type3A_213 = arith.extui %or3A_212 : i1 to i32
          %cond3A_214 = arith.constant 0 : i32
          %cond3A_215 = arith.cmpi ne, %convert_element_type3A_213, %cond3A_214 : i32
          scf.if %cond3A_215 {
            "tpu.trace_start"() <{level = 10 : i32, message = "ep_wait_in"}> : () -> ()
            %mul3A_294 = arith.constant 128 : i32
            %mul3A_295 = arith.muli %mul3A_294, %add3A_155 : i32
            %rem3A_296 = arith.constant 2 : i32
            %rem3A_297 = arith.remui %while3A_144, %rem3A_296 : i32
            %dma_wait3A = arith.constant 0 : i32
            %dma_wait3A_298 = arith.constant 0 : i32
            %dma_wait3A_299 = tpu.memref_slice %run_scoped3A[%rem3A_297, %dma_wait3A, %dma_wait3A_298] : memref<2x1x128xi32, #tpu.memory_space<vmem>> -> memref<1x1x128xi32, #tpu.memory_space<vmem>>
            %dma_wait3A_300 = tpu.memref_squeeze %dma_wait3A_299 : memref<1x1x128xi32, #tpu.memory_space<vmem>> -> memref<1x128xi32, #tpu.memory_space<vmem>>
            %dma_wait3A_301 = arith.constant 0 : i32
            %dma_wait3A_302 = tpu.memref_slice %arg3[%dma_wait3A_301, %mul3A_295] : memref<1x76800xi32, #tpu.memory_space<hbm>> -> memref<1x128xi32, #tpu.memory_space<hbm>>
            %dma_wait3A_303 = tpu.memref_slice %run_scoped3A_17[%rem3A_297] : memref<2x!tpu.dma_semaphore, #tpu.memory_space<semaphore_mem>> -> memref<1x!tpu.dma_semaphore, #tpu.memory_space<semaphore_mem>>
            %dma_wait3A_304 = tpu.memref_squeeze %dma_wait3A_303 : memref<1x!tpu.dma_semaphore, #tpu.memory_space<semaphore_mem>> -> memref<!tpu.dma_semaphore, #tpu.memory_space<semaphore_mem>>
            %dma_wait3A_305 = arith.constant 0 : i32
            %dma_wait3A_306 = arith.constant 0 : i32
            %dma_wait3A_307 = tpu.memref_slice %run_scoped3A[%rem3A_297, %dma_wait3A_305, %dma_wait3A_306] : memref<2x1x128xi32, #tpu.memory_space<vmem>> -> memref<1x1x128xi32, #tpu.memory_space<vmem>>
            %dma_wait3A_308 = tpu.memref_squeeze %dma_wait3A_307 : memref<1x1x128xi32, #tpu.memory_space<vmem>> -> memref<1x128xi32, #tpu.memory_space<vmem>>
            %dma_wait3A_309 = arith.constant 0 : i32
            %dma_wait3A_310 = tpu.memref_slice %arg3[%dma_wait3A_309, %mul3A_295] : memref<1x76800xi32, #tpu.memory_space<hbm>> -> memref<1x128xi32, #tpu.memory_space<hbm>>
            tpu.wait_dma2 semaphore(%dma_wait3A_304 : memref<!tpu.dma_semaphore, #tpu.memory_space<semaphore_mem>>) src(%dma_wait3A_310 : memref<1x128xi32, #tpu.memory_space<hbm>>) dst(%dma_wait3A_308 : memref<1x128xi32, #tpu.memory_space<vmem>>)
            "tpu.trace_stop"() : () -> ()
          } else {
          }
          %ne3A_216 = arith.cmpi ne, %add3A_155, %add3A_165 : i32
          %or3A_217 = arith.constant false
          %or3A_218 = arith.ori %or3A_217, %ne3A_216 : i1
          %or3A_219 = arith.constant false
          %or3A_220 = arith.ori %or3A_218, %or3A_219 : i1
          %or3A_221 = arith.ori %or3A_220, %eq3A_151 : i1
          %convert_element_type3A_222 = arith.extui %or3A_221 : i1 to i32
          %cond3A_223 = arith.constant 0 : i32
          %cond3A_224 = arith.cmpi ne, %convert_element_type3A_222, %cond3A_223 : i32
          scf.if %cond3A_224 {
          } else {
          }
          %rem3A_225 = arith.constant 2 : i32
          %rem3A_226 = arith.remui %while3A_144, %rem3A_225 : i32
          %rem3A_227 = arith.constant 2 : i32
          %rem3A_228 = arith.remui %while3A_145, %rem3A_227 : i32
          %run_scoped3A_229 = arith.constant 0 : i32
          "tpu.trace_start"() <{level = 10 : i32, message = "ep_run_kernel"}> : () -> ()
          "tpu.region"() ({
            %run_scoped3A_294 = tpu.sem_alloc : memref<!tpu.dma_semaphore, #tpu.memory_space<semaphore_mem>>
            %dma_start3A_295 = arith.constant 0 : i32
            %dma_start3A_296 = arith.constant 0 : i32
            %dma_start3A_297 = tpu.memref_slice %run_scoped3A_18[%rem3A_228, %dma_start3A_295, %dma_start3A_296] : memref<2x128x128xf32, #tpu.memory_space<vmem>> -> memref<1x128x128xf32, #tpu.memory_space<vmem>>
            %dma_start3A_298 = tpu.memref_squeeze %dma_start3A_297 : memref<1x128x128xf32, #tpu.memory_space<vmem>> -> memref<128x128xf32, #tpu.memory_space<vmem>>
            %dma_start3A_299 = arith.constant 0 : i32
            %dma_start3A_300 = arith.constant 0 : i32
            %dma_start3A_301 = tpu.memref_slice %run_scoped3A[%rem3A_226, %dma_start3A_299, %dma_start3A_300] : memref<2x1x128xi32, #tpu.memory_space<vmem>> -> memref<1x1x128xi32, #tpu.memory_space<vmem>>
            %dma_start3A_302 = tpu.memref_squeeze %dma_start3A_301 : memref<1x1x128xi32, #tpu.memory_space<vmem>> -> memref<1x128xi32, #tpu.memory_space<vmem>>
            %dma_start3A_303 = arith.constant 0 : i32
            %dma_start3A_304 = tpu.memref_slice %dma_start3A_302[%run_scoped3A_229, %dma_start3A_303] : memref<1x128xi32, #tpu.memory_space<vmem>> -> memref<1x128xi32, #tpu.memory_space<vmem>>
            %dma_start3A_305 = tpu.memref_squeeze %dma_start3A_304 : memref<1x128xi32, #tpu.memory_space<vmem>> -> memref<128xi32, #tpu.memory_space<vmem>>
            %dma_start3A_306 = arith.constant 0 : i32
            %dma_start3A_307 = arith.constant 0 : i32
            %dma_start3A_308 = tpu.memref_slice %arg2[%dma_start3A_306, %dma_start3A_307] : memref<10000x128xf32, #tpu.memory_space<hbm>> -> memref<10000x128xf32, #tpu.memory_space<hbm>>
            tpu.enqueue_indirect_dma source(%dma_start3A_308 : memref<10000x128xf32, #tpu.memory_space<hbm>>) target(%dma_start3A_298 : memref<128x128xf32, #tpu.memory_space<vmem>>) offsets(%dma_start3A_305 : memref<128xi32, #tpu.memory_space<vmem>>) semaphore(%run_scoped3A_294 : memref<!tpu.dma_semaphore, #tpu.memory_space<semaphore_mem>>)
            %dma_wait3A = arith.constant 0 : i32
            %dma_wait3A_309 = arith.constant 0 : i32
            %dma_wait3A_310 = tpu.memref_slice %run_scoped3A_18[%rem3A_228, %dma_wait3A, %dma_wait3A_309] : memref<2x128x128xf32, #tpu.memory_space<vmem>> -> memref<1x128x128xf32, #tpu.memory_space<vmem>>
            %dma_wait3A_311 = tpu.memref_squeeze %dma_wait3A_310 : memref<1x128x128xf32, #tpu.memory_space<vmem>> -> memref<128x128xf32, #tpu.memory_space<vmem>>
            %dma_wait3A_312 = arith.constant 0 : i32
            %dma_wait3A_313 = arith.constant 0 : i32
            %dma_wait3A_314 = tpu.memref_slice %run_scoped3A[%rem3A_226, %dma_wait3A_312, %dma_wait3A_313] : memref<2x1x128xi32, #tpu.memory_space<vmem>> -> memref<1x1x128xi32, #tpu.memory_space<vmem>>
            %dma_wait3A_315 = tpu.memref_squeeze %dma_wait3A_314 : memref<1x1x128xi32, #tpu.memory_space<vmem>> -> memref<1x128xi32, #tpu.memory_space<vmem>>
            %dma_wait3A_316 = arith.constant 0 : i32
            %dma_wait3A_317 = tpu.memref_slice %dma_wait3A_315[%run_scoped3A_229, %dma_wait3A_316] : memref<1x128xi32, #tpu.memory_space<vmem>> -> memref<1x128xi32, #tpu.memory_space<vmem>>
            %dma_wait3A_318 = tpu.memref_squeeze %dma_wait3A_317 : memref<1x128xi32, #tpu.memory_space<vmem>> -> memref<128xi32, #tpu.memory_space<vmem>>
            %dma_wait3A_319 = arith.constant 0 : i32
            %dma_wait3A_320 = arith.constant 0 : i32
            %dma_wait3A_321 = tpu.memref_slice %arg2[%dma_wait3A_319, %dma_wait3A_320] : memref<10000x128xf32, #tpu.memory_space<hbm>> -> memref<10000x128xf32, #tpu.memory_space<hbm>>
            tpu.wait_indirect_dma semaphore(%run_scoped3A_294 : memref<!tpu.dma_semaphore, #tpu.memory_space<semaphore_mem>>) src(%dma_wait3A_321 : memref<10000x128xf32, #tpu.memory_space<hbm>>) dst(%dma_wait3A_311 : memref<128x128xf32, #tpu.memory_space<vmem>>)
            tpu.yield
          }) : () -> ()
          "tpu.trace_stop"() : () -> ()
          %ne3A_230 = arith.cmpi ne, %add3A_155, %add3A_173 : i32
          %or3A_231 = arith.constant false
          %or3A_232 = arith.ori %or3A_231, %ne3A_230 : i1
          %or3A_233 = arith.ori %or3A_232, %eq3A_154 : i1
          %convert_element_type3A_234 = arith.extui %or3A_233 : i1 to i32
          %cond3A_235 = arith.constant 0 : i32
          %cond3A_236 = arith.cmpi ne, %convert_element_type3A_234, %cond3A_235 : i32
          scf.if %cond3A_236 {
          } else {
          }
          %and3A_237 = arith.constant false
          %and3A_238 = arith.andi %or3A_233, %and3A_237 : i1
          %ne3A_239 = arith.cmpi ne, %add3A_155, %add3A_173 : i32
          %or3A_240 = arith.constant false
          %or3A_241 = arith.ori %or3A_240, %ne3A_239 : i1
          %or3A_242 = arith.constant false
          %or3A_243 = arith.ori %or3A_241, %or3A_242 : i1
          %or3A_244 = arith.ori %or3A_243, %eq3A_154 : i1
          %convert_element_type3A_245 = arith.extui %or3A_244 : i1 to i32
          %cond3A_246 = arith.constant 0 : i32
          %cond3A_247 = arith.cmpi ne, %convert_element_type3A_245, %cond3A_246 : i32
          scf.if %cond3A_247 {
            "tpu.trace_start"() <{level = 10 : i32, message = "ep_copy_out"}> : () -> ()
            %rem3A_294 = arith.constant 2 : i32
            %rem3A_295 = arith.remui %while3A_145, %rem3A_294 : i32
            %mul3A_296 = arith.constant 128 : i32
            %mul3A_297 = arith.muli %mul3A_296, %add3A_155 : i32
            %dma_start3A_298 = arith.constant 0 : i32
            %dma_start3A_299 = arith.constant 0 : i32
            %dma_start3A_300 = tpu.memref_slice %run_scoped3A_18[%rem3A_295, %dma_start3A_298, %dma_start3A_299] : memref<2x128x128xf32, #tpu.memory_space<vmem>> -> memref<1x128x128xf32, #tpu.memory_space<vmem>>
            %dma_start3A_301 = tpu.memref_squeeze %dma_start3A_300 : memref<1x128x128xf32, #tpu.memory_space<vmem>> -> memref<128x128xf32, #tpu.memory_space<vmem>>
            %dma_start3A_302 = arith.constant 0 : i32
            %dma_start3A_303 = tpu.memref_slice %arg4[%mul3A_297, %dma_start3A_302] : memref<76800x128xf32, #tpu.memory_space<hbm>> -> memref<128x128xf32, #tpu.memory_space<hbm>>
            %dma_start3A_304 = tpu.memref_slice %run_scoped3A_19[%rem3A_295] : memref<2x!tpu.dma_semaphore, #tpu.memory_space<semaphore_mem>> -> memref<1x!tpu.dma_semaphore, #tpu.memory_space<semaphore_mem>>
            %dma_start3A_305 = tpu.memref_squeeze %dma_start3A_304 : memref<1x!tpu.dma_semaphore, #tpu.memory_space<semaphore_mem>> -> memref<!tpu.dma_semaphore, #tpu.memory_space<semaphore_mem>>
            %dma_start3A_306 = arith.constant 0 : i32
            %dma_start3A_307 = tpu.memref_slice %arg4[%mul3A_297, %dma_start3A_306] : memref<76800x128xf32, #tpu.memory_space<hbm>> -> memref<128x128xf32, #tpu.memory_space<hbm>>
            %dma_start3A_308 = arith.constant 0 : i32
            %dma_start3A_309 = arith.constant 0 : i32
            %dma_start3A_310 = tpu.memref_slice %run_scoped3A_18[%rem3A_295, %dma_start3A_308, %dma_start3A_309] : memref<2x128x128xf32, #tpu.memory_space<vmem>> -> memref<1x128x128xf32, #tpu.memory_space<vmem>>
            %dma_start3A_311 = tpu.memref_squeeze %dma_start3A_310 : memref<1x128x128xf32, #tpu.memory_space<vmem>> -> memref<128x128xf32, #tpu.memory_space<vmem>>
            tpu.enqueue_dma source(%dma_start3A_311 : memref<128x128xf32, #tpu.memory_space<vmem>>) target(%dma_start3A_307 : memref<128x128xf32, #tpu.memory_space<hbm>>) target_semaphore(%dma_start3A_305 : memref<!tpu.dma_semaphore, #tpu.memory_space<semaphore_mem>>)
            "tpu.trace_stop"() : () -> ()
          } else {
          }
          %and3A_248 = arith.constant true
          %and3A_249 = arith.andi %or3A_244, %and3A_248 : i1
          %add3A_250 = arith.constant 1 : i32
          %add3A_251 = arith.addi %while3A_145, %add3A_250 : i32
          %select_n3A_252 = arith.select %and3A_249, %add3A_251, %while3A_145 : i32
          %ne3A_253 = arith.cmpi ne, %add3A_155, %add3A_165 : i32
          %or3A_254 = arith.constant false
          %or3A_255 = arith.ori %or3A_254, %ne3A_253 : i1
          %not3A_256 = arith.constant true
          %not3A_257 = arith.xori %eq3A_151, %not3A_256 : i1
          %and3A_258 = arith.andi %or3A_255, %not3A_257 : i1
          %convert_element_type3A_259 = arith.extui %and3A_258 : i1 to i32
          %cond3A_260 = arith.constant 0 : i32
          %cond3A_261 = arith.cmpi ne, %convert_element_type3A_259, %cond3A_260 : i32
          scf.if %cond3A_261 {
          } else {
          }
          %and3A_262 = arith.constant false
          %and3A_263 = arith.andi %and3A_258, %and3A_262 : i1
          %ne3A_264 = arith.cmpi ne, %add3A_155, %add3A_165 : i32
          %or3A_265 = arith.constant false
          %or3A_266 = arith.ori %or3A_265, %ne3A_264 : i1
          %or3A_267 = arith.constant false
          %or3A_268 = arith.ori %or3A_266, %or3A_267 : i1
          %not3A_269 = arith.constant true
          %not3A_270 = arith.xori %eq3A_151, %not3A_269 : i1
          %and3A_271 = arith.andi %or3A_268, %not3A_270 : i1
          %convert_element_type3A_272 = arith.extui %and3A_271 : i1 to i32
          %cond3A_273 = arith.constant 0 : i32
          %cond3A_274 = arith.cmpi ne, %convert_element_type3A_272, %cond3A_273 : i32
          scf.if %cond3A_274 {
            "tpu.trace_start"() <{level = 10 : i32, message = "ep_wait_out"}> : () -> ()
            %rem3A_294 = arith.constant 2 : i32
            %rem3A_295 = arith.remui %while3A_146, %rem3A_294 : i32
            %mul3A_296 = arith.constant 128 : i32
            %mul3A_297 = arith.muli %mul3A_296, %add3A_165 : i32
            %dma_wait3A = arith.constant 0 : i32
            %dma_wait3A_298 = arith.constant 0 : i32
            %dma_wait3A_299 = tpu.memref_slice %run_scoped3A_18[%rem3A_295, %dma_wait3A, %dma_wait3A_298] : memref<2x128x128xf32, #tpu.memory_space<vmem>> -> memref<1x128x128xf32, #tpu.memory_space<vmem>>
            %dma_wait3A_300 = tpu.memref_squeeze %dma_wait3A_299 : memref<1x128x128xf32, #tpu.memory_space<vmem>> -> memref<128x128xf32, #tpu.memory_space<vmem>>
            %dma_wait3A_301 = arith.constant 0 : i32
            %dma_wait3A_302 = tpu.memref_slice %arg4[%mul3A_297, %dma_wait3A_301] : memref<76800x128xf32, #tpu.memory_space<hbm>> -> memref<128x128xf32, #tpu.memory_space<hbm>>
            %dma_wait3A_303 = tpu.memref_slice %run_scoped3A_19[%rem3A_295] : memref<2x!tpu.dma_semaphore, #tpu.memory_space<semaphore_mem>> -> memref<1x!tpu.dma_semaphore, #tpu.memory_space<semaphore_mem>>
            %dma_wait3A_304 = tpu.memref_squeeze %dma_wait3A_303 : memref<1x!tpu.dma_semaphore, #tpu.memory_space<semaphore_mem>> -> memref<!tpu.dma_semaphore, #tpu.memory_space<semaphore_mem>>
            %dma_wait3A_305 = arith.constant 0 : i32
            %dma_wait3A_306 = tpu.memref_slice %arg4[%mul3A_297, %dma_wait3A_305] : memref<76800x128xf32, #tpu.memory_space<hbm>> -> memref<128x128xf32, #tpu.memory_space<hbm>>
            %dma_wait3A_307 = arith.constant 0 : i32
            %dma_wait3A_308 = arith.constant 0 : i32
            %dma_wait3A_309 = tpu.memref_slice %run_scoped3A_18[%rem3A_295, %dma_wait3A_307, %dma_wait3A_308] : memref<2x128x128xf32, #tpu.memory_space<vmem>> -> memref<1x128x128xf32, #tpu.memory_space<vmem>>
            %dma_wait3A_310 = tpu.memref_squeeze %dma_wait3A_309 : memref<1x128x128xf32, #tpu.memory_space<vmem>> -> memref<128x128xf32, #tpu.memory_space<vmem>>
            tpu.wait_dma2 semaphore(%dma_wait3A_304 : memref<!tpu.dma_semaphore, #tpu.memory_space<semaphore_mem>>) src(%dma_wait3A_310 : memref<128x128xf32, #tpu.memory_space<vmem>>) dst(%dma_wait3A_306 : memref<128x128xf32, #tpu.memory_space<hbm>>)
            "tpu.trace_stop"() : () -> ()
          } else {
          }
          %and3A_275 = arith.constant true
          %and3A_276 = arith.andi %and3A_271, %and3A_275 : i1
          %add3A_277 = arith.constant 1 : i32
          %add3A_278 = arith.addi %while3A_146, %add3A_277 : i32
          %select_n3A_279 = arith.select %and3A_276, %add3A_278, %while3A_146 : i32
          %ne3A_280 = arith.cmpi ne, %add3A_155, %add3A_173 : i32
          %or3A_281 = arith.constant false
          %or3A_282 = arith.ori %or3A_281, %ne3A_280 : i1
          %or3A_283 = arith.ori %or3A_282, %eq3A_154 : i1
          %add3A_284 = arith.constant 1 : i32
          %add3A_285 = arith.addi %while3A_144, %add3A_284 : i32
          %select_n3A_286 = arith.select %or3A_283, %add3A_285, %while3A_144 : i32
          %add3A_287 = arith.constant 1 : i32
          %add3A_288 = arith.addi %while3A_147, %add3A_287 : i32
          %select_n3A_289 = arith.constant true
          %select_n3A_290 = arith.select %select_n3A_289, %add3A_288, %while3A_147 : i32
          %eq3A_291 = arith.cmpi eq, %select_n3A_290, %select_n3A : i32
          %select_n3A_292 = arith.constant 0 : i32
          %select_n3A_293 = arith.select %eq3A_291, %select_n3A_292, %select_n3A_290 : i32
          scf.yield %select_n3A_195, %select_n3A_286, %select_n3A_252, %select_n3A_279, %select_n3A_293 : i32, i32, i32, i32, i32
        }
        %while3A_89 = arith.constant 1 : i32
        %while3A_90:5 = scf.for %while3A_142 = %while3A_86 to %while3A_82 step %while3A_89 iter_args(%while3A_143 = %while3A_88#0, %while3A_144 = %while3A_88#1, %while3A_145 = %while3A_88#2, %while3A_146 = %while3A_88#3, %while3A_147 = %while3A_88#4) -> (i32, i32, i32, i32, i32)  : i32 {
          %mul3A_148 = arith.constant 1 : i32
          %mul3A_149 = arith.muli %mul3A_148, %select_n3A : i32
          %eq3A_150 = arith.constant 0 : i32
          %eq3A_151 = arith.cmpi eq, %while3A_142, %eq3A_150 : i32
          %sub3A_152 = arith.constant 1 : i32
          %sub3A_153 = arith.subi %mul3A_149, %sub3A_152 : i32
          %eq3A_154 = arith.cmpi eq, %while3A_142, %sub3A_153 : i32
          %add3A_155 = arith.addi %while3A_147, %select_n3A_14 : i32
          %sub3A_156 = arith.constant 1 : i32
          %sub3A_157 = arith.subi %while3A_147, %sub3A_156 : i32
          %select_n3A_158 = arith.constant true
          %select_n3A_159 = arith.select %select_n3A_158, %sub3A_157, %while3A_147 : i32
          %eq3A_160 = arith.constant -1 : i32
          %eq3A_161 = arith.cmpi eq, %select_n3A_159, %eq3A_160 : i32
          %sub3A_162 = arith.constant 1 : i32
          %sub3A_163 = arith.subi %select_n3A, %sub3A_162 : i32
          %select_n3A_164 = arith.select %eq3A_161, %sub3A_163, %select_n3A_159 : i32
          %add3A_165 = arith.addi %select_n3A_164, %select_n3A_14 : i32
          %add3A_166 = arith.constant 1 : i32
          %add3A_167 = arith.addi %while3A_147, %add3A_166 : i32
          %select_n3A_168 = arith.constant true
          %select_n3A_169 = arith.select %select_n3A_168, %add3A_167, %while3A_147 : i32
          %eq3A_170 = arith.cmpi eq, %select_n3A_169, %select_n3A : i32
          %select_n3A_171 = arith.constant 0 : i32
          %select_n3A_172 = arith.select %eq3A_170, %select_n3A_171, %select_n3A_169 : i32
          %add3A_173 = arith.addi %select_n3A_172, %select_n3A_14 : i32
          %add3A_174 = arith.constant 1 : i32
          %add3A_175 = arith.addi %select_n3A_172, %add3A_174 : i32
          %select_n3A_176 = arith.constant true
          %select_n3A_177 = arith.select %select_n3A_176, %add3A_175, %select_n3A_172 : i32
          %eq3A_178 = arith.cmpi eq, %select_n3A_177, %select_n3A : i32
          %select_n3A_179 = arith.constant 0 : i32
          %select_n3A_180 = arith.select %eq3A_178, %select_n3A_179, %select_n3A_177 : i32
          %add3A_181 = arith.addi %select_n3A_180, %select_n3A_14 : i32
          %ne3A = arith.cmpi ne, %add3A_155, %add3A_173 : i32
          %or3A = arith.constant false
          %or3A_182 = arith.ori %or3A, %ne3A : i1
          %sub3A_183 = arith.constant 2 : i32
          %sub3A_184 = arith.subi %mul3A_149, %sub3A_183 : i32
          %add3A_185 = arith.constant 1 : i32
          %add3A_186 = arith.addi %sub3A_184, %add3A_185 : i32
          %ge3A = arith.cmpi sge, %while3A_142, %add3A_186 : i32
          %not3A = arith.constant true
          %not3A_187 = arith.xori %ge3A, %not3A : i1
          %and3A = arith.andi %or3A_182, %not3A_187 : i1
          %convert_element_type3A_188 = arith.extui %and3A : i1 to i32
          %cond3A_189 = arith.constant 0 : i32
          %cond3A_190 = arith.cmpi ne, %convert_element_type3A_188, %cond3A_189 : i32
          scf.if %cond3A_190 {
            "tpu.trace_start"() <{level = 10 : i32, message = "ep_copy_in"}> : () -> ()
            %rem3A_294 = arith.constant 2 : i32
            %rem3A_295 = arith.remui %while3A_143, %rem3A_294 : i32
            %mul3A_296 = arith.constant 128 : i32
            %mul3A_297 = arith.muli %mul3A_296, %add3A_173 : i32
            %dma_start3A_298 = arith.constant 0 : i32
            %dma_start3A_299 = arith.constant 0 : i32
            %dma_start3A_300 = tpu.memref_slice %run_scoped3A[%rem3A_295, %dma_start3A_298, %dma_start3A_299] : memref<2x1x128xi32, #tpu.memory_space<vmem>> -> memref<1x1x128xi32, #tpu.memory_space<vmem>>
            %dma_start3A_301 = tpu.memref_squeeze %dma_start3A_300 : memref<1x1x128xi32, #tpu.memory_space<vmem>> -> memref<1x128xi32, #tpu.memory_space<vmem>>
            %dma_start3A_302 = arith.constant 0 : i32
            %dma_start3A_303 = tpu.memref_slice %arg3[%dma_start3A_302, %mul3A_297] : memref<1x76800xi32, #tpu.memory_space<hbm>> -> memref<1x128xi32, #tpu.memory_space<hbm>>
            %dma_start3A_304 = tpu.memref_slice %run_scoped3A_17[%rem3A_295] : memref<2x!tpu.dma_semaphore, #tpu.memory_space<semaphore_mem>> -> memref<1x!tpu.dma_semaphore, #tpu.memory_space<semaphore_mem>>
            %dma_start3A_305 = tpu.memref_squeeze %dma_start3A_304 : memref<1x!tpu.dma_semaphore, #tpu.memory_space<semaphore_mem>> -> memref<!tpu.dma_semaphore, #tpu.memory_space<semaphore_mem>>
            %dma_start3A_306 = arith.constant 0 : i32
            %dma_start3A_307 = arith.constant 0 : i32
            %dma_start3A_308 = tpu.memref_slice %run_scoped3A[%rem3A_295, %dma_start3A_306, %dma_start3A_307] : memref<2x1x128xi32, #tpu.memory_space<vmem>> -> memref<1x1x128xi32, #tpu.memory_space<vmem>>
            %dma_start3A_309 = tpu.memref_squeeze %dma_start3A_308 : memref<1x1x128xi32, #tpu.memory_space<vmem>> -> memref<1x128xi32, #tpu.memory_space<vmem>>
            %dma_start3A_310 = arith.constant 0 : i32
            %dma_start3A_311 = tpu.memref_slice %arg3[%dma_start3A_310, %mul3A_297] : memref<1x76800xi32, #tpu.memory_space<hbm>> -> memref<1x128xi32, #tpu.memory_space<hbm>>
            tpu.enqueue_dma source(%dma_start3A_311 : memref<1x128xi32, #tpu.memory_space<hbm>>) target(%dma_start3A_309 : memref<1x128xi32, #tpu.memory_space<vmem>>) target_semaphore(%dma_start3A_305 : memref<!tpu.dma_semaphore, #tpu.memory_space<semaphore_mem>>)
            "tpu.trace_stop"() : () -> ()
          } else {
          }
          %and3A_191 = arith.constant true
          %and3A_192 = arith.andi %and3A, %and3A_191 : i1
          %add3A_193 = arith.constant 1 : i32
          %add3A_194 = arith.addi %while3A_143, %add3A_193 : i32
          %select_n3A_195 = arith.select %and3A_192, %add3A_194, %while3A_143 : i32
          %ne3A_196 = arith.cmpi ne, %add3A_155, %add3A_173 : i32
          %or3A_197 = arith.constant false
          %or3A_198 = arith.ori %or3A_197, %ne3A_196 : i1
          %or3A_199 = arith.constant false
          %or3A_200 = arith.ori %or3A_198, %or3A_199 : i1
          %sub3A_201 = arith.constant 2 : i32
          %sub3A_202 = arith.subi %mul3A_149, %sub3A_201 : i32
          %add3A_203 = arith.constant 1 : i32
          %add3A_204 = arith.addi %sub3A_202, %add3A_203 : i32
          %ge3A_205 = arith.cmpi sge, %while3A_142, %add3A_204 : i32
          %not3A_206 = arith.constant true
          %not3A_207 = arith.xori %ge3A_205, %not3A_206 : i1
          %and3A_208 = arith.andi %or3A_200, %not3A_207 : i1
          %ne3A_209 = arith.cmpi ne, %add3A_155, %add3A_165 : i32
          %or3A_210 = arith.constant false
          %or3A_211 = arith.ori %or3A_210, %ne3A_209 : i1
          %or3A_212 = arith.ori %or3A_211, %eq3A_151 : i1
          %convert_element_type3A_213 = arith.extui %or3A_212 : i1 to i32
          %cond3A_214 = arith.constant 0 : i32
          %cond3A_215 = arith.cmpi ne, %convert_element_type3A_213, %cond3A_214 : i32
          scf.if %cond3A_215 {
            "tpu.trace_start"() <{level = 10 : i32, message = "ep_wait_in"}> : () -> ()
            %mul3A_294 = arith.constant 128 : i32
            %mul3A_295 = arith.muli %mul3A_294, %add3A_155 : i32
            %rem3A_296 = arith.constant 2 : i32
            %rem3A_297 = arith.remui %while3A_144, %rem3A_296 : i32
            %dma_wait3A = arith.constant 0 : i32
            %dma_wait3A_298 = arith.constant 0 : i32
            %dma_wait3A_299 = tpu.memref_slice %run_scoped3A[%rem3A_297, %dma_wait3A, %dma_wait3A_298] : memref<2x1x128xi32, #tpu.memory_space<vmem>> -> memref<1x1x128xi32, #tpu.memory_space<vmem>>
            %dma_wait3A_300 = tpu.memref_squeeze %dma_wait3A_299 : memref<1x1x128xi32, #tpu.memory_space<vmem>> -> memref<1x128xi32, #tpu.memory_space<vmem>>
            %dma_wait3A_301 = arith.constant 0 : i32
            %dma_wait3A_302 = tpu.memref_slice %arg3[%dma_wait3A_301, %mul3A_295] : memref<1x76800xi32, #tpu.memory_space<hbm>> -> memref<1x128xi32, #tpu.memory_space<hbm>>
            %dma_wait3A_303 = tpu.memref_slice %run_scoped3A_17[%rem3A_297] : memref<2x!tpu.dma_semaphore, #tpu.memory_space<semaphore_mem>> -> memref<1x!tpu.dma_semaphore, #tpu.memory_space<semaphore_mem>>
            %dma_wait3A_304 = tpu.memref_squeeze %dma_wait3A_303 : memref<1x!tpu.dma_semaphore, #tpu.memory_space<semaphore_mem>> -> memref<!tpu.dma_semaphore, #tpu.memory_space<semaphore_mem>>
            %dma_wait3A_305 = arith.constant 0 : i32
            %dma_wait3A_306 = arith.constant 0 : i32
            %dma_wait3A_307 = tpu.memref_slice %run_scoped3A[%rem3A_297, %dma_wait3A_305, %dma_wait3A_306] : memref<2x1x128xi32, #tpu.memory_space<vmem>> -> memref<1x1x128xi32, #tpu.memory_space<vmem>>
            %dma_wait3A_308 = tpu.memref_squeeze %dma_wait3A_307 : memref<1x1x128xi32, #tpu.memory_space<vmem>> -> memref<1x128xi32, #tpu.memory_space<vmem>>
            %dma_wait3A_309 = arith.constant 0 : i32
            %dma_wait3A_310 = tpu.memref_slice %arg3[%dma_wait3A_309, %mul3A_295] : memref<1x76800xi32, #tpu.memory_space<hbm>> -> memref<1x128xi32, #tpu.memory_space<hbm>>
            tpu.wait_dma2 semaphore(%dma_wait3A_304 : memref<!tpu.dma_semaphore, #tpu.memory_space<semaphore_mem>>) src(%dma_wait3A_310 : memref<1x128xi32, #tpu.memory_space<hbm>>) dst(%dma_wait3A_308 : memref<1x128xi32, #tpu.memory_space<vmem>>)
            "tpu.trace_stop"() : () -> ()
          } else {
          }
          %ne3A_216 = arith.cmpi ne, %add3A_155, %add3A_165 : i32
          %or3A_217 = arith.constant false
          %or3A_218 = arith.ori %or3A_217, %ne3A_216 : i1
          %or3A_219 = arith.constant false
          %or3A_220 = arith.ori %or3A_218, %or3A_219 : i1
          %or3A_221 = arith.ori %or3A_220, %eq3A_151 : i1
          %convert_element_type3A_222 = arith.extui %or3A_221 : i1 to i32
          %cond3A_223 = arith.constant 0 : i32
          %cond3A_224 = arith.cmpi ne, %convert_element_type3A_222, %cond3A_223 : i32
          scf.if %cond3A_224 {
          } else {
          }
          %rem3A_225 = arith.constant 2 : i32
          %rem3A_226 = arith.remui %while3A_144, %rem3A_225 : i32
          %rem3A_227 = arith.constant 2 : i32
          %rem3A_228 = arith.remui %while3A_145, %rem3A_227 : i32
          %run_scoped3A_229 = arith.constant 0 : i32
          "tpu.trace_start"() <{level = 10 : i32, message = "ep_run_kernel"}> : () -> ()
          "tpu.region"() ({
            %run_scoped3A_294 = tpu.sem_alloc : memref<!tpu.dma_semaphore, #tpu.memory_space<semaphore_mem>>
            %dma_start3A_295 = arith.constant 0 : i32
            %dma_start3A_296 = arith.constant 0 : i32
            %dma_start3A_297 = tpu.memref_slice %run_scoped3A_18[%rem3A_228, %dma_start3A_295, %dma_start3A_296] : memref<2x128x128xf32, #tpu.memory_space<vmem>> -> memref<1x128x128xf32, #tpu.memory_space<vmem>>
            %dma_start3A_298 = tpu.memref_squeeze %dma_start3A_297 : memref<1x128x128xf32, #tpu.memory_space<vmem>> -> memref<128x128xf32, #tpu.memory_space<vmem>>
            %dma_start3A_299 = arith.constant 0 : i32
            %dma_start3A_300 = arith.constant 0 : i32
            %dma_start3A_301 = tpu.memref_slice %run_scoped3A[%rem3A_226, %dma_start3A_299, %dma_start3A_300] : memref<2x1x128xi32, #tpu.memory_space<vmem>> -> memref<1x1x128xi32, #tpu.memory_space<vmem>>
            %dma_start3A_302 = tpu.memref_squeeze %dma_start3A_301 : memref<1x1x128xi32, #tpu.memory_space<vmem>> -> memref<1x128xi32, #tpu.memory_space<vmem>>
            %dma_start3A_303 = arith.constant 0 : i32
            %dma_start3A_304 = tpu.memref_slice %dma_start3A_302[%run_scoped3A_229, %dma_start3A_303] : memref<1x128xi32, #tpu.memory_space<vmem>> -> memref<1x128xi32, #tpu.memory_space<vmem>>
            %dma_start3A_305 = tpu.memref_squeeze %dma_start3A_304 : memref<1x128xi32, #tpu.memory_space<vmem>> -> memref<128xi32, #tpu.memory_space<vmem>>
            %dma_start3A_306 = arith.constant 0 : i32
            %dma_start3A_307 = arith.constant 0 : i32
            %dma_start3A_308 = tpu.memref_slice %arg2[%dma_start3A_306, %dma_start3A_307] : memref<10000x128xf32, #tpu.memory_space<hbm>> -> memref<10000x128xf32, #tpu.memory_space<hbm>>
            tpu.enqueue_indirect_dma source(%dma_start3A_308 : memref<10000x128xf32, #tpu.memory_space<hbm>>) target(%dma_start3A_298 : memref<128x128xf32, #tpu.memory_space<vmem>>) offsets(%dma_start3A_305 : memref<128xi32, #tpu.memory_space<vmem>>) semaphore(%run_scoped3A_294 : memref<!tpu.dma_semaphore, #tpu.memory_space<semaphore_mem>>)
            %dma_wait3A = arith.constant 0 : i32
            %dma_wait3A_309 = arith.constant 0 : i32
            %dma_wait3A_310 = tpu.memref_slice %run_scoped3A_18[%rem3A_228, %dma_wait3A, %dma_wait3A_309] : memref<2x128x128xf32, #tpu.memory_space<vmem>> -> memref<1x128x128xf32, #tpu.memory_space<vmem>>
            %dma_wait3A_311 = tpu.memref_squeeze %dma_wait3A_310 : memref<1x128x128xf32, #tpu.memory_space<vmem>> -> memref<128x128xf32, #tpu.memory_space<vmem>>
            %dma_wait3A_312 = arith.constant 0 : i32
            %dma_wait3A_313 = arith.constant 0 : i32
            %dma_wait3A_314 = tpu.memref_slice %run_scoped3A[%rem3A_226, %dma_wait3A_312, %dma_wait3A_313] : memref<2x1x128xi32, #tpu.memory_space<vmem>> -> memref<1x1x128xi32, #tpu.memory_space<vmem>>
            %dma_wait3A_315 = tpu.memref_squeeze %dma_wait3A_314 : memref<1x1x128xi32, #tpu.memory_space<vmem>> -> memref<1x128xi32, #tpu.memory_space<vmem>>
            %dma_wait3A_316 = arith.constant 0 : i32
            %dma_wait3A_317 = tpu.memref_slice %dma_wait3A_315[%run_scoped3A_229, %dma_wait3A_316] : memref<1x128xi32, #tpu.memory_space<vmem>> -> memref<1x128xi32, #tpu.memory_space<vmem>>
            %dma_wait3A_318 = tpu.memref_squeeze %dma_wait3A_317 : memref<1x128xi32, #tpu.memory_space<vmem>> -> memref<128xi32, #tpu.memory_space<vmem>>
            %dma_wait3A_319 = arith.constant 0 : i32
            %dma_wait3A_320 = arith.constant 0 : i32
            %dma_wait3A_321 = tpu.memref_slice %arg2[%dma_wait3A_319, %dma_wait3A_320] : memref<10000x128xf32, #tpu.memory_space<hbm>> -> memref<10000x128xf32, #tpu.memory_space<hbm>>
            tpu.wait_indirect_dma semaphore(%run_scoped3A_294 : memref<!tpu.dma_semaphore, #tpu.memory_space<semaphore_mem>>) src(%dma_wait3A_321 : memref<10000x128xf32, #tpu.memory_space<hbm>>) dst(%dma_wait3A_311 : memref<128x128xf32, #tpu.memory_space<vmem>>)
            tpu.yield
          }) : () -> ()
          "tpu.trace_stop"() : () -> ()
          %ne3A_230 = arith.cmpi ne, %add3A_155, %add3A_173 : i32
          %or3A_231 = arith.constant false
          %or3A_232 = arith.ori %or3A_231, %ne3A_230 : i1
          %or3A_233 = arith.ori %or3A_232, %eq3A_154 : i1
          %convert_element_type3A_234 = arith.extui %or3A_233 : i1 to i32
          %cond3A_235 = arith.constant 0 : i32
          %cond3A_236 = arith.cmpi ne, %convert_element_type3A_234, %cond3A_235 : i32
          scf.if %cond3A_236 {
          } else {
          }
          %and3A_237 = arith.constant false
          %and3A_238 = arith.andi %or3A_233, %and3A_237 : i1
          %ne3A_239 = arith.cmpi ne, %add3A_155, %add3A_173 : i32
          %or3A_240 = arith.constant false
          %or3A_241 = arith.ori %or3A_240, %ne3A_239 : i1
          %or3A_242 = arith.constant false
          %or3A_243 = arith.ori %or3A_241, %or3A_242 : i1
          %or3A_244 = arith.ori %or3A_243, %eq3A_154 : i1
          %convert_element_type3A_245 = arith.extui %or3A_244 : i1 to i32
          %cond3A_246 = arith.constant 0 : i32
          %cond3A_247 = arith.cmpi ne, %convert_element_type3A_245, %cond3A_246 : i32
          scf.if %cond3A_247 {
            "tpu.trace_start"() <{level = 10 : i32, message = "ep_copy_out"}> : () -> ()
            %rem3A_294 = arith.constant 2 : i32
            %rem3A_295 = arith.remui %while3A_145, %rem3A_294 : i32
            %mul3A_296 = arith.constant 128 : i32
            %mul3A_297 = arith.muli %mul3A_296, %add3A_155 : i32
            %dma_start3A_298 = arith.constant 0 : i32
            %dma_start3A_299 = arith.constant 0 : i32
            %dma_start3A_300 = tpu.memref_slice %run_scoped3A_18[%rem3A_295, %dma_start3A_298, %dma_start3A_299] : memref<2x128x128xf32, #tpu.memory_space<vmem>> -> memref<1x128x128xf32, #tpu.memory_space<vmem>>
            %dma_start3A_301 = tpu.memref_squeeze %dma_start3A_300 : memref<1x128x128xf32, #tpu.memory_space<vmem>> -> memref<128x128xf32, #tpu.memory_space<vmem>>
            %dma_start3A_302 = arith.constant 0 : i32
            %dma_start3A_303 = tpu.memref_slice %arg4[%mul3A_297, %dma_start3A_302] : memref<76800x128xf32, #tpu.memory_space<hbm>> -> memref<128x128xf32, #tpu.memory_space<hbm>>
            %dma_start3A_304 = tpu.memref_slice %run_scoped3A_19[%rem3A_295] : memref<2x!tpu.dma_semaphore, #tpu.memory_space<semaphore_mem>> -> memref<1x!tpu.dma_semaphore, #tpu.memory_space<semaphore_mem>>
            %dma_start3A_305 = tpu.memref_squeeze %dma_start3A_304 : memref<1x!tpu.dma_semaphore, #tpu.memory_space<semaphore_mem>> -> memref<!tpu.dma_semaphore, #tpu.memory_space<semaphore_mem>>
            %dma_start3A_306 = arith.constant 0 : i32
            %dma_start3A_307 = tpu.memref_slice %arg4[%mul3A_297, %dma_start3A_306] : memref<76800x128xf32, #tpu.memory_space<hbm>> -> memref<128x128xf32, #tpu.memory_space<hbm>>
            %dma_start3A_308 = arith.constant 0 : i32
            %dma_start3A_309 = arith.constant 0 : i32
            %dma_start3A_310 = tpu.memref_slice %run_scoped3A_18[%rem3A_295, %dma_start3A_308, %dma_start3A_309] : memref<2x128x128xf32, #tpu.memory_space<vmem>> -> memref<1x128x128xf32, #tpu.memory_space<vmem>>
            %dma_start3A_311 = tpu.memref_squeeze %dma_start3A_310 : memref<1x128x128xf32, #tpu.memory_space<vmem>> -> memref<128x128xf32, #tpu.memory_space<vmem>>
            tpu.enqueue_dma source(%dma_start3A_311 : memref<128x128xf32, #tpu.memory_space<vmem>>) target(%dma_start3A_307 : memref<128x128xf32, #tpu.memory_space<hbm>>) target_semaphore(%dma_start3A_305 : memref<!tpu.dma_semaphore, #tpu.memory_space<semaphore_mem>>)
            "tpu.trace_stop"() : () -> ()
          } else {
          }
          %and3A_248 = arith.constant true
          %and3A_249 = arith.andi %or3A_244, %and3A_248 : i1
          %add3A_250 = arith.constant 1 : i32
          %add3A_251 = arith.addi %while3A_145, %add3A_250 : i32
          %select_n3A_252 = arith.select %and3A_249, %add3A_251, %while3A_145 : i32
          %ne3A_253 = arith.cmpi ne, %add3A_155, %add3A_165 : i32
          %or3A_254 = arith.constant false
          %or3A_255 = arith.ori %or3A_254, %ne3A_253 : i1
          %not3A_256 = arith.constant true
          %not3A_257 = arith.xori %eq3A_151, %not3A_256 : i1
          %and3A_258 = arith.andi %or3A_255, %not3A_257 : i1
          %convert_element_type3A_259 = arith.extui %and3A_258 : i1 to i32
          %cond3A_260 = arith.constant 0 : i32
          %cond3A_261 = arith.cmpi ne, %convert_element_type3A_259, %cond3A_260 : i32
          scf.if %cond3A_261 {
          } else {
          }
          %and3A_262 = arith.constant false
          %and3A_263 = arith.andi %and3A_258, %and3A_262 : i1
          %ne3A_264 = arith.cmpi ne, %add3A_155, %add3A_165 : i32
          %or3A_265 = arith.constant false
          %or3A_266 = arith.ori %or3A_265, %ne3A_264 : i1
          %or3A_267 = arith.constant false
          %or3A_268 = arith.ori %or3A_266, %or3A_267 : i1
          %not3A_269 = arith.constant true
          %not3A_270 = arith.xori %eq3A_151, %not3A_269 : i1
          %and3A_271 = arith.andi %or3A_268, %not3A_270 : i1
          %convert_element_type3A_272 = arith.extui %and3A_271 : i1 to i32
          %cond3A_273 = arith.constant 0 : i32
          %cond3A_274 = arith.cmpi ne, %convert_element_type3A_272, %cond3A_273 : i32
          scf.if %cond3A_274 {
            "tpu.trace_start"() <{level = 10 : i32, message = "ep_wait_out"}> : () -> ()
            %rem3A_294 = arith.constant 2 : i32
            %rem3A_295 = arith.remui %while3A_146, %rem3A_294 : i32
            %mul3A_296 = arith.constant 128 : i32
            %mul3A_297 = arith.muli %mul3A_296, %add3A_165 : i32
            %dma_wait3A = arith.constant 0 : i32
            %dma_wait3A_298 = arith.constant 0 : i32
            %dma_wait3A_299 = tpu.memref_slice %run_scoped3A_18[%rem3A_295, %dma_wait3A, %dma_wait3A_298] : memref<2x128x128xf32, #tpu.memory_space<vmem>> -> memref<1x128x128xf32, #tpu.memory_space<vmem>>
            %dma_wait3A_300 = tpu.memref_squeeze %dma_wait3A_299 : memref<1x128x128xf32, #tpu.memory_space<vmem>> -> memref<128x128xf32, #tpu.memory_space<vmem>>
            %dma_wait3A_301 = arith.constant 0 : i32
            %dma_wait3A_302 = tpu.memref_slice %arg4[%mul3A_297, %dma_wait3A_301] : memref<76800x128xf32, #tpu.memory_space<hbm>> -> memref<128x128xf32, #tpu.memory_space<hbm>>
            %dma_wait3A_303 = tpu.memref_slice %run_scoped3A_19[%rem3A_295] : memref<2x!tpu.dma_semaphore, #tpu.memory_space<semaphore_mem>> -> memref<1x!tpu.dma_semaphore, #tpu.memory_space<semaphore_mem>>
            %dma_wait3A_304 = tpu.memref_squeeze %dma_wait3A_303 : memref<1x!tpu.dma_semaphore, #tpu.memory_space<semaphore_mem>> -> memref<!tpu.dma_semaphore, #tpu.memory_space<semaphore_mem>>
            %dma_wait3A_305 = arith.constant 0 : i32
            %dma_wait3A_306 = tpu.memref_slice %arg4[%mul3A_297, %dma_wait3A_305] : memref<76800x128xf32, #tpu.memory_space<hbm>> -> memref<128x128xf32, #tpu.memory_space<hbm>>
            %dma_wait3A_307 = arith.constant 0 : i32
            %dma_wait3A_308 = arith.constant 0 : i32
            %dma_wait3A_309 = tpu.memref_slice %run_scoped3A_18[%rem3A_295, %dma_wait3A_307, %dma_wait3A_308] : memref<2x128x128xf32, #tpu.memory_space<vmem>> -> memref<1x128x128xf32, #tpu.memory_space<vmem>>
            %dma_wait3A_310 = tpu.memref_squeeze %dma_wait3A_309 : memref<1x128x128xf32, #tpu.memory_space<vmem>> -> memref<128x128xf32, #tpu.memory_space<vmem>>
            tpu.wait_dma2 semaphore(%dma_wait3A_304 : memref<!tpu.dma_semaphore, #tpu.memory_space<semaphore_mem>>) src(%dma_wait3A_310 : memref<128x128xf32, #tpu.memory_space<vmem>>) dst(%dma_wait3A_306 : memref<128x128xf32, #tpu.memory_space<hbm>>)
            "tpu.trace_stop"() : () -> ()
          } else {
          }
          %and3A_275 = arith.constant true
          %and3A_276 = arith.andi %and3A_271, %and3A_275 : i1
          %add3A_277 = arith.constant 1 : i32
          %add3A_278 = arith.addi %while3A_146, %add3A_277 : i32
          %select_n3A_279 = arith.select %and3A_276, %add3A_278, %while3A_146 : i32
          %ne3A_280 = arith.cmpi ne, %add3A_155, %add3A_173 : i32
          %or3A_281 = arith.constant false
          %or3A_282 = arith.ori %or3A_281, %ne3A_280 : i1
          %or3A_283 = arith.ori %or3A_282, %eq3A_154 : i1
          %add3A_284 = arith.constant 1 : i32
          %add3A_285 = arith.addi %while3A_144, %add3A_284 : i32
          %select_n3A_286 = arith.select %or3A_283, %add3A_285, %while3A_144 : i32
          %add3A_287 = arith.constant 1 : i32
          %add3A_288 = arith.addi %while3A_147, %add3A_287 : i32
          %select_n3A_289 = arith.constant true
          %select_n3A_290 = arith.select %select_n3A_289, %add3A_288, %while3A_147 : i32
          %eq3A_291 = arith.cmpi eq, %select_n3A_290, %select_n3A : i32
          %select_n3A_292 = arith.constant 0 : i32
          %select_n3A_293 = arith.select %eq3A_291, %select_n3A_292, %select_n3A_290 : i32
          scf.yield %select_n3A_195, %select_n3A_286, %select_n3A_252, %select_n3A_279, %select_n3A_293 : i32, i32, i32, i32, i32
        }
        %sub3A_91 = arith.constant 1 : i32
        %sub3A_92 = arith.subi %while3A_90#4, %sub3A_91 : i32
        %select_n3A_93 = arith.constant true
        %select_n3A_94 = arith.select %select_n3A_93, %sub3A_92, %while3A_90#4 : i32
        %eq3A_95 = arith.constant -1 : i32
        %eq3A_96 = arith.cmpi eq, %select_n3A_94, %eq3A_95 : i32
        %sub3A_97 = arith.constant 1 : i32
        %sub3A_98 = arith.subi %select_n3A, %sub3A_97 : i32
        %select_n3A_99 = arith.select %eq3A_96, %sub3A_98, %select_n3A_94 : i32
        %sub3A_100 = arith.constant 1 : i32
        %sub3A_101 = arith.subi %mul3A_16, %sub3A_100 : i32
        %mul3A_102 = arith.constant 1 : i32
        %mul3A_103 = arith.muli %mul3A_102, %select_n3A : i32
        %eq3A_104 = arith.constant 0 : i32
        %eq3A_105 = arith.cmpi eq, %sub3A_101, %eq3A_104 : i32
        %sub3A_106 = arith.constant 1 : i32
        %sub3A_107 = arith.subi %mul3A_103, %sub3A_106 : i32
        %eq3A_108 = arith.cmpi eq, %sub3A_101, %sub3A_107 : i32
        %add3A_109 = arith.addi %select_n3A_99, %select_n3A_14 : i32
        %sub3A_110 = arith.constant 1 : i32
        %sub3A_111 = arith.subi %select_n3A_99, %sub3A_110 : i32
        %select_n3A_112 = arith.constant true
        %select_n3A_113 = arith.select %select_n3A_112, %sub3A_111, %select_n3A_99 : i32
        %eq3A_114 = arith.constant -1 : i32
        %eq3A_115 = arith.cmpi eq, %select_n3A_113, %eq3A_114 : i32
        %sub3A_116 = arith.constant 1 : i32
        %sub3A_117 = arith.subi %select_n3A, %sub3A_116 : i32
        %select_n3A_118 = arith.select %eq3A_115, %sub3A_117, %select_n3A_113 : i32
        %add3A_119 = arith.addi %select_n3A_118, %select_n3A_14 : i32
        %add3A_120 = arith.constant 1 : i32
        %add3A_121 = arith.addi %select_n3A_99, %add3A_120 : i32
        %select_n3A_122 = arith.constant true
        %select_n3A_123 = arith.select %select_n3A_122, %add3A_121, %select_n3A_99 : i32
        %eq3A_124 = arith.cmpi eq, %select_n3A_123, %select_n3A : i32
        %select_n3A_125 = arith.constant 0 : i32
        %select_n3A_126 = arith.select %eq3A_124, %select_n3A_125, %select_n3A_123 : i32
        %add3A_127 = arith.addi %select_n3A_126, %select_n3A_14 : i32
        %add3A_128 = arith.constant 1 : i32
        %add3A_129 = arith.addi %select_n3A_126, %add3A_128 : i32
        %select_n3A_130 = arith.constant true
        %select_n3A_131 = arith.select %select_n3A_130, %add3A_129, %select_n3A_126 : i32
        %eq3A_132 = arith.cmpi eq, %select_n3A_131, %select_n3A : i32
        %select_n3A_133 = arith.constant 0 : i32
        %select_n3A_134 = arith.select %eq3A_132, %select_n3A_133, %select_n3A_131 : i32
        %add3A_135 = arith.addi %select_n3A_134, %select_n3A_14 : i32
        %convert_element_type3A_136 = arith.extui %eq3A_108 : i1 to i32
        %cond3A_137 = arith.constant 0 : i32
        %cond3A_138 = arith.cmpi ne, %convert_element_type3A_136, %cond3A_137 : i32
        scf.if %cond3A_138 {
        } else {
        }
        %convert_element_type3A_139 = arith.extui %eq3A_108 : i1 to i32
        %cond3A_140 = arith.constant 0 : i32
        %cond3A_141 = arith.cmpi ne, %convert_element_type3A_139, %cond3A_140 : i32
        scf.if %cond3A_141 {
          "tpu.trace_start"() <{level = 10 : i32, message = "ep_finalize"}> : () -> ()
          %rem3A_142 = arith.constant 2 : i32
          %rem3A_143 = arith.remui %while3A_90#3, %rem3A_142 : i32
          %mul3A_144 = arith.constant 128 : i32
          %mul3A_145 = arith.muli %mul3A_144, %add3A_109 : i32
          %dma_wait3A = arith.constant 0 : i32
          %dma_wait3A_146 = arith.constant 0 : i32
          %dma_wait3A_147 = tpu.memref_slice %run_scoped3A_18[%rem3A_143, %dma_wait3A, %dma_wait3A_146] : memref<2x128x128xf32, #tpu.memory_space<vmem>> -> memref<1x128x128xf32, #tpu.memory_space<vmem>>
          %dma_wait3A_148 = tpu.memref_squeeze %dma_wait3A_147 : memref<1x128x128xf32, #tpu.memory_space<vmem>> -> memref<128x128xf32, #tpu.memory_space<vmem>>
          %dma_wait3A_149 = arith.constant 0 : i32
          %dma_wait3A_150 = tpu.memref_slice %arg4[%mul3A_145, %dma_wait3A_149] : memref<76800x128xf32, #tpu.memory_space<hbm>> -> memref<128x128xf32, #tpu.memory_space<hbm>>
          %dma_wait3A_151 = tpu.memref_slice %run_scoped3A_19[%rem3A_143] : memref<2x!tpu.dma_semaphore, #tpu.memory_space<semaphore_mem>> -> memref<1x!tpu.dma_semaphore, #tpu.memory_space<semaphore_mem>>
          %dma_wait3A_152 = tpu.memref_squeeze %dma_wait3A_151 : memref<1x!tpu.dma_semaphore, #tpu.memory_space<semaphore_mem>> -> memref<!tpu.dma_semaphore, #tpu.memory_space<semaphore_mem>>
          %dma_wait3A_153 = arith.constant 0 : i32
          %dma_wait3A_154 = tpu.memref_slice %arg4[%mul3A_145, %dma_wait3A_153] : memref<76800x128xf32, #tpu.memory_space<hbm>> -> memref<128x128xf32, #tpu.memory_space<hbm>>
          %dma_wait3A_155 = arith.constant 0 : i32
          %dma_wait3A_156 = arith.constant 0 : i32
          %dma_wait3A_157 = tpu.memref_slice %run_scoped3A_18[%rem3A_143, %dma_wait3A_155, %dma_wait3A_156] : memref<2x128x128xf32, #tpu.memory_space<vmem>> -> memref<1x128x128xf32, #tpu.memory_space<vmem>>
          %dma_wait3A_158 = tpu.memref_squeeze %dma_wait3A_157 : memref<1x128x128xf32, #tpu.memory_space<vmem>> -> memref<128x128xf32, #tpu.memory_space<vmem>>
          tpu.wait_dma2 semaphore(%dma_wait3A_152 : memref<!tpu.dma_semaphore, #tpu.memory_space<semaphore_mem>>) src(%dma_wait3A_158 : memref<128x128xf32, #tpu.memory_space<vmem>>) dst(%dma_wait3A_154 : memref<128x128xf32, #tpu.memory_space<hbm>>)
          "tpu.trace_stop"() : () -> ()
        } else {
        }
      } else {
      }
      tpu.yield
    }) : () -> ()
    return
  }
}

#map = affine_map<(d0, d1) -> (0, 0)>
module attributes {stable_mosaic.version = 14 : i64} {
  func.func @gather_kernel(%arg0: i32, %arg1: i32, %arg2: memref<10000x128xf32, #tpu.memory_space<hbm>>, %arg3: memref<1x89600xi32, #tpu.memory_space<hbm>>, %arg4: memref<89600x128xf32, #tpu.memory_space<hbm>>) attributes {dimension_semantics = [#tpu.dimension_semantics<core_parallel>, #tpu.dimension_semantics<subcore_parallel>], iteration_bounds = array<i64: 2, 16>, scalar_prefetch = 0 : i64, scratch_operands = 0 : i64, tpu.core_type = #tpu.core_type<sc_vector_subcore>, window_params = [{transform_indices = #map}, {transform_indices = #map}, {transform_indices = #map}]} {
    %mul3A = arith.constant 1 : i32
    %mul3A_0 = arith.muli %arg1, %mul3A : i32
    %add3A = arith.constant 0 : i32
    %add3A_1 = arith.addi %add3A, %mul3A_0 : i32
    %mul3A_2 = arith.constant 16 : i32
    %mul3A_3 = arith.muli %arg0, %mul3A_2 : i32
    %add3A_4 = arith.addi %add3A_1, %mul3A_3 : i32
    %lt3A = arith.constant 28 : i32
    %lt3A_5 = arith.cmpi slt, %add3A_4, %lt3A : i32
    %jit3A = arith.constant 22 : i32
    %jit3A_6 = arith.constant 21 : i32
    %select_n3A = arith.select %lt3A_5, %jit3A, %jit3A_6 : i32
    %lt3A_7 = arith.constant 28 : i32
    %lt3A_8 = arith.cmpi slt, %add3A_4, %lt3A_7 : i32
    %mul3A_9 = arith.muli %add3A_4, %select_n3A : i32
    %mul3A_10 = arith.constant 21 : i32
    %mul3A_11 = arith.muli %add3A_4, %mul3A_10 : i32
    %add3A_12 = arith.constant 28 : i32
    %add3A_13 = arith.addi %mul3A_11, %add3A_12 : i32
    %select_n3A_14 = arith.select %lt3A_8, %mul3A_9, %add3A_13 : i32
    %mul3A_15 = arith.constant 1 : i32
    %mul3A_16 = arith.muli %mul3A_15, %select_n3A : i32
    "tpu.region"() ({
      %run_scoped3A = memref.alloca() : memref<2x1x128xi32, #tpu.memory_space<vmem>>
      %run_scoped3A_17 = tpu.sem_alloc : memref<2x!tpu.dma_semaphore, #tpu.memory_space<semaphore_mem>>
      %run_scoped3A_18 = memref.alloca() : memref<2x128x128xf32, #tpu.memory_space<vmem>>
      %run_scoped3A_19 = tpu.sem_alloc : memref<2x!tpu.dma_semaphore, #tpu.memory_space<semaphore_mem>>
      %gt3A = arith.constant 0 : i32
      %gt3A_20 = arith.cmpi sgt, %mul3A_16, %gt3A : i32
      %convert_element_type3A = arith.extui %gt3A_20 : i1 to i32
      %cond3A = arith.constant 0 : i32
      %cond3A_21 = arith.cmpi ne, %convert_element_type3A, %cond3A : i32
      scf.if %cond3A_21 {
        %mul3A_22 = arith.constant 1 : i32
        %mul3A_23 = arith.muli %mul3A_22, %select_n3A : i32
        %sub3A = arith.constant 1 : i32
        %sub3A_24 = arith.subi %mul3A_23, %sub3A : i32
        %eq3A = arith.constant 0 : i32
        %eq3A_25 = arith.cmpi eq, %sub3A_24, %eq3A : i32
        %add3A_26 = arith.constant 0 : i32
        %add3A_27 = arith.addi %add3A_26, %select_n3A_14 : i32
        %select_n3A_28 = arith.constant true
        %select_n3A_29 = arith.constant 0 : i32
        %select_n3A_30 = arith.constant -1 : i32
        %select_n3A_31 = arith.select %select_n3A_28, %select_n3A_30, %select_n3A_29 : i32
        %eq3A_32 = arith.constant -1 : i32
        %eq3A_33 = arith.cmpi eq, %select_n3A_31, %eq3A_32 : i32
        %sub3A_34 = arith.constant 1 : i32
        %sub3A_35 = arith.subi %select_n3A, %sub3A_34 : i32
        %select_n3A_36 = arith.select %eq3A_33, %sub3A_35, %select_n3A_31 : i32
        %add3A_37 = arith.addi %select_n3A_36, %select_n3A_14 : i32
        %select_n3A_38 = arith.constant true
        %select_n3A_39 = arith.constant 0 : i32
        %select_n3A_40 = arith.constant 1 : i32
        %select_n3A_41 = arith.select %select_n3A_38, %select_n3A_40, %select_n3A_39 : i32
        %eq3A_42 = arith.cmpi eq, %select_n3A_41, %select_n3A : i32
        %select_n3A_43 = arith.constant 0 : i32
        %select_n3A_44 = arith.select %eq3A_42, %select_n3A_43, %select_n3A_41 : i32
        %add3A_45 = arith.addi %select_n3A_44, %select_n3A_14 : i32
        %add3A_46 = arith.constant 1 : i32
        %add3A_47 = arith.addi %select_n3A_44, %add3A_46 : i32
        %select_n3A_48 = arith.constant true
        %select_n3A_49 = arith.select %select_n3A_48, %add3A_47, %select_n3A_44 : i32
        %eq3A_50 = arith.cmpi eq, %select_n3A_49, %select_n3A : i32
        %select_n3A_51 = arith.constant 0 : i32
        %select_n3A_52 = arith.select %eq3A_50, %select_n3A_51, %select_n3A_49 : i32
        %add3A_53 = arith.addi %select_n3A_52, %select_n3A_14 : i32
        "tpu.trace_start"() <{level = 10 : i32, message = "ep_initialize_0"}> : () -> ()
        %rem3A = arith.constant 0 : i32
        %rem3A_54 = arith.constant 2 : i32
        %rem3A_55 = arith.remui %rem3A, %rem3A_54 : i32
        %mul3A_56 = arith.constant 128 : i32
        %mul3A_57 = arith.muli %mul3A_56, %add3A_27 : i32
        %dma_start3A = arith.constant 0 : i32
        %dma_start3A_58 = arith.constant 0 : i32
        %dma_start3A_59 = tpu.memref_slice %run_scoped3A[%rem3A_55, %dma_start3A, %dma_start3A_58] : memref<2x1x128xi32, #tpu.memory_space<vmem>> -> memref<1x1x128xi32, #tpu.memory_space<vmem>>
        %dma_start3A_60 = tpu.memref_squeeze %dma_start3A_59 : memref<1x1x128xi32, #tpu.memory_space<vmem>> -> memref<1x128xi32, #tpu.memory_space<vmem>>
        %dma_start3A_61 = arith.constant 0 : i32
        %dma_start3A_62 = tpu.memref_slice %arg3[%dma_start3A_61, %mul3A_57] : memref<1x89600xi32, #tpu.memory_space<hbm>> -> memref<1x128xi32, #tpu.memory_space<hbm>>
        %dma_start3A_63 = tpu.memref_slice %run_scoped3A_17[%rem3A_55] : memref<2x!tpu.dma_semaphore, #tpu.memory_space<semaphore_mem>> -> memref<1x!tpu.dma_semaphore, #tpu.memory_space<semaphore_mem>>
        %dma_start3A_64 = tpu.memref_squeeze %dma_start3A_63 : memref<1x!tpu.dma_semaphore, #tpu.memory_space<semaphore_mem>> -> memref<!tpu.dma_semaphore, #tpu.memory_space<semaphore_mem>>
        %dma_start3A_65 = arith.constant 0 : i32
        %dma_start3A_66 = arith.constant 0 : i32
        %dma_start3A_67 = tpu.memref_slice %run_scoped3A[%rem3A_55, %dma_start3A_65, %dma_start3A_66] : memref<2x1x128xi32, #tpu.memory_space<vmem>> -> memref<1x1x128xi32, #tpu.memory_space<vmem>>
        %dma_start3A_68 = tpu.memref_squeeze %dma_start3A_67 : memref<1x1x128xi32, #tpu.memory_space<vmem>> -> memref<1x128xi32, #tpu.memory_space<vmem>>
        %dma_start3A_69 = arith.constant 0 : i32
        %dma_start3A_70 = tpu.memref_slice %arg3[%dma_start3A_69, %mul3A_57] : memref<1x89600xi32, #tpu.memory_space<hbm>> -> memref<1x128xi32, #tpu.memory_space<hbm>>
        tpu.enqueue_dma source(%dma_start3A_70 : memref<1x128xi32, #tpu.memory_space<hbm>>) target(%dma_start3A_68 : memref<1x128xi32, #tpu.memory_space<vmem>>) target_semaphore(%dma_start3A_64 : memref<!tpu.dma_semaphore, #tpu.memory_space<semaphore_mem>>)
        %add3A_71 = arith.constant 0 : i32
        %add3A_72 = arith.constant 1 : i32
        %add3A_73 = arith.addi %add3A_71, %add3A_72 : i32
        %select_n3A_74 = arith.constant true
        %select_n3A_75 = arith.constant 0 : i32
        %select_n3A_76 = arith.select %select_n3A_74, %add3A_73, %select_n3A_75 : i32
        %while3A = arith.constant 0 : i32
        %while3A_77 = arith.constant 0 : i32
        %while3A_78 = arith.constant 0 : i32
        %while3A_79 = arith.constant 0 : i32
        %while3A_80 = arith.constant 0 : i32
        "tpu.trace_stop"() : () -> ()
        %while3A_81 = arith.subi %mul3A_16, %while3A : i32
        %while3A_82 = arith.addi %while3A, %while3A_81 : i32
        %while3A_83 = arith.constant 1 : i32
        %while3A_84 = arith.divsi %while3A_81, %while3A_83 : i32
        %while3A_85 = arith.muli %while3A_84, %while3A_83 : i32
        %while3A_86 = arith.addi %while3A, %while3A_85 : i32
        %while3A_87 = arith.constant 1 : i32
        %while3A_88:5 = scf.for %while3A_142 = %while3A to %while3A_86 step %while3A_87 iter_args(%while3A_143 = %select_n3A_76, %while3A_144 = %while3A_77, %while3A_145 = %while3A_78, %while3A_146 = %while3A_79, %while3A_147 = %while3A_80) -> (i32, i32, i32, i32, i32)  : i32 {
          %mul3A_148 = arith.constant 1 : i32
          %mul3A_149 = arith.muli %mul3A_148, %select_n3A : i32
          %eq3A_150 = arith.constant 0 : i32
          %eq3A_151 = arith.cmpi eq, %while3A_142, %eq3A_150 : i32
          %sub3A_152 = arith.constant 1 : i32
          %sub3A_153 = arith.subi %mul3A_149, %sub3A_152 : i32
          %eq3A_154 = arith.cmpi eq, %while3A_142, %sub3A_153 : i32
          %add3A_155 = arith.addi %while3A_147, %select_n3A_14 : i32
          %sub3A_156 = arith.constant 1 : i32
          %sub3A_157 = arith.subi %while3A_147, %sub3A_156 : i32
          %select_n3A_158 = arith.constant true
          %select_n3A_159 = arith.select %select_n3A_158, %sub3A_157, %while3A_147 : i32
          %eq3A_160 = arith.constant -1 : i32
          %eq3A_161 = arith.cmpi eq, %select_n3A_159, %eq3A_160 : i32
          %sub3A_162 = arith.constant 1 : i32
          %sub3A_163 = arith.subi %select_n3A, %sub3A_162 : i32
          %select_n3A_164 = arith.select %eq3A_161, %sub3A_163, %select_n3A_159 : i32
          %add3A_165 = arith.addi %select_n3A_164, %select_n3A_14 : i32
          %add3A_166 = arith.constant 1 : i32
          %add3A_167 = arith.addi %while3A_147, %add3A_166 : i32
          %select_n3A_168 = arith.constant true
          %select_n3A_169 = arith.select %select_n3A_168, %add3A_167, %while3A_147 : i32
          %eq3A_170 = arith.cmpi eq, %select_n3A_169, %select_n3A : i32
          %select_n3A_171 = arith.constant 0 : i32
          %select_n3A_172 = arith.select %eq3A_170, %select_n3A_171, %select_n3A_169 : i32
          %add3A_173 = arith.addi %select_n3A_172, %select_n3A_14 : i32
          %add3A_174 = arith.constant 1 : i32
          %add3A_175 = arith.addi %select_n3A_172, %add3A_174 : i32
          %select_n3A_176 = arith.constant true
          %select_n3A_177 = arith.select %select_n3A_176, %add3A_175, %select_n3A_172 : i32
          %eq3A_178 = arith.cmpi eq, %select_n3A_177, %select_n3A : i32
          %select_n3A_179 = arith.constant 0 : i32
          %select_n3A_180 = arith.select %eq3A_178, %select_n3A_179, %select_n3A_177 : i32
          %add3A_181 = arith.addi %select_n3A_180, %select_n3A_14 : i32
          %ne3A = arith.cmpi ne, %add3A_155, %add3A_173 : i32
          %or3A = arith.constant false
          %or3A_182 = arith.ori %or3A, %ne3A : i1
          %sub3A_183 = arith.constant 2 : i32
          %sub3A_184 = arith.subi %mul3A_149, %sub3A_183 : i32
          %add3A_185 = arith.constant 1 : i32
          %add3A_186 = arith.addi %sub3A_184, %add3A_185 : i32
          %ge3A = arith.cmpi sge, %while3A_142, %add3A_186 : i32
          %not3A = arith.constant true
          %not3A_187 = arith.xori %ge3A, %not3A : i1
          %and3A = arith.andi %or3A_182, %not3A_187 : i1
          %convert_element_type3A_188 = arith.extui %and3A : i1 to i32
          %cond3A_189 = arith.constant 0 : i32
          %cond3A_190 = arith.cmpi ne, %convert_element_type3A_188, %cond3A_189 : i32
          scf.if %cond3A_190 {
            "tpu.trace_start"() <{level = 10 : i32, message = "ep_copy_in"}> : () -> ()
            %rem3A_294 = arith.constant 2 : i32
            %rem3A_295 = arith.remui %while3A_143, %rem3A_294 : i32
            %mul3A_296 = arith.constant 128 : i32
            %mul3A_297 = arith.muli %mul3A_296, %add3A_173 : i32
            %dma_start3A_298 = arith.constant 0 : i32
            %dma_start3A_299 = arith.constant 0 : i32
            %dma_start3A_300 = tpu.memref_slice %run_scoped3A[%rem3A_295, %dma_start3A_298, %dma_start3A_299] : memref<2x1x128xi32, #tpu.memory_space<vmem>> -> memref<1x1x128xi32, #tpu.memory_space<vmem>>
            %dma_start3A_301 = tpu.memref_squeeze %dma_start3A_300 : memref<1x1x128xi32, #tpu.memory_space<vmem>> -> memref<1x128xi32, #tpu.memory_space<vmem>>
            %dma_start3A_302 = arith.constant 0 : i32
            %dma_start3A_303 = tpu.memref_slice %arg3[%dma_start3A_302, %mul3A_297] : memref<1x89600xi32, #tpu.memory_space<hbm>> -> memref<1x128xi32, #tpu.memory_space<hbm>>
            %dma_start3A_304 = tpu.memref_slice %run_scoped3A_17[%rem3A_295] : memref<2x!tpu.dma_semaphore, #tpu.memory_space<semaphore_mem>> -> memref<1x!tpu.dma_semaphore, #tpu.memory_space<semaphore_mem>>
            %dma_start3A_305 = tpu.memref_squeeze %dma_start3A_304 : memref<1x!tpu.dma_semaphore, #tpu.memory_space<semaphore_mem>> -> memref<!tpu.dma_semaphore, #tpu.memory_space<semaphore_mem>>
            %dma_start3A_306 = arith.constant 0 : i32
            %dma_start3A_307 = arith.constant 0 : i32
            %dma_start3A_308 = tpu.memref_slice %run_scoped3A[%rem3A_295, %dma_start3A_306, %dma_start3A_307] : memref<2x1x128xi32, #tpu.memory_space<vmem>> -> memref<1x1x128xi32, #tpu.memory_space<vmem>>
            %dma_start3A_309 = tpu.memref_squeeze %dma_start3A_308 : memref<1x1x128xi32, #tpu.memory_space<vmem>> -> memref<1x128xi32, #tpu.memory_space<vmem>>
            %dma_start3A_310 = arith.constant 0 : i32
            %dma_start3A_311 = tpu.memref_slice %arg3[%dma_start3A_310, %mul3A_297] : memref<1x89600xi32, #tpu.memory_space<hbm>> -> memref<1x128xi32, #tpu.memory_space<hbm>>
            tpu.enqueue_dma source(%dma_start3A_311 : memref<1x128xi32, #tpu.memory_space<hbm>>) target(%dma_start3A_309 : memref<1x128xi32, #tpu.memory_space<vmem>>) target_semaphore(%dma_start3A_305 : memref<!tpu.dma_semaphore, #tpu.memory_space<semaphore_mem>>)
            "tpu.trace_stop"() : () -> ()
          } else {
          }
          %and3A_191 = arith.constant true
          %and3A_192 = arith.andi %and3A, %and3A_191 : i1
          %add3A_193 = arith.constant 1 : i32
          %add3A_194 = arith.addi %while3A_143, %add3A_193 : i32
          %select_n3A_195 = arith.select %and3A_192, %add3A_194, %while3A_143 : i32
          %ne3A_196 = arith.cmpi ne, %add3A_155, %add3A_173 : i32
          %or3A_197 = arith.constant false
          %or3A_198 = arith.ori %or3A_197, %ne3A_196 : i1
          %or3A_199 = arith.constant false
          %or3A_200 = arith.ori %or3A_198, %or3A_199 : i1
          %sub3A_201 = arith.constant 2 : i32
          %sub3A_202 = arith.subi %mul3A_149, %sub3A_201 : i32
          %add3A_203 = arith.constant 1 : i32
          %add3A_204 = arith.addi %sub3A_202, %add3A_203 : i32
          %ge3A_205 = arith.cmpi sge, %while3A_142, %add3A_204 : i32
          %not3A_206 = arith.constant true
          %not3A_207 = arith.xori %ge3A_205, %not3A_206 : i1
          %and3A_208 = arith.andi %or3A_200, %not3A_207 : i1
          %ne3A_209 = arith.cmpi ne, %add3A_155, %add3A_165 : i32
          %or3A_210 = arith.constant false
          %or3A_211 = arith.ori %or3A_210, %ne3A_209 : i1
          %or3A_212 = arith.ori %or3A_211, %eq3A_151 : i1
          %convert_element_type3A_213 = arith.extui %or3A_212 : i1 to i32
          %cond3A_214 = arith.constant 0 : i32
          %cond3A_215 = arith.cmpi ne, %convert_element_type3A_213, %cond3A_214 : i32
          scf.if %cond3A_215 {
            "tpu.trace_start"() <{level = 10 : i32, message = "ep_wait_in"}> : () -> ()
            %mul3A_294 = arith.constant 128 : i32
            %mul3A_295 = arith.muli %mul3A_294, %add3A_155 : i32
            %rem3A_296 = arith.constant 2 : i32
            %rem3A_297 = arith.remui %while3A_144, %rem3A_296 : i32
            %dma_wait3A = arith.constant 0 : i32
            %dma_wait3A_298 = arith.constant 0 : i32
            %dma_wait3A_299 = tpu.memref_slice %run_scoped3A[%rem3A_297, %dma_wait3A, %dma_wait3A_298] : memref<2x1x128xi32, #tpu.memory_space<vmem>> -> memref<1x1x128xi32, #tpu.memory_space<vmem>>
            %dma_wait3A_300 = tpu.memref_squeeze %dma_wait3A_299 : memref<1x1x128xi32, #tpu.memory_space<vmem>> -> memref<1x128xi32, #tpu.memory_space<vmem>>
            %dma_wait3A_301 = arith.constant 0 : i32
            %dma_wait3A_302 = tpu.memref_slice %arg3[%dma_wait3A_301, %mul3A_295] : memref<1x89600xi32, #tpu.memory_space<hbm>> -> memref<1x128xi32, #tpu.memory_space<hbm>>
            %dma_wait3A_303 = tpu.memref_slice %run_scoped3A_17[%rem3A_297] : memref<2x!tpu.dma_semaphore, #tpu.memory_space<semaphore_mem>> -> memref<1x!tpu.dma_semaphore, #tpu.memory_space<semaphore_mem>>
            %dma_wait3A_304 = tpu.memref_squeeze %dma_wait3A_303 : memref<1x!tpu.dma_semaphore, #tpu.memory_space<semaphore_mem>> -> memref<!tpu.dma_semaphore, #tpu.memory_space<semaphore_mem>>
            %dma_wait3A_305 = arith.constant 0 : i32
            %dma_wait3A_306 = arith.constant 0 : i32
            %dma_wait3A_307 = tpu.memref_slice %run_scoped3A[%rem3A_297, %dma_wait3A_305, %dma_wait3A_306] : memref<2x1x128xi32, #tpu.memory_space<vmem>> -> memref<1x1x128xi32, #tpu.memory_space<vmem>>
            %dma_wait3A_308 = tpu.memref_squeeze %dma_wait3A_307 : memref<1x1x128xi32, #tpu.memory_space<vmem>> -> memref<1x128xi32, #tpu.memory_space<vmem>>
            %dma_wait3A_309 = arith.constant 0 : i32
            %dma_wait3A_310 = tpu.memref_slice %arg3[%dma_wait3A_309, %mul3A_295] : memref<1x89600xi32, #tpu.memory_space<hbm>> -> memref<1x128xi32, #tpu.memory_space<hbm>>
            tpu.wait_dma2 semaphore(%dma_wait3A_304 : memref<!tpu.dma_semaphore, #tpu.memory_space<semaphore_mem>>) src(%dma_wait3A_310 : memref<1x128xi32, #tpu.memory_space<hbm>>) dst(%dma_wait3A_308 : memref<1x128xi32, #tpu.memory_space<vmem>>)
            "tpu.trace_stop"() : () -> ()
          } else {
          }
          %ne3A_216 = arith.cmpi ne, %add3A_155, %add3A_165 : i32
          %or3A_217 = arith.constant false
          %or3A_218 = arith.ori %or3A_217, %ne3A_216 : i1
          %or3A_219 = arith.constant false
          %or3A_220 = arith.ori %or3A_218, %or3A_219 : i1
          %or3A_221 = arith.ori %or3A_220, %eq3A_151 : i1
          %convert_element_type3A_222 = arith.extui %or3A_221 : i1 to i32
          %cond3A_223 = arith.constant 0 : i32
          %cond3A_224 = arith.cmpi ne, %convert_element_type3A_222, %cond3A_223 : i32
          scf.if %cond3A_224 {
          } else {
          }
          %rem3A_225 = arith.constant 2 : i32
          %rem3A_226 = arith.remui %while3A_144, %rem3A_225 : i32
          %rem3A_227 = arith.constant 2 : i32
          %rem3A_228 = arith.remui %while3A_145, %rem3A_227 : i32
          %run_scoped3A_229 = arith.constant 0 : i32
          "tpu.trace_start"() <{level = 10 : i32, message = "ep_run_kernel"}> : () -> ()
          "tpu.region"() ({
            %run_scoped3A_294 = tpu.sem_alloc : memref<!tpu.dma_semaphore, #tpu.memory_space<semaphore_mem>>
            %dma_start3A_295 = arith.constant 0 : i32
            %dma_start3A_296 = arith.constant 0 : i32
            %dma_start3A_297 = tpu.memref_slice %run_scoped3A_18[%rem3A_228, %dma_start3A_295, %dma_start3A_296] : memref<2x128x128xf32, #tpu.memory_space<vmem>> -> memref<1x128x128xf32, #tpu.memory_space<vmem>>
            %dma_start3A_298 = tpu.memref_squeeze %dma_start3A_297 : memref<1x128x128xf32, #tpu.memory_space<vmem>> -> memref<128x128xf32, #tpu.memory_space<vmem>>
            %dma_start3A_299 = arith.constant 0 : i32
            %dma_start3A_300 = arith.constant 0 : i32
            %dma_start3A_301 = tpu.memref_slice %run_scoped3A[%rem3A_226, %dma_start3A_299, %dma_start3A_300] : memref<2x1x128xi32, #tpu.memory_space<vmem>> -> memref<1x1x128xi32, #tpu.memory_space<vmem>>
            %dma_start3A_302 = tpu.memref_squeeze %dma_start3A_301 : memref<1x1x128xi32, #tpu.memory_space<vmem>> -> memref<1x128xi32, #tpu.memory_space<vmem>>
            %dma_start3A_303 = arith.constant 0 : i32
            %dma_start3A_304 = tpu.memref_slice %dma_start3A_302[%run_scoped3A_229, %dma_start3A_303] : memref<1x128xi32, #tpu.memory_space<vmem>> -> memref<1x128xi32, #tpu.memory_space<vmem>>
            %dma_start3A_305 = tpu.memref_squeeze %dma_start3A_304 : memref<1x128xi32, #tpu.memory_space<vmem>> -> memref<128xi32, #tpu.memory_space<vmem>>
            %dma_start3A_306 = arith.constant 0 : i32
            %dma_start3A_307 = arith.constant 0 : i32
            %dma_start3A_308 = tpu.memref_slice %arg2[%dma_start3A_306, %dma_start3A_307] : memref<10000x128xf32, #tpu.memory_space<hbm>> -> memref<10000x128xf32, #tpu.memory_space<hbm>>
            tpu.enqueue_indirect_dma source(%dma_start3A_308 : memref<10000x128xf32, #tpu.memory_space<hbm>>) target(%dma_start3A_298 : memref<128x128xf32, #tpu.memory_space<vmem>>) offsets(%dma_start3A_305 : memref<128xi32, #tpu.memory_space<vmem>>) semaphore(%run_scoped3A_294 : memref<!tpu.dma_semaphore, #tpu.memory_space<semaphore_mem>>)
            %dma_wait3A = arith.constant 0 : i32
            %dma_wait3A_309 = arith.constant 0 : i32
            %dma_wait3A_310 = tpu.memref_slice %run_scoped3A_18[%rem3A_228, %dma_wait3A, %dma_wait3A_309] : memref<2x128x128xf32, #tpu.memory_space<vmem>> -> memref<1x128x128xf32, #tpu.memory_space<vmem>>
            %dma_wait3A_311 = tpu.memref_squeeze %dma_wait3A_310 : memref<1x128x128xf32, #tpu.memory_space<vmem>> -> memref<128x128xf32, #tpu.memory_space<vmem>>
            %dma_wait3A_312 = arith.constant 0 : i32
            %dma_wait3A_313 = arith.constant 0 : i32
            %dma_wait3A_314 = tpu.memref_slice %run_scoped3A[%rem3A_226, %dma_wait3A_312, %dma_wait3A_313] : memref<2x1x128xi32, #tpu.memory_space<vmem>> -> memref<1x1x128xi32, #tpu.memory_space<vmem>>
            %dma_wait3A_315 = tpu.memref_squeeze %dma_wait3A_314 : memref<1x1x128xi32, #tpu.memory_space<vmem>> -> memref<1x128xi32, #tpu.memory_space<vmem>>
            %dma_wait3A_316 = arith.constant 0 : i32
            %dma_wait3A_317 = tpu.memref_slice %dma_wait3A_315[%run_scoped3A_229, %dma_wait3A_316] : memref<1x128xi32, #tpu.memory_space<vmem>> -> memref<1x128xi32, #tpu.memory_space<vmem>>
            %dma_wait3A_318 = tpu.memref_squeeze %dma_wait3A_317 : memref<1x128xi32, #tpu.memory_space<vmem>> -> memref<128xi32, #tpu.memory_space<vmem>>
            %dma_wait3A_319 = arith.constant 0 : i32
            %dma_wait3A_320 = arith.constant 0 : i32
            %dma_wait3A_321 = tpu.memref_slice %arg2[%dma_wait3A_319, %dma_wait3A_320] : memref<10000x128xf32, #tpu.memory_space<hbm>> -> memref<10000x128xf32, #tpu.memory_space<hbm>>
            tpu.wait_indirect_dma semaphore(%run_scoped3A_294 : memref<!tpu.dma_semaphore, #tpu.memory_space<semaphore_mem>>) src(%dma_wait3A_321 : memref<10000x128xf32, #tpu.memory_space<hbm>>) dst(%dma_wait3A_311 : memref<128x128xf32, #tpu.memory_space<vmem>>)
            tpu.yield
          }) : () -> ()
          "tpu.trace_stop"() : () -> ()
          %ne3A_230 = arith.cmpi ne, %add3A_155, %add3A_173 : i32
          %or3A_231 = arith.constant false
          %or3A_232 = arith.ori %or3A_231, %ne3A_230 : i1
          %or3A_233 = arith.ori %or3A_232, %eq3A_154 : i1
          %convert_element_type3A_234 = arith.extui %or3A_233 : i1 to i32
          %cond3A_235 = arith.constant 0 : i32
          %cond3A_236 = arith.cmpi ne, %convert_element_type3A_234, %cond3A_235 : i32
          scf.if %cond3A_236 {
          } else {
          }
          %and3A_237 = arith.constant false
          %and3A_238 = arith.andi %or3A_233, %and3A_237 : i1
          %ne3A_239 = arith.cmpi ne, %add3A_155, %add3A_173 : i32
          %or3A_240 = arith.constant false
          %or3A_241 = arith.ori %or3A_240, %ne3A_239 : i1
          %or3A_242 = arith.constant false
          %or3A_243 = arith.ori %or3A_241, %or3A_242 : i1
          %or3A_244 = arith.ori %or3A_243, %eq3A_154 : i1
          %convert_element_type3A_245 = arith.extui %or3A_244 : i1 to i32
          %cond3A_246 = arith.constant 0 : i32
          %cond3A_247 = arith.cmpi ne, %convert_element_type3A_245, %cond3A_246 : i32
          scf.if %cond3A_247 {
            "tpu.trace_start"() <{level = 10 : i32, message = "ep_copy_out"}> : () -> ()
            %rem3A_294 = arith.constant 2 : i32
            %rem3A_295 = arith.remui %while3A_145, %rem3A_294 : i32
            %mul3A_296 = arith.constant 128 : i32
            %mul3A_297 = arith.muli %mul3A_296, %add3A_155 : i32
            %dma_start3A_298 = arith.constant 0 : i32
            %dma_start3A_299 = arith.constant 0 : i32
            %dma_start3A_300 = tpu.memref_slice %run_scoped3A_18[%rem3A_295, %dma_start3A_298, %dma_start3A_299] : memref<2x128x128xf32, #tpu.memory_space<vmem>> -> memref<1x128x128xf32, #tpu.memory_space<vmem>>
            %dma_start3A_301 = tpu.memref_squeeze %dma_start3A_300 : memref<1x128x128xf32, #tpu.memory_space<vmem>> -> memref<128x128xf32, #tpu.memory_space<vmem>>
            %dma_start3A_302 = arith.constant 0 : i32
            %dma_start3A_303 = tpu.memref_slice %arg4[%mul3A_297, %dma_start3A_302] : memref<89600x128xf32, #tpu.memory_space<hbm>> -> memref<128x128xf32, #tpu.memory_space<hbm>>
            %dma_start3A_304 = tpu.memref_slice %run_scoped3A_19[%rem3A_295] : memref<2x!tpu.dma_semaphore, #tpu.memory_space<semaphore_mem>> -> memref<1x!tpu.dma_semaphore, #tpu.memory_space<semaphore_mem>>
            %dma_start3A_305 = tpu.memref_squeeze %dma_start3A_304 : memref<1x!tpu.dma_semaphore, #tpu.memory_space<semaphore_mem>> -> memref<!tpu.dma_semaphore, #tpu.memory_space<semaphore_mem>>
            %dma_start3A_306 = arith.constant 0 : i32
            %dma_start3A_307 = tpu.memref_slice %arg4[%mul3A_297, %dma_start3A_306] : memref<89600x128xf32, #tpu.memory_space<hbm>> -> memref<128x128xf32, #tpu.memory_space<hbm>>
            %dma_start3A_308 = arith.constant 0 : i32
            %dma_start3A_309 = arith.constant 0 : i32
            %dma_start3A_310 = tpu.memref_slice %run_scoped3A_18[%rem3A_295, %dma_start3A_308, %dma_start3A_309] : memref<2x128x128xf32, #tpu.memory_space<vmem>> -> memref<1x128x128xf32, #tpu.memory_space<vmem>>
            %dma_start3A_311 = tpu.memref_squeeze %dma_start3A_310 : memref<1x128x128xf32, #tpu.memory_space<vmem>> -> memref<128x128xf32, #tpu.memory_space<vmem>>
            tpu.enqueue_dma source(%dma_start3A_311 : memref<128x128xf32, #tpu.memory_space<vmem>>) target(%dma_start3A_307 : memref<128x128xf32, #tpu.memory_space<hbm>>) target_semaphore(%dma_start3A_305 : memref<!tpu.dma_semaphore, #tpu.memory_space<semaphore_mem>>)
            "tpu.trace_stop"() : () -> ()
          } else {
          }
          %and3A_248 = arith.constant true
          %and3A_249 = arith.andi %or3A_244, %and3A_248 : i1
          %add3A_250 = arith.constant 1 : i32
          %add3A_251 = arith.addi %while3A_145, %add3A_250 : i32
          %select_n3A_252 = arith.select %and3A_249, %add3A_251, %while3A_145 : i32
          %ne3A_253 = arith.cmpi ne, %add3A_155, %add3A_165 : i32
          %or3A_254 = arith.constant false
          %or3A_255 = arith.ori %or3A_254, %ne3A_253 : i1
          %not3A_256 = arith.constant true
          %not3A_257 = arith.xori %eq3A_151, %not3A_256 : i1
          %and3A_258 = arith.andi %or3A_255, %not3A_257 : i1
          %convert_element_type3A_259 = arith.extui %and3A_258 : i1 to i32
          %cond3A_260 = arith.constant 0 : i32
          %cond3A_261 = arith.cmpi ne, %convert_element_type3A_259, %cond3A_260 : i32
          scf.if %cond3A_261 {
          } else {
          }
          %and3A_262 = arith.constant false
          %and3A_263 = arith.andi %and3A_258, %and3A_262 : i1
          %ne3A_264 = arith.cmpi ne, %add3A_155, %add3A_165 : i32
          %or3A_265 = arith.constant false
          %or3A_266 = arith.ori %or3A_265, %ne3A_264 : i1
          %or3A_267 = arith.constant false
          %or3A_268 = arith.ori %or3A_266, %or3A_267 : i1
          %not3A_269 = arith.constant true
          %not3A_270 = arith.xori %eq3A_151, %not3A_269 : i1
          %and3A_271 = arith.andi %or3A_268, %not3A_270 : i1
          %convert_element_type3A_272 = arith.extui %and3A_271 : i1 to i32
          %cond3A_273 = arith.constant 0 : i32
          %cond3A_274 = arith.cmpi ne, %convert_element_type3A_272, %cond3A_273 : i32
          scf.if %cond3A_274 {
            "tpu.trace_start"() <{level = 10 : i32, message = "ep_wait_out"}> : () -> ()
            %rem3A_294 = arith.constant 2 : i32
            %rem3A_295 = arith.remui %while3A_146, %rem3A_294 : i32
            %mul3A_296 = arith.constant 128 : i32
            %mul3A_297 = arith.muli %mul3A_296, %add3A_165 : i32
            %dma_wait3A = arith.constant 0 : i32
            %dma_wait3A_298 = arith.constant 0 : i32
            %dma_wait3A_299 = tpu.memref_slice %run_scoped3A_18[%rem3A_295, %dma_wait3A, %dma_wait3A_298] : memref<2x128x128xf32, #tpu.memory_space<vmem>> -> memref<1x128x128xf32, #tpu.memory_space<vmem>>
            %dma_wait3A_300 = tpu.memref_squeeze %dma_wait3A_299 : memref<1x128x128xf32, #tpu.memory_space<vmem>> -> memref<128x128xf32, #tpu.memory_space<vmem>>
            %dma_wait3A_301 = arith.constant 0 : i32
            %dma_wait3A_302 = tpu.memref_slice %arg4[%mul3A_297, %dma_wait3A_301] : memref<89600x128xf32, #tpu.memory_space<hbm>> -> memref<128x128xf32, #tpu.memory_space<hbm>>
            %dma_wait3A_303 = tpu.memref_slice %run_scoped3A_19[%rem3A_295] : memref<2x!tpu.dma_semaphore, #tpu.memory_space<semaphore_mem>> -> memref<1x!tpu.dma_semaphore, #tpu.memory_space<semaphore_mem>>
            %dma_wait3A_304 = tpu.memref_squeeze %dma_wait3A_303 : memref<1x!tpu.dma_semaphore, #tpu.memory_space<semaphore_mem>> -> memref<!tpu.dma_semaphore, #tpu.memory_space<semaphore_mem>>
            %dma_wait3A_305 = arith.constant 0 : i32
            %dma_wait3A_306 = tpu.memref_slice %arg4[%mul3A_297, %dma_wait3A_305] : memref<89600x128xf32, #tpu.memory_space<hbm>> -> memref<128x128xf32, #tpu.memory_space<hbm>>
            %dma_wait3A_307 = arith.constant 0 : i32
            %dma_wait3A_308 = arith.constant 0 : i32
            %dma_wait3A_309 = tpu.memref_slice %run_scoped3A_18[%rem3A_295, %dma_wait3A_307, %dma_wait3A_308] : memref<2x128x128xf32, #tpu.memory_space<vmem>> -> memref<1x128x128xf32, #tpu.memory_space<vmem>>
            %dma_wait3A_310 = tpu.memref_squeeze %dma_wait3A_309 : memref<1x128x128xf32, #tpu.memory_space<vmem>> -> memref<128x128xf32, #tpu.memory_space<vmem>>
            tpu.wait_dma2 semaphore(%dma_wait3A_304 : memref<!tpu.dma_semaphore, #tpu.memory_space<semaphore_mem>>) src(%dma_wait3A_310 : memref<128x128xf32, #tpu.memory_space<vmem>>) dst(%dma_wait3A_306 : memref<128x128xf32, #tpu.memory_space<hbm>>)
            "tpu.trace_stop"() : () -> ()
          } else {
          }
          %and3A_275 = arith.constant true
          %and3A_276 = arith.andi %and3A_271, %and3A_275 : i1
          %add3A_277 = arith.constant 1 : i32
          %add3A_278 = arith.addi %while3A_146, %add3A_277 : i32
          %select_n3A_279 = arith.select %and3A_276, %add3A_278, %while3A_146 : i32
          %ne3A_280 = arith.cmpi ne, %add3A_155, %add3A_173 : i32
          %or3A_281 = arith.constant false
          %or3A_282 = arith.ori %or3A_281, %ne3A_280 : i1
          %or3A_283 = arith.ori %or3A_282, %eq3A_154 : i1
          %add3A_284 = arith.constant 1 : i32
          %add3A_285 = arith.addi %while3A_144, %add3A_284 : i32
          %select_n3A_286 = arith.select %or3A_283, %add3A_285, %while3A_144 : i32
          %add3A_287 = arith.constant 1 : i32
          %add3A_288 = arith.addi %while3A_147, %add3A_287 : i32
          %select_n3A_289 = arith.constant true
          %select_n3A_290 = arith.select %select_n3A_289, %add3A_288, %while3A_147 : i32
          %eq3A_291 = arith.cmpi eq, %select_n3A_290, %select_n3A : i32
          %select_n3A_292 = arith.constant 0 : i32
          %select_n3A_293 = arith.select %eq3A_291, %select_n3A_292, %select_n3A_290 : i32
          scf.yield %select_n3A_195, %select_n3A_286, %select_n3A_252, %select_n3A_279, %select_n3A_293 : i32, i32, i32, i32, i32
        }
        %while3A_89 = arith.constant 1 : i32
        %while3A_90:5 = scf.for %while3A_142 = %while3A_86 to %while3A_82 step %while3A_89 iter_args(%while3A_143 = %while3A_88#0, %while3A_144 = %while3A_88#1, %while3A_145 = %while3A_88#2, %while3A_146 = %while3A_88#3, %while3A_147 = %while3A_88#4) -> (i32, i32, i32, i32, i32)  : i32 {
          %mul3A_148 = arith.constant 1 : i32
          %mul3A_149 = arith.muli %mul3A_148, %select_n3A : i32
          %eq3A_150 = arith.constant 0 : i32
          %eq3A_151 = arith.cmpi eq, %while3A_142, %eq3A_150 : i32
          %sub3A_152 = arith.constant 1 : i32
          %sub3A_153 = arith.subi %mul3A_149, %sub3A_152 : i32
          %eq3A_154 = arith.cmpi eq, %while3A_142, %sub3A_153 : i32
          %add3A_155 = arith.addi %while3A_147, %select_n3A_14 : i32
          %sub3A_156 = arith.constant 1 : i32
          %sub3A_157 = arith.subi %while3A_147, %sub3A_156 : i32
          %select_n3A_158 = arith.constant true
          %select_n3A_159 = arith.select %select_n3A_158, %sub3A_157, %while3A_147 : i32
          %eq3A_160 = arith.constant -1 : i32
          %eq3A_161 = arith.cmpi eq, %select_n3A_159, %eq3A_160 : i32
          %sub3A_162 = arith.constant 1 : i32
          %sub3A_163 = arith.subi %select_n3A, %sub3A_162 : i32
          %select_n3A_164 = arith.select %eq3A_161, %sub3A_163, %select_n3A_159 : i32
          %add3A_165 = arith.addi %select_n3A_164, %select_n3A_14 : i32
          %add3A_166 = arith.constant 1 : i32
          %add3A_167 = arith.addi %while3A_147, %add3A_166 : i32
          %select_n3A_168 = arith.constant true
          %select_n3A_169 = arith.select %select_n3A_168, %add3A_167, %while3A_147 : i32
          %eq3A_170 = arith.cmpi eq, %select_n3A_169, %select_n3A : i32
          %select_n3A_171 = arith.constant 0 : i32
          %select_n3A_172 = arith.select %eq3A_170, %select_n3A_171, %select_n3A_169 : i32
          %add3A_173 = arith.addi %select_n3A_172, %select_n3A_14 : i32
          %add3A_174 = arith.constant 1 : i32
          %add3A_175 = arith.addi %select_n3A_172, %add3A_174 : i32
          %select_n3A_176 = arith.constant true
          %select_n3A_177 = arith.select %select_n3A_176, %add3A_175, %select_n3A_172 : i32
          %eq3A_178 = arith.cmpi eq, %select_n3A_177, %select_n3A : i32
          %select_n3A_179 = arith.constant 0 : i32
          %select_n3A_180 = arith.select %eq3A_178, %select_n3A_179, %select_n3A_177 : i32
          %add3A_181 = arith.addi %select_n3A_180, %select_n3A_14 : i32
          %ne3A = arith.cmpi ne, %add3A_155, %add3A_173 : i32
          %or3A = arith.constant false
          %or3A_182 = arith.ori %or3A, %ne3A : i1
          %sub3A_183 = arith.constant 2 : i32
          %sub3A_184 = arith.subi %mul3A_149, %sub3A_183 : i32
          %add3A_185 = arith.constant 1 : i32
          %add3A_186 = arith.addi %sub3A_184, %add3A_185 : i32
          %ge3A = arith.cmpi sge, %while3A_142, %add3A_186 : i32
          %not3A = arith.constant true
          %not3A_187 = arith.xori %ge3A, %not3A : i1
          %and3A = arith.andi %or3A_182, %not3A_187 : i1
          %convert_element_type3A_188 = arith.extui %and3A : i1 to i32
          %cond3A_189 = arith.constant 0 : i32
          %cond3A_190 = arith.cmpi ne, %convert_element_type3A_188, %cond3A_189 : i32
          scf.if %cond3A_190 {
            "tpu.trace_start"() <{level = 10 : i32, message = "ep_copy_in"}> : () -> ()
            %rem3A_294 = arith.constant 2 : i32
            %rem3A_295 = arith.remui %while3A_143, %rem3A_294 : i32
            %mul3A_296 = arith.constant 128 : i32
            %mul3A_297 = arith.muli %mul3A_296, %add3A_173 : i32
            %dma_start3A_298 = arith.constant 0 : i32
            %dma_start3A_299 = arith.constant 0 : i32
            %dma_start3A_300 = tpu.memref_slice %run_scoped3A[%rem3A_295, %dma_start3A_298, %dma_start3A_299] : memref<2x1x128xi32, #tpu.memory_space<vmem>> -> memref<1x1x128xi32, #tpu.memory_space<vmem>>
            %dma_start3A_301 = tpu.memref_squeeze %dma_start3A_300 : memref<1x1x128xi32, #tpu.memory_space<vmem>> -> memref<1x128xi32, #tpu.memory_space<vmem>>
            %dma_start3A_302 = arith.constant 0 : i32
            %dma_start3A_303 = tpu.memref_slice %arg3[%dma_start3A_302, %mul3A_297] : memref<1x89600xi32, #tpu.memory_space<hbm>> -> memref<1x128xi32, #tpu.memory_space<hbm>>
            %dma_start3A_304 = tpu.memref_slice %run_scoped3A_17[%rem3A_295] : memref<2x!tpu.dma_semaphore, #tpu.memory_space<semaphore_mem>> -> memref<1x!tpu.dma_semaphore, #tpu.memory_space<semaphore_mem>>
            %dma_start3A_305 = tpu.memref_squeeze %dma_start3A_304 : memref<1x!tpu.dma_semaphore, #tpu.memory_space<semaphore_mem>> -> memref<!tpu.dma_semaphore, #tpu.memory_space<semaphore_mem>>
            %dma_start3A_306 = arith.constant 0 : i32
            %dma_start3A_307 = arith.constant 0 : i32
            %dma_start3A_308 = tpu.memref_slice %run_scoped3A[%rem3A_295, %dma_start3A_306, %dma_start3A_307] : memref<2x1x128xi32, #tpu.memory_space<vmem>> -> memref<1x1x128xi32, #tpu.memory_space<vmem>>
            %dma_start3A_309 = tpu.memref_squeeze %dma_start3A_308 : memref<1x1x128xi32, #tpu.memory_space<vmem>> -> memref<1x128xi32, #tpu.memory_space<vmem>>
            %dma_start3A_310 = arith.constant 0 : i32
            %dma_start3A_311 = tpu.memref_slice %arg3[%dma_start3A_310, %mul3A_297] : memref<1x89600xi32, #tpu.memory_space<hbm>> -> memref<1x128xi32, #tpu.memory_space<hbm>>
            tpu.enqueue_dma source(%dma_start3A_311 : memref<1x128xi32, #tpu.memory_space<hbm>>) target(%dma_start3A_309 : memref<1x128xi32, #tpu.memory_space<vmem>>) target_semaphore(%dma_start3A_305 : memref<!tpu.dma_semaphore, #tpu.memory_space<semaphore_mem>>)
            "tpu.trace_stop"() : () -> ()
          } else {
          }
          %and3A_191 = arith.constant true
          %and3A_192 = arith.andi %and3A, %and3A_191 : i1
          %add3A_193 = arith.constant 1 : i32
          %add3A_194 = arith.addi %while3A_143, %add3A_193 : i32
          %select_n3A_195 = arith.select %and3A_192, %add3A_194, %while3A_143 : i32
          %ne3A_196 = arith.cmpi ne, %add3A_155, %add3A_173 : i32
          %or3A_197 = arith.constant false
          %or3A_198 = arith.ori %or3A_197, %ne3A_196 : i1
          %or3A_199 = arith.constant false
          %or3A_200 = arith.ori %or3A_198, %or3A_199 : i1
          %sub3A_201 = arith.constant 2 : i32
          %sub3A_202 = arith.subi %mul3A_149, %sub3A_201 : i32
          %add3A_203 = arith.constant 1 : i32
          %add3A_204 = arith.addi %sub3A_202, %add3A_203 : i32
          %ge3A_205 = arith.cmpi sge, %while3A_142, %add3A_204 : i32
          %not3A_206 = arith.constant true
          %not3A_207 = arith.xori %ge3A_205, %not3A_206 : i1
          %and3A_208 = arith.andi %or3A_200, %not3A_207 : i1
          %ne3A_209 = arith.cmpi ne, %add3A_155, %add3A_165 : i32
          %or3A_210 = arith.constant false
          %or3A_211 = arith.ori %or3A_210, %ne3A_209 : i1
          %or3A_212 = arith.ori %or3A_211, %eq3A_151 : i1
          %convert_element_type3A_213 = arith.extui %or3A_212 : i1 to i32
          %cond3A_214 = arith.constant 0 : i32
          %cond3A_215 = arith.cmpi ne, %convert_element_type3A_213, %cond3A_214 : i32
          scf.if %cond3A_215 {
            "tpu.trace_start"() <{level = 10 : i32, message = "ep_wait_in"}> : () -> ()
            %mul3A_294 = arith.constant 128 : i32
            %mul3A_295 = arith.muli %mul3A_294, %add3A_155 : i32
            %rem3A_296 = arith.constant 2 : i32
            %rem3A_297 = arith.remui %while3A_144, %rem3A_296 : i32
            %dma_wait3A = arith.constant 0 : i32
            %dma_wait3A_298 = arith.constant 0 : i32
            %dma_wait3A_299 = tpu.memref_slice %run_scoped3A[%rem3A_297, %dma_wait3A, %dma_wait3A_298] : memref<2x1x128xi32, #tpu.memory_space<vmem>> -> memref<1x1x128xi32, #tpu.memory_space<vmem>>
            %dma_wait3A_300 = tpu.memref_squeeze %dma_wait3A_299 : memref<1x1x128xi32, #tpu.memory_space<vmem>> -> memref<1x128xi32, #tpu.memory_space<vmem>>
            %dma_wait3A_301 = arith.constant 0 : i32
            %dma_wait3A_302 = tpu.memref_slice %arg3[%dma_wait3A_301, %mul3A_295] : memref<1x89600xi32, #tpu.memory_space<hbm>> -> memref<1x128xi32, #tpu.memory_space<hbm>>
            %dma_wait3A_303 = tpu.memref_slice %run_scoped3A_17[%rem3A_297] : memref<2x!tpu.dma_semaphore, #tpu.memory_space<semaphore_mem>> -> memref<1x!tpu.dma_semaphore, #tpu.memory_space<semaphore_mem>>
            %dma_wait3A_304 = tpu.memref_squeeze %dma_wait3A_303 : memref<1x!tpu.dma_semaphore, #tpu.memory_space<semaphore_mem>> -> memref<!tpu.dma_semaphore, #tpu.memory_space<semaphore_mem>>
            %dma_wait3A_305 = arith.constant 0 : i32
            %dma_wait3A_306 = arith.constant 0 : i32
            %dma_wait3A_307 = tpu.memref_slice %run_scoped3A[%rem3A_297, %dma_wait3A_305, %dma_wait3A_306] : memref<2x1x128xi32, #tpu.memory_space<vmem>> -> memref<1x1x128xi32, #tpu.memory_space<vmem>>
            %dma_wait3A_308 = tpu.memref_squeeze %dma_wait3A_307 : memref<1x1x128xi32, #tpu.memory_space<vmem>> -> memref<1x128xi32, #tpu.memory_space<vmem>>
            %dma_wait3A_309 = arith.constant 0 : i32
            %dma_wait3A_310 = tpu.memref_slice %arg3[%dma_wait3A_309, %mul3A_295] : memref<1x89600xi32, #tpu.memory_space<hbm>> -> memref<1x128xi32, #tpu.memory_space<hbm>>
            tpu.wait_dma2 semaphore(%dma_wait3A_304 : memref<!tpu.dma_semaphore, #tpu.memory_space<semaphore_mem>>) src(%dma_wait3A_310 : memref<1x128xi32, #tpu.memory_space<hbm>>) dst(%dma_wait3A_308 : memref<1x128xi32, #tpu.memory_space<vmem>>)
            "tpu.trace_stop"() : () -> ()
          } else {
          }
          %ne3A_216 = arith.cmpi ne, %add3A_155, %add3A_165 : i32
          %or3A_217 = arith.constant false
          %or3A_218 = arith.ori %or3A_217, %ne3A_216 : i1
          %or3A_219 = arith.constant false
          %or3A_220 = arith.ori %or3A_218, %or3A_219 : i1
          %or3A_221 = arith.ori %or3A_220, %eq3A_151 : i1
          %convert_element_type3A_222 = arith.extui %or3A_221 : i1 to i32
          %cond3A_223 = arith.constant 0 : i32
          %cond3A_224 = arith.cmpi ne, %convert_element_type3A_222, %cond3A_223 : i32
          scf.if %cond3A_224 {
          } else {
          }
          %rem3A_225 = arith.constant 2 : i32
          %rem3A_226 = arith.remui %while3A_144, %rem3A_225 : i32
          %rem3A_227 = arith.constant 2 : i32
          %rem3A_228 = arith.remui %while3A_145, %rem3A_227 : i32
          %run_scoped3A_229 = arith.constant 0 : i32
          "tpu.trace_start"() <{level = 10 : i32, message = "ep_run_kernel"}> : () -> ()
          "tpu.region"() ({
            %run_scoped3A_294 = tpu.sem_alloc : memref<!tpu.dma_semaphore, #tpu.memory_space<semaphore_mem>>
            %dma_start3A_295 = arith.constant 0 : i32
            %dma_start3A_296 = arith.constant 0 : i32
            %dma_start3A_297 = tpu.memref_slice %run_scoped3A_18[%rem3A_228, %dma_start3A_295, %dma_start3A_296] : memref<2x128x128xf32, #tpu.memory_space<vmem>> -> memref<1x128x128xf32, #tpu.memory_space<vmem>>
            %dma_start3A_298 = tpu.memref_squeeze %dma_start3A_297 : memref<1x128x128xf32, #tpu.memory_space<vmem>> -> memref<128x128xf32, #tpu.memory_space<vmem>>
            %dma_start3A_299 = arith.constant 0 : i32
            %dma_start3A_300 = arith.constant 0 : i32
            %dma_start3A_301 = tpu.memref_slice %run_scoped3A[%rem3A_226, %dma_start3A_299, %dma_start3A_300] : memref<2x1x128xi32, #tpu.memory_space<vmem>> -> memref<1x1x128xi32, #tpu.memory_space<vmem>>
            %dma_start3A_302 = tpu.memref_squeeze %dma_start3A_301 : memref<1x1x128xi32, #tpu.memory_space<vmem>> -> memref<1x128xi32, #tpu.memory_space<vmem>>
            %dma_start3A_303 = arith.constant 0 : i32
            %dma_start3A_304 = tpu.memref_slice %dma_start3A_302[%run_scoped3A_229, %dma_start3A_303] : memref<1x128xi32, #tpu.memory_space<vmem>> -> memref<1x128xi32, #tpu.memory_space<vmem>>
            %dma_start3A_305 = tpu.memref_squeeze %dma_start3A_304 : memref<1x128xi32, #tpu.memory_space<vmem>> -> memref<128xi32, #tpu.memory_space<vmem>>
            %dma_start3A_306 = arith.constant 0 : i32
            %dma_start3A_307 = arith.constant 0 : i32
            %dma_start3A_308 = tpu.memref_slice %arg2[%dma_start3A_306, %dma_start3A_307] : memref<10000x128xf32, #tpu.memory_space<hbm>> -> memref<10000x128xf32, #tpu.memory_space<hbm>>
            tpu.enqueue_indirect_dma source(%dma_start3A_308 : memref<10000x128xf32, #tpu.memory_space<hbm>>) target(%dma_start3A_298 : memref<128x128xf32, #tpu.memory_space<vmem>>) offsets(%dma_start3A_305 : memref<128xi32, #tpu.memory_space<vmem>>) semaphore(%run_scoped3A_294 : memref<!tpu.dma_semaphore, #tpu.memory_space<semaphore_mem>>)
            %dma_wait3A = arith.constant 0 : i32
            %dma_wait3A_309 = arith.constant 0 : i32
            %dma_wait3A_310 = tpu.memref_slice %run_scoped3A_18[%rem3A_228, %dma_wait3A, %dma_wait3A_309] : memref<2x128x128xf32, #tpu.memory_space<vmem>> -> memref<1x128x128xf32, #tpu.memory_space<vmem>>
            %dma_wait3A_311 = tpu.memref_squeeze %dma_wait3A_310 : memref<1x128x128xf32, #tpu.memory_space<vmem>> -> memref<128x128xf32, #tpu.memory_space<vmem>>
            %dma_wait3A_312 = arith.constant 0 : i32
            %dma_wait3A_313 = arith.constant 0 : i32
            %dma_wait3A_314 = tpu.memref_slice %run_scoped3A[%rem3A_226, %dma_wait3A_312, %dma_wait3A_313] : memref<2x1x128xi32, #tpu.memory_space<vmem>> -> memref<1x1x128xi32, #tpu.memory_space<vmem>>
            %dma_wait3A_315 = tpu.memref_squeeze %dma_wait3A_314 : memref<1x1x128xi32, #tpu.memory_space<vmem>> -> memref<1x128xi32, #tpu.memory_space<vmem>>
            %dma_wait3A_316 = arith.constant 0 : i32
            %dma_wait3A_317 = tpu.memref_slice %dma_wait3A_315[%run_scoped3A_229, %dma_wait3A_316] : memref<1x128xi32, #tpu.memory_space<vmem>> -> memref<1x128xi32, #tpu.memory_space<vmem>>
            %dma_wait3A_318 = tpu.memref_squeeze %dma_wait3A_317 : memref<1x128xi32, #tpu.memory_space<vmem>> -> memref<128xi32, #tpu.memory_space<vmem>>
            %dma_wait3A_319 = arith.constant 0 : i32
            %dma_wait3A_320 = arith.constant 0 : i32
            %dma_wait3A_321 = tpu.memref_slice %arg2[%dma_wait3A_319, %dma_wait3A_320] : memref<10000x128xf32, #tpu.memory_space<hbm>> -> memref<10000x128xf32, #tpu.memory_space<hbm>>
            tpu.wait_indirect_dma semaphore(%run_scoped3A_294 : memref<!tpu.dma_semaphore, #tpu.memory_space<semaphore_mem>>) src(%dma_wait3A_321 : memref<10000x128xf32, #tpu.memory_space<hbm>>) dst(%dma_wait3A_311 : memref<128x128xf32, #tpu.memory_space<vmem>>)
            tpu.yield
          }) : () -> ()
          "tpu.trace_stop"() : () -> ()
          %ne3A_230 = arith.cmpi ne, %add3A_155, %add3A_173 : i32
          %or3A_231 = arith.constant false
          %or3A_232 = arith.ori %or3A_231, %ne3A_230 : i1
          %or3A_233 = arith.ori %or3A_232, %eq3A_154 : i1
          %convert_element_type3A_234 = arith.extui %or3A_233 : i1 to i32
          %cond3A_235 = arith.constant 0 : i32
          %cond3A_236 = arith.cmpi ne, %convert_element_type3A_234, %cond3A_235 : i32
          scf.if %cond3A_236 {
          } else {
          }
          %and3A_237 = arith.constant false
          %and3A_238 = arith.andi %or3A_233, %and3A_237 : i1
          %ne3A_239 = arith.cmpi ne, %add3A_155, %add3A_173 : i32
          %or3A_240 = arith.constant false
          %or3A_241 = arith.ori %or3A_240, %ne3A_239 : i1
          %or3A_242 = arith.constant false
          %or3A_243 = arith.ori %or3A_241, %or3A_242 : i1
          %or3A_244 = arith.ori %or3A_243, %eq3A_154 : i1
          %convert_element_type3A_245 = arith.extui %or3A_244 : i1 to i32
          %cond3A_246 = arith.constant 0 : i32
          %cond3A_247 = arith.cmpi ne, %convert_element_type3A_245, %cond3A_246 : i32
          scf.if %cond3A_247 {
            "tpu.trace_start"() <{level = 10 : i32, message = "ep_copy_out"}> : () -> ()
            %rem3A_294 = arith.constant 2 : i32
            %rem3A_295 = arith.remui %while3A_145, %rem3A_294 : i32
            %mul3A_296 = arith.constant 128 : i32
            %mul3A_297 = arith.muli %mul3A_296, %add3A_155 : i32
            %dma_start3A_298 = arith.constant 0 : i32
            %dma_start3A_299 = arith.constant 0 : i32
            %dma_start3A_300 = tpu.memref_slice %run_scoped3A_18[%rem3A_295, %dma_start3A_298, %dma_start3A_299] : memref<2x128x128xf32, #tpu.memory_space<vmem>> -> memref<1x128x128xf32, #tpu.memory_space<vmem>>
            %dma_start3A_301 = tpu.memref_squeeze %dma_start3A_300 : memref<1x128x128xf32, #tpu.memory_space<vmem>> -> memref<128x128xf32, #tpu.memory_space<vmem>>
            %dma_start3A_302 = arith.constant 0 : i32
            %dma_start3A_303 = tpu.memref_slice %arg4[%mul3A_297, %dma_start3A_302] : memref<89600x128xf32, #tpu.memory_space<hbm>> -> memref<128x128xf32, #tpu.memory_space<hbm>>
            %dma_start3A_304 = tpu.memref_slice %run_scoped3A_19[%rem3A_295] : memref<2x!tpu.dma_semaphore, #tpu.memory_space<semaphore_mem>> -> memref<1x!tpu.dma_semaphore, #tpu.memory_space<semaphore_mem>>
            %dma_start3A_305 = tpu.memref_squeeze %dma_start3A_304 : memref<1x!tpu.dma_semaphore, #tpu.memory_space<semaphore_mem>> -> memref<!tpu.dma_semaphore, #tpu.memory_space<semaphore_mem>>
            %dma_start3A_306 = arith.constant 0 : i32
            %dma_start3A_307 = tpu.memref_slice %arg4[%mul3A_297, %dma_start3A_306] : memref<89600x128xf32, #tpu.memory_space<hbm>> -> memref<128x128xf32, #tpu.memory_space<hbm>>
            %dma_start3A_308 = arith.constant 0 : i32
            %dma_start3A_309 = arith.constant 0 : i32
            %dma_start3A_310 = tpu.memref_slice %run_scoped3A_18[%rem3A_295, %dma_start3A_308, %dma_start3A_309] : memref<2x128x128xf32, #tpu.memory_space<vmem>> -> memref<1x128x128xf32, #tpu.memory_space<vmem>>
            %dma_start3A_311 = tpu.memref_squeeze %dma_start3A_310 : memref<1x128x128xf32, #tpu.memory_space<vmem>> -> memref<128x128xf32, #tpu.memory_space<vmem>>
            tpu.enqueue_dma source(%dma_start3A_311 : memref<128x128xf32, #tpu.memory_space<vmem>>) target(%dma_start3A_307 : memref<128x128xf32, #tpu.memory_space<hbm>>) target_semaphore(%dma_start3A_305 : memref<!tpu.dma_semaphore, #tpu.memory_space<semaphore_mem>>)
            "tpu.trace_stop"() : () -> ()
          } else {
          }
          %and3A_248 = arith.constant true
          %and3A_249 = arith.andi %or3A_244, %and3A_248 : i1
          %add3A_250 = arith.constant 1 : i32
          %add3A_251 = arith.addi %while3A_145, %add3A_250 : i32
          %select_n3A_252 = arith.select %and3A_249, %add3A_251, %while3A_145 : i32
          %ne3A_253 = arith.cmpi ne, %add3A_155, %add3A_165 : i32
          %or3A_254 = arith.constant false
          %or3A_255 = arith.ori %or3A_254, %ne3A_253 : i1
          %not3A_256 = arith.constant true
          %not3A_257 = arith.xori %eq3A_151, %not3A_256 : i1
          %and3A_258 = arith.andi %or3A_255, %not3A_257 : i1
          %convert_element_type3A_259 = arith.extui %and3A_258 : i1 to i32
          %cond3A_260 = arith.constant 0 : i32
          %cond3A_261 = arith.cmpi ne, %convert_element_type3A_259, %cond3A_260 : i32
          scf.if %cond3A_261 {
          } else {
          }
          %and3A_262 = arith.constant false
          %and3A_263 = arith.andi %and3A_258, %and3A_262 : i1
          %ne3A_264 = arith.cmpi ne, %add3A_155, %add3A_165 : i32
          %or3A_265 = arith.constant false
          %or3A_266 = arith.ori %or3A_265, %ne3A_264 : i1
          %or3A_267 = arith.constant false
          %or3A_268 = arith.ori %or3A_266, %or3A_267 : i1
          %not3A_269 = arith.constant true
          %not3A_270 = arith.xori %eq3A_151, %not3A_269 : i1
          %and3A_271 = arith.andi %or3A_268, %not3A_270 : i1
          %convert_element_type3A_272 = arith.extui %and3A_271 : i1 to i32
          %cond3A_273 = arith.constant 0 : i32
          %cond3A_274 = arith.cmpi ne, %convert_element_type3A_272, %cond3A_273 : i32
          scf.if %cond3A_274 {
            "tpu.trace_start"() <{level = 10 : i32, message = "ep_wait_out"}> : () -> ()
            %rem3A_294 = arith.constant 2 : i32
            %rem3A_295 = arith.remui %while3A_146, %rem3A_294 : i32
            %mul3A_296 = arith.constant 128 : i32
            %mul3A_297 = arith.muli %mul3A_296, %add3A_165 : i32
            %dma_wait3A = arith.constant 0 : i32
            %dma_wait3A_298 = arith.constant 0 : i32
            %dma_wait3A_299 = tpu.memref_slice %run_scoped3A_18[%rem3A_295, %dma_wait3A, %dma_wait3A_298] : memref<2x128x128xf32, #tpu.memory_space<vmem>> -> memref<1x128x128xf32, #tpu.memory_space<vmem>>
            %dma_wait3A_300 = tpu.memref_squeeze %dma_wait3A_299 : memref<1x128x128xf32, #tpu.memory_space<vmem>> -> memref<128x128xf32, #tpu.memory_space<vmem>>
            %dma_wait3A_301 = arith.constant 0 : i32
            %dma_wait3A_302 = tpu.memref_slice %arg4[%mul3A_297, %dma_wait3A_301] : memref<89600x128xf32, #tpu.memory_space<hbm>> -> memref<128x128xf32, #tpu.memory_space<hbm>>
            %dma_wait3A_303 = tpu.memref_slice %run_scoped3A_19[%rem3A_295] : memref<2x!tpu.dma_semaphore, #tpu.memory_space<semaphore_mem>> -> memref<1x!tpu.dma_semaphore, #tpu.memory_space<semaphore_mem>>
            %dma_wait3A_304 = tpu.memref_squeeze %dma_wait3A_303 : memref<1x!tpu.dma_semaphore, #tpu.memory_space<semaphore_mem>> -> memref<!tpu.dma_semaphore, #tpu.memory_space<semaphore_mem>>
            %dma_wait3A_305 = arith.constant 0 : i32
            %dma_wait3A_306 = tpu.memref_slice %arg4[%mul3A_297, %dma_wait3A_305] : memref<89600x128xf32, #tpu.memory_space<hbm>> -> memref<128x128xf32, #tpu.memory_space<hbm>>
            %dma_wait3A_307 = arith.constant 0 : i32
            %dma_wait3A_308 = arith.constant 0 : i32
            %dma_wait3A_309 = tpu.memref_slice %run_scoped3A_18[%rem3A_295, %dma_wait3A_307, %dma_wait3A_308] : memref<2x128x128xf32, #tpu.memory_space<vmem>> -> memref<1x128x128xf32, #tpu.memory_space<vmem>>
            %dma_wait3A_310 = tpu.memref_squeeze %dma_wait3A_309 : memref<1x128x128xf32, #tpu.memory_space<vmem>> -> memref<128x128xf32, #tpu.memory_space<vmem>>
            tpu.wait_dma2 semaphore(%dma_wait3A_304 : memref<!tpu.dma_semaphore, #tpu.memory_space<semaphore_mem>>) src(%dma_wait3A_310 : memref<128x128xf32, #tpu.memory_space<vmem>>) dst(%dma_wait3A_306 : memref<128x128xf32, #tpu.memory_space<hbm>>)
            "tpu.trace_stop"() : () -> ()
          } else {
          }
          %and3A_275 = arith.constant true
          %and3A_276 = arith.andi %and3A_271, %and3A_275 : i1
          %add3A_277 = arith.constant 1 : i32
          %add3A_278 = arith.addi %while3A_146, %add3A_277 : i32
          %select_n3A_279 = arith.select %and3A_276, %add3A_278, %while3A_146 : i32
          %ne3A_280 = arith.cmpi ne, %add3A_155, %add3A_173 : i32
          %or3A_281 = arith.constant false
          %or3A_282 = arith.ori %or3A_281, %ne3A_280 : i1
          %or3A_283 = arith.ori %or3A_282, %eq3A_154 : i1
          %add3A_284 = arith.constant 1 : i32
          %add3A_285 = arith.addi %while3A_144, %add3A_284 : i32
          %select_n3A_286 = arith.select %or3A_283, %add3A_285, %while3A_144 : i32
          %add3A_287 = arith.constant 1 : i32
          %add3A_288 = arith.addi %while3A_147, %add3A_287 : i32
          %select_n3A_289 = arith.constant true
          %select_n3A_290 = arith.select %select_n3A_289, %add3A_288, %while3A_147 : i32
          %eq3A_291 = arith.cmpi eq, %select_n3A_290, %select_n3A : i32
          %select_n3A_292 = arith.constant 0 : i32
          %select_n3A_293 = arith.select %eq3A_291, %select_n3A_292, %select_n3A_290 : i32
          scf.yield %select_n3A_195, %select_n3A_286, %select_n3A_252, %select_n3A_279, %select_n3A_293 : i32, i32, i32, i32, i32
        }
        %sub3A_91 = arith.constant 1 : i32
        %sub3A_92 = arith.subi %while3A_90#4, %sub3A_91 : i32
        %select_n3A_93 = arith.constant true
        %select_n3A_94 = arith.select %select_n3A_93, %sub3A_92, %while3A_90#4 : i32
        %eq3A_95 = arith.constant -1 : i32
        %eq3A_96 = arith.cmpi eq, %select_n3A_94, %eq3A_95 : i32
        %sub3A_97 = arith.constant 1 : i32
        %sub3A_98 = arith.subi %select_n3A, %sub3A_97 : i32
        %select_n3A_99 = arith.select %eq3A_96, %sub3A_98, %select_n3A_94 : i32
        %sub3A_100 = arith.constant 1 : i32
        %sub3A_101 = arith.subi %mul3A_16, %sub3A_100 : i32
        %mul3A_102 = arith.constant 1 : i32
        %mul3A_103 = arith.muli %mul3A_102, %select_n3A : i32
        %eq3A_104 = arith.constant 0 : i32
        %eq3A_105 = arith.cmpi eq, %sub3A_101, %eq3A_104 : i32
        %sub3A_106 = arith.constant 1 : i32
        %sub3A_107 = arith.subi %mul3A_103, %sub3A_106 : i32
        %eq3A_108 = arith.cmpi eq, %sub3A_101, %sub3A_107 : i32
        %add3A_109 = arith.addi %select_n3A_99, %select_n3A_14 : i32
        %sub3A_110 = arith.constant 1 : i32
        %sub3A_111 = arith.subi %select_n3A_99, %sub3A_110 : i32
        %select_n3A_112 = arith.constant true
        %select_n3A_113 = arith.select %select_n3A_112, %sub3A_111, %select_n3A_99 : i32
        %eq3A_114 = arith.constant -1 : i32
        %eq3A_115 = arith.cmpi eq, %select_n3A_113, %eq3A_114 : i32
        %sub3A_116 = arith.constant 1 : i32
        %sub3A_117 = arith.subi %select_n3A, %sub3A_116 : i32
        %select_n3A_118 = arith.select %eq3A_115, %sub3A_117, %select_n3A_113 : i32
        %add3A_119 = arith.addi %select_n3A_118, %select_n3A_14 : i32
        %add3A_120 = arith.constant 1 : i32
        %add3A_121 = arith.addi %select_n3A_99, %add3A_120 : i32
        %select_n3A_122 = arith.constant true
        %select_n3A_123 = arith.select %select_n3A_122, %add3A_121, %select_n3A_99 : i32
        %eq3A_124 = arith.cmpi eq, %select_n3A_123, %select_n3A : i32
        %select_n3A_125 = arith.constant 0 : i32
        %select_n3A_126 = arith.select %eq3A_124, %select_n3A_125, %select_n3A_123 : i32
        %add3A_127 = arith.addi %select_n3A_126, %select_n3A_14 : i32
        %add3A_128 = arith.constant 1 : i32
        %add3A_129 = arith.addi %select_n3A_126, %add3A_128 : i32
        %select_n3A_130 = arith.constant true
        %select_n3A_131 = arith.select %select_n3A_130, %add3A_129, %select_n3A_126 : i32
        %eq3A_132 = arith.cmpi eq, %select_n3A_131, %select_n3A : i32
        %select_n3A_133 = arith.constant 0 : i32
        %select_n3A_134 = arith.select %eq3A_132, %select_n3A_133, %select_n3A_131 : i32
        %add3A_135 = arith.addi %select_n3A_134, %select_n3A_14 : i32
        %convert_element_type3A_136 = arith.extui %eq3A_108 : i1 to i32
        %cond3A_137 = arith.constant 0 : i32
        %cond3A_138 = arith.cmpi ne, %convert_element_type3A_136, %cond3A_137 : i32
        scf.if %cond3A_138 {
        } else {
        }
        %convert_element_type3A_139 = arith.extui %eq3A_108 : i1 to i32
        %cond3A_140 = arith.constant 0 : i32
        %cond3A_141 = arith.cmpi ne, %convert_element_type3A_139, %cond3A_140 : i32
        scf.if %cond3A_141 {
          "tpu.trace_start"() <{level = 10 : i32, message = "ep_finalize"}> : () -> ()
          %rem3A_142 = arith.constant 2 : i32
          %rem3A_143 = arith.remui %while3A_90#3, %rem3A_142 : i32
          %mul3A_144 = arith.constant 128 : i32
          %mul3A_145 = arith.muli %mul3A_144, %add3A_109 : i32
          %dma_wait3A = arith.constant 0 : i32
          %dma_wait3A_146 = arith.constant 0 : i32
          %dma_wait3A_147 = tpu.memref_slice %run_scoped3A_18[%rem3A_143, %dma_wait3A, %dma_wait3A_146] : memref<2x128x128xf32, #tpu.memory_space<vmem>> -> memref<1x128x128xf32, #tpu.memory_space<vmem>>
          %dma_wait3A_148 = tpu.memref_squeeze %dma_wait3A_147 : memref<1x128x128xf32, #tpu.memory_space<vmem>> -> memref<128x128xf32, #tpu.memory_space<vmem>>
          %dma_wait3A_149 = arith.constant 0 : i32
          %dma_wait3A_150 = tpu.memref_slice %arg4[%mul3A_145, %dma_wait3A_149] : memref<89600x128xf32, #tpu.memory_space<hbm>> -> memref<128x128xf32, #tpu.memory_space<hbm>>
          %dma_wait3A_151 = tpu.memref_slice %run_scoped3A_19[%rem3A_143] : memref<2x!tpu.dma_semaphore, #tpu.memory_space<semaphore_mem>> -> memref<1x!tpu.dma_semaphore, #tpu.memory_space<semaphore_mem>>
          %dma_wait3A_152 = tpu.memref_squeeze %dma_wait3A_151 : memref<1x!tpu.dma_semaphore, #tpu.memory_space<semaphore_mem>> -> memref<!tpu.dma_semaphore, #tpu.memory_space<semaphore_mem>>
          %dma_wait3A_153 = arith.constant 0 : i32
          %dma_wait3A_154 = tpu.memref_slice %arg4[%mul3A_145, %dma_wait3A_153] : memref<89600x128xf32, #tpu.memory_space<hbm>> -> memref<128x128xf32, #tpu.memory_space<hbm>>
          %dma_wait3A_155 = arith.constant 0 : i32
          %dma_wait3A_156 = arith.constant 0 : i32
          %dma_wait3A_157 = tpu.memref_slice %run_scoped3A_18[%rem3A_143, %dma_wait3A_155, %dma_wait3A_156] : memref<2x128x128xf32, #tpu.memory_space<vmem>> -> memref<1x128x128xf32, #tpu.memory_space<vmem>>
          %dma_wait3A_158 = tpu.memref_squeeze %dma_wait3A_157 : memref<1x128x128xf32, #tpu.memory_space<vmem>> -> memref<128x128xf32, #tpu.memory_space<vmem>>
          tpu.wait_dma2 semaphore(%dma_wait3A_152 : memref<!tpu.dma_semaphore, #tpu.memory_space<semaphore_mem>>) src(%dma_wait3A_158 : memref<128x128xf32, #tpu.memory_space<vmem>>) dst(%dma_wait3A_154 : memref<128x128xf32, #tpu.memory_space<hbm>>)
          "tpu.trace_stop"() : () -> ()
        } else {
        }
      } else {
      }
      tpu.yield
    }) : () -> ()
    return
  }
}

module attributes {stable_mosaic.version = 14 : i64} {
  func.func @body(%arg0: i32, %arg1: memref<200x32x128xf32, #tpu.memory_space<vmem>>, %arg2: memref<200x32x16xf32, #tpu.memory_space<vmem>>, %arg3: memref<200x32x16xf32, #tpu.memory_space<vmem>>, %arg4: memref<200x2304xf32, #tpu.memory_space<vmem>>) attributes {dimension_semantics = [#tpu.dimension_semantics<arbitrary>], iteration_bounds = array<i64: 6>, scalar_prefetch = 0 : i64, scratch_operands = 0 : i64, tpu.core_type = #tpu.core_type<tc>, window_params = [{transform_indices = @transform_0, window_bounds = array<i64: 200, 32, 128>}, {transform_indices = @transform_1, window_bounds = array<i64: 200, 32, 16>}, {transform_indices = @transform_2, window_bounds = array<i64: 200, 32, 16>}, {transform_indices = @transform_3, window_bounds = array<i64: 200, 2304>}]} {
    %get3A = arith.constant 0 : index
    %get3A_0 = arith.constant 0 : index
    %get3A_1 = arith.constant 0 : index
    %get3A_2 = vector.load %arg1[%get3A, %get3A_0, %get3A_1] : memref<200x32x128xf32, #tpu.memory_space<vmem>>, vector<200x32x128xf32>
    %convert_element_type3A = arith.truncf %get3A_2 : vector<200x32x128xf32> to vector<200x32x128xbf16>
    %get3A_3 = arith.constant 0 : index
    %get3A_4 = arith.constant 0 : index
    %get3A_5 = arith.constant 0 : index
    %get3A_6 = vector.load %arg2[%get3A_3, %get3A_4, %get3A_5] : memref<200x32x16xf32, #tpu.memory_space<vmem>>, vector<200x32x16xf32>
    %convert_element_type3A_7 = arith.truncf %get3A_6 : vector<200x32x16xf32> to vector<200x32x16xbf16>
    %get3A_8 = arith.constant 0 : index
    %get3A_9 = arith.constant 0 : index
    %get3A_10 = arith.constant 0 : index
    %get3A_11 = vector.load %arg3[%get3A_8, %get3A_9, %get3A_10] : memref<200x32x16xf32, #tpu.memory_space<vmem>>, vector<200x32x16xf32>
    %convert_element_type3A_12 = arith.truncf %get3A_11 : vector<200x32x16xf32> to vector<200x32x16xbf16>
    %dot_general3A = arith.constant dense<0.000000e+00> : vector<200x128x16xf32>
    %dot_general3A_13 = tpu.matmul %convert_element_type3A, %convert_element_type3A_7, %dot_general3A {dimension_numbers = #tpu.dot_dimension_numbers<[1], [1], [2], [2], [0, 0, 0, 2, 1, 2], [0], [0]>, transpose_lhs_hint = false} : vector<200x32x128xbf16>, vector<200x32x16xbf16>, vector<200x128x16xf32> -> vector<200x128x16xf32>
    %convert_element_type3A_14 = arith.truncf %dot_general3A_13 : vector<200x128x16xf32> to vector<200x128x16xbf16>
    %dot_general3A_15 = arith.constant dense<0.000000e+00> : vector<200x16x16xf32>
    %dot_general3A_16 = tpu.matmul %convert_element_type3A_12, %convert_element_type3A_7, %dot_general3A_15 {dimension_numbers = #tpu.dot_dimension_numbers<[1], [1], [2], [2], [0, 0, 0, 2, 1, 2], [0], [0]>, transpose_lhs_hint = false} : vector<200x32x16xbf16>, vector<200x32x16xbf16>, vector<200x16x16xf32> -> vector<200x16x16xf32>
    %convert_element_type3A_17 = arith.truncf %dot_general3A_16 : vector<200x16x16xf32> to vector<200x16x16xbf16>
    %reshape3A = vector.shape_cast %convert_element_type3A_14 : vector<200x128x16xbf16> to vector<200x2048xbf16>
    %convert_element_type3A_18 = arith.extf %reshape3A : vector<200x2048xbf16> to vector<200x2048xf32>
    %swap3A = arith.constant 0 : index
    %swap3A_19 = arith.constant 0 : index
    %swap3A_20 = vector.load %arg4[%swap3A, %swap3A_19] : memref<200x2304xf32, #tpu.memory_space<vmem>>, vector<200x2048xf32>
    tpu.vector_store %arg4[%swap3A, %swap3A_19], %convert_element_type3A_18 {strides = array<i32>} : memref<200x2304xf32, #tpu.memory_space<vmem>>, vector<200x2048xf32>,
    %reshape3A_21 = vector.shape_cast %convert_element_type3A_17 : vector<200x16x16xbf16> to vector<200x256xbf16>
    %convert_element_type3A_22 = arith.extf %reshape3A_21 : vector<200x256xbf16> to vector<200x256xf32>
    %swap3A_23 = arith.constant 0 : index
    %swap3A_24 = arith.constant 2048 : index
    %swap3A_25 = vector.load %arg4[%swap3A_23, %swap3A_24] : memref<200x2304xf32, #tpu.memory_space<vmem>>, vector<200x256xf32>
    tpu.vector_store %arg4[%swap3A_23, %swap3A_24], %convert_element_type3A_22 {strides = array<i32>} : memref<200x2304xf32, #tpu.memory_space<vmem>>, vector<200x256xf32>,
    return
  }
  func.func @transform_0(%arg0: i32) -> (i32, i32, i32) {
    %c0_i32 = arith.constant 0 : i32
    %c0_i32_0 = arith.constant 0 : i32
    %c0_i32_1 = arith.constant 0 : i32
    return %arg0, %c0_i32, %c0_i32_0 : i32, i32, i32
  }
  func.func @transform_1(%arg0: i32) -> (i32, i32, i32) {
    %add3A = arith.constant 0 : i32
    %add3A_0 = arith.addi %arg0, %add3A : i32
    %c0_i32 = arith.constant 0 : i32
    %c0_i32_1 = arith.constant 0 : i32
    %c0_i32_2 = arith.constant 0 : i32
    return %add3A_0, %c0_i32, %c0_i32_1 : i32, i32, i32
  }
  func.func @transform_2(%arg0: i32) -> (i32, i32, i32) {
    %add3A = arith.constant 0 : i32
    %add3A_0 = arith.addi %arg0, %add3A : i32
    %c0_i32 = arith.constant 0 : i32
    %c0_i32_1 = arith.constant 0 : i32
    %c0_i32_2 = arith.constant 0 : i32
    return %add3A_0, %c0_i32, %c0_i32_1 : i32, i32, i32
  }
  func.func @transform_3(%arg0: i32) -> (i32, i32) {
    %add3A = arith.constant 0 : i32
    %add3A_0 = arith.addi %arg0, %add3A : i32
    %c0_i32 = arith.constant 0 : i32
    %c0_i32_1 = arith.constant 0 : i32
    return %add3A_0, %c0_i32 : i32, i32
  }
}

module attributes {stable_mosaic.version = 14 : i64} {
  func.func @body(%arg0: i32, %arg1: memref<200x32x128xf32, #tpu.memory_space<vmem>>, %arg2: memref<200x32x16xf32, #tpu.memory_space<vmem>>, %arg3: memref<200x32x16xf32, #tpu.memory_space<vmem>>, %arg4: memref<10000x2304xf32, #tpu.memory_space<any>>, %arg5: memref<200x2304xf32, #tpu.memory_space<vmem>>) attributes {dimension_semantics = [#tpu.dimension_semantics<arbitrary>], iteration_bounds = array<i64: 8>, scalar_prefetch = 0 : i64, scratch_operands = 0 : i64, tpu.core_type = #tpu.core_type<tc>, window_params = [{transform_indices = @transform_0, window_bounds = array<i64: 200, 32, 128>}, {transform_indices = @transform_1, window_bounds = array<i64: 200, 32, 16>}, {transform_indices = @transform_2, window_bounds = array<i64: 200, 32, 16>}, {}, {transform_indices = @transform_4, window_bounds = array<i64: 200, 2304>}]} {
    %get3A = arith.constant 0 : index
    %get3A_0 = arith.constant 0 : index
    %get3A_1 = arith.constant 0 : index
    %get3A_2 = vector.load %arg1[%get3A, %get3A_0, %get3A_1] : memref<200x32x128xf32, #tpu.memory_space<vmem>>, vector<200x32x128xf32>
    %convert_element_type3A = arith.truncf %get3A_2 : vector<200x32x128xf32> to vector<200x32x128xbf16>
    %get3A_3 = arith.constant 0 : index
    %get3A_4 = arith.constant 0 : index
    %get3A_5 = arith.constant 0 : index
    %get3A_6 = vector.load %arg2[%get3A_3, %get3A_4, %get3A_5] : memref<200x32x16xf32, #tpu.memory_space<vmem>>, vector<200x32x16xf32>
    %convert_element_type3A_7 = arith.truncf %get3A_6 : vector<200x32x16xf32> to vector<200x32x16xbf16>
    %get3A_8 = arith.constant 0 : index
    %get3A_9 = arith.constant 0 : index
    %get3A_10 = arith.constant 0 : index
    %get3A_11 = vector.load %arg3[%get3A_8, %get3A_9, %get3A_10] : memref<200x32x16xf32, #tpu.memory_space<vmem>>, vector<200x32x16xf32>
    %convert_element_type3A_12 = arith.truncf %get3A_11 : vector<200x32x16xf32> to vector<200x32x16xbf16>
    %dot_general3A = arith.constant dense<0.000000e+00> : vector<200x128x16xf32>
    %dot_general3A_13 = tpu.matmul %convert_element_type3A, %convert_element_type3A_7, %dot_general3A {dimension_numbers = #tpu.dot_dimension_numbers<[1], [1], [2], [2], [0, 0, 0, 2, 1, 2], [0], [0]>, transpose_lhs_hint = false} : vector<200x32x128xbf16>, vector<200x32x16xbf16>, vector<200x128x16xf32> -> vector<200x128x16xf32>
    %convert_element_type3A_14 = arith.truncf %dot_general3A_13 : vector<200x128x16xf32> to vector<200x128x16xbf16>
    %dot_general3A_15 = arith.constant dense<0.000000e+00> : vector<200x16x16xf32>
    %dot_general3A_16 = tpu.matmul %convert_element_type3A_12, %convert_element_type3A_7, %dot_general3A_15 {dimension_numbers = #tpu.dot_dimension_numbers<[1], [1], [2], [2], [0, 0, 0, 2, 1, 2], [0], [0]>, transpose_lhs_hint = false} : vector<200x32x16xbf16>, vector<200x32x16xbf16>, vector<200x16x16xf32> -> vector<200x16x16xf32>
    %convert_element_type3A_17 = arith.truncf %dot_general3A_16 : vector<200x16x16xf32> to vector<200x16x16xbf16>
    %reshape3A = vector.shape_cast %convert_element_type3A_14 : vector<200x128x16xbf16> to vector<200x2048xbf16>
    %convert_element_type3A_18 = arith.extf %reshape3A : vector<200x2048xbf16> to vector<200x2048xf32>
    %swap3A = arith.constant 0 : index
    %swap3A_19 = arith.constant 0 : index
    %swap3A_20 = vector.load %arg5[%swap3A, %swap3A_19] : memref<200x2304xf32, #tpu.memory_space<vmem>>, vector<200x2048xf32>
    tpu.vector_store %arg5[%swap3A, %swap3A_19], %convert_element_type3A_18 {strides = array<i32>} : memref<200x2304xf32, #tpu.memory_space<vmem>>, vector<200x2048xf32>,
    %reshape3A_21 = vector.shape_cast %convert_element_type3A_17 : vector<200x16x16xbf16> to vector<200x256xbf16>
    %convert_element_type3A_22 = arith.extf %reshape3A_21 : vector<200x256xbf16> to vector<200x256xf32>
    %swap3A_23 = arith.constant 0 : index
    %swap3A_24 = arith.constant 2048 : index
    %swap3A_25 = vector.load %arg5[%swap3A_23, %swap3A_24] : memref<200x2304xf32, #tpu.memory_space<vmem>>, vector<200x256xf32>
    tpu.vector_store %arg5[%swap3A_23, %swap3A_24], %convert_element_type3A_22 {strides = array<i32>} : memref<200x2304xf32, #tpu.memory_space<vmem>>, vector<200x256xf32>,
    return
  }
  func.func @transform_0(%arg0: i32) -> (i32, i32, i32) {
    %c0_i32 = arith.constant 0 : i32
    %c0_i32_0 = arith.constant 0 : i32
    %c0_i32_1 = arith.constant 0 : i32
    return %arg0, %c0_i32, %c0_i32_0 : i32, i32, i32
  }
  func.func @transform_1(%arg0: i32) -> (i32, i32, i32) {
    %add3A = arith.constant 6 : i32
    %add3A_0 = arith.addi %arg0, %add3A : i32
    %c0_i32 = arith.constant 0 : i32
    %c0_i32_1 = arith.constant 0 : i32
    %c0_i32_2 = arith.constant 0 : i32
    return %add3A_0, %c0_i32, %c0_i32_1 : i32, i32, i32
  }
  func.func @transform_2(%arg0: i32) -> (i32, i32, i32) {
    %add3A = arith.constant 6 : i32
    %add3A_0 = arith.addi %arg0, %add3A : i32
    %c0_i32 = arith.constant 0 : i32
    %c0_i32_1 = arith.constant 0 : i32
    %c0_i32_2 = arith.constant 0 : i32
    return %add3A_0, %c0_i32, %c0_i32_1 : i32, i32, i32
  }
  func.func @transform_4(%arg0: i32) -> (i32, i32) {
    %add3A = arith.constant 6 : i32
    %add3A_0 = arith.addi %arg0, %add3A : i32
    %c0_i32 = arith.constant 0 : i32
    %c0_i32_1 = arith.constant 0 : i32
    return %add3A_0, %c0_i32 : i32, i32
  }
}

module attributes {stable_mosaic.version = 14 : i64} {
  func.func @body(%arg0: i32, %arg1: memref<200x32x128xf32, #tpu.memory_space<vmem>>, %arg2: memref<200x32x16xf32, #tpu.memory_space<vmem>>, %arg3: memref<200x32x16xf32, #tpu.memory_space<vmem>>, %arg4: memref<10000x2304xf32, #tpu.memory_space<any>>, %arg5: memref<200x2304xf32, #tpu.memory_space<vmem>>) attributes {dimension_semantics = [#tpu.dimension_semantics<arbitrary>], iteration_bounds = array<i64: 10>, scalar_prefetch = 0 : i64, scratch_operands = 0 : i64, tpu.core_type = #tpu.core_type<tc>, window_params = [{transform_indices = @transform_0, window_bounds = array<i64: 200, 32, 128>}, {transform_indices = @transform_1, window_bounds = array<i64: 200, 32, 16>}, {transform_indices = @transform_2, window_bounds = array<i64: 200, 32, 16>}, {}, {transform_indices = @transform_4, window_bounds = array<i64: 200, 2304>}]} {
    %get3A = arith.constant 0 : index
    %get3A_0 = arith.constant 0 : index
    %get3A_1 = arith.constant 0 : index
    %get3A_2 = vector.load %arg1[%get3A, %get3A_0, %get3A_1] : memref<200x32x128xf32, #tpu.memory_space<vmem>>, vector<200x32x128xf32>
    %convert_element_type3A = arith.truncf %get3A_2 : vector<200x32x128xf32> to vector<200x32x128xbf16>
    %get3A_3 = arith.constant 0 : index
    %get3A_4 = arith.constant 0 : index
    %get3A_5 = arith.constant 0 : index
    %get3A_6 = vector.load %arg2[%get3A_3, %get3A_4, %get3A_5] : memref<200x32x16xf32, #tpu.memory_space<vmem>>, vector<200x32x16xf32>
    %convert_element_type3A_7 = arith.truncf %get3A_6 : vector<200x32x16xf32> to vector<200x32x16xbf16>
    %get3A_8 = arith.constant 0 : index
    %get3A_9 = arith.constant 0 : index
    %get3A_10 = arith.constant 0 : index
    %get3A_11 = vector.load %arg3[%get3A_8, %get3A_9, %get3A_10] : memref<200x32x16xf32, #tpu.memory_space<vmem>>, vector<200x32x16xf32>
    %convert_element_type3A_12 = arith.truncf %get3A_11 : vector<200x32x16xf32> to vector<200x32x16xbf16>
    %dot_general3A = arith.constant dense<0.000000e+00> : vector<200x128x16xf32>
    %dot_general3A_13 = tpu.matmul %convert_element_type3A, %convert_element_type3A_7, %dot_general3A {dimension_numbers = #tpu.dot_dimension_numbers<[1], [1], [2], [2], [0, 0, 0, 2, 1, 2], [0], [0]>, transpose_lhs_hint = false} : vector<200x32x128xbf16>, vector<200x32x16xbf16>, vector<200x128x16xf32> -> vector<200x128x16xf32>
    %convert_element_type3A_14 = arith.truncf %dot_general3A_13 : vector<200x128x16xf32> to vector<200x128x16xbf16>
    %dot_general3A_15 = arith.constant dense<0.000000e+00> : vector<200x16x16xf32>
    %dot_general3A_16 = tpu.matmul %convert_element_type3A_12, %convert_element_type3A_7, %dot_general3A_15 {dimension_numbers = #tpu.dot_dimension_numbers<[1], [1], [2], [2], [0, 0, 0, 2, 1, 2], [0], [0]>, transpose_lhs_hint = false} : vector<200x32x16xbf16>, vector<200x32x16xbf16>, vector<200x16x16xf32> -> vector<200x16x16xf32>
    %convert_element_type3A_17 = arith.truncf %dot_general3A_16 : vector<200x16x16xf32> to vector<200x16x16xbf16>
    %reshape3A = vector.shape_cast %convert_element_type3A_14 : vector<200x128x16xbf16> to vector<200x2048xbf16>
    %convert_element_type3A_18 = arith.extf %reshape3A : vector<200x2048xbf16> to vector<200x2048xf32>
    %swap3A = arith.constant 0 : index
    %swap3A_19 = arith.constant 0 : index
    %swap3A_20 = vector.load %arg5[%swap3A, %swap3A_19] : memref<200x2304xf32, #tpu.memory_space<vmem>>, vector<200x2048xf32>
    tpu.vector_store %arg5[%swap3A, %swap3A_19], %convert_element_type3A_18 {strides = array<i32>} : memref<200x2304xf32, #tpu.memory_space<vmem>>, vector<200x2048xf32>,
    %reshape3A_21 = vector.shape_cast %convert_element_type3A_17 : vector<200x16x16xbf16> to vector<200x256xbf16>
    %convert_element_type3A_22 = arith.extf %reshape3A_21 : vector<200x256xbf16> to vector<200x256xf32>
    %swap3A_23 = arith.constant 0 : index
    %swap3A_24 = arith.constant 2048 : index
    %swap3A_25 = vector.load %arg5[%swap3A_23, %swap3A_24] : memref<200x2304xf32, #tpu.memory_space<vmem>>, vector<200x256xf32>
    tpu.vector_store %arg5[%swap3A_23, %swap3A_24], %convert_element_type3A_22 {strides = array<i32>} : memref<200x2304xf32, #tpu.memory_space<vmem>>, vector<200x256xf32>,
    return
  }
  func.func @transform_0(%arg0: i32) -> (i32, i32, i32) {
    %c0_i32 = arith.constant 0 : i32
    %c0_i32_0 = arith.constant 0 : i32
    %c0_i32_1 = arith.constant 0 : i32
    return %arg0, %c0_i32, %c0_i32_0 : i32, i32, i32
  }
  func.func @transform_1(%arg0: i32) -> (i32, i32, i32) {
    %add3A = arith.constant 14 : i32
    %add3A_0 = arith.addi %arg0, %add3A : i32
    %c0_i32 = arith.constant 0 : i32
    %c0_i32_1 = arith.constant 0 : i32
    %c0_i32_2 = arith.constant 0 : i32
    return %add3A_0, %c0_i32, %c0_i32_1 : i32, i32, i32
  }
  func.func @transform_2(%arg0: i32) -> (i32, i32, i32) {
    %add3A = arith.constant 14 : i32
    %add3A_0 = arith.addi %arg0, %add3A : i32
    %c0_i32 = arith.constant 0 : i32
    %c0_i32_1 = arith.constant 0 : i32
    %c0_i32_2 = arith.constant 0 : i32
    return %add3A_0, %c0_i32, %c0_i32_1 : i32, i32, i32
  }
  func.func @transform_4(%arg0: i32) -> (i32, i32) {
    %add3A = arith.constant 14 : i32
    %add3A_0 = arith.addi %arg0, %add3A : i32
    %c0_i32 = arith.constant 0 : i32
    %c0_i32_1 = arith.constant 0 : i32
    return %add3A_0, %c0_i32 : i32, i32
  }
}

module attributes {stable_mosaic.version = 14 : i64} {
  func.func @body(%arg0: i32, %arg1: memref<200x32x128xf32, #tpu.memory_space<vmem>>, %arg2: memref<200x32x16xf32, #tpu.memory_space<vmem>>, %arg3: memref<200x32x16xf32, #tpu.memory_space<vmem>>, %arg4: memref<10000x2304xf32, #tpu.memory_space<any>>, %arg5: memref<200x2304xf32, #tpu.memory_space<vmem>>) attributes {dimension_semantics = [#tpu.dimension_semantics<arbitrary>], iteration_bounds = array<i64: 12>, scalar_prefetch = 0 : i64, scratch_operands = 0 : i64, tpu.core_type = #tpu.core_type<tc>, window_params = [{transform_indices = @transform_0, window_bounds = array<i64: 200, 32, 128>}, {transform_indices = @transform_1, window_bounds = array<i64: 200, 32, 16>}, {transform_indices = @transform_2, window_bounds = array<i64: 200, 32, 16>}, {}, {transform_indices = @transform_4, window_bounds = array<i64: 200, 2304>}]} {
    %get3A = arith.constant 0 : index
    %get3A_0 = arith.constant 0 : index
    %get3A_1 = arith.constant 0 : index
    %get3A_2 = vector.load %arg1[%get3A, %get3A_0, %get3A_1] : memref<200x32x128xf32, #tpu.memory_space<vmem>>, vector<200x32x128xf32>
    %convert_element_type3A = arith.truncf %get3A_2 : vector<200x32x128xf32> to vector<200x32x128xbf16>
    %get3A_3 = arith.constant 0 : index
    %get3A_4 = arith.constant 0 : index
    %get3A_5 = arith.constant 0 : index
    %get3A_6 = vector.load %arg2[%get3A_3, %get3A_4, %get3A_5] : memref<200x32x16xf32, #tpu.memory_space<vmem>>, vector<200x32x16xf32>
    %convert_element_type3A_7 = arith.truncf %get3A_6 : vector<200x32x16xf32> to vector<200x32x16xbf16>
    %get3A_8 = arith.constant 0 : index
    %get3A_9 = arith.constant 0 : index
    %get3A_10 = arith.constant 0 : index
    %get3A_11 = vector.load %arg3[%get3A_8, %get3A_9, %get3A_10] : memref<200x32x16xf32, #tpu.memory_space<vmem>>, vector<200x32x16xf32>
    %convert_element_type3A_12 = arith.truncf %get3A_11 : vector<200x32x16xf32> to vector<200x32x16xbf16>
    %dot_general3A = arith.constant dense<0.000000e+00> : vector<200x128x16xf32>
    %dot_general3A_13 = tpu.matmul %convert_element_type3A, %convert_element_type3A_7, %dot_general3A {dimension_numbers = #tpu.dot_dimension_numbers<[1], [1], [2], [2], [0, 0, 0, 2, 1, 2], [0], [0]>, transpose_lhs_hint = false} : vector<200x32x128xbf16>, vector<200x32x16xbf16>, vector<200x128x16xf32> -> vector<200x128x16xf32>
    %convert_element_type3A_14 = arith.truncf %dot_general3A_13 : vector<200x128x16xf32> to vector<200x128x16xbf16>
    %dot_general3A_15 = arith.constant dense<0.000000e+00> : vector<200x16x16xf32>
    %dot_general3A_16 = tpu.matmul %convert_element_type3A_12, %convert_element_type3A_7, %dot_general3A_15 {dimension_numbers = #tpu.dot_dimension_numbers<[1], [1], [2], [2], [0, 0, 0, 2, 1, 2], [0], [0]>, transpose_lhs_hint = false} : vector<200x32x16xbf16>, vector<200x32x16xbf16>, vector<200x16x16xf32> -> vector<200x16x16xf32>
    %convert_element_type3A_17 = arith.truncf %dot_general3A_16 : vector<200x16x16xf32> to vector<200x16x16xbf16>
    %reshape3A = vector.shape_cast %convert_element_type3A_14 : vector<200x128x16xbf16> to vector<200x2048xbf16>
    %convert_element_type3A_18 = arith.extf %reshape3A : vector<200x2048xbf16> to vector<200x2048xf32>
    %swap3A = arith.constant 0 : index
    %swap3A_19 = arith.constant 0 : index
    %swap3A_20 = vector.load %arg5[%swap3A, %swap3A_19] : memref<200x2304xf32, #tpu.memory_space<vmem>>, vector<200x2048xf32>
    tpu.vector_store %arg5[%swap3A, %swap3A_19], %convert_element_type3A_18 {strides = array<i32>} : memref<200x2304xf32, #tpu.memory_space<vmem>>, vector<200x2048xf32>,
    %reshape3A_21 = vector.shape_cast %convert_element_type3A_17 : vector<200x16x16xbf16> to vector<200x256xbf16>
    %convert_element_type3A_22 = arith.extf %reshape3A_21 : vector<200x256xbf16> to vector<200x256xf32>
    %swap3A_23 = arith.constant 0 : index
    %swap3A_24 = arith.constant 2048 : index
    %swap3A_25 = vector.load %arg5[%swap3A_23, %swap3A_24] : memref<200x2304xf32, #tpu.memory_space<vmem>>, vector<200x256xf32>
    tpu.vector_store %arg5[%swap3A_23, %swap3A_24], %convert_element_type3A_22 {strides = array<i32>} : memref<200x2304xf32, #tpu.memory_space<vmem>>, vector<200x256xf32>,
    return
  }
  func.func @transform_0(%arg0: i32) -> (i32, i32, i32) {
    %c0_i32 = arith.constant 0 : i32
    %c0_i32_0 = arith.constant 0 : i32
    %c0_i32_1 = arith.constant 0 : i32
    return %arg0, %c0_i32, %c0_i32_0 : i32, i32, i32
  }
  func.func @transform_1(%arg0: i32) -> (i32, i32, i32) {
    %add3A = arith.constant 24 : i32
    %add3A_0 = arith.addi %arg0, %add3A : i32
    %c0_i32 = arith.constant 0 : i32
    %c0_i32_1 = arith.constant 0 : i32
    %c0_i32_2 = arith.constant 0 : i32
    return %add3A_0, %c0_i32, %c0_i32_1 : i32, i32, i32
  }
  func.func @transform_2(%arg0: i32) -> (i32, i32, i32) {
    %add3A = arith.constant 24 : i32
    %add3A_0 = arith.addi %arg0, %add3A : i32
    %c0_i32 = arith.constant 0 : i32
    %c0_i32_1 = arith.constant 0 : i32
    %c0_i32_2 = arith.constant 0 : i32
    return %add3A_0, %c0_i32, %c0_i32_1 : i32, i32, i32
  }
  func.func @transform_4(%arg0: i32) -> (i32, i32) {
    %add3A = arith.constant 24 : i32
    %add3A_0 = arith.addi %arg0, %add3A : i32
    %c0_i32 = arith.constant 0 : i32
    %c0_i32_1 = arith.constant 0 : i32
    return %add3A_0, %c0_i32 : i32, i32
  }
}

module attributes {stable_mosaic.version = 14 : i64} {
  func.func @body(%arg0: i32, %arg1: memref<200x32x128xf32, #tpu.memory_space<vmem>>, %arg2: memref<200x32x16xf32, #tpu.memory_space<vmem>>, %arg3: memref<200x32x16xf32, #tpu.memory_space<vmem>>, %arg4: memref<10000x2304xf32, #tpu.memory_space<any>>, %arg5: memref<200x2304xf32, #tpu.memory_space<vmem>>) attributes {dimension_semantics = [#tpu.dimension_semantics<arbitrary>], iteration_bounds = array<i64: 14>, scalar_prefetch = 0 : i64, scratch_operands = 0 : i64, tpu.core_type = #tpu.core_type<tc>, window_params = [{transform_indices = @transform_0, window_bounds = array<i64: 200, 32, 128>}, {transform_indices = @transform_1, window_bounds = array<i64: 200, 32, 16>}, {transform_indices = @transform_2, window_bounds = array<i64: 200, 32, 16>}, {}, {transform_indices = @transform_4, window_bounds = array<i64: 200, 2304>}]} {
    %get3A = arith.constant 0 : index
    %get3A_0 = arith.constant 0 : index
    %get3A_1 = arith.constant 0 : index
    %get3A_2 = vector.load %arg1[%get3A, %get3A_0, %get3A_1] : memref<200x32x128xf32, #tpu.memory_space<vmem>>, vector<200x32x128xf32>
    %convert_element_type3A = arith.truncf %get3A_2 : vector<200x32x128xf32> to vector<200x32x128xbf16>
    %get3A_3 = arith.constant 0 : index
    %get3A_4 = arith.constant 0 : index
    %get3A_5 = arith.constant 0 : index
    %get3A_6 = vector.load %arg2[%get3A_3, %get3A_4, %get3A_5] : memref<200x32x16xf32, #tpu.memory_space<vmem>>, vector<200x32x16xf32>
    %convert_element_type3A_7 = arith.truncf %get3A_6 : vector<200x32x16xf32> to vector<200x32x16xbf16>
    %get3A_8 = arith.constant 0 : index
    %get3A_9 = arith.constant 0 : index
    %get3A_10 = arith.constant 0 : index
    %get3A_11 = vector.load %arg3[%get3A_8, %get3A_9, %get3A_10] : memref<200x32x16xf32, #tpu.memory_space<vmem>>, vector<200x32x16xf32>
    %convert_element_type3A_12 = arith.truncf %get3A_11 : vector<200x32x16xf32> to vector<200x32x16xbf16>
    %dot_general3A = arith.constant dense<0.000000e+00> : vector<200x128x16xf32>
    %dot_general3A_13 = tpu.matmul %convert_element_type3A, %convert_element_type3A_7, %dot_general3A {dimension_numbers = #tpu.dot_dimension_numbers<[1], [1], [2], [2], [0, 0, 0, 2, 1, 2], [0], [0]>, transpose_lhs_hint = false} : vector<200x32x128xbf16>, vector<200x32x16xbf16>, vector<200x128x16xf32> -> vector<200x128x16xf32>
    %convert_element_type3A_14 = arith.truncf %dot_general3A_13 : vector<200x128x16xf32> to vector<200x128x16xbf16>
    %dot_general3A_15 = arith.constant dense<0.000000e+00> : vector<200x16x16xf32>
    %dot_general3A_16 = tpu.matmul %convert_element_type3A_12, %convert_element_type3A_7, %dot_general3A_15 {dimension_numbers = #tpu.dot_dimension_numbers<[1], [1], [2], [2], [0, 0, 0, 2, 1, 2], [0], [0]>, transpose_lhs_hint = false} : vector<200x32x16xbf16>, vector<200x32x16xbf16>, vector<200x16x16xf32> -> vector<200x16x16xf32>
    %convert_element_type3A_17 = arith.truncf %dot_general3A_16 : vector<200x16x16xf32> to vector<200x16x16xbf16>
    %reshape3A = vector.shape_cast %convert_element_type3A_14 : vector<200x128x16xbf16> to vector<200x2048xbf16>
    %convert_element_type3A_18 = arith.extf %reshape3A : vector<200x2048xbf16> to vector<200x2048xf32>
    %swap3A = arith.constant 0 : index
    %swap3A_19 = arith.constant 0 : index
    %swap3A_20 = vector.load %arg5[%swap3A, %swap3A_19] : memref<200x2304xf32, #tpu.memory_space<vmem>>, vector<200x2048xf32>
    tpu.vector_store %arg5[%swap3A, %swap3A_19], %convert_element_type3A_18 {strides = array<i32>} : memref<200x2304xf32, #tpu.memory_space<vmem>>, vector<200x2048xf32>,
    %reshape3A_21 = vector.shape_cast %convert_element_type3A_17 : vector<200x16x16xbf16> to vector<200x256xbf16>
    %convert_element_type3A_22 = arith.extf %reshape3A_21 : vector<200x256xbf16> to vector<200x256xf32>
    %swap3A_23 = arith.constant 0 : index
    %swap3A_24 = arith.constant 2048 : index
    %swap3A_25 = vector.load %arg5[%swap3A_23, %swap3A_24] : memref<200x2304xf32, #tpu.memory_space<vmem>>, vector<200x256xf32>
    tpu.vector_store %arg5[%swap3A_23, %swap3A_24], %convert_element_type3A_22 {strides = array<i32>} : memref<200x2304xf32, #tpu.memory_space<vmem>>, vector<200x256xf32>,
    return
  }
  func.func @transform_0(%arg0: i32) -> (i32, i32, i32) {
    %c0_i32 = arith.constant 0 : i32
    %c0_i32_0 = arith.constant 0 : i32
    %c0_i32_1 = arith.constant 0 : i32
    return %arg0, %c0_i32, %c0_i32_0 : i32, i32, i32
  }
  func.func @transform_1(%arg0: i32) -> (i32, i32, i32) {
    %add3A = arith.constant 36 : i32
    %add3A_0 = arith.addi %arg0, %add3A : i32
    %c0_i32 = arith.constant 0 : i32
    %c0_i32_1 = arith.constant 0 : i32
    %c0_i32_2 = arith.constant 0 : i32
    return %add3A_0, %c0_i32, %c0_i32_1 : i32, i32, i32
  }
  func.func @transform_2(%arg0: i32) -> (i32, i32, i32) {
    %add3A = arith.constant 36 : i32
    %add3A_0 = arith.addi %arg0, %add3A : i32
    %c0_i32 = arith.constant 0 : i32
    %c0_i32_1 = arith.constant 0 : i32
    %c0_i32_2 = arith.constant 0 : i32
    return %add3A_0, %c0_i32, %c0_i32_1 : i32, i32, i32
  }
  func.func @transform_4(%arg0: i32) -> (i32, i32) {
    %add3A = arith.constant 36 : i32
    %add3A_0 = arith.addi %arg0, %add3A : i32
    %c0_i32 = arith.constant 0 : i32
    %c0_i32_1 = arith.constant 0 : i32
    return %add3A_0, %c0_i32 : i32, i32
  }
}

</mosaic_0001>

<sc_bundles>
// kernel: kernel.12.cloned.1.call-start
scs
__scs_entry_jumppad:
0x0: {  	(pc) =	sbr.rel $0x88, $3  }
0x1: {  	(tag) =	ssettag $0x0;
	lr =	simm.s32 $0x1  }
0x2: {  	[smem:$0x3F9D] =	sst lr;
	_ =	strace $0xD0000000  }
0x3: {  	_ = 	snop  }
0x4: {  	_ = 	snop  }
0x5: {  	_ = 	snop  }
0x6: {  	_ = 	snop  }
0x7: {  	_ = 	snop  }
__scs_overlays_trampoline_lowered:
0x8: {  	[smem:$0x3FAC] =	sst s0  }
0x9: {  	[smem:$0x3FAD] =	sst s1  }
0xa: {  	[smem:$0x3FAE] =	sst s2  }
0xb: {  	[smem:$0x3FAF] =	sst s3  }
0xc: {  	[smem:$0x3FB0] =	sst s4  }
0xd: {  	[smem:$0x3FB1] =	sst s5  }
0xe: {  	[smem:$0x3FB2] =	sst s6  }
0xf: {  	[smem:$0x3FB3] =	sst s7  }
0x10: {  	[smem:$0x3FB4] =	sst s8  }
0x11: {  	[smem:$0x3FB5] =	sst s9;
	s0 =	simm.s32 @!p0 $0x0  }
0x12: {  	s1 =	sld [smem:$0x3F9B];
	s0 =	simm.s32 @p0 $0x1  }
0x13: {  	[smem:$0x3FB6] =	sst s0;
	s0 =	simm.s32 @!p1 $0x0  }
0x14: {  	s2 =	sld [smem:$0x3F9A];
	s0 =	simm.s32 @p1 $0x1  }
0x15: {  	[smem:$0x3FB7] =	sst s0;
	s0 =	simm.s32 @!p2 $0x0  }
0x16: {  	s3 =	sld [smem:$0x3FDB];
	s0 =	simm.s32 @p2 $0x1  }
0x17: {  	s4 =	simm.s32 $0x1BF5;
	[smem:$0x3FB9] =	sst s0  }
0x18: {  	s0 =	sld [smem:$0x3F9C];
	_ =	swait.ge [sflag:s4], $0x0  }
0x19: {  	s7 =	sld [smem:$0x3F9D]  }
0x1a: {  	s8 =	sadd.s32 $0xFFFFE003, lr  }
0x1b: {  	s9 =	sadd.s32 $0xFFFFFEF7, lr;
	s5 =	simm.s32 $0xFFFFFFFF;
	p2 =	slt.u32 s8, $0xFFFFF086  }
0x1c: {  	p1 =	slt.u32 s9, $0xF7A;
	s5 =	simm.s32 @!p2 $0x0  }
0x1d: {  	s5 =	simm.s32 @p1 $0x1;
	p0 =	seq.s32 s7, s2  }
0x1e: {  	s7 =	smul.u32 @!p0 $0xF7A, s2;
	p2 =	seq.s32 @!p0 s5, $0x0  }
0x1f: {  	s9 =	smul.u32 $0xF7A, s1;
	s8 =	simm.s32 @!p0 $0x1BF5;
	p2 =	por !p2, p0  }
0x20: {  	[sflag:s8] =	ssyncset.s32 @!p0 $0xFFFFF086;
	s6 =	sadd.s32 @!p0 s3, s7;
	s7 =	simm.s32 @!p0 $0x108  }
0x21: {  	s3 =	sadd.s32 s3, s9;
	s6 =	sadd.s32 @!p0 $0x88, s6;
	s7 =	simm.s32 @p2 $0x1082  }
0x22: {  	[simem:s7], [sflag:s8] =	dma.local @!p0 [hbm:s6], $0xF7A  }
0x23: {  	s9 =	sor.u32 $0xD0000000, s2;
	s6 =	simm.s32 $0x108;
	_ =	swait.ge @!p0 [sflag:s8], $0x0  }
0x24: {  	s3 =	sadd.s32 $0x88, s3;
	s6 =	simm.s32 @!p1 $0x1082;
	[sflag:s4] =	ssyncset.s32 $0xFFFFF086  }
0x25: {  	[simem:s6], [sflag:s4] =	dma.local [hbm:s3], $0xF7A  }
0x26: {  	[smem:$0x3F9D] =	sst s1;
	(tag) =	ssettag s2;
	_ =	strace s9  }
0x27: {  	s1 =	sld [smem:$0x3FAD]  }
0x28: {  	s2 =	sld [smem:$0x3FAE]  }
0x29: {  	s4 =	sld [smem:$0x3FB0]  }
0x2a: {  	p0 =	seq.s32 s5, $0x0;
	s5 =	sld [smem:$0x3FB1]  }
0x2b: {  	s6 =	sld [smem:$0x3FB2]  }
0x2c: {  	s7 =	sld [smem:$0x3FB3]  }
0x2d: {  	s3 =	simm.s32 $0x108;
	s8 =	sld [smem:$0x3FB4]  }
0x2e: {  	s3 =	simm.s32 @!p0 $0x1082;
	s9 =	sld [smem:$0x3FB5]  }
0x2f: {  	lr =	sadd.s32 s0, s3;
	s0 =	sld [smem:$0x3FAC]  }
0x30: {  	s3 =	sld [smem:$0x3FAF]  }
0x31: {  	[smem:$0x3FB8] =	sst s10  }
0x32: {  	s10 =	sld [smem:$0x3FB6];
	_ =	sdelay $0x3  }
0x33: {  	p0 =	seq.s32 s10, $0x1;
	s10 =	sld [smem:$0x3FB8];
	_ =	sdelay $0x3  }
0x34: {  	[smem:$0x3FB8] =	sst s10  }
0x35: {  	s10 =	sld [smem:$0x3FB7];
	_ =	sdelay $0x3  }
0x36: {  	p1 =	seq.s32 s10, $0x1;
	s10 =	sld [smem:$0x3FB8];
	_ =	sdelay $0x3  }
0x37: {  	[smem:$0x3FB8] =	sst s10  }
0x38: {  	s10 =	sld [smem:$0x3FB9]  }
0x39: {  	_ = 	snop;
	(pc) =	sbr.ind lr, $3  }
0x3a: {  	_ = 	snop  }
0x3b: {  	_ = 	snop  }
0x3c: {  	p2 =	seq.s32 s10, $0x1;
	s10 =	sld [smem:$0x3FB8]  }
0x3d: {  	_ =	shalt  }
0x3e: {  	_ =	shalt  }
0x3f: {  	_ =	shalt  }
0x40: {  	_ =	shalt  }
0x41: {  	_ =	shalt  }
0x42: {  	_ =	shalt  }
0x43: {  	_ =	shalt  }
0x44: {  	_ =	shalt  }
0x45: {  	_ =	shalt  }
0x46: {  	_ =	shalt  }
0x47: {  	_ =	shalt  }
0x48: {  	_ =	shalt  }
0x49: {  	_ =	shalt  }
0x4a: {  	_ =	shalt  }
0x4b: {  	_ =	shalt  }
0x4c: {  	_ =	shalt  }
0x4d: {  	_ =	shalt  }
0x4e: {  	_ =	shalt  }
0x4f: {  	_ =	shalt  }
0x50: {  	_ =	shalt  }
0x51: {  	_ =	shalt  }
0x52: {  	_ =	shalt  }
0x53: {  	_ =	shalt  }
0x54: {  	_ =	shalt  }
0x55: {  	_ =	shalt  }
0x56: {  	_ =	shalt  }
0x57: {  	_ =	shalt  }
0x58: {  	_ =	shalt  }
0x59: {  	_ =	shalt  }
0x5a: {  	_ =	shalt  }
0x5b: {  	_ =	shalt  }
0x5c: {  	_ =	shalt  }
0x5d: {  	_ =	shalt  }
0x5e: {  	_ =	shalt  }
0x5f: {  	_ =	shalt  }
0x60: {  	_ =	shalt  }
0x61: {  	_ =	shalt  }
0x62: {  	_ =	shalt  }
0x63: {  	_ =	shalt  }
0x64: {  	_ =	shalt  }
0x65: {  	_ =	shalt  }
0x66: {  	_ =	shalt  }
0x67: {  	_ =	shalt  }
0x68: {  	_ =	shalt  }
0x69: {  	_ =	shalt  }
0x6a: {  	_ =	shalt  }
0x6b: {  	_ =	shalt  }
0x6c: {  	_ =	shalt  }
0x6d: {  	_ =	shalt  }
0x6e: {  	_ =	shalt  }
0x6f: {  	_ =	shalt  }
0x70: {  	_ =	shalt  }
0x71: {  	_ =	shalt  }
0x72: {  	_ =	shalt  }
0x73: {  	_ =	shalt  }
0x74: {  	_ =	shalt  }
0x75: {  	_ =	shalt  }
0x76: {  	_ =	shalt  }
0x77: {  	_ =	shalt  }
0x78: {  	_ =	shalt  }
0x79: {  	_ =	shalt  }
0x7a: {  	_ =	shalt  }
0x7b: {  	_ =	shalt  }
0x7c: {  	_ =	shalt  }
0x7d: {  	_ =	shalt  }
0x7e: {  	_ =	shalt  }
0x7f: {  	_ =	shalt  }
0x80: {  	_ =	shalt  }
0x81: {  	_ =	shalt  }
0x82: {  	_ =	shalt  }
0x83: {  	_ =	shalt  }
0x84: {  	_ =	shalt  }
0x85: {  	_ =	shalt  }
0x86: {  	_ =	shalt  }
0x87: {  	_ =	shalt  }
.Lfunc_end0:
.L_simem_size_0:
called_computation_lowered:
.L_overlay_start_0:
0x88: {  	s2 =	sld [smem:$0x3FD9]  }
0x89: {  	s3 =	sld [smem:$0x3FFE];
	_ =	sdelay $0x1  }
0x8a: {  	s1 =	srdreg.scid  }
0x8b: {  	s0 =	sand.u32 $0x1, s1  }
0x8c: {  	s17 =	sshll.u32 s0, $0xA;
	s2 =	sadd.s32 s3, s2  }
0x8d: {  	s2 =	sadd.s32 s2, s17  }
0x8e: {  	[smem:$0x3FC4] =	sst s2  }
0x8f: {  	_ = 	snop  }
0x90: {  	s2 =	sld [smem:$0x3FC9]  }
0x91: {  	s18 =	sld [smem:$0x3FD0];
	(tm) =	ssettm $0x1  }
0x92: {  	s4 =	sld [smem:$0x3FFB];
	_ =	sdelay $0x3  }
0x93: {  	_ =	strace s4  }
0x94: {  	s4 =	sld [smem:$0x3FFC];
	_ =	sdelay $0x3  }
0x95: {  	_ =	strace s4  }
0x96: {  	s4 =	sld [smem:$0x3FFD];
	_ =	sdelay $0x3  }
0x97: {  	_ =	strace s4  }
0x98: {  	_ =	strace $0x8FFFFFFF  }
0x99: {  	s19 =	sld [smem:$0x3FDB];
	_ =	sdelay $0x1  }
0x9a: {  	s5 =	simm.s32 $_scs_section_size  }
0x9b: {  	s6 =	simm.s32 $_size__tile_overlayer_lowered;
	s7 =	simm.s32 $_tile_overlayer_lowered  }
0x9c: {  	s22 =	simm.s32 $0x1BFF;
	s21 =	sshll.u32 s7, $0x1;
	s4 =	sadd.s32 s5, s19  }
0x9d: {  	s8 =	simm.s32 $0x0;
	s20 =	sshll.u32 s6, $0x1;
	s6 =	sadd.s32 s21, s4  }
0x9e: {  	[timem:s8], [sflag:s22] =	dma.local [hbm:s6], s20  }
0x9f: {  	_ =	swait.ge [sflag:s22], s20  }
0xa0: {  	s5 =	ssub.s32 $0x0, s20;
	[sflag:s22] =	ssyncset.done $0x0  }
0xa1: {  	[sflag:s22] =	ssyncadd.s32 s5;
	_ =	sdelay $0x1  }
0xa2: {  	s23 =	simm.s32 $0x1B8B  }
0xa3: {  	_ =	swait.ge [sflag:s23], $0x1  }
0xa4: {  	[sflag:s23] =	ssyncset.done $0x0  }
0xa5: {  	s25 =	simm.s32 $0x1B8E;
	s24 =	sld [smem:$0x3FFE];
	[sflag:s23] =	ssyncadd.s32 $0xFFFFFFFF  }
0xa6: {  	s26 =	simm.s32 $execute0_lowered;
	[smem:$0x3FD2] =	sst s25  }
0xa7: {  	s6 =	sshll.u32 s26, $0x1;
	_ =	strace $0x80000046;
	[dreg:$0x1] =	wrdreg $0xFFFFFFFF  }
0xa8: {  	s28 =	simm.s32 $_size_execute0_lowered;
	s4 =	sadd.s32 s4, s6;
	[dreg:$0x0] =	wrdreg $0x0  }
0xa9: {  	s6 =	sshll.u32 s28, $0x1;
	[dreg:$0x2] =	wrdreg s4  }
0xaa: {  	[dreg:$0x3] =	wrdreg s6  }
0xab: {  	[dreg:$0x4] =	wrdreg $0xC0  }
0xac: {  	_ =	task [dreg:s8], $0x5FFFF  }
0xad: {  	[dreg:$0x1] =	wrdreg $0xFFFFFFFF  }
0xae: {  	[dreg:$0x0] =	wrdreg $0x60  }
0xaf: {  	[dreg:$0x2] =	wrdreg s2  }
0xb0: {  	[dreg:$0x3] =	wrdreg s24  }
0xb1: {  	[dreg:$0x4] =	wrdreg s18  }
0xb2: {  	[dreg:$0x5] =	wrdreg $0x9  }
0xb3: {  	_ =	task.clear_ibuf [dreg:s8], $0x6FFFF;
	_ =	strace $0x90000046  }
0xb4: {  	s29 =	simm.s32 $0x9;
	_ =	strace $0x8000004F  }
0xb5: {  	_ =	swait.ge [sflag:s29], $0x1  }
0xb6: {  	[sflag:s29] =	ssyncadd.s32 $0xFFFFFFFF  }
0xb7: {  	_ =	strace $0x9000004F  }
0xb8: {  	_ =	sfence  }
0xb9: {  	s30 =	sld [smem:$0x0];
	_ =	sdelay $0x2  }
0xba: {  	s31 =	sshll.u32 s1, $0xD;
	s1 =	sshrl.u32 s1, $0x2  }
0xbb: {  	s3 =	sand.u32 $0x4000, s31;
	s1 =	sadd.s32 s1, s30  }
0xbc: {  	s0 =	sor.u32 s3, s0;
	s1 =	sshll.u32 s1, $0x11  }
0xbd: {  	s0 =	sor.u32 s1, s0  }
0xbe: {  	s0 =	sadd.s32 $0x8F2B, s0  }
0xbf: {  	[sflag:s0] =	ssyncadd.remote.s32 $0x1  }
0xc0: {  	_ =	sfence.sel $0xFFFF  }
0xc1: {  	[dreg:$0x0] =	wrdreg $0xFFFFFFFF;
	(pc) =	sbr.abs _section_cstart, $3  }
0xc2: {  	[dreg:$0x1] =	wrdreg $0xFFFFFFFF  }
0xc3: {  	_ =	task.clear_ibuf [dreg:s8], $0x2FFFF;
	_ =	strace $0x9FFFFFFF  }
0xc4: {  	(tm) =	ssettm $0x7FFFFFFF  }
0xc5: {  	_ =	shalt  }
tec
execute0_lowered:
.L_overlay_start_1:
0x0: {  	(tag) =	ssettag $0x1  }
0x1: {  	s0 =	rddreg [dreg:$0x0]  }
0x2: {  	s4 =	rddreg [dreg:$0x1]  }
0x3: {  	s1 =	srdreg.scid;
	s2 =	rddreg [dreg:$0x2];
	s9 =	simm.s32 $0x1  }
0x4: {  	s10 =	simm.s32 $0x80;
	s11 =	simm.s32 $0x0;
	s5 =	sand.u32 $0x1, s1  }
0x5: {  	[dreg:$0x4] =	wrdreg s0;
	s0 =	stileid.u32;
	s1 =	sshll.u32 s5, $0x4  }
0x6: {  	[dreg:$0x6] =	wrdreg s2;
	s2 =	simm.s32 $0x0;
	s3 =	sor.u32 s0, s1  }
0x7: {  	s4 =	sadd.s32 $0x2A00, s4;
	[smem:$0x7FF] =	sst s2;
	s6 =	smul.u32 $0x9, s3  }
0x8: {  	s31 =	ssub.s32 $0x2, s5;
	s5 =	simm.s32 $0xA;
	s7 =	smul.u32 $0xA, s3  }
0x9: {  	s1 =	rddreg [dreg:$0x3];
	p0 =	slt.u32 s3, $0xC;
	s3 =	sadd.s32 $0xC, s6  }
0xa: {  	_ =	strace $0x80000047;
	s8 =	sshrl.u32 s31, $0x1;
	s3 =	smov.u32 @p0 s7  }
0xb: {  	[dreg:$0x5] =	wrdreg s10;
	s10 =	simm.s32 $0x5;
	s7 =	sshll.u32 s3, $0x4  }
0xc: {  	s8 =	ssub.s32 s31, s8;
	s5 =	simm.s32 @!p0 $0x9;
	s7 =	sand.u32 $0x1FFFFFF0, s7  }
0xd: {  	s8 =	smax.u32 s8, $0x1;
	s6 =	sadd.s32 s4, s7;
	s7 =	sadd.s32 $0xFFFFFFFF, s5  }
.LBB2_1:
0xe: {  	_ =	strace $0x80000048;
	p2 =	sne.s32 s5, $0x1  }
.Ltmp0:
0xf: {  	p0 =	seq.s32 s5, $0x1;
	s13 =	simm.s32 $0x1;
	(pc) =	sbr.rel @!p2 .LBB2_2-.Ltmp0, $4  }
0x10: {  	[tilespmem:s2], [sflag:$0x1] =	stream.linear.gather [hbm4b:s6+s2], $0x80, $0x200038;
	[tilespmem:$0x8100] =	vst v63  }
0x11: {  	s12 =	simm.s32 $0x1;
	p1 =	por $0x1, $0x1;
	s13 =	simm.s32 @p0 $0x0  }
0x12: {  	p6 =	sgt.u32 s7, $0x0;
	p4 =	por p1, p1;
	p3 =	sne.s32 s13, $0x0  }
0x13: {  	_ =	strace $0x90000048;
	p5 =	por !p6, !p3;
	p6 =	por $0x0, $0x0  }
0x14: {  	p2 =	por !p5, !p5  }
0x15: {  	s21 =	sand.u32 $0x1, s2;
	s19 =	simm.s32 $0x2;
	s14 =	sadd.s32 @p2 s3, s13  }
0x16: {  	p1 =	por p3, p3;
	s15 =	sand.u32 @p2 $0x1, s9;
	s14 =	sshll.u32 @p2 s14, $0x4  }
0x17: {  	_ =	strace @p2 $0x80000049;
	s17 =	simm.s32 @p2 $0x0;
	s14 =	sand.u32 @p2 $0x1FFFFFF0, s14  }
0x18: {  	s16 =	sshll.u32 @p2 s15, $0x7;
	s15 =	sadd.s32 @p2 $0x1, s15;
	s14 =	sadd.s32 @p2 s4, s14  }
0x19: {  	[tilespmem:s16], [sflag:s15] =	stream.linear.gather @p2 [hbm4b:s14+s17], $0x80, $0x200038;
	[tilespmem:$0x8100] =	vst v63  }
0x1a: {  	s30 =	simm.s32 $0x0;
	p6 =	por $0x0, $0x0;
	_ =	strace @p2 $0x90000049  }
0x1b: {  	p0 =	sne.s32 s5, $0x2;
	s29 =	sadd.s32 $0x1, s21;
	_ =	strace $0x8000004A  }
0x1c: {  	s24 =	sadd.s32 $0x0, s3;
	p5 =	sgt.u32 s7, $0x1;
	_ =	swait.ge [sflag:s29], $0x80  }
0x1d: {  	s23 =	simm.s32 $0x1;
	s22 =	sshll.u32 s21, $0xE;
	[sflag:s29] =	ssyncset.done $0x0  }
0x1e: {  	s22 =	sor.u32 $0x100, s22;
	s16 =	sand.u32 @!p4 $0x1, s2;
	[sflag:s29] =	ssyncadd.s32 $0xFFFFFF80  }
0x1f: {  	s15 =	simm.s32 $0x1;
	s17 =	sadd.s32 $0x1, s13;
	_ =	strace $0x9000004A  }
0x20: {  	s14 =	sand.u32 $0x80, s30;
	s15 =	simm.s32 @!p2 $0x0;
	_ =	strace $0x8000004B  }
0x21: {  	p2 =	por p4, p4;
	p4 =	por p6, p6;
	s20 =	rddreg [dreg:$0x5]  }
0x22: {  	p3 =	seq.s32 s17, s5;
	p6 =	seq.s32 s7, $0x0;
	s31 =	rddreg [dreg:$0x4]  }
0x23: {  	[tilespmem:s22], [sflag:$0x5] =	stream.indirect.gather [hbm4b:s31+s20], $0x80, s14, s20, $0x2000b8;
	[tilespmem:$0x8100] =	vst v63  }
.Ltmp1:
0x24: {  	s18 =	sadd.s32 $0x1, s15;
	s17 =	simm.s32 @p3 $0x0;
	(pc) =	sbr.rel @!p0 .LBB2_4-.Ltmp1, $4  }
0x25: {  	p1 =	por p6, p1;
	p6 =	por $0x0, $0x0;
	_ =	swait.ge [sflag:s10], $0x4000  }
0x26: {  	s15 =	simm.s32 $0x0;
	p3 =	sne.s32 s13, s17;
	[sflag:s10] =	ssyncset.done $0x0  }
0x27: {  	s23 =	simm.s32 @!p6 $0x0;
	p5 =	por !p5, !p3;
	[sflag:s10] =	ssyncadd.s32 $0xFFFFC000  }
0x28: {  	s14 =	simm.s32 $0x0;
	s20 =	simm.s32 $0x0;
	_ =	strace $0x9000004B  }
.LBB2_5:
0x29: {  	_ =	strace @p1 $0x8000004C;
	s14 =	sadd.s32 s23, s14;
	s23 =	smov.u32 s12  }
0x2a: {  	s12 =	smov.u32 s19;
	s19 =	sadd.s32 $0x1, s19;
	p0 =	por p3, p3  }
0x2b: {  	s29 =	sshll.u32 @p1 s24, $0xB;
	s21 =	sadd.s32 @p1 $0x3, s21;
	s25 =	simm.s32 @!p0 $0x0  }
0x2c: {  	s26 =	rddreg [dreg:$0x6];
	s29 =	sand.u32 @p1 $0x1FFFF800, s29;
	s25 =	simm.s32 @p0 $0x1  }
0x2d: {  	s26 =	sadd.s32 @p1 s26, s29;
	s29 =	simm.s32 @p1 $0x0;
	p0 =	sne.s32 s5, s19  }
0x2e: {  	[hbm4b:s26+s29] =	stream.linear.scatter @p1 [tilespmem:s22], [sflag:s21], $0x4000, $0x200038;
	[tilespmem:$0x8100] =	vst v63  }
0x2f: {  	s21 =	sadd.s32 @!p2 $0x3, s16;
	s16 =	simm.s32 @!p0 $0x0  }
0x30: {  	s28 =	simm.s32 $0x1;
	[smem:$0x7FC] =	sst s25;
	s16 =	simm.s32 @p0 $0x1  }
0x31: {  	s28 =	simm.s32 @!p1 $0x0;
	_ =	strace @p1 $0x9000004C;
	[smem:$0x7FD] =	sst s16  }
0x32: {  	s20 =	sadd.s32 s28, s20;
	s25 =	sand.u32 @!p4 $0x1, s14;
	_ =	strace @!p2 $0x8000004D  }
0x33: {  	p1 =	por !p5, !p5;
	s16 =	smov.u32 s25;
	_ =	swait.ge @!p2 [sflag:s21], $0x4000  }
0x34: {  	s22 =	sand.u32 @p1 $0x1, s18;
	s25 =	sadd.s32 @p1 s3, s17;
	[sflag:s21] =	ssyncset.done @!p2 $0x0  }
0x35: {  	s26 =	sshll.u32 @p1 s22, $0x7;
	s25 =	sshll.u32 @p1 s25, $0x4;
	[sflag:s21] =	ssyncadd.s32 @!p2 $0xFFFFC000  }
0x36: {  	s21 =	sadd.s32 @p1 $0x1, s22;
	s22 =	sand.u32 @p1 $0x1FFFFFF0, s25;
	_ =	strace @!p2 $0x9000004D  }
0x37: {  	s25 =	simm.s32 @p1 $0x0;
	s22 =	sadd.s32 @p1 s4, s22;
	_ =	strace @p1 $0x80000049  }
0x38: {  	[tilespmem:s26], [sflag:s21] =	stream.linear.gather @p1 [hbm4b:s22+s25], $0x80, $0x200038;
	[tilespmem:$0x8100] =	vst v63  }
0x39: {  	s15 =	sadd.s32 s28, s15;
	s28 =	sand.u32 $0x1, s20;
	_ =	strace @p1 $0x90000049  }
0x3a: {  	s28 =	sadd.s32 $0x1, s28;
	_ =	strace $0x8000004A  }
0x3b: {  	_ =	swait.ge [sflag:s28], $0x80  }
0x3c: {  	[sflag:s28] =	ssyncset.done $0x0  }
0x3d: {  	s21 =	simm.s32 $0x1;
	[sflag:s28] =	ssyncadd.s32 $0xFFFFFF80  }
0x3e: {  	s21 =	simm.s32 @!p1 $0x0;
	_ =	strace $0x9000004A  }
0x3f: {  	s18 =	sadd.s32 s21, s18;
	s21 =	sand.u32 $0x1, s15;
	_ =	strace $0x8000004B  }
0x40: {  	s31 =	sshll.u32 s20, $0x7;
	s29 =	sshll.u32 s21, $0xE;
	s25 =	rddreg [dreg:$0x5]  }
0x41: {  	s31 =	sand.u32 $0x80, s31;
	s22 =	sor.u32 $0x100, s29;
	s26 =	rddreg [dreg:$0x4]  }
0x42: {  	[tilespmem:s22], [sflag:$0x5] =	stream.indirect.gather [hbm4b:s26+s25], $0x80, s31, s25, $0x2000b8;
	[tilespmem:$0x8100] =	vst v63  }
0x43: {  	_ =	swait.ge [sflag:s10], $0x4000  }
0x44: {  	[sflag:s10] =	ssyncset.done $0x0  }
0x45: {  	[sflag:s10] =	ssyncadd.s32 $0xFFFFC000  }
0x46: {  	s30 =	sadd.s32 $0x1, s17;
	_ =	strace $0x9000004B  }
0x47: {  	s24 =	sadd.s32 s3, s13;
	s13 =	smov.u32 s17;
	s31 =	sld [smem:$0x7FD]  }
0x48: {  	p0 =	sne.s32 s23, $0x0;
	s17 =	smov.u32 s30;
	p1 =	seq.s32 s30, s5  }
0x49: {  	s17 =	simm.s32 @p1 $0x0;
	p1 =	seq.s32 s7, s23;
	s23 =	simm.s32 $0x1  }
0x4a: {  	s23 =	simm.s32 @!p0 $0x0;
	p0 =	seq.s32 s31, $0x1  }
.Ltmp2:
0x4b: {  	s30 =	sld [smem:$0x7FC];
	(pc) =	sbr.rel @p0 .LBB2_5-.Ltmp2, $4  }
0x4c: {  	p3 =	seq.s32 s12, $0x0  }
0x4d: {  	p6 =	por p3, p3;
	p5 =	slt.u32 s12, s7  }
0x4e: {  	p2 =	por p4, p4;
	p3 =	sne.s32 s13, s17;
	p4 =	seq.s32 s30, $0x1  }
0x4f: {  	p5 =	por !p5, !p3;
	p1 =	por p1, p4;
	p4 =	por p6, p6  }
0x50: {  	p6 =	por $0x1, $0x1  }
.LBB2_7:
0x51: {  	p0 =	por !p1, !p6  }
0x52: {  	s25 =	simm.s32 $0x1;
	_ =	strace @!p0 $0x8000004C;
	s24 =	sshll.u32 @!p0 s24, $0xB  }
0x53: {  	p2 =	por p2, !p6;
	s19 =	rddreg [dreg:$0x6];
	s24 =	sand.u32 @!p0 $0x1FFFF800, s24  }
0x54: {  	s21 =	sadd.s32 @!p0 $0x3, s21;
	s19 =	sadd.s32 @!p0 s19, s24;
	s24 =	simm.s32 @!p0 $0x0  }
0x55: {  	[hbm4b:s19+s24] =	stream.linear.scatter @!p0 [tilespmem:s22], [sflag:s21], $0x4000, $0x200038;
	[tilespmem:$0x8100] =	vst v63  }
0x56: {  	p1 =	por !p5, !p5;
	s25 =	simm.s32 @p0 $0x0;
	_ =	strace @!p0 $0x9000004C  }
0x57: {  	s16 =	sadd.s32 @!p2 $0x3, s16;
	s17 =	sadd.s32 @p1 s3, s17;
	_ =	strace @!p2 $0x8000004D  }
0x58: {  	s18 =	sand.u32 @p1 $0x1, s18;
	s17 =	sshll.u32 @p1 s17, $0x4;
	_ =	swait.ge @!p2 [sflag:s16], $0x4000  }
0x59: {  	s17 =	sand.u32 @p1 $0x1FFFFFF0, s17;
	s19 =	sadd.s32 @p6 s25, s20;
	[sflag:s16] =	ssyncset.done @!p2 $0x0  }
0x5a: {  	s20 =	simm.s32 $0x0;
	s17 =	sadd.s32 @p1 s4, s17;
	[sflag:s16] =	ssyncadd.s32 @!p2 $0xFFFFC000  }
0x5b: {  	s20 =	smov.u32 @p6 s19;
	s19 =	sshll.u32 @p1 s18, $0x7;
	_ =	strace @!p2 $0x9000004D  }
0x5c: {  	s16 =	sadd.s32 @p1 $0x1, s18;
	s18 =	simm.s32 @p1 $0x0;
	_ =	strace @p1 $0x80000049  }
0x5d: {  	[tilespmem:s19], [sflag:s16] =	stream.linear.gather @p1 [hbm4b:s17+s18], $0x80, $0x200038;
	[tilespmem:$0x8100] =	vst v63  }
0x5e: {  	s26 =	sand.u32 $0x1, s20;
	_ =	strace @p1 $0x90000049  }
0x5f: {  	s16 =	sadd.s32 $0x1, s26;
	_ =	strace $0x8000004A  }
0x60: {  	_ =	swait.ge [sflag:s16], $0x80  }
0x61: {  	[sflag:s16] =	ssyncset.done $0x0  }
0x62: {  	s15 =	sadd.s32 @p6 s25, s15;
	[sflag:s16] =	ssyncadd.s32 $0xFFFFFF80;
	s16 =	simm.s32 $0x0  }
0x63: {  	_ =	strace $0x9000004A;
	s16 =	smov.u32 @p6 s15  }
0x64: {  	_ =	strace $0x8000004B;
	s16 =	sand.u32 $0x1, s16  }
0x65: {  	s30 =	sshll.u32 s20, $0x7;
	s28 =	rddreg [dreg:$0x5];
	s31 =	sshll.u32 s16, $0xE  }
0x66: {  	s18 =	sand.u32 $0x80, s30;
	s29 =	rddreg [dreg:$0x4];
	s19 =	sor.u32 $0x100, s31  }
0x67: {  	[tilespmem:s19], [sflag:$0x5] =	stream.indirect.gather [hbm4b:s29+s28], $0x80, s18, s28, $0x2000b8;
	[tilespmem:$0x8100] =	vst v63  }
0x68: {  	_ =	swait.ge [sflag:s10], $0x4000  }
0x69: {  	p3 =	por p3, p3;
	[sflag:s10] =	ssyncset.done $0x0  }
0x6a: {  	p5 =	seq.s32 s7, s12;
	s13 =	sadd.s32 s3, s13;
	[sflag:s10] =	ssyncadd.s32 $0xFFFFC000  }
0x6b: {  	s14 =	sadd.s32 @p6 s23, s14;
	p1 =	por p5, p3;
	_ =	strace $0x9000004B  }
0x6c: {  	s17 =	simm.s32 $0x0;
	s13 =	sshll.u32 @p1 s13, $0xB;
	_ =	strace @p1 $0x8000004C  }
0x6d: {  	s17 =	smov.u32 @p6 s14;
	s13 =	sand.u32 @p1 $0x1FFFF800, s13;
	s15 =	rddreg [dreg:$0x6]  }
0x6e: {  	s14 =	sadd.s32 @p1 $0x3, s16;
	s13 =	sadd.s32 @p1 s15, s13;
	s15 =	simm.s32 @p1 $0x0  }
0x6f: {  	[hbm4b:s13+s15] =	stream.linear.scatter @p1 [tilespmem:s19], [sflag:s14], $0x4000, $0x200038;
	[tilespmem:$0x8100] =	vst v63  }
0x70: {  	p0 =	por p4, p4;
	s13 =	sand.u32 @!p4 $0x1, s17;
	_ =	strace @p1 $0x9000004C  }
0x71: {  	s13 =	sadd.s32 @!p0 $0x3, s13;
	_ =	strace @!p0 $0x8000004D  }
0x72: {  	p1 =	sne.s32 s12, $0x0;
	s12 =	simm.s32 $0x1;
	_ =	swait.ge @!p0 [sflag:s13], $0x4000  }
0x73: {  	s12 =	simm.s32 @!p1 $0x0;
	[sflag:s13] =	ssyncset.done @!p0 $0x0  }
0x74: {  	s11 =	sadd.s32 $0x1, s11;
	s12 =	sadd.s32 s12, s17;
	[sflag:s13] =	ssyncadd.s32 @!p0 $0xFFFFC000  }
0x75: {  	s12 =	sand.u32 $0x1, s12;
	_ =	strace @!p0 $0x9000004D;
	p0 =	sne.s32 s11, s8  }
.Ltmp3:
0x76: {  	s12 =	sadd.s32 $0x3, s12;
	_ =	strace $0x8000004E;
	(pc) =	sbr.rel @p0 .LBB2_1-.Ltmp3, $4  }
.Ltmp4:
0x77: {  	_ =	swait.ge [sflag:s12], $0x4000;
	(pc) =	sbr.rel @!p0 .LBB2_8-.Ltmp4, $4  }
0x78: {  	[sflag:s12] =	ssyncset.done $0x0  }
0x79: {  	[sflag:s12] =	ssyncadd.s32 $0xFFFFC000  }
0x7a: {  	_ =	strace $0x9000004E  }
0x7b: {  	_ = 	snop  }
.LBB2_2:
.Ltmp5:
0x7c: {  	(pc) =	sbr.rel .LBB2_7-.Ltmp5, $4  }
0x7d: {  	_ = 	snop  }
0x7e: {  	s14 =	simm.s32 $0x0  }
0x7f: {  	s12 =	simm.s32 $0x0;
	s15 =	simm.s32 $0x0;
	s17 =	smov.u32 s13  }
0x80: {  	s20 =	simm.s32 $0x0;
	s18 =	simm.s32 $0x1;
	s13 =	simm.s32 $0x0  }
.LBB2_4:
.Ltmp6:
0x81: {  	(pc) =	sbr.rel .LBB2_7-.Ltmp6, $3  }
0x82: {  	_ =	sdelay $0x1  }
0x83: {  	s14 =	simm.s32 $0x0  }
0x84: {  	s15 =	simm.s32 $0x0;
	s20 =	simm.s32 $0x0;
	p6 =	por $0x1, $0x1  }
.LBB2_8:
0x85: {  	_ =	sfence.sel $0x180000  }
0x86: {  	[bflag:$0x0] =	sbarrier.arrive $0xFFFF  }
0x87: {  	p0 =	sne.s32 s0, $0x0;
	_ =	strace $0x90000047  }
0x88: {  	s0 =	sadd.s32 @!p0 $0x100000, s1;
	[bflag:$0x2] =	sbarrier.arrive $0xFFFF  }
0x89: {  	[sflag:s0] =	ssyncadd.tile.s32 @!p0 $0x1;
	_ =	shalt  }
.Lfunc_end2:
_tile_overlayer_lowered:
.L_overlay_start_2:
0x8a: {  	(tag) =	ssettag $0x2  }
0x8b: {  	s0 =	rddreg [dreg:$0x0];
	s2 =	stileid.u32  }
0x8c: {  	s1 =	rddreg [dreg:$0x1];
	p0 =	sne.s32 s2, $0x0  }
0x8d: {  	s3 =	rddreg [dreg:$0x2];
	[bflag:$0x3] =	sbarrier.arrive $0xFFFF;
	s2 =	simm.s32 @!p0 $0x1C01  }
0x8e: {  	[timem:s3], [sflag:s2] =	dma.local @!p0 [hbm:s0], s1  }
0x8f: {  	s0 =	simm.s32 @!p0 $0x1  }
0x90: {  	_ =	swait.ge @!p0 [sflag:s0], s1  }
0x91: {  	s1 =	ssub.s32 @!p0 $0x0, s1;
	[sflag:s0] =	ssyncset.done @!p0 $0x0  }
0x92: {  	[sflag:s0] =	ssyncadd.s32 @!p0 s1  }
0x93: {  	[bflag:$0x3] =	sbarrier.arrive $0xFFFF  }
0x94: {  	_ =	shalt  }

// kernel: kernel.15.cloned.1.call-start
scs
__scs_entry_jumppad:
0x0: {  	(pc) =	sbr.rel $0x88, $3  }
0x1: {  	(tag) =	ssettag $0x0;
	lr =	simm.s32 $0x1  }
0x2: {  	[smem:$0x3F9D] =	sst lr;
	_ =	strace $0xD0000000  }
0x3: {  	_ = 	snop  }
0x4: {  	_ = 	snop  }
0x5: {  	_ = 	snop  }
0x6: {  	_ = 	snop  }
0x7: {  	_ = 	snop  }
__scs_overlays_trampoline_lowered:
0x8: {  	[smem:$0x3FAC] =	sst s0  }
0x9: {  	[smem:$0x3FAD] =	sst s1  }
0xa: {  	[smem:$0x3FAE] =	sst s2  }
0xb: {  	[smem:$0x3FAF] =	sst s3  }
0xc: {  	[smem:$0x3FB0] =	sst s4  }
0xd: {  	[smem:$0x3FB1] =	sst s5  }
0xe: {  	[smem:$0x3FB2] =	sst s6  }
0xf: {  	[smem:$0x3FB3] =	sst s7  }
0x10: {  	[smem:$0x3FB4] =	sst s8  }
0x11: {  	[smem:$0x3FB5] =	sst s9;
	s0 =	simm.s32 @!p0 $0x0  }
0x12: {  	s1 =	sld [smem:$0x3F9B];
	s0 =	simm.s32 @p0 $0x1  }
0x13: {  	[smem:$0x3FB6] =	sst s0;
	s0 =	simm.s32 @!p1 $0x0  }
0x14: {  	s2 =	sld [smem:$0x3F9A];
	s0 =	simm.s32 @p1 $0x1  }
0x15: {  	[smem:$0x3FB7] =	sst s0;
	s0 =	simm.s32 @!p2 $0x0  }
0x16: {  	s3 =	sld [smem:$0x3FDB];
	s0 =	simm.s32 @p2 $0x1  }
0x17: {  	s4 =	simm.s32 $0x1BF5;
	[smem:$0x3FB9] =	sst s0  }
0x18: {  	s0 =	sld [smem:$0x3F9C];
	_ =	swait.ge [sflag:s4], $0x0  }
0x19: {  	s7 =	sld [smem:$0x3F9D]  }
0x1a: {  	s8 =	sadd.s32 $0xFFFFE003, lr  }
0x1b: {  	s9 =	sadd.s32 $0xFFFFFEF7, lr;
	s5 =	simm.s32 $0xFFFFFFFF;
	p2 =	slt.u32 s8, $0xFFFFF086  }
0x1c: {  	p1 =	slt.u32 s9, $0xF7A;
	s5 =	simm.s32 @!p2 $0x0  }
0x1d: {  	s5 =	simm.s32 @p1 $0x1;
	p0 =	seq.s32 s7, s2  }
0x1e: {  	s7 =	smul.u32 @!p0 $0xF7A, s2;
	p2 =	seq.s32 @!p0 s5, $0x0  }
0x1f: {  	s9 =	smul.u32 $0xF7A, s1;
	s8 =	simm.s32 @!p0 $0x1BF5;
	p2 =	por !p2, p0  }
0x20: {  	[sflag:s8] =	ssyncset.s32 @!p0 $0xFFFFF086;
	s6 =	sadd.s32 @!p0 s3, s7;
	s7 =	simm.s32 @!p0 $0x108  }
0x21: {  	s3 =	sadd.s32 s3, s9;
	s6 =	sadd.s32 @!p0 $0x88, s6;
	s7 =	simm.s32 @p2 $0x1082  }
0x22: {  	[simem:s7], [sflag:s8] =	dma.local @!p0 [hbm:s6], $0xF7A  }
0x23: {  	s9 =	sor.u32 $0xD0000000, s2;
	s6 =	simm.s32 $0x108;
	_ =	swait.ge @!p0 [sflag:s8], $0x0  }
0x24: {  	s3 =	sadd.s32 $0x88, s3;
	s6 =	simm.s32 @!p1 $0x1082;
	[sflag:s4] =	ssyncset.s32 $0xFFFFF086  }
0x25: {  	[simem:s6], [sflag:s4] =	dma.local [hbm:s3], $0xF7A  }
0x26: {  	[smem:$0x3F9D] =	sst s1;
	(tag) =	ssettag s2;
	_ =	strace s9  }
0x27: {  	s1 =	sld [smem:$0x3FAD]  }
0x28: {  	s2 =	sld [smem:$0x3FAE]  }
0x29: {  	s4 =	sld [smem:$0x3FB0]  }
0x2a: {  	p0 =	seq.s32 s5, $0x0;
	s5 =	sld [smem:$0x3FB1]  }
0x2b: {  	s6 =	sld [smem:$0x3FB2]  }
0x2c: {  	s7 =	sld [smem:$0x3FB3]  }
0x2d: {  	s3 =	simm.s32 $0x108;
	s8 =	sld [smem:$0x3FB4]  }
0x2e: {  	s3 =	simm.s32 @!p0 $0x1082;
	s9 =	sld [smem:$0x3FB5]  }
0x2f: {  	lr =	sadd.s32 s0, s3;
	s0 =	sld [smem:$0x3FAC]  }
0x30: {  	s3 =	sld [smem:$0x3FAF]  }
0x31: {  	[smem:$0x3FB8] =	sst s10  }
0x32: {  	s10 =	sld [smem:$0x3FB6];
	_ =	sdelay $0x3  }
0x33: {  	p0 =	seq.s32 s10, $0x1;
	s10 =	sld [smem:$0x3FB8];
	_ =	sdelay $0x3  }
0x34: {  	[smem:$0x3FB8] =	sst s10  }
0x35: {  	s10 =	sld [smem:$0x3FB7];
	_ =	sdelay $0x3  }
0x36: {  	p1 =	seq.s32 s10, $0x1;
	s10 =	sld [smem:$0x3FB8];
	_ =	sdelay $0x3  }
0x37: {  	[smem:$0x3FB8] =	sst s10  }
0x38: {  	s10 =	sld [smem:$0x3FB9]  }
0x39: {  	_ = 	snop;
	(pc) =	sbr.ind lr, $3  }
0x3a: {  	_ = 	snop  }
0x3b: {  	_ = 	snop  }
0x3c: {  	p2 =	seq.s32 s10, $0x1;
	s10 =	sld [smem:$0x3FB8]  }
0x3d: {  	_ =	shalt  }
0x3e: {  	_ =	shalt  }
0x3f: {  	_ =	shalt  }
0x40: {  	_ =	shalt  }
0x41: {  	_ =	shalt  }
0x42: {  	_ =	shalt  }
0x43: {  	_ =	shalt  }
0x44: {  	_ =	shalt  }
0x45: {  	_ =	shalt  }
0x46: {  	_ =	shalt  }
0x47: {  	_ =	shalt  }
0x48: {  	_ =	shalt  }
0x49: {  	_ =	shalt  }
0x4a: {  	_ =	shalt  }
0x4b: {  	_ =	shalt  }
0x4c: {  	_ =	shalt  }
0x4d: {  	_ =	shalt  }
0x4e: {  	_ =	shalt  }
0x4f: {  	_ =	shalt  }
0x50: {  	_ =	shalt  }
0x51: {  	_ =	shalt  }
0x52: {  	_ =	shalt  }
0x53: {  	_ =	shalt  }
0x54: {  	_ =	shalt  }
0x55: {  	_ =	shalt  }
0x56: {  	_ =	shalt  }
0x57: {  	_ =	shalt  }
0x58: {  	_ =	shalt  }
0x59: {  	_ =	shalt  }
0x5a: {  	_ =	shalt  }
0x5b: {  	_ =	shalt  }
0x5c: {  	_ =	shalt  }
0x5d: {  	_ =	shalt  }
0x5e: {  	_ =	shalt  }
0x5f: {  	_ =	shalt  }
0x60: {  	_ =	shalt  }
0x61: {  	_ =	shalt  }
0x62: {  	_ =	shalt  }
0x63: {  	_ =	shalt  }
0x64: {  	_ =	shalt  }
0x65: {  	_ =	shalt  }
0x66: {  	_ =	shalt  }
0x67: {  	_ =	shalt  }
0x68: {  	_ =	shalt  }
0x69: {  	_ =	shalt  }
0x6a: {  	_ =	shalt  }
0x6b: {  	_ =	shalt  }
0x6c: {  	_ =	shalt  }
0x6d: {  	_ =	shalt  }
0x6e: {  	_ =	shalt  }
0x6f: {  	_ =	shalt  }
0x70: {  	_ =	shalt  }
0x71: {  	_ =	shalt  }
0x72: {  	_ =	shalt  }
0x73: {  	_ =	shalt  }
0x74: {  	_ =	shalt  }
0x75: {  	_ =	shalt  }
0x76: {  	_ =	shalt  }
0x77: {  	_ =	shalt  }
0x78: {  	_ =	shalt  }
0x79: {  	_ =	shalt  }
0x7a: {  	_ =	shalt  }
0x7b: {  	_ =	shalt  }
0x7c: {  	_ =	shalt  }
0x7d: {  	_ =	shalt  }
0x7e: {  	_ =	shalt  }
0x7f: {  	_ =	shalt  }
0x80: {  	_ =	shalt  }
0x81: {  	_ =	shalt  }
0x82: {  	_ =	shalt  }
0x83: {  	_ =	shalt  }
0x84: {  	_ =	shalt  }
0x85: {  	_ =	shalt  }
0x86: {  	_ =	shalt  }
0x87: {  	_ =	shalt  }
.Lfunc_end0:
.L_simem_size_0:
called_computation.1_lowered:
.L_overlay_start_0:
0x88: {  	s2 =	sld [smem:$0x3FD9]  }
0x89: {  	s3 =	sld [smem:$0x3FFE];
	_ =	sdelay $0x1  }
0x8a: {  	s1 =	srdreg.scid  }
0x8b: {  	s0 =	sand.u32 $0x1, s1  }
0x8c: {  	s17 =	sshll.u32 s0, $0xA;
	s2 =	sadd.s32 s3, s2  }
0x8d: {  	s2 =	sadd.s32 s2, s17  }
0x8e: {  	[smem:$0x3FC4] =	sst s2  }
0x8f: {  	_ = 	snop  }
0x90: {  	s18 =	sld [smem:$0x3FC9];
	(tm) =	ssettm $0x1  }
0x91: {  	s19 =	sld [smem:$0x3FFB];
	_ =	sdelay $0x3  }
0x92: {  	_ =	strace s19  }
0x93: {  	s2 =	sld [smem:$0x3FFC];
	_ =	sdelay $0x3  }
0x94: {  	_ =	strace s2  }
0x95: {  	s2 =	sld [smem:$0x3FFD];
	_ =	sdelay $0x3  }
0x96: {  	_ =	strace s2  }
0x97: {  	_ =	strace $0x8FFFFFFF  }
0x98: {  	s20 =	sld [smem:$0x3FDB];
	_ =	sdelay $0x1  }
0x99: {  	s4 =	simm.s32 $_scs_section_size  }
0x9a: {  	s5 =	simm.s32 $_size__tile_overlayer_lowered;
	s6 =	simm.s32 $_tile_overlayer_lowered  }
0x9b: {  	s7 =	simm.s32 $0x1BFF;
	s21 =	sshll.u32 s6, $0x1;
	s4 =	sadd.s32 s4, s20  }
0x9c: {  	s22 =	simm.s32 $0x0;
	s5 =	sshll.u32 s5, $0x1;
	s6 =	sadd.s32 s21, s4  }
0x9d: {  	[timem:s22], [sflag:s7] =	dma.local [hbm:s6], s5  }
0x9e: {  	_ =	swait.ge [sflag:s7], s5  }
0x9f: {  	s5 =	ssub.s32 $0x0, s5;
	[sflag:s7] =	ssyncset.done $0x0  }
0xa0: {  	[sflag:s7] =	ssyncadd.s32 s5;
	_ =	sdelay $0x1  }
0xa1: {  	s23 =	simm.s32 $0x1B8B  }
0xa2: {  	_ =	swait.ge [sflag:s23], $0x1  }
0xa3: {  	[sflag:s23] =	ssyncset.done $0x0  }
0xa4: {  	[sflag:s23] =	ssyncadd.s32 $0xFFFFFFFF  }
0xa5: {  	s5 =	sld [smem:$0x0]  }
0xa6: {  	s6 =	sand.u32 $0xFFFFFFFE, s1  }
0xa7: {  	p0 =	sne.s32 s1, s6  }
0xa8: {  	s6 =	sshll.u32 @p0 s6, $0xE  }
0xa9: {  	s6 =	sadd.s32 @p0 $0x11B8D, s6;
	s7 =	sshll.u32 @p0 s5, $0x11  }
0xaa: {  	s6 =	sor.u32 @p0 s7, s6  }
0xab: {  	[sflag:s6] =	ssyncadd.remote.s32 @p0 $0x1;
	_ =	sdelay $0x1  }
0xac: {  	s6 =	simm.s32 @p0 $0x1B8D  }
0xad: {  	_ =	swait.eq @p0 [sflag:s6], $0x1  }
0xae: {  	[sflag:s6] =	ssyncadd.s32 @p0 $0xFFFFFFFF  }
0xaf: {  	s7 =	sshll.u32 @!p0 s1, $0xE  }
0xb0: {  	s7 =	sor.u32 @!p0 $0x4000, s7;
	s6 =	simm.s32 @!p0 $0x1B8D  }
0xb1: {  	s5 =	sshll.u32 @!p0 s5, $0x11;
	s7 =	sadd.s32 @!p0 $0x11B8D, s7;
	_ =	swait.eq @!p0 [sflag:s6], $0x1  }
0xb2: {  	s5 =	sor.u32 @!p0 s5, s7;
	[sflag:s6] =	ssyncadd.s32 @!p0 $0xFFFFFFFF  }
0xb3: {  	s25 =	simm.s32 $0x1B8E;
	s24 =	sld [smem:$0x3FFE];
	[sflag:s5] =	ssyncadd.remote.s32 @!p0 $0x1  }
0xb4: {  	s26 =	simm.s32 $execute0_lowered;
	[smem:$0x3FD2] =	sst s25  }
0xb5: {  	s6 =	sshll.u32 s26, $0x1;
	_ =	strace $0x80000050;
	[dreg:$0x1] =	wrdreg $0xFFFFFFFF  }
0xb6: {  	s28 =	simm.s32 $_size_execute0_lowered;
	s4 =	sadd.s32 s4, s6;
	[dreg:$0x0] =	wrdreg $0x0  }
0xb7: {  	s6 =	sshll.u32 s28, $0x1;
	[dreg:$0x2] =	wrdreg s4  }
0xb8: {  	[dreg:$0x3] =	wrdreg s6  }
0xb9: {  	[dreg:$0x4] =	wrdreg $0xC0  }
0xba: {  	_ =	task [dreg:s22], $0x5FFFF  }
0xbb: {  	[dreg:$0x1] =	wrdreg $0xFFFFFFFF  }
0xbc: {  	[dreg:$0x0] =	wrdreg $0x60  }
0xbd: {  	[dreg:$0x2] =	wrdreg s18  }
0xbe: {  	[dreg:$0x3] =	wrdreg s24  }
0xbf: {  	[dreg:$0x4] =	wrdreg $0xA  }
0xc0: {  	_ =	task.clear_ibuf [dreg:s22], $0x5FFFF;
	_ =	strace $0x90000050  }
0xc1: {  	s29 =	simm.s32 $0xA;
	_ =	strace $0x80000059  }
0xc2: {  	_ =	swait.ge [sflag:s29], $0x1  }
0xc3: {  	[sflag:s29] =	ssyncadd.s32 $0xFFFFFFFF  }
0xc4: {  	_ =	strace $0x90000059  }
0xc5: {  	_ =	sfence  }
0xc6: {  	s30 =	sld [smem:$0x0];
	_ =	sdelay $0x2  }
0xc7: {  	s31 =	sshll.u32 s1, $0xD;
	s1 =	sshrl.u32 s1, $0x2  }
0xc8: {  	s4 =	sand.u32 $0x4000, s31;
	s1 =	sadd.s32 s1, s30  }
0xc9: {  	s0 =	sor.u32 s4, s0;
	s1 =	sshll.u32 s1, $0x11  }
0xca: {  	s0 =	sor.u32 s1, s0  }
0xcb: {  	s0 =	sadd.s32 $0x8F2B, s0  }
0xcc: {  	[sflag:s0] =	ssyncadd.remote.s32 $0x1  }
0xcd: {  	_ =	sfence.sel $0xFFFF  }
0xce: {  	[dreg:$0x0] =	wrdreg $0xFFFFFFFF;
	(pc) =	sbr.abs _section_cstart, $3  }
0xcf: {  	[dreg:$0x1] =	wrdreg $0xFFFFFFFF  }
0xd0: {  	_ =	task.clear_ibuf [dreg:s22], $0x2FFFF;
	_ =	strace $0x9FFFFFFF  }
0xd1: {  	(tm) =	ssettm $0x7FFFFFFF  }
tec
execute0_lowered:
.L_overlay_start_1:
0x0: {  	(tag) =	ssettag $0x1  }
0x1: {  	s1 =	rddreg [dreg:$0x0]  }
0x2: {  	s0 =	srdreg.scid;
	s5 =	rddreg [dreg:$0x1];
	s2 =	simm.s32 $0x0  }
0x3: {  	s10 =	simm.s32 $0x80;
	s7 =	sand.u32 $0x1, s0;
	[dreg:$0x3] =	wrdreg s1  }
0x4: {  	s0 =	stileid.u32;
	s1 =	rddreg [dreg:$0x2];
	s29 =	sshll.u32 s7, $0x4  }
0x5: {  	s11 =	simm.s32 $0x0;
	[smem:$0x7FF] =	sst s2;
	s3 =	sor.u32 s0, s29  }
0x6: {  	_ =	strace $0x80000051;
	s8 =	ssub.s32 $0x2, s7;
	s4 =	smul.u32 $0xC, s3  }
0x7: {  	p0 =	seq.s32 s7, $0x0;
	s30 =	sshrl.u32 s8, $0x1;
	s6 =	smul.u32 $0xD, s3  }
0x8: {  	[dreg:$0x4] =	wrdreg s10;
	s8 =	ssub.s32 s8, s30;
	s3 =	sadd.s32 $0x10, s4  }
0x9: {  	s10 =	simm.s32 $0x5;
	s8 =	smax.u32 s8, $0x1;
	s3 =	smov.u32 @p0 s6  }
0xa: {  	s4 =	sadd.s32 $0x3E00, s5;
	s5 =	sadd.s32 $0x5800, s5;
	s9 =	sshll.u32 s3, $0x4  }
0xb: {  	[dreg:$0x5] =	wrdreg s5;
	s5 =	sxor.u32 $0xD, s7;
	s31 =	sand.u32 $0x1FFFFFF0, s9  }
0xc: {  	s7 =	ssub.s32 $0xC, s7;
	s9 =	simm.s32 $0x1;
	s6 =	sadd.s32 s4, s31  }
.LBB2_1:
0xd: {  	_ =	strace $0x80000052;
	p2 =	sne.s32 s5, $0x1  }
.Ltmp0:
0xe: {  	p0 =	seq.s32 s5, $0x1;
	s13 =	simm.s32 $0x1;
	(pc) =	sbr.rel @!p2 .LBB2_2-.Ltmp0, $4  }
0xf: {  	[tilespmem:s2], [sflag:$0x1] =	stream.linear.gather [hbm4b:s6+s2], $0x80, $0x200038;
	[tilespmem:$0x8100] =	vst v63  }
0x10: {  	s12 =	simm.s32 $0x1;
	p1 =	por $0x1, $0x1;
	s13 =	simm.s32 @p0 $0x0  }
0x11: {  	p6 =	sgt.u32 s7, $0x0;
	p4 =	por p1, p1;
	p3 =	sne.s32 s13, $0x0  }
0x12: {  	_ =	strace $0x90000052;
	p5 =	por !p6, !p3;
	p6 =	por $0x0, $0x0  }
0x13: {  	p2 =	por !p5, !p5  }
0x14: {  	s21 =	sand.u32 $0x1, s2;
	s19 =	simm.s32 $0x2;
	s14 =	sadd.s32 @p2 s3, s13  }
0x15: {  	p1 =	por p3, p3;
	s15 =	sand.u32 @p2 $0x1, s9;
	s14 =	sshll.u32 @p2 s14, $0x4  }
0x16: {  	_ =	strace @p2 $0x80000053;
	s17 =	simm.s32 @p2 $0x0;
	s14 =	sand.u32 @p2 $0x1FFFFFF0, s14  }
0x17: {  	s16 =	sshll.u32 @p2 s15, $0x7;
	s15 =	sadd.s32 @p2 $0x1, s15;
	s14 =	sadd.s32 @p2 s4, s14  }
0x18: {  	[tilespmem:s16], [sflag:s15] =	stream.linear.gather @p2 [hbm4b:s14+s17], $0x80, $0x200038;
	[tilespmem:$0x8100] =	vst v63  }
0x19: {  	s30 =	simm.s32 $0x0;
	p6 =	por $0x0, $0x0;
	_ =	strace @p2 $0x90000053  }
0x1a: {  	p0 =	sne.s32 s5, $0x2;
	s29 =	sadd.s32 $0x1, s21;
	_ =	strace $0x80000054  }
0x1b: {  	s24 =	sadd.s32 $0x0, s3;
	p5 =	sgt.u32 s7, $0x1;
	_ =	swait.ge [sflag:s29], $0x80  }
0x1c: {  	s23 =	simm.s32 $0x1;
	s22 =	sshll.u32 s21, $0xE;
	[sflag:s29] =	ssyncset.done $0x0  }
0x1d: {  	s22 =	sor.u32 $0x100, s22;
	s16 =	sand.u32 @!p4 $0x1, s2;
	[sflag:s29] =	ssyncadd.s32 $0xFFFFFF80  }
0x1e: {  	s15 =	simm.s32 $0x1;
	s17 =	sadd.s32 $0x1, s13;
	_ =	strace $0x90000054  }
0x1f: {  	s14 =	sand.u32 $0x80, s30;
	s15 =	simm.s32 @!p2 $0x0;
	_ =	strace $0x80000055  }
0x20: {  	p2 =	por p4, p4;
	p4 =	por p6, p6;
	s20 =	rddreg [dreg:$0x4]  }
0x21: {  	p3 =	seq.s32 s17, s5;
	p6 =	seq.s32 s7, $0x0;
	s31 =	rddreg [dreg:$0x3]  }
0x22: {  	[tilespmem:s22], [sflag:$0x5] =	stream.indirect.gather [hbm4b:s31+s20], $0x80, s14, s20, $0x2000b8;
	[tilespmem:$0x8100] =	vst v63  }
.Ltmp1:
0x23: {  	s18 =	sadd.s32 $0x1, s15;
	s17 =	simm.s32 @p3 $0x0;
	(pc) =	sbr.rel @!p0 .LBB2_4-.Ltmp1, $4  }
0x24: {  	p1 =	por p6, p1;
	p6 =	por $0x0, $0x0;
	_ =	swait.ge [sflag:s10], $0x4000  }
0x25: {  	s15 =	simm.s32 $0x0;
	p3 =	sne.s32 s13, s17;
	[sflag:s10] =	ssyncset.done $0x0  }
0x26: {  	s23 =	simm.s32 @!p6 $0x0;
	p5 =	por !p5, !p3;
	[sflag:s10] =	ssyncadd.s32 $0xFFFFC000  }
0x27: {  	s14 =	simm.s32 $0x0;
	s20 =	simm.s32 $0x0;
	_ =	strace $0x90000055  }
.LBB2_5:
0x28: {  	_ =	strace @p1 $0x80000056;
	s14 =	sadd.s32 s23, s14;
	s23 =	smov.u32 s12  }
0x29: {  	s12 =	smov.u32 s19;
	s19 =	sadd.s32 $0x1, s19;
	p0 =	por p3, p3  }
0x2a: {  	s29 =	sshll.u32 @p1 s24, $0xB;
	s21 =	sadd.s32 @p1 $0x3, s21;
	s25 =	simm.s32 @!p0 $0x0  }
0x2b: {  	s26 =	rddreg [dreg:$0x5];
	s29 =	sand.u32 @p1 $0x1FFFF800, s29;
	s25 =	simm.s32 @p0 $0x1  }
0x2c: {  	s26 =	sadd.s32 @p1 s26, s29;
	s29 =	simm.s32 @p1 $0x0;
	p0 =	sne.s32 s5, s19  }
0x2d: {  	[hbm4b:s26+s29] =	stream.linear.scatter @p1 [tilespmem:s22], [sflag:s21], $0x4000, $0x200038;
	[tilespmem:$0x8100] =	vst v63  }
0x2e: {  	s21 =	sadd.s32 @!p2 $0x3, s16;
	s16 =	simm.s32 @!p0 $0x0  }
0x2f: {  	s28 =	simm.s32 $0x1;
	[smem:$0x7FC] =	sst s25;
	s16 =	simm.s32 @p0 $0x1  }
0x30: {  	s28 =	simm.s32 @!p1 $0x0;
	_ =	strace @p1 $0x90000056;
	[smem:$0x7FD] =	sst s16  }
0x31: {  	s20 =	sadd.s32 s28, s20;
	s25 =	sand.u32 @!p4 $0x1, s14;
	_ =	strace @!p2 $0x80000057  }
0x32: {  	p1 =	por !p5, !p5;
	s16 =	smov.u32 s25;
	_ =	swait.ge @!p2 [sflag:s21], $0x4000  }
0x33: {  	s22 =	sand.u32 @p1 $0x1, s18;
	s25 =	sadd.s32 @p1 s3, s17;
	[sflag:s21] =	ssyncset.done @!p2 $0x0  }
0x34: {  	s26 =	sshll.u32 @p1 s22, $0x7;
	s25 =	sshll.u32 @p1 s25, $0x4;
	[sflag:s21] =	ssyncadd.s32 @!p2 $0xFFFFC000  }
0x35: {  	s21 =	sadd.s32 @p1 $0x1, s22;
	s22 =	sand.u32 @p1 $0x1FFFFFF0, s25;
	_ =	strace @!p2 $0x90000057  }
0x36: {  	s25 =	simm.s32 @p1 $0x0;
	s22 =	sadd.s32 @p1 s4, s22;
	_ =	strace @p1 $0x80000053  }
0x37: {  	[tilespmem:s26], [sflag:s21] =	stream.linear.gather @p1 [hbm4b:s22+s25], $0x80, $0x200038;
	[tilespmem:$0x8100] =	vst v63  }
0x38: {  	s15 =	sadd.s32 s28, s15;
	s28 =	sand.u32 $0x1, s20;
	_ =	strace @p1 $0x90000053  }
0x39: {  	s28 =	sadd.s32 $0x1, s28;
	_ =	strace $0x80000054  }
0x3a: {  	_ =	swait.ge [sflag:s28], $0x80  }
0x3b: {  	[sflag:s28] =	ssyncset.done $0x0  }
0x3c: {  	s21 =	simm.s32 $0x1;
	[sflag:s28] =	ssyncadd.s32 $0xFFFFFF80  }
0x3d: {  	s21 =	simm.s32 @!p1 $0x0;
	_ =	strace $0x90000054  }
0x3e: {  	s18 =	sadd.s32 s21, s18;
	s21 =	sand.u32 $0x1, s15;
	_ =	strace $0x80000055  }
0x3f: {  	s31 =	sshll.u32 s20, $0x7;
	s29 =	sshll.u32 s21, $0xE;
	s25 =	rddreg [dreg:$0x4]  }
0x40: {  	s31 =	sand.u32 $0x80, s31;
	s22 =	sor.u32 $0x100, s29;
	s26 =	rddreg [dreg:$0x3]  }
0x41: {  	[tilespmem:s22], [sflag:$0x5] =	stream.indirect.gather [hbm4b:s26+s25], $0x80, s31, s25, $0x2000b8;
	[tilespmem:$0x8100] =	vst v63  }
0x42: {  	_ =	swait.ge [sflag:s10], $0x4000  }
0x43: {  	[sflag:s10] =	ssyncset.done $0x0  }
0x44: {  	[sflag:s10] =	ssyncadd.s32 $0xFFFFC000  }
0x45: {  	s30 =	sadd.s32 $0x1, s17;
	_ =	strace $0x90000055  }
0x46: {  	s24 =	sadd.s32 s3, s13;
	s13 =	smov.u32 s17;
	s31 =	sld [smem:$0x7FD]  }
0x47: {  	p0 =	sne.s32 s23, $0x0;
	s17 =	smov.u32 s30;
	p1 =	seq.s32 s30, s5  }
0x48: {  	s17 =	simm.s32 @p1 $0x0;
	p1 =	seq.s32 s7, s23;
	s23 =	simm.s32 $0x1  }
0x49: {  	s23 =	simm.s32 @!p0 $0x0;
	p0 =	seq.s32 s31, $0x1  }
.Ltmp2:
0x4a: {  	s30 =	sld [smem:$0x7FC];
	(pc) =	sbr.rel @p0 .LBB2_5-.Ltmp2, $4  }
0x4b: {  	p3 =	seq.s32 s12, $0x0  }
0x4c: {  	p6 =	por p3, p3;
	p5 =	slt.u32 s12, s7  }
0x4d: {  	p2 =	por p4, p4;
	p3 =	sne.s32 s13, s17;
	p4 =	seq.s32 s30, $0x1  }
0x4e: {  	p5 =	por !p5, !p3;
	p1 =	por p1, p4;
	p4 =	por p6, p6  }
0x4f: {  	p6 =	por $0x1, $0x1  }
.LBB2_7:
0x50: {  	p0 =	por !p1, !p6  }
0x51: {  	s25 =	simm.s32 $0x1;
	_ =	strace @!p0 $0x80000056;
	s24 =	sshll.u32 @!p0 s24, $0xB  }
0x52: {  	p2 =	por p2, !p6;
	s19 =	rddreg [dreg:$0x5];
	s24 =	sand.u32 @!p0 $0x1FFFF800, s24  }
0x53: {  	s21 =	sadd.s32 @!p0 $0x3, s21;
	s19 =	sadd.s32 @!p0 s19, s24;
	s24 =	simm.s32 @!p0 $0x0  }
0x54: {  	[hbm4b:s19+s24] =	stream.linear.scatter @!p0 [tilespmem:s22], [sflag:s21], $0x4000, $0x200038;
	[tilespmem:$0x8100] =	vst v63  }
0x55: {  	p1 =	por !p5, !p5;
	s25 =	simm.s32 @p0 $0x0;
	_ =	strace @!p0 $0x90000056  }
0x56: {  	s16 =	sadd.s32 @!p2 $0x3, s16;
	s17 =	sadd.s32 @p1 s3, s17;
	_ =	strace @!p2 $0x80000057  }
0x57: {  	s18 =	sand.u32 @p1 $0x1, s18;
	s17 =	sshll.u32 @p1 s17, $0x4;
	_ =	swait.ge @!p2 [sflag:s16], $0x4000  }
0x58: {  	s17 =	sand.u32 @p1 $0x1FFFFFF0, s17;
	s19 =	sadd.s32 @p6 s25, s20;
	[sflag:s16] =	ssyncset.done @!p2 $0x0  }
0x59: {  	s20 =	simm.s32 $0x0;
	s17 =	sadd.s32 @p1 s4, s17;
	[sflag:s16] =	ssyncadd.s32 @!p2 $0xFFFFC000  }
0x5a: {  	s20 =	smov.u32 @p6 s19;
	s19 =	sshll.u32 @p1 s18, $0x7;
	_ =	strace @!p2 $0x90000057  }
0x5b: {  	s16 =	sadd.s32 @p1 $0x1, s18;
	s18 =	simm.s32 @p1 $0x0;
	_ =	strace @p1 $0x80000053  }
0x5c: {  	[tilespmem:s19], [sflag:s16] =	stream.linear.gather @p1 [hbm4b:s17+s18], $0x80, $0x200038;
	[tilespmem:$0x8100] =	vst v63  }
0x5d: {  	s26 =	sand.u32 $0x1, s20;
	_ =	strace @p1 $0x90000053  }
0x5e: {  	s16 =	sadd.s32 $0x1, s26;
	_ =	strace $0x80000054  }
0x5f: {  	_ =	swait.ge [sflag:s16], $0x80  }
0x60: {  	[sflag:s16] =	ssyncset.done $0x0  }
0x61: {  	s15 =	sadd.s32 @p6 s25, s15;
	[sflag:s16] =	ssyncadd.s32 $0xFFFFFF80;
	s16 =	simm.s32 $0x0  }
0x62: {  	_ =	strace $0x90000054;
	s16 =	smov.u32 @p6 s15  }
0x63: {  	_ =	strace $0x80000055;
	s16 =	sand.u32 $0x1, s16  }
0x64: {  	s30 =	sshll.u32 s20, $0x7;
	s28 =	rddreg [dreg:$0x4];
	s31 =	sshll.u32 s16, $0xE  }
0x65: {  	s18 =	sand.u32 $0x80, s30;
	s29 =	rddreg [dreg:$0x3];
	s19 =	sor.u32 $0x100, s31  }
0x66: {  	[tilespmem:s19], [sflag:$0x5] =	stream.indirect.gather [hbm4b:s29+s28], $0x80, s18, s28, $0x2000b8;
	[tilespmem:$0x8100] =	vst v63  }
0x67: {  	_ =	swait.ge [sflag:s10], $0x4000  }
0x68: {  	p3 =	por p3, p3;
	[sflag:s10] =	ssyncset.done $0x0  }
0x69: {  	p5 =	seq.s32 s7, s12;
	s13 =	sadd.s32 s3, s13;
	[sflag:s10] =	ssyncadd.s32 $0xFFFFC000  }
0x6a: {  	s14 =	sadd.s32 @p6 s23, s14;
	p1 =	por p5, p3;
	_ =	strace $0x90000055  }
0x6b: {  	s17 =	simm.s32 $0x0;
	s13 =	sshll.u32 @p1 s13, $0xB;
	_ =	strace @p1 $0x80000056  }
0x6c: {  	s17 =	smov.u32 @p6 s14;
	s13 =	sand.u32 @p1 $0x1FFFF800, s13;
	s15 =	rddreg [dreg:$0x5]  }
0x6d: {  	s14 =	sadd.s32 @p1 $0x3, s16;
	s13 =	sadd.s32 @p1 s15, s13;
	s15 =	simm.s32 @p1 $0x0  }
0x6e: {  	[hbm4b:s13+s15] =	stream.linear.scatter @p1 [tilespmem:s19], [sflag:s14], $0x4000, $0x200038;
	[tilespmem:$0x8100] =	vst v63  }
0x6f: {  	p0 =	por p4, p4;
	s13 =	sand.u32 @!p4 $0x1, s17;
	_ =	strace @p1 $0x90000056  }
0x70: {  	s13 =	sadd.s32 @!p0 $0x3, s13;
	_ =	strace @!p0 $0x80000057  }
0x71: {  	p1 =	sne.s32 s12, $0x0;
	s12 =	simm.s32 $0x1;
	_ =	swait.ge @!p0 [sflag:s13], $0x4000  }
0x72: {  	s12 =	simm.s32 @!p1 $0x0;
	[sflag:s13] =	ssyncset.done @!p0 $0x0  }
0x73: {  	s11 =	sadd.s32 $0x1, s11;
	s12 =	sadd.s32 s12, s17;
	[sflag:s13] =	ssyncadd.s32 @!p0 $0xFFFFC000  }
0x74: {  	s12 =	sand.u32 $0x1, s12;
	_ =	strace @!p0 $0x90000057;
	p0 =	sne.s32 s11, s8  }
.Ltmp3:
0x75: {  	s12 =	sadd.s32 $0x3, s12;
	_ =	strace $0x80000058;
	(pc) =	sbr.rel @p0 .LBB2_1-.Ltmp3, $4  }
.Ltmp4:
0x76: {  	_ =	swait.ge [sflag:s12], $0x4000;
	(pc) =	sbr.rel @!p0 .LBB2_8-.Ltmp4, $4  }
0x77: {  	[sflag:s12] =	ssyncset.done $0x0  }
0x78: {  	[sflag:s12] =	ssyncadd.s32 $0xFFFFC000  }
0x79: {  	_ =	strace $0x90000058  }
0x7a: {  	_ = 	snop  }
.LBB2_2:
.Ltmp5:
0x7b: {  	(pc) =	sbr.rel .LBB2_7-.Ltmp5, $4  }
0x7c: {  	_ = 	snop  }
0x7d: {  	s14 =	simm.s32 $0x0  }
0x7e: {  	s12 =	simm.s32 $0x0;
	s15 =	simm.s32 $0x0;
	s17 =	smov.u32 s13  }
0x7f: {  	s20 =	simm.s32 $0x0;
	s18 =	simm.s32 $0x1;
	s13 =	simm.s32 $0x0  }
.LBB2_4:
.Ltmp6:
0x80: {  	(pc) =	sbr.rel .LBB2_7-.Ltmp6, $3  }
0x81: {  	_ =	sdelay $0x1  }
0x82: {  	s14 =	simm.s32 $0x0  }
0x83: {  	s15 =	simm.s32 $0x0;
	s20 =	simm.s32 $0x0;
	p6 =	por $0x1, $0x1  }
.LBB2_8:
0x84: {  	_ =	sfence.sel $0x180000  }
0x85: {  	[bflag:$0x0] =	sbarrier.arrive $0xFFFF  }
0x86: {  	p0 =	sne.s32 s0, $0x0;
	_ =	strace $0x90000051  }
0x87: {  	s0 =	sadd.s32 @!p0 $0x100000, s1;
	[bflag:$0x2] =	sbarrier.arrive $0xFFFF  }
0x88: {  	[sflag:s0] =	ssyncadd.tile.s32 @!p0 $0x1;
	_ =	shalt  }
.Lfunc_end2:
_tile_overlayer_lowered:
.L_overlay_start_2:
0x89: {  	(tag) =	ssettag $0x2  }
0x8a: {  	s0 =	rddreg [dreg:$0x0];
	s2 =	stileid.u32  }
0x8b: {  	s1 =	rddreg [dreg:$0x1];
	p0 =	sne.s32 s2, $0x0  }
0x8c: {  	s3 =	rddreg [dreg:$0x2];
	[bflag:$0x3] =	sbarrier.arrive $0xFFFF;
	s2 =	simm.s32 @!p0 $0x1C01  }
0x8d: {  	[timem:s3], [sflag:s2] =	dma.local @!p0 [hbm:s0], s1  }
0x8e: {  	s0 =	simm.s32 @!p0 $0x1  }
0x8f: {  	_ =	swait.ge @!p0 [sflag:s0], s1  }
0x90: {  	s1 =	ssub.s32 @!p0 $0x0, s1;
	[sflag:s0] =	ssyncset.done @!p0 $0x0  }
0x91: {  	[sflag:s0] =	ssyncadd.s32 @!p0 s1  }
0x92: {  	[bflag:$0x3] =	sbarrier.arrive $0xFFFF  }
0x93: {  	_ =	shalt  }

// kernel: kernel.18.cloned.1.call-start
scs
__scs_entry_jumppad:
0x0: {  	(pc) =	sbr.rel $0x88, $3  }
0x1: {  	(tag) =	ssettag $0x0;
	lr =	simm.s32 $0x1  }
0x2: {  	[smem:$0x3F9D] =	sst lr;
	_ =	strace $0xD0000000  }
0x3: {  	_ = 	snop  }
0x4: {  	_ = 	snop  }
0x5: {  	_ = 	snop  }
0x6: {  	_ = 	snop  }
0x7: {  	_ = 	snop  }
__scs_overlays_trampoline_lowered:
0x8: {  	[smem:$0x3FAC] =	sst s0  }
0x9: {  	[smem:$0x3FAD] =	sst s1  }
0xa: {  	[smem:$0x3FAE] =	sst s2  }
0xb: {  	[smem:$0x3FAF] =	sst s3  }
0xc: {  	[smem:$0x3FB0] =	sst s4  }
0xd: {  	[smem:$0x3FB1] =	sst s5  }
0xe: {  	[smem:$0x3FB2] =	sst s6  }
0xf: {  	[smem:$0x3FB3] =	sst s7  }
0x10: {  	[smem:$0x3FB4] =	sst s8  }
0x11: {  	[smem:$0x3FB5] =	sst s9;
	s0 =	simm.s32 @!p0 $0x0  }
0x12: {  	s1 =	sld [smem:$0x3F9B];
	s0 =	simm.s32 @p0 $0x1  }
0x13: {  	[smem:$0x3FB6] =	sst s0;
	s0 =	simm.s32 @!p1 $0x0  }
0x14: {  	s2 =	sld [smem:$0x3F9A];
	s0 =	simm.s32 @p1 $0x1  }
0x15: {  	[smem:$0x3FB7] =	sst s0;
	s0 =	simm.s32 @!p2 $0x0  }
0x16: {  	s3 =	sld [smem:$0x3FDB];
	s0 =	simm.s32 @p2 $0x1  }
0x17: {  	s4 =	simm.s32 $0x1BF5;
	[smem:$0x3FB9] =	sst s0  }
0x18: {  	s0 =	sld [smem:$0x3F9C];
	_ =	swait.ge [sflag:s4], $0x0  }
0x19: {  	s7 =	sld [smem:$0x3F9D]  }
0x1a: {  	s8 =	sadd.s32 $0xFFFFE003, lr  }
0x1b: {  	s9 =	sadd.s32 $0xFFFFFEF7, lr;
	s5 =	simm.s32 $0xFFFFFFFF;
	p2 =	slt.u32 s8, $0xFFFFF086  }
0x1c: {  	p1 =	slt.u32 s9, $0xF7A;
	s5 =	simm.s32 @!p2 $0x0  }
0x1d: {  	s5 =	simm.s32 @p1 $0x1;
	p0 =	seq.s32 s7, s2  }
0x1e: {  	s7 =	smul.u32 @!p0 $0xF7A, s2;
	p2 =	seq.s32 @!p0 s5, $0x0  }
0x1f: {  	s9 =	smul.u32 $0xF7A, s1;
	s8 =	simm.s32 @!p0 $0x1BF5;
	p2 =	por !p2, p0  }
0x20: {  	[sflag:s8] =	ssyncset.s32 @!p0 $0xFFFFF086;
	s6 =	sadd.s32 @!p0 s3, s7;
	s7 =	simm.s32 @!p0 $0x108  }
0x21: {  	s3 =	sadd.s32 s3, s9;
	s6 =	sadd.s32 @!p0 $0x88, s6;
	s7 =	simm.s32 @p2 $0x1082  }
0x22: {  	[simem:s7], [sflag:s8] =	dma.local @!p0 [hbm:s6], $0xF7A  }
0x23: {  	s9 =	sor.u32 $0xD0000000, s2;
	s6 =	simm.s32 $0x108;
	_ =	swait.ge @!p0 [sflag:s8], $0x0  }
0x24: {  	s3 =	sadd.s32 $0x88, s3;
	s6 =	simm.s32 @!p1 $0x1082;
	[sflag:s4] =	ssyncset.s32 $0xFFFFF086  }
0x25: {  	[simem:s6], [sflag:s4] =	dma.local [hbm:s3], $0xF7A  }
0x26: {  	[smem:$0x3F9D] =	sst s1;
	(tag) =	ssettag s2;
	_ =	strace s9  }
0x27: {  	s1 =	sld [smem:$0x3FAD]  }
0x28: {  	s2 =	sld [smem:$0x3FAE]  }
0x29: {  	s4 =	sld [smem:$0x3FB0]  }
0x2a: {  	p0 =	seq.s32 s5, $0x0;
	s5 =	sld [smem:$0x3FB1]  }
0x2b: {  	s6 =	sld [smem:$0x3FB2]  }
0x2c: {  	s7 =	sld [smem:$0x3FB3]  }
0x2d: {  	s3 =	simm.s32 $0x108;
	s8 =	sld [smem:$0x3FB4]  }
0x2e: {  	s3 =	simm.s32 @!p0 $0x1082;
	s9 =	sld [smem:$0x3FB5]  }
0x2f: {  	lr =	sadd.s32 s0, s3;
	s0 =	sld [smem:$0x3FAC]  }
0x30: {  	s3 =	sld [smem:$0x3FAF]  }
0x31: {  	[smem:$0x3FB8] =	sst s10  }
0x32: {  	s10 =	sld [smem:$0x3FB6];
	_ =	sdelay $0x3  }
0x33: {  	p0 =	seq.s32 s10, $0x1;
	s10 =	sld [smem:$0x3FB8];
	_ =	sdelay $0x3  }
0x34: {  	[smem:$0x3FB8] =	sst s10  }
0x35: {  	s10 =	sld [smem:$0x3FB7];
	_ =	sdelay $0x3  }
0x36: {  	p1 =	seq.s32 s10, $0x1;
	s10 =	sld [smem:$0x3FB8];
	_ =	sdelay $0x3  }
0x37: {  	[smem:$0x3FB8] =	sst s10  }
0x38: {  	s10 =	sld [smem:$0x3FB9]  }
0x39: {  	_ = 	snop;
	(pc) =	sbr.ind lr, $3  }
0x3a: {  	_ = 	snop  }
0x3b: {  	_ = 	snop  }
0x3c: {  	p2 =	seq.s32 s10, $0x1;
	s10 =	sld [smem:$0x3FB8]  }
0x3d: {  	_ =	shalt  }
0x3e: {  	_ =	shalt  }
0x3f: {  	_ =	shalt  }
0x40: {  	_ =	shalt  }
0x41: {  	_ =	shalt  }
0x42: {  	_ =	shalt  }
0x43: {  	_ =	shalt  }
0x44: {  	_ =	shalt  }
0x45: {  	_ =	shalt  }
0x46: {  	_ =	shalt  }
0x47: {  	_ =	shalt  }
0x48: {  	_ =	shalt  }
0x49: {  	_ =	shalt  }
0x4a: {  	_ =	shalt  }
0x4b: {  	_ =	shalt  }
0x4c: {  	_ =	shalt  }
0x4d: {  	_ =	shalt  }
0x4e: {  	_ =	shalt  }
0x4f: {  	_ =	shalt  }
0x50: {  	_ =	shalt  }
0x51: {  	_ =	shalt  }
0x52: {  	_ =	shalt  }
0x53: {  	_ =	shalt  }
0x54: {  	_ =	shalt  }
0x55: {  	_ =	shalt  }
0x56: {  	_ =	shalt  }
0x57: {  	_ =	shalt  }
0x58: {  	_ =	shalt  }
0x59: {  	_ =	shalt  }
0x5a: {  	_ =	shalt  }
0x5b: {  	_ =	shalt  }
0x5c: {  	_ =	shalt  }
0x5d: {  	_ =	shalt  }
0x5e: {  	_ =	shalt  }
0x5f: {  	_ =	shalt  }
0x60: {  	_ =	shalt  }
0x61: {  	_ =	shalt  }
0x62: {  	_ =	shalt  }
0x63: {  	_ =	shalt  }
0x64: {  	_ =	shalt  }
0x65: {  	_ =	shalt  }
0x66: {  	_ =	shalt  }
0x67: {  	_ =	shalt  }
0x68: {  	_ =	shalt  }
0x69: {  	_ =	shalt  }
0x6a: {  	_ =	shalt  }
0x6b: {  	_ =	shalt  }
0x6c: {  	_ =	shalt  }
0x6d: {  	_ =	shalt  }
0x6e: {  	_ =	shalt  }
0x6f: {  	_ =	shalt  }
0x70: {  	_ =	shalt  }
0x71: {  	_ =	shalt  }
0x72: {  	_ =	shalt  }
0x73: {  	_ =	shalt  }
0x74: {  	_ =	shalt  }
0x75: {  	_ =	shalt  }
0x76: {  	_ =	shalt  }
0x77: {  	_ =	shalt  }
0x78: {  	_ =	shalt  }
0x79: {  	_ =	shalt  }
0x7a: {  	_ =	shalt  }
0x7b: {  	_ =	shalt  }
0x7c: {  	_ =	shalt  }
0x7d: {  	_ =	shalt  }
0x7e: {  	_ =	shalt  }
0x7f: {  	_ =	shalt  }
0x80: {  	_ =	shalt  }
0x81: {  	_ =	shalt  }
0x82: {  	_ =	shalt  }
0x83: {  	_ =	shalt  }
0x84: {  	_ =	shalt  }
0x85: {  	_ =	shalt  }
0x86: {  	_ =	shalt  }
0x87: {  	_ =	shalt  }
.Lfunc_end0:
.L_simem_size_0:
called_computation.2_lowered:
.L_overlay_start_0:
0x88: {  	s2 =	sld [smem:$0x3FD9]  }
0x89: {  	s3 =	sld [smem:$0x3FFE];
	_ =	sdelay $0x1  }
0x8a: {  	s1 =	srdreg.scid  }
0x8b: {  	s0 =	sand.u32 $0x1, s1  }
0x8c: {  	s17 =	sshll.u32 s0, $0xA;
	s2 =	sadd.s32 s3, s2  }
0x8d: {  	s2 =	sadd.s32 s2, s17  }
0x8e: {  	[smem:$0x3FC4] =	sst s2  }
0x8f: {  	_ = 	snop  }
0x90: {  	s18 =	sld [smem:$0x3FC9];
	(tm) =	ssettm $0x1  }
0x91: {  	s19 =	sld [smem:$0x3FFB];
	_ =	sdelay $0x3  }
0x92: {  	_ =	strace s19  }
0x93: {  	s2 =	sld [smem:$0x3FFC];
	_ =	sdelay $0x3  }
0x94: {  	_ =	strace s2  }
0x95: {  	s2 =	sld [smem:$0x3FFD];
	_ =	sdelay $0x3  }
0x96: {  	_ =	strace s2  }
0x97: {  	_ =	strace $0x8FFFFFFF  }
0x98: {  	s20 =	sld [smem:$0x3FDB];
	_ =	sdelay $0x1  }
0x99: {  	s4 =	simm.s32 $_scs_section_size  }
0x9a: {  	s5 =	simm.s32 $_size__tile_overlayer_lowered;
	s6 =	simm.s32 $_tile_overlayer_lowered  }
0x9b: {  	s7 =	simm.s32 $0x1BFF;
	s21 =	sshll.u32 s6, $0x1;
	s4 =	sadd.s32 s4, s20  }
0x9c: {  	s22 =	simm.s32 $0x0;
	s5 =	sshll.u32 s5, $0x1;
	s6 =	sadd.s32 s21, s4  }
0x9d: {  	[timem:s22], [sflag:s7] =	dma.local [hbm:s6], s5  }
0x9e: {  	_ =	swait.ge [sflag:s7], s5  }
0x9f: {  	s5 =	ssub.s32 $0x0, s5;
	[sflag:s7] =	ssyncset.done $0x0  }
0xa0: {  	[sflag:s7] =	ssyncadd.s32 s5;
	_ =	sdelay $0x1  }
0xa1: {  	s23 =	simm.s32 $0x1B8B  }
0xa2: {  	_ =	swait.ge [sflag:s23], $0x1  }
0xa3: {  	[sflag:s23] =	ssyncset.done $0x0  }
0xa4: {  	[sflag:s23] =	ssyncadd.s32 $0xFFFFFFFF  }
0xa5: {  	s5 =	sld [smem:$0x0]  }
0xa6: {  	s6 =	sand.u32 $0xFFFFFFFE, s1  }
0xa7: {  	p0 =	sne.s32 s1, s6  }
0xa8: {  	s6 =	sshll.u32 @p0 s6, $0xE  }
0xa9: {  	s6 =	sadd.s32 @p0 $0x11B8D, s6;
	s7 =	sshll.u32 @p0 s5, $0x11  }
0xaa: {  	s6 =	sor.u32 @p0 s7, s6  }
0xab: {  	[sflag:s6] =	ssyncadd.remote.s32 @p0 $0x1;
	_ =	sdelay $0x1  }
0xac: {  	s6 =	simm.s32 @p0 $0x1B8D  }
0xad: {  	_ =	swait.eq @p0 [sflag:s6], $0x1  }
0xae: {  	[sflag:s6] =	ssyncadd.s32 @p0 $0xFFFFFFFF  }
0xaf: {  	s7 =	sshll.u32 @!p0 s1, $0xE  }
0xb0: {  	s7 =	sor.u32 @!p0 $0x4000, s7;
	s6 =	simm.s32 @!p0 $0x1B8D  }
0xb1: {  	s5 =	sshll.u32 @!p0 s5, $0x11;
	s7 =	sadd.s32 @!p0 $0x11B8D, s7;
	_ =	swait.eq @!p0 [sflag:s6], $0x1  }
0xb2: {  	s5 =	sor.u32 @!p0 s5, s7;
	[sflag:s6] =	ssyncadd.s32 @!p0 $0xFFFFFFFF  }
0xb3: {  	s25 =	simm.s32 $0x1B8E;
	s24 =	sld [smem:$0x3FFE];
	[sflag:s5] =	ssyncadd.remote.s32 @!p0 $0x1  }
0xb4: {  	s26 =	simm.s32 $execute0_lowered;
	[smem:$0x3FD2] =	sst s25  }
0xb5: {  	s6 =	sshll.u32 s26, $0x1;
	_ =	strace $0x8000005A;
	[dreg:$0x1] =	wrdreg $0xFFFFFFFF  }
0xb6: {  	s28 =	simm.s32 $_size_execute0_lowered;
	s4 =	sadd.s32 s4, s6;
	[dreg:$0x0] =	wrdreg $0x0  }
0xb7: {  	s6 =	sshll.u32 s28, $0x1;
	[dreg:$0x2] =	wrdreg s4  }
0xb8: {  	[dreg:$0x3] =	wrdreg s6  }
0xb9: {  	[dreg:$0x4] =	wrdreg $0xC0  }
0xba: {  	_ =	task [dreg:s22], $0x5FFFF  }
0xbb: {  	[dreg:$0x1] =	wrdreg $0xFFFFFFFF  }
0xbc: {  	[dreg:$0x0] =	wrdreg $0x60  }
0xbd: {  	[dreg:$0x2] =	wrdreg s18  }
0xbe: {  	[dreg:$0x3] =	wrdreg s24  }
0xbf: {  	[dreg:$0x4] =	wrdreg $0xB  }
0xc0: {  	_ =	task.clear_ibuf [dreg:s22], $0x5FFFF;
	_ =	strace $0x9000005A  }
0xc1: {  	s29 =	simm.s32 $0xB;
	_ =	strace $0x80000063  }
0xc2: {  	_ =	swait.ge [sflag:s29], $0x1  }
0xc3: {  	[sflag:s29] =	ssyncadd.s32 $0xFFFFFFFF  }
0xc4: {  	_ =	strace $0x90000063  }
0xc5: {  	_ =	sfence  }
0xc6: {  	s30 =	sld [smem:$0x0];
	_ =	sdelay $0x2  }
0xc7: {  	s31 =	sshll.u32 s1, $0xD;
	s1 =	sshrl.u32 s1, $0x2  }
0xc8: {  	s4 =	sand.u32 $0x4000, s31;
	s1 =	sadd.s32 s1, s30  }
0xc9: {  	s0 =	sor.u32 s4, s0;
	s1 =	sshll.u32 s1, $0x11  }
0xca: {  	s0 =	sor.u32 s1, s0  }
0xcb: {  	s0 =	sadd.s32 $0x8F2B, s0  }
0xcc: {  	[sflag:s0] =	ssyncadd.remote.s32 $0x1  }
0xcd: {  	_ =	sfence.sel $0xFFFF  }
0xce: {  	[dreg:$0x0] =	wrdreg $0xFFFFFFFF;
	(pc) =	sbr.abs _section_cstart, $3  }
0xcf: {  	[dreg:$0x1] =	wrdreg $0xFFFFFFFF  }
0xd0: {  	_ =	task.clear_ibuf [dreg:s22], $0x2FFFF;
	_ =	strace $0x9FFFFFFF  }
0xd1: {  	(tm) =	ssettm $0x7FFFFFFF  }
tec
execute0_lowered:
.L_overlay_start_1:
0x0: {  	(tag) =	ssettag $0x1  }
0x1: {  	s0 =	rddreg [dreg:$0x0];
	s1 =	srdreg.scid  }
0x2: {  	s4 =	rddreg [dreg:$0x1];
	s2 =	simm.s32 $0x0;
	s9 =	simm.s32 $0x1  }
0x3: {  	s10 =	simm.s32 $0x80;
	[dreg:$0x3] =	wrdreg s0;
	s5 =	sand.u32 $0x1, s1  }
0x4: {  	s1 =	stileid.u32;
	s0 =	rddreg [dreg:$0x2];
	s3 =	sshll.u32 s5, $0x4  }
0x5: {  	s11 =	simm.s32 $0x0;
	[smem:$0x7FF] =	sst s2;
	s3 =	sor.u32 s1, s3  }
0x6: {  	s7 =	sadd.s32 $0xCF800, s4;
	s4 =	sadd.s32 $0xCD800, s4;
	s6 =	smul.u32 $0xF, s3  }
0x7: {  	_ =	strace $0x8000005B;
	[dreg:$0x5] =	wrdreg s7;
	s29 =	ssub.s32 $0x2, s5  }
0x8: {  	p0 =	slt.u32 s3, $0x14;
	s8 =	sshll.u32 s3, $0x4;
	s3 =	sadd.s32 $0x14, s6  }
0x9: {  	s5 =	simm.s32 $0x10;
	[dreg:$0x4] =	wrdreg s10;
	s3 =	smov.u32 @p0 s8  }
0xa: {  	s10 =	simm.s32 $0x5;
	s31 =	sshrl.u32 s29, $0x1;
	s30 =	sshll.u32 s3, $0x4  }
0xb: {  	s5 =	simm.s32 @!p0 $0xF;
	s8 =	ssub.s32 s29, s31;
	s7 =	sand.u32 $0x1FFFFFF0, s30  }
0xc: {  	s8 =	smax.u32 s8, $0x1;
	s6 =	sadd.s32 s4, s7;
	s7 =	sadd.s32 $0xFFFFFFFF, s5  }
.LBB2_1:
0xd: {  	_ =	strace $0x8000005C;
	p2 =	sne.s32 s5, $0x1  }
.Ltmp0:
0xe: {  	p0 =	seq.s32 s5, $0x1;
	s13 =	simm.s32 $0x1;
	(pc) =	sbr.rel @!p2 .LBB2_2-.Ltmp0, $4  }
0xf: {  	[tilespmem:s2], [sflag:$0x1] =	stream.linear.gather [hbm4b:s6+s2], $0x80, $0x200038;
	[tilespmem:$0x8100] =	vst v63  }
0x10: {  	s12 =	simm.s32 $0x1;
	p1 =	por $0x1, $0x1;
	s13 =	simm.s32 @p0 $0x0  }
0x11: {  	p6 =	sgt.s32 s7, $0x0;
	p4 =	por p1, p1;
	p3 =	sne.s32 s13, $0x0  }
0x12: {  	_ =	strace $0x9000005C;
	p5 =	por !p6, !p3;
	p6 =	por $0x0, $0x0  }
0x13: {  	p2 =	por !p5, !p5  }
0x14: {  	s21 =	sand.u32 $0x1, s2;
	s19 =	simm.s32 $0x2;
	s14 =	sadd.s32 @p2 s3, s13  }
0x15: {  	p1 =	por p3, p3;
	s15 =	sand.u32 @p2 $0x1, s9;
	s14 =	sshll.u32 @p2 s14, $0x4  }
0x16: {  	_ =	strace @p2 $0x8000005D;
	s17 =	simm.s32 @p2 $0x0;
	s14 =	sand.u32 @p2 $0x1FFFFFF0, s14  }
0x17: {  	s16 =	sshll.u32 @p2 s15, $0x7;
	s15 =	sadd.s32 @p2 $0x1, s15;
	s14 =	sadd.s32 @p2 s4, s14  }
0x18: {  	[tilespmem:s16], [sflag:s15] =	stream.linear.gather @p2 [hbm4b:s14+s17], $0x80, $0x200038;
	[tilespmem:$0x8100] =	vst v63  }
0x19: {  	s30 =	simm.s32 $0x0;
	p6 =	por $0x0, $0x0;
	_ =	strace @p2 $0x9000005D  }
0x1a: {  	p0 =	sne.s32 s5, $0x2;
	s29 =	sadd.s32 $0x1, s21;
	_ =	strace $0x8000005E  }
0x1b: {  	s24 =	sadd.s32 $0x0, s3;
	p5 =	sgt.s32 s7, $0x1;
	_ =	swait.ge [sflag:s29], $0x80  }
0x1c: {  	s23 =	simm.s32 $0x1;
	s22 =	sshll.u32 s21, $0xE;
	[sflag:s29] =	ssyncset.done $0x0  }
0x1d: {  	s22 =	sor.u32 $0x100, s22;
	s16 =	sand.u32 @!p4 $0x1, s2;
	[sflag:s29] =	ssyncadd.s32 $0xFFFFFF80  }
0x1e: {  	s15 =	simm.s32 $0x1;
	s17 =	sadd.s32 $0x1, s13;
	_ =	strace $0x9000005E  }
0x1f: {  	s14 =	sand.u32 $0x80, s30;
	s15 =	simm.s32 @!p2 $0x0;
	_ =	strace $0x8000005F  }
0x20: {  	p2 =	por p4, p4;
	p4 =	por p6, p6;
	s20 =	rddreg [dreg:$0x4]  }
0x21: {  	p3 =	seq.s32 s17, s5;
	p6 =	seq.s32 s7, $0x0;
	s31 =	rddreg [dreg:$0x3]  }
0x22: {  	[tilespmem:s22], [sflag:$0x5] =	stream.indirect.gather [hbm4b:s31+s20], $0x80, s14, s20, $0x2000b8;
	[tilespmem:$0x8100] =	vst v63  }
.Ltmp1:
0x23: {  	s18 =	sadd.s32 $0x1, s15;
	s17 =	simm.s32 @p3 $0x0;
	(pc) =	sbr.rel @!p0 .LBB2_4-.Ltmp1, $4  }
0x24: {  	p1 =	por p6, p1;
	p6 =	por $0x0, $0x0;
	_ =	swait.ge [sflag:s10], $0x4000  }
0x25: {  	s15 =	simm.s32 $0x0;
	p3 =	sne.s32 s13, s17;
	[sflag:s10] =	ssyncset.done $0x0  }
0x26: {  	s23 =	simm.s32 @!p6 $0x0;
	p5 =	por !p5, !p3;
	[sflag:s10] =	ssyncadd.s32 $0xFFFFC000  }
0x27: {  	s14 =	simm.s32 $0x0;
	s20 =	simm.s32 $0x0;
	_ =	strace $0x9000005F  }
.LBB2_5:
0x28: {  	_ =	strace @p1 $0x80000060;
	s14 =	sadd.s32 s23, s14;
	s23 =	smov.u32 s12  }
0x29: {  	s12 =	smov.u32 s19;
	s19 =	sadd.s32 $0x1, s19;
	p0 =	por p3, p3  }
0x2a: {  	s29 =	sshll.u32 @p1 s24, $0xB;
	s21 =	sadd.s32 @p1 $0x3, s21;
	s25 =	simm.s32 @!p0 $0x0  }
0x2b: {  	s26 =	rddreg [dreg:$0x5];
	s29 =	sand.u32 @p1 $0x1FFFF800, s29;
	s25 =	simm.s32 @p0 $0x1  }
0x2c: {  	s26 =	sadd.s32 @p1 s26, s29;
	s29 =	simm.s32 @p1 $0x0;
	p0 =	sne.s32 s5, s19  }
0x2d: {  	[hbm4b:s26+s29] =	stream.linear.scatter @p1 [tilespmem:s22], [sflag:s21], $0x4000, $0x200038;
	[tilespmem:$0x8100] =	vst v63  }
0x2e: {  	s21 =	sadd.s32 @!p2 $0x3, s16;
	s16 =	simm.s32 @!p0 $0x0  }
0x2f: {  	s28 =	simm.s32 $0x1;
	[smem:$0x7FC] =	sst s25;
	s16 =	simm.s32 @p0 $0x1  }
0x30: {  	s28 =	simm.s32 @!p1 $0x0;
	_ =	strace @p1 $0x90000060;
	[smem:$0x7FD] =	sst s16  }
0x31: {  	s20 =	sadd.s32 s28, s20;
	s25 =	sand.u32 @!p4 $0x1, s14;
	_ =	strace @!p2 $0x80000061  }
0x32: {  	p1 =	por !p5, !p5;
	s16 =	smov.u32 s25;
	_ =	swait.ge @!p2 [sflag:s21], $0x4000  }
0x33: {  	s22 =	sand.u32 @p1 $0x1, s18;
	s25 =	sadd.s32 @p1 s3, s17;
	[sflag:s21] =	ssyncset.done @!p2 $0x0  }
0x34: {  	s26 =	sshll.u32 @p1 s22, $0x7;
	s25 =	sshll.u32 @p1 s25, $0x4;
	[sflag:s21] =	ssyncadd.s32 @!p2 $0xFFFFC000  }
0x35: {  	s21 =	sadd.s32 @p1 $0x1, s22;
	s22 =	sand.u32 @p1 $0x1FFFFFF0, s25;
	_ =	strace @!p2 $0x90000061  }
0x36: {  	s25 =	simm.s32 @p1 $0x0;
	s22 =	sadd.s32 @p1 s4, s22;
	_ =	strace @p1 $0x8000005D  }
0x37: {  	[tilespmem:s26], [sflag:s21] =	stream.linear.gather @p1 [hbm4b:s22+s25], $0x80, $0x200038;
	[tilespmem:$0x8100] =	vst v63  }
0x38: {  	s15 =	sadd.s32 s28, s15;
	s28 =	sand.u32 $0x1, s20;
	_ =	strace @p1 $0x9000005D  }
0x39: {  	s28 =	sadd.s32 $0x1, s28;
	_ =	strace $0x8000005E  }
0x3a: {  	_ =	swait.ge [sflag:s28], $0x80  }
0x3b: {  	[sflag:s28] =	ssyncset.done $0x0  }
0x3c: {  	s21 =	simm.s32 $0x1;
	[sflag:s28] =	ssyncadd.s32 $0xFFFFFF80  }
0x3d: {  	s21 =	simm.s32 @!p1 $0x0;
	_ =	strace $0x9000005E  }
0x3e: {  	s18 =	sadd.s32 s21, s18;
	s21 =	sand.u32 $0x1, s15;
	_ =	strace $0x8000005F  }
0x3f: {  	s31 =	sshll.u32 s20, $0x7;
	s29 =	sshll.u32 s21, $0xE;
	s25 =	rddreg [dreg:$0x4]  }
0x40: {  	s31 =	sand.u32 $0x80, s31;
	s22 =	sor.u32 $0x100, s29;
	s26 =	rddreg [dreg:$0x3]  }
0x41: {  	[tilespmem:s22], [sflag:$0x5] =	stream.indirect.gather [hbm4b:s26+s25], $0x80, s31, s25, $0x2000b8;
	[tilespmem:$0x8100] =	vst v63  }
0x42: {  	_ =	swait.ge [sflag:s10], $0x4000  }
0x43: {  	[sflag:s10] =	ssyncset.done $0x0  }
0x44: {  	[sflag:s10] =	ssyncadd.s32 $0xFFFFC000  }
0x45: {  	s30 =	sadd.s32 $0x1, s17;
	_ =	strace $0x9000005F  }
0x46: {  	s24 =	sadd.s32 s3, s13;
	s13 =	smov.u32 s17;
	s31 =	sld [smem:$0x7FD]  }
0x47: {  	p0 =	sne.s32 s23, $0x0;
	s17 =	smov.u32 s30;
	p1 =	seq.s32 s30, s5  }
0x48: {  	s17 =	simm.s32 @p1 $0x0;
	p1 =	seq.s32 s7, s23;
	s23 =	simm.s32 $0x1  }
0x49: {  	s23 =	simm.s32 @!p0 $0x0;
	p0 =	seq.s32 s31, $0x1  }
.Ltmp2:
0x4a: {  	s30 =	sld [smem:$0x7FC];
	(pc) =	sbr.rel @p0 .LBB2_5-.Ltmp2, $4  }
0x4b: {  	p3 =	seq.s32 s12, $0x0  }
0x4c: {  	p6 =	por p3, p3;
	p5 =	slt.s32 s12, s7  }
0x4d: {  	p2 =	por p4, p4;
	p3 =	sne.s32 s13, s17;
	p4 =	seq.s32 s30, $0x1  }
0x4e: {  	p5 =	por !p5, !p3;
	p1 =	por p1, p4;
	p4 =	por p6, p6  }
0x4f: {  	p6 =	por $0x1, $0x1  }
.LBB2_7:
0x50: {  	p0 =	por !p1, !p6  }
0x51: {  	s25 =	simm.s32 $0x1;
	_ =	strace @!p0 $0x80000060;
	s24 =	sshll.u32 @!p0 s24, $0xB  }
0x52: {  	p2 =	por p2, !p6;
	s19 =	rddreg [dreg:$0x5];
	s24 =	sand.u32 @!p0 $0x1FFFF800, s24  }
0x53: {  	s21 =	sadd.s32 @!p0 $0x3, s21;
	s19 =	sadd.s32 @!p0 s19, s24;
	s24 =	simm.s32 @!p0 $0x0  }
0x54: {  	[hbm4b:s19+s24] =	stream.linear.scatter @!p0 [tilespmem:s22], [sflag:s21], $0x4000, $0x200038;
	[tilespmem:$0x8100] =	vst v63  }
0x55: {  	p1 =	por !p5, !p5;
	s25 =	simm.s32 @p0 $0x0;
	_ =	strace @!p0 $0x90000060  }
0x56: {  	s16 =	sadd.s32 @!p2 $0x3, s16;
	s17 =	sadd.s32 @p1 s3, s17;
	_ =	strace @!p2 $0x80000061  }
0x57: {  	s18 =	sand.u32 @p1 $0x1, s18;
	s17 =	sshll.u32 @p1 s17, $0x4;
	_ =	swait.ge @!p2 [sflag:s16], $0x4000  }
0x58: {  	s17 =	sand.u32 @p1 $0x1FFFFFF0, s17;
	s19 =	sadd.s32 @p6 s25, s20;
	[sflag:s16] =	ssyncset.done @!p2 $0x0  }
0x59: {  	s20 =	simm.s32 $0x0;
	s17 =	sadd.s32 @p1 s4, s17;
	[sflag:s16] =	ssyncadd.s32 @!p2 $0xFFFFC000  }
0x5a: {  	s20 =	smov.u32 @p6 s19;
	s19 =	sshll.u32 @p1 s18, $0x7;
	_ =	strace @!p2 $0x90000061  }
0x5b: {  	s16 =	sadd.s32 @p1 $0x1, s18;
	s18 =	simm.s32 @p1 $0x0;
	_ =	strace @p1 $0x8000005D  }
0x5c: {  	[tilespmem:s19], [sflag:s16] =	stream.linear.gather @p1 [hbm4b:s17+s18], $0x80, $0x200038;
	[tilespmem:$0x8100] =	vst v63  }
0x5d: {  	s26 =	sand.u32 $0x1, s20;
	_ =	strace @p1 $0x9000005D  }
0x5e: {  	s16 =	sadd.s32 $0x1, s26;
	_ =	strace $0x8000005E  }
0x5f: {  	_ =	swait.ge [sflag:s16], $0x80  }
0x60: {  	[sflag:s16] =	ssyncset.done $0x0  }
0x61: {  	s15 =	sadd.s32 @p6 s25, s15;
	[sflag:s16] =	ssyncadd.s32 $0xFFFFFF80;
	s16 =	simm.s32 $0x0  }
0x62: {  	_ =	strace $0x9000005E;
	s16 =	smov.u32 @p6 s15  }
0x63: {  	_ =	strace $0x8000005F;
	s16 =	sand.u32 $0x1, s16  }
0x64: {  	s30 =	sshll.u32 s20, $0x7;
	s28 =	rddreg [dreg:$0x4];
	s31 =	sshll.u32 s16, $0xE  }
0x65: {  	s18 =	sand.u32 $0x80, s30;
	s29 =	rddreg [dreg:$0x3];
	s19 =	sor.u32 $0x100, s31  }
0x66: {  	[tilespmem:s19], [sflag:$0x5] =	stream.indirect.gather [hbm4b:s29+s28], $0x80, s18, s28, $0x2000b8;
	[tilespmem:$0x8100] =	vst v63  }
0x67: {  	_ =	swait.ge [sflag:s10], $0x4000  }
0x68: {  	p3 =	por p3, p3;
	[sflag:s10] =	ssyncset.done $0x0  }
0x69: {  	p5 =	seq.s32 s7, s12;
	s13 =	sadd.s32 s3, s13;
	[sflag:s10] =	ssyncadd.s32 $0xFFFFC000  }
0x6a: {  	s14 =	sadd.s32 @p6 s23, s14;
	p1 =	por p5, p3;
	_ =	strace $0x9000005F  }
0x6b: {  	s17 =	simm.s32 $0x0;
	s13 =	sshll.u32 @p1 s13, $0xB;
	_ =	strace @p1 $0x80000060  }
0x6c: {  	s17 =	smov.u32 @p6 s14;
	s13 =	sand.u32 @p1 $0x1FFFF800, s13;
	s15 =	rddreg [dreg:$0x5]  }
0x6d: {  	s14 =	sadd.s32 @p1 $0x3, s16;
	s13 =	sadd.s32 @p1 s15, s13;
	s15 =	simm.s32 @p1 $0x0  }
0x6e: {  	[hbm4b:s13+s15] =	stream.linear.scatter @p1 [tilespmem:s19], [sflag:s14], $0x4000, $0x200038;
	[tilespmem:$0x8100] =	vst v63  }
0x6f: {  	p0 =	por p4, p4;
	s13 =	sand.u32 @!p4 $0x1, s17;
	_ =	strace @p1 $0x90000060  }
0x70: {  	s13 =	sadd.s32 @!p0 $0x3, s13;
	_ =	strace @!p0 $0x80000061  }
0x71: {  	p1 =	sne.s32 s12, $0x0;
	s12 =	simm.s32 $0x1;
	_ =	swait.ge @!p0 [sflag:s13], $0x4000  }
0x72: {  	s12 =	simm.s32 @!p1 $0x0;
	[sflag:s13] =	ssyncset.done @!p0 $0x0  }
0x73: {  	s11 =	sadd.s32 $0x1, s11;
	s12 =	sadd.s32 s12, s17;
	[sflag:s13] =	ssyncadd.s32 @!p0 $0xFFFFC000  }
0x74: {  	s12 =	sand.u32 $0x1, s12;
	_ =	strace @!p0 $0x90000061;
	p0 =	sne.s32 s11, s8  }
.Ltmp3:
0x75: {  	s12 =	sadd.s32 $0x3, s12;
	_ =	strace $0x80000062;
	(pc) =	sbr.rel @p0 .LBB2_1-.Ltmp3, $4  }
.Ltmp4:
0x76: {  	_ =	swait.ge [sflag:s12], $0x4000;
	(pc) =	sbr.rel @!p0 .LBB2_8-.Ltmp4, $4  }
0x77: {  	[sflag:s12] =	ssyncset.done $0x0  }
0x78: {  	[sflag:s12] =	ssyncadd.s32 $0xFFFFC000  }
0x79: {  	_ =	strace $0x90000062  }
0x7a: {  	_ = 	snop  }
.LBB2_2:
.Ltmp5:
0x7b: {  	(pc) =	sbr.rel .LBB2_7-.Ltmp5, $4  }
0x7c: {  	_ = 	snop  }
0x7d: {  	s14 =	simm.s32 $0x0  }
0x7e: {  	s12 =	simm.s32 $0x0;
	s15 =	simm.s32 $0x0;
	s17 =	smov.u32 s13  }
0x7f: {  	s20 =	simm.s32 $0x0;
	s18 =	simm.s32 $0x1;
	s13 =	simm.s32 $0x0  }
.LBB2_4:
.Ltmp6:
0x80: {  	(pc) =	sbr.rel .LBB2_7-.Ltmp6, $3  }
0x81: {  	_ =	sdelay $0x1  }
0x82: {  	s14 =	simm.s32 $0x0  }
0x83: {  	s15 =	simm.s32 $0x0;
	s20 =	simm.s32 $0x0;
	p6 =	por $0x1, $0x1  }
.LBB2_8:
0x84: {  	_ =	sfence.sel $0x180000  }
0x85: {  	[bflag:$0x0] =	sbarrier.arrive $0xFFFF  }
0x86: {  	p0 =	sne.s32 s1, $0x0;
	_ =	strace $0x9000005B  }
0x87: {  	s0 =	sadd.s32 @!p0 $0x100000, s0;
	[bflag:$0x2] =	sbarrier.arrive $0xFFFF  }
0x88: {  	[sflag:s0] =	ssyncadd.tile.s32 @!p0 $0x1;
	_ =	shalt  }
.Lfunc_end2:
_tile_overlayer_lowered:
.L_overlay_start_2:
0x89: {  	(tag) =	ssettag $0x2  }
0x8a: {  	s0 =	rddreg [dreg:$0x0];
	s2 =	stileid.u32  }
0x8b: {  	s1 =	rddreg [dreg:$0x1];
	p0 =	sne.s32 s2, $0x0  }
0x8c: {  	s3 =	rddreg [dreg:$0x2];
	[bflag:$0x3] =	sbarrier.arrive $0xFFFF;
	s2 =	simm.s32 @!p0 $0x1C01  }
0x8d: {  	[timem:s3], [sflag:s2] =	dma.local @!p0 [hbm:s0], s1  }
0x8e: {  	s0 =	simm.s32 @!p0 $0x1  }
0x8f: {  	_ =	swait.ge @!p0 [sflag:s0], s1  }
0x90: {  	s1 =	ssub.s32 @!p0 $0x0, s1;
	[sflag:s0] =	ssyncset.done @!p0 $0x0  }
0x91: {  	[sflag:s0] =	ssyncadd.s32 @!p0 s1  }
0x92: {  	[bflag:$0x3] =	sbarrier.arrive $0xFFFF  }
0x93: {  	_ =	shalt  }

// kernel: kernel.21.cloned.1.call-start
scs
__scs_entry_jumppad:
0x0: {  	(pc) =	sbr.rel $0x88, $3  }
0x1: {  	(tag) =	ssettag $0x0;
	lr =	simm.s32 $0x1  }
0x2: {  	[smem:$0x3F9D] =	sst lr;
	_ =	strace $0xD0000000  }
0x3: {  	_ = 	snop  }
0x4: {  	_ = 	snop  }
0x5: {  	_ = 	snop  }
0x6: {  	_ = 	snop  }
0x7: {  	_ = 	snop  }
__scs_overlays_trampoline_lowered:
0x8: {  	[smem:$0x3FAC] =	sst s0  }
0x9: {  	[smem:$0x3FAD] =	sst s1  }
0xa: {  	[smem:$0x3FAE] =	sst s2  }
0xb: {  	[smem:$0x3FAF] =	sst s3  }
0xc: {  	[smem:$0x3FB0] =	sst s4  }
0xd: {  	[smem:$0x3FB1] =	sst s5  }
0xe: {  	[smem:$0x3FB2] =	sst s6  }
0xf: {  	[smem:$0x3FB3] =	sst s7  }
0x10: {  	[smem:$0x3FB4] =	sst s8  }
0x11: {  	[smem:$0x3FB5] =	sst s9;
	s0 =	simm.s32 @!p0 $0x0  }
0x12: {  	s1 =	sld [smem:$0x3F9B];
	s0 =	simm.s32 @p0 $0x1  }
0x13: {  	[smem:$0x3FB6] =	sst s0;
	s0 =	simm.s32 @!p1 $0x0  }
0x14: {  	s2 =	sld [smem:$0x3F9A];
	s0 =	simm.s32 @p1 $0x1  }
0x15: {  	[smem:$0x3FB7] =	sst s0;
	s0 =	simm.s32 @!p2 $0x0  }
0x16: {  	s3 =	sld [smem:$0x3FDB];
	s0 =	simm.s32 @p2 $0x1  }
0x17: {  	s4 =	simm.s32 $0x1BF5;
	[smem:$0x3FB9] =	sst s0  }
0x18: {  	s0 =	sld [smem:$0x3F9C];
	_ =	swait.ge [sflag:s4], $0x0  }
0x19: {  	s7 =	sld [smem:$0x3F9D]  }
0x1a: {  	s8 =	sadd.s32 $0xFFFFE003, lr  }
0x1b: {  	s9 =	sadd.s32 $0xFFFFFEF7, lr;
	s5 =	simm.s32 $0xFFFFFFFF;
	p2 =	slt.u32 s8, $0xFFFFF086  }
0x1c: {  	p1 =	slt.u32 s9, $0xF7A;
	s5 =	simm.s32 @!p2 $0x0  }
0x1d: {  	s5 =	simm.s32 @p1 $0x1;
	p0 =	seq.s32 s7, s2  }
0x1e: {  	s7 =	smul.u32 @!p0 $0xF7A, s2;
	p2 =	seq.s32 @!p0 s5, $0x0  }
0x1f: {  	s9 =	smul.u32 $0xF7A, s1;
	s8 =	simm.s32 @!p0 $0x1BF5;
	p2 =	por !p2, p0  }
0x20: {  	[sflag:s8] =	ssyncset.s32 @!p0 $0xFFFFF086;
	s6 =	sadd.s32 @!p0 s3, s7;
	s7 =	simm.s32 @!p0 $0x108  }
0x21: {  	s3 =	sadd.s32 s3, s9;
	s6 =	sadd.s32 @!p0 $0x88, s6;
	s7 =	simm.s32 @p2 $0x1082  }
0x22: {  	[simem:s7], [sflag:s8] =	dma.local @!p0 [hbm:s6], $0xF7A  }
0x23: {  	s9 =	sor.u32 $0xD0000000, s2;
	s6 =	simm.s32 $0x108;
	_ =	swait.ge @!p0 [sflag:s8], $0x0  }
0x24: {  	s3 =	sadd.s32 $0x88, s3;
	s6 =	simm.s32 @!p1 $0x1082;
	[sflag:s4] =	ssyncset.s32 $0xFFFFF086  }
0x25: {  	[simem:s6], [sflag:s4] =	dma.local [hbm:s3], $0xF7A  }
0x26: {  	[smem:$0x3F9D] =	sst s1;
	(tag) =	ssettag s2;
	_ =	strace s9  }
0x27: {  	s1 =	sld [smem:$0x3FAD]  }
0x28: {  	s2 =	sld [smem:$0x3FAE]  }
0x29: {  	s4 =	sld [smem:$0x3FB0]  }
0x2a: {  	p0 =	seq.s32 s5, $0x0;
	s5 =	sld [smem:$0x3FB1]  }
0x2b: {  	s6 =	sld [smem:$0x3FB2]  }
0x2c: {  	s7 =	sld [smem:$0x3FB3]  }
0x2d: {  	s3 =	simm.s32 $0x108;
	s8 =	sld [smem:$0x3FB4]  }
0x2e: {  	s3 =	simm.s32 @!p0 $0x1082;
	s9 =	sld [smem:$0x3FB5]  }
0x2f: {  	lr =	sadd.s32 s0, s3;
	s0 =	sld [smem:$0x3FAC]  }
0x30: {  	s3 =	sld [smem:$0x3FAF]  }
0x31: {  	[smem:$0x3FB8] =	sst s10  }
0x32: {  	s10 =	sld [smem:$0x3FB6];
	_ =	sdelay $0x3  }
0x33: {  	p0 =	seq.s32 s10, $0x1;
	s10 =	sld [smem:$0x3FB8];
	_ =	sdelay $0x3  }
0x34: {  	[smem:$0x3FB8] =	sst s10  }
0x35: {  	s10 =	sld [smem:$0x3FB7];
	_ =	sdelay $0x3  }
0x36: {  	p1 =	seq.s32 s10, $0x1;
	s10 =	sld [smem:$0x3FB8];
	_ =	sdelay $0x3  }
0x37: {  	[smem:$0x3FB8] =	sst s10  }
0x38: {  	s10 =	sld [smem:$0x3FB9]  }
0x39: {  	_ = 	snop;
	(pc) =	sbr.ind lr, $3  }
0x3a: {  	_ = 	snop  }
0x3b: {  	_ = 	snop  }
0x3c: {  	p2 =	seq.s32 s10, $0x1;
	s10 =	sld [smem:$0x3FB8]  }
0x3d: {  	_ =	shalt  }
0x3e: {  	_ =	shalt  }
0x3f: {  	_ =	shalt  }
0x40: {  	_ =	shalt  }
0x41: {  	_ =	shalt  }
0x42: {  	_ =	shalt  }
0x43: {  	_ =	shalt  }
0x44: {  	_ =	shalt  }
0x45: {  	_ =	shalt  }
0x46: {  	_ =	shalt  }
0x47: {  	_ =	shalt  }
0x48: {  	_ =	shalt  }
0x49: {  	_ =	shalt  }
0x4a: {  	_ =	shalt  }
0x4b: {  	_ =	shalt  }
0x4c: {  	_ =	shalt  }
0x4d: {  	_ =	shalt  }
0x4e: {  	_ =	shalt  }
0x4f: {  	_ =	shalt  }
0x50: {  	_ =	shalt  }
0x51: {  	_ =	shalt  }
0x52: {  	_ =	shalt  }
0x53: {  	_ =	shalt  }
0x54: {  	_ =	shalt  }
0x55: {  	_ =	shalt  }
0x56: {  	_ =	shalt  }
0x57: {  	_ =	shalt  }
0x58: {  	_ =	shalt  }
0x59: {  	_ =	shalt  }
0x5a: {  	_ =	shalt  }
0x5b: {  	_ =	shalt  }
0x5c: {  	_ =	shalt  }
0x5d: {  	_ =	shalt  }
0x5e: {  	_ =	shalt  }
0x5f: {  	_ =	shalt  }
0x60: {  	_ =	shalt  }
0x61: {  	_ =	shalt  }
0x62: {  	_ =	shalt  }
0x63: {  	_ =	shalt  }
0x64: {  	_ =	shalt  }
0x65: {  	_ =	shalt  }
0x66: {  	_ =	shalt  }
0x67: {  	_ =	shalt  }
0x68: {  	_ =	shalt  }
0x69: {  	_ =	shalt  }
0x6a: {  	_ =	shalt  }
0x6b: {  	_ =	shalt  }
0x6c: {  	_ =	shalt  }
0x6d: {  	_ =	shalt  }
0x6e: {  	_ =	shalt  }
0x6f: {  	_ =	shalt  }
0x70: {  	_ =	shalt  }
0x71: {  	_ =	shalt  }
0x72: {  	_ =	shalt  }
0x73: {  	_ =	shalt  }
0x74: {  	_ =	shalt  }
0x75: {  	_ =	shalt  }
0x76: {  	_ =	shalt  }
0x77: {  	_ =	shalt  }
0x78: {  	_ =	shalt  }
0x79: {  	_ =	shalt  }
0x7a: {  	_ =	shalt  }
0x7b: {  	_ =	shalt  }
0x7c: {  	_ =	shalt  }
0x7d: {  	_ =	shalt  }
0x7e: {  	_ =	shalt  }
0x7f: {  	_ =	shalt  }
0x80: {  	_ =	shalt  }
0x81: {  	_ =	shalt  }
0x82: {  	_ =	shalt  }
0x83: {  	_ =	shalt  }
0x84: {  	_ =	shalt  }
0x85: {  	_ =	shalt  }
0x86: {  	_ =	shalt  }
0x87: {  	_ =	shalt  }
.Lfunc_end0:
.L_simem_size_0:
called_computation.3_lowered:
.L_overlay_start_0:
0x88: {  	s2 =	sld [smem:$0x3FD9]  }
0x89: {  	s3 =	sld [smem:$0x3FFE];
	_ =	sdelay $0x1  }
0x8a: {  	s1 =	srdreg.scid  }
0x8b: {  	s0 =	sand.u32 $0x1, s1  }
0x8c: {  	s17 =	sshll.u32 s0, $0xA;
	s2 =	sadd.s32 s3, s2  }
0x8d: {  	s2 =	sadd.s32 s2, s17  }
0x8e: {  	[smem:$0x3FC4] =	sst s2  }
0x8f: {  	_ = 	snop  }
0x90: {  	s18 =	sld [smem:$0x3FC9];
	(tm) =	ssettm $0x1  }
0x91: {  	s19 =	sld [smem:$0x3FFB];
	_ =	sdelay $0x3  }
0x92: {  	_ =	strace s19  }
0x93: {  	s2 =	sld [smem:$0x3FFC];
	_ =	sdelay $0x3  }
0x94: {  	_ =	strace s2  }
0x95: {  	s2 =	sld [smem:$0x3FFD];
	_ =	sdelay $0x3  }
0x96: {  	_ =	strace s2  }
0x97: {  	_ =	strace $0x8FFFFFFF  }
0x98: {  	s20 =	sld [smem:$0x3FDB];
	_ =	sdelay $0x1  }
0x99: {  	s4 =	simm.s32 $_scs_section_size  }
0x9a: {  	s5 =	simm.s32 $_size__tile_overlayer_lowered;
	s6 =	simm.s32 $_tile_overlayer_lowered  }
0x9b: {  	s7 =	simm.s32 $0x1BFF;
	s21 =	sshll.u32 s6, $0x1;
	s4 =	sadd.s32 s4, s20  }
0x9c: {  	s22 =	simm.s32 $0x0;
	s5 =	sshll.u32 s5, $0x1;
	s6 =	sadd.s32 s21, s4  }
0x9d: {  	[timem:s22], [sflag:s7] =	dma.local [hbm:s6], s5  }
0x9e: {  	_ =	swait.ge [sflag:s7], s5  }
0x9f: {  	s5 =	ssub.s32 $0x0, s5;
	[sflag:s7] =	ssyncset.done $0x0  }
0xa0: {  	[sflag:s7] =	ssyncadd.s32 s5;
	_ =	sdelay $0x1  }
0xa1: {  	s23 =	simm.s32 $0x1B8B  }
0xa2: {  	_ =	swait.ge [sflag:s23], $0x1  }
0xa3: {  	[sflag:s23] =	ssyncset.done $0x0  }
0xa4: {  	[sflag:s23] =	ssyncadd.s32 $0xFFFFFFFF  }
0xa5: {  	s5 =	sld [smem:$0x0]  }
0xa6: {  	s6 =	sand.u32 $0xFFFFFFFE, s1  }
0xa7: {  	p0 =	sne.s32 s1, s6  }
0xa8: {  	s6 =	sshll.u32 @p0 s6, $0xE  }
0xa9: {  	s6 =	sadd.s32 @p0 $0x11B8D, s6;
	s7 =	sshll.u32 @p0 s5, $0x11  }
0xaa: {  	s6 =	sor.u32 @p0 s7, s6  }
0xab: {  	[sflag:s6] =	ssyncadd.remote.s32 @p0 $0x1;
	_ =	sdelay $0x1  }
0xac: {  	s6 =	simm.s32 @p0 $0x1B8D  }
0xad: {  	_ =	swait.eq @p0 [sflag:s6], $0x1  }
0xae: {  	[sflag:s6] =	ssyncadd.s32 @p0 $0xFFFFFFFF  }
0xaf: {  	s7 =	sshll.u32 @!p0 s1, $0xE  }
0xb0: {  	s7 =	sor.u32 @!p0 $0x4000, s7;
	s6 =	simm.s32 @!p0 $0x1B8D  }
0xb1: {  	s5 =	sshll.u32 @!p0 s5, $0x11;
	s7 =	sadd.s32 @!p0 $0x11B8D, s7;
	_ =	swait.eq @!p0 [sflag:s6], $0x1  }
0xb2: {  	s5 =	sor.u32 @!p0 s5, s7;
	[sflag:s6] =	ssyncadd.s32 @!p0 $0xFFFFFFFF  }
0xb3: {  	s25 =	simm.s32 $0x1B8E;
	s24 =	sld [smem:$0x3FFE];
	[sflag:s5] =	ssyncadd.remote.s32 @!p0 $0x1  }
0xb4: {  	s26 =	simm.s32 $execute0_lowered;
	[smem:$0x3FD2] =	sst s25  }
0xb5: {  	s6 =	sshll.u32 s26, $0x1;
	_ =	strace $0x80000064;
	[dreg:$0x1] =	wrdreg $0xFFFFFFFF  }
0xb6: {  	s28 =	simm.s32 $_size_execute0_lowered;
	s4 =	sadd.s32 s4, s6;
	[dreg:$0x0] =	wrdreg $0x0  }
0xb7: {  	s6 =	sshll.u32 s28, $0x1;
	[dreg:$0x2] =	wrdreg s4  }
0xb8: {  	[dreg:$0x3] =	wrdreg s6  }
0xb9: {  	[dreg:$0x4] =	wrdreg $0xC0  }
0xba: {  	_ =	task [dreg:s22], $0x5FFFF  }
0xbb: {  	[dreg:$0x1] =	wrdreg $0xFFFFFFFF  }
0xbc: {  	[dreg:$0x0] =	wrdreg $0x60  }
0xbd: {  	[dreg:$0x2] =	wrdreg s18  }
0xbe: {  	[dreg:$0x3] =	wrdreg s24  }
0xbf: {  	[dreg:$0x4] =	wrdreg $0xC  }
0xc0: {  	_ =	task.clear_ibuf [dreg:s22], $0x5FFFF;
	_ =	strace $0x90000064  }
0xc1: {  	s29 =	simm.s32 $0xC;
	_ =	strace $0x8000006D  }
0xc2: {  	_ =	swait.ge [sflag:s29], $0x1  }
0xc3: {  	[sflag:s29] =	ssyncadd.s32 $0xFFFFFFFF  }
0xc4: {  	_ =	strace $0x9000006D  }
0xc5: {  	_ =	sfence  }
0xc6: {  	s30 =	sld [smem:$0x0];
	_ =	sdelay $0x2  }
0xc7: {  	s31 =	sshll.u32 s1, $0xD;
	s1 =	sshrl.u32 s1, $0x2  }
0xc8: {  	s4 =	sand.u32 $0x4000, s31;
	s1 =	sadd.s32 s1, s30  }
0xc9: {  	s0 =	sor.u32 s4, s0;
	s1 =	sshll.u32 s1, $0x11  }
0xca: {  	s0 =	sor.u32 s1, s0  }
0xcb: {  	s0 =	sadd.s32 $0x8F2B, s0  }
0xcc: {  	[sflag:s0] =	ssyncadd.remote.s32 $0x1  }
0xcd: {  	_ =	sfence.sel $0xFFFF  }
0xce: {  	[dreg:$0x0] =	wrdreg $0xFFFFFFFF;
	(pc) =	sbr.abs _section_cstart, $3  }
0xcf: {  	[dreg:$0x1] =	wrdreg $0xFFFFFFFF  }
0xd0: {  	_ =	task.clear_ibuf [dreg:s22], $0x2FFFF;
	_ =	strace $0x9FFFFFFF  }
0xd1: {  	(tm) =	ssettm $0x7FFFFFFF  }
tec
execute0_lowered:
.L_overlay_start_1:
0x0: {  	(tag) =	ssettag $0x1  }
0x1: {  	s0 =	rddreg [dreg:$0x0];
	s1 =	srdreg.scid  }
0x2: {  	s4 =	rddreg [dreg:$0x1];
	s2 =	simm.s32 $0x0;
	s9 =	simm.s32 $0x1  }
0x3: {  	s10 =	simm.s32 $0x80;
	s11 =	simm.s32 $0x0;
	s5 =	sand.u32 $0x1, s1  }
0x4: {  	[dreg:$0x3] =	wrdreg s0;
	s1 =	stileid.u32;
	s3 =	sshll.u32 s5, $0x4  }
0x5: {  	s0 =	rddreg [dreg:$0x2];
	s8 =	sadd.s32 $0x1CBE00, s4;
	s3 =	sor.u32 s1, s3  }
0x6: {  	[smem:$0x7FF] =	sst s2;
	s4 =	sadd.s32 $0x1C9800, s4;
	s6 =	smul.u32 $0x12, s3  }
0x7: {  	_ =	strace $0x80000065;
	[dreg:$0x5] =	wrdreg s8;
	s7 =	smul.u32 $0x13, s3  }
0x8: {  	s30 =	ssub.s32 $0x2, s5;
	p0 =	slt.u32 s3, $0x18;
	s3 =	sadd.s32 $0x18, s6  }
0x9: {  	s5 =	simm.s32 $0x13;
	[dreg:$0x4] =	wrdreg s10;
	s3 =	smov.u32 @p0 s7  }
0xa: {  	s10 =	simm.s32 $0x5;
	s31 =	sshrl.u32 s30, $0x1;
	s7 =	sshll.u32 s3, $0x4  }
0xb: {  	s8 =	ssub.s32 s30, s31;
	s5 =	simm.s32 @!p0 $0x12;
	s7 =	sand.u32 $0x1FFFFFF0, s7  }
0xc: {  	s8 =	smax.u32 s8, $0x1;
	s6 =	sadd.s32 s4, s7;
	s7 =	sadd.s32 $0xFFFFFFFF, s5  }
.LBB2_1:
0xd: {  	_ =	strace $0x80000066;
	p2 =	sne.s32 s5, $0x1  }
.Ltmp0:
0xe: {  	p0 =	seq.s32 s5, $0x1;
	s13 =	simm.s32 $0x1;
	(pc) =	sbr.rel @!p2 .LBB2_2-.Ltmp0, $4  }
0xf: {  	[tilespmem:s2], [sflag:$0x1] =	stream.linear.gather [hbm4b:s6+s2], $0x80, $0x200038;
	[tilespmem:$0x8100] =	vst v63  }
0x10: {  	s12 =	simm.s32 $0x1;
	p1 =	por $0x1, $0x1;
	s13 =	simm.s32 @p0 $0x0  }
0x11: {  	p6 =	sgt.u32 s7, $0x0;
	p4 =	por p1, p1;
	p3 =	sne.s32 s13, $0x0  }
0x12: {  	_ =	strace $0x90000066;
	p5 =	por !p6, !p3;
	p6 =	por $0x0, $0x0  }
0x13: {  	p2 =	por !p5, !p5  }
0x14: {  	s21 =	sand.u32 $0x1, s2;
	s19 =	simm.s32 $0x2;
	s14 =	sadd.s32 @p2 s3, s13  }
0x15: {  	p1 =	por p3, p3;
	s15 =	sand.u32 @p2 $0x1, s9;
	s14 =	sshll.u32 @p2 s14, $0x4  }
0x16: {  	_ =	strace @p2 $0x80000067;
	s17 =	simm.s32 @p2 $0x0;
	s14 =	sand.u32 @p2 $0x1FFFFFF0, s14  }
0x17: {  	s16 =	sshll.u32 @p2 s15, $0x7;
	s15 =	sadd.s32 @p2 $0x1, s15;
	s14 =	sadd.s32 @p2 s4, s14  }
0x18: {  	[tilespmem:s16], [sflag:s15] =	stream.linear.gather @p2 [hbm4b:s14+s17], $0x80, $0x200038;
	[tilespmem:$0x8100] =	vst v63  }
0x19: {  	s30 =	simm.s32 $0x0;
	p6 =	por $0x0, $0x0;
	_ =	strace @p2 $0x90000067  }
0x1a: {  	p0 =	sne.s32 s5, $0x2;
	s29 =	sadd.s32 $0x1, s21;
	_ =	strace $0x80000068  }
0x1b: {  	s24 =	sadd.s32 $0x0, s3;
	p5 =	sgt.u32 s7, $0x1;
	_ =	swait.ge [sflag:s29], $0x80  }
0x1c: {  	s23 =	simm.s32 $0x1;
	s22 =	sshll.u32 s21, $0xE;
	[sflag:s29] =	ssyncset.done $0x0  }
0x1d: {  	s22 =	sor.u32 $0x100, s22;
	s16 =	sand.u32 @!p4 $0x1, s2;
	[sflag:s29] =	ssyncadd.s32 $0xFFFFFF80  }
0x1e: {  	s15 =	simm.s32 $0x1;
	s17 =	sadd.s32 $0x1, s13;
	_ =	strace $0x90000068  }
0x1f: {  	s14 =	sand.u32 $0x80, s30;
	s15 =	simm.s32 @!p2 $0x0;
	_ =	strace $0x80000069  }
0x20: {  	p2 =	por p4, p4;
	p4 =	por p6, p6;
	s20 =	rddreg [dreg:$0x4]  }
0x21: {  	p3 =	seq.s32 s17, s5;
	p6 =	seq.s32 s7, $0x0;
	s31 =	rddreg [dreg:$0x3]  }
0x22: {  	[tilespmem:s22], [sflag:$0x5] =	stream.indirect.gather [hbm4b:s31+s20], $0x80, s14, s20, $0x2000b8;
	[tilespmem:$0x8100] =	vst v63  }
.Ltmp1:
0x23: {  	s18 =	sadd.s32 $0x1, s15;
	s17 =	simm.s32 @p3 $0x0;
	(pc) =	sbr.rel @!p0 .LBB2_4-.Ltmp1, $4  }
0x24: {  	p1 =	por p6, p1;
	p6 =	por $0x0, $0x0;
	_ =	swait.ge [sflag:s10], $0x4000  }
0x25: {  	s15 =	simm.s32 $0x0;
	p3 =	sne.s32 s13, s17;
	[sflag:s10] =	ssyncset.done $0x0  }
0x26: {  	s23 =	simm.s32 @!p6 $0x0;
	p5 =	por !p5, !p3;
	[sflag:s10] =	ssyncadd.s32 $0xFFFFC000  }
0x27: {  	s14 =	simm.s32 $0x0;
	s20 =	simm.s32 $0x0;
	_ =	strace $0x90000069  }
.LBB2_5:
0x28: {  	_ =	strace @p1 $0x8000006A;
	s14 =	sadd.s32 s23, s14;
	s23 =	smov.u32 s12  }
0x29: {  	s12 =	smov.u32 s19;
	s19 =	sadd.s32 $0x1, s19;
	p0 =	por p3, p3  }
0x2a: {  	s29 =	sshll.u32 @p1 s24, $0xB;
	s21 =	sadd.s32 @p1 $0x3, s21;
	s25 =	simm.s32 @!p0 $0x0  }
0x2b: {  	s26 =	rddreg [dreg:$0x5];
	s29 =	sand.u32 @p1 $0x1FFFF800, s29;
	s25 =	simm.s32 @p0 $0x1  }
0x2c: {  	s26 =	sadd.s32 @p1 s26, s29;
	s29 =	simm.s32 @p1 $0x0;
	p0 =	sne.s32 s5, s19  }
0x2d: {  	[hbm4b:s26+s29] =	stream.linear.scatter @p1 [tilespmem:s22], [sflag:s21], $0x4000, $0x200038;
	[tilespmem:$0x8100] =	vst v63  }
0x2e: {  	s21 =	sadd.s32 @!p2 $0x3, s16;
	s16 =	simm.s32 @!p0 $0x0  }
0x2f: {  	s28 =	simm.s32 $0x1;
	[smem:$0x7FC] =	sst s25;
	s16 =	simm.s32 @p0 $0x1  }
0x30: {  	s28 =	simm.s32 @!p1 $0x0;
	_ =	strace @p1 $0x9000006A;
	[smem:$0x7FD] =	sst s16  }
0x31: {  	s20 =	sadd.s32 s28, s20;
	s25 =	sand.u32 @!p4 $0x1, s14;
	_ =	strace @!p2 $0x8000006B  }
0x32: {  	p1 =	por !p5, !p5;
	s16 =	smov.u32 s25;
	_ =	swait.ge @!p2 [sflag:s21], $0x4000  }
0x33: {  	s22 =	sand.u32 @p1 $0x1, s18;
	s25 =	sadd.s32 @p1 s3, s17;
	[sflag:s21] =	ssyncset.done @!p2 $0x0  }
0x34: {  	s26 =	sshll.u32 @p1 s22, $0x7;
	s25 =	sshll.u32 @p1 s25, $0x4;
	[sflag:s21] =	ssyncadd.s32 @!p2 $0xFFFFC000  }
0x35: {  	s21 =	sadd.s32 @p1 $0x1, s22;
	s22 =	sand.u32 @p1 $0x1FFFFFF0, s25;
	_ =	strace @!p2 $0x9000006B  }
0x36: {  	s25 =	simm.s32 @p1 $0x0;
	s22 =	sadd.s32 @p1 s4, s22;
	_ =	strace @p1 $0x80000067  }
0x37: {  	[tilespmem:s26], [sflag:s21] =	stream.linear.gather @p1 [hbm4b:s22+s25], $0x80, $0x200038;
	[tilespmem:$0x8100] =	vst v63  }
0x38: {  	s15 =	sadd.s32 s28, s15;
	s28 =	sand.u32 $0x1, s20;
	_ =	strace @p1 $0x90000067  }
0x39: {  	s28 =	sadd.s32 $0x1, s28;
	_ =	strace $0x80000068  }
0x3a: {  	_ =	swait.ge [sflag:s28], $0x80  }
0x3b: {  	[sflag:s28] =	ssyncset.done $0x0  }
0x3c: {  	s21 =	simm.s32 $0x1;
	[sflag:s28] =	ssyncadd.s32 $0xFFFFFF80  }
0x3d: {  	s21 =	simm.s32 @!p1 $0x0;
	_ =	strace $0x90000068  }
0x3e: {  	s18 =	sadd.s32 s21, s18;
	s21 =	sand.u32 $0x1, s15;
	_ =	strace $0x80000069  }
0x3f: {  	s31 =	sshll.u32 s20, $0x7;
	s29 =	sshll.u32 s21, $0xE;
	s25 =	rddreg [dreg:$0x4]  }
0x40: {  	s31 =	sand.u32 $0x80, s31;
	s22 =	sor.u32 $0x100, s29;
	s26 =	rddreg [dreg:$0x3]  }
0x41: {  	[tilespmem:s22], [sflag:$0x5] =	stream.indirect.gather [hbm4b:s26+s25], $0x80, s31, s25, $0x2000b8;
	[tilespmem:$0x8100] =	vst v63  }
0x42: {  	_ =	swait.ge [sflag:s10], $0x4000  }
0x43: {  	[sflag:s10] =	ssyncset.done $0x0  }
0x44: {  	[sflag:s10] =	ssyncadd.s32 $0xFFFFC000  }
0x45: {  	s30 =	sadd.s32 $0x1, s17;
	_ =	strace $0x90000069  }
0x46: {  	s24 =	sadd.s32 s3, s13;
	s13 =	smov.u32 s17;
	s31 =	sld [smem:$0x7FD]  }
0x47: {  	p0 =	sne.s32 s23, $0x0;
	s17 =	smov.u32 s30;
	p1 =	seq.s32 s30, s5  }
0x48: {  	s17 =	simm.s32 @p1 $0x0;
	p1 =	seq.s32 s7, s23;
	s23 =	simm.s32 $0x1  }
0x49: {  	s23 =	simm.s32 @!p0 $0x0;
	p0 =	seq.s32 s31, $0x1  }
.Ltmp2:
0x4a: {  	s30 =	sld [smem:$0x7FC];
	(pc) =	sbr.rel @p0 .LBB2_5-.Ltmp2, $4  }
0x4b: {  	p3 =	seq.s32 s12, $0x0  }
0x4c: {  	p6 =	por p3, p3;
	p5 =	slt.u32 s12, s7  }
0x4d: {  	p2 =	por p4, p4;
	p3 =	sne.s32 s13, s17;
	p4 =	seq.s32 s30, $0x1  }
0x4e: {  	p5 =	por !p5, !p3;
	p1 =	por p1, p4;
	p4 =	por p6, p6  }
0x4f: {  	p6 =	por $0x1, $0x1  }
.LBB2_7:
0x50: {  	p0 =	por !p1, !p6  }
0x51: {  	s25 =	simm.s32 $0x1;
	_ =	strace @!p0 $0x8000006A;
	s24 =	sshll.u32 @!p0 s24, $0xB  }
0x52: {  	p2 =	por p2, !p6;
	s19 =	rddreg [dreg:$0x5];
	s24 =	sand.u32 @!p0 $0x1FFFF800, s24  }
0x53: {  	s21 =	sadd.s32 @!p0 $0x3, s21;
	s19 =	sadd.s32 @!p0 s19, s24;
	s24 =	simm.s32 @!p0 $0x0  }
0x54: {  	[hbm4b:s19+s24] =	stream.linear.scatter @!p0 [tilespmem:s22], [sflag:s21], $0x4000, $0x200038;
	[tilespmem:$0x8100] =	vst v63  }
0x55: {  	p1 =	por !p5, !p5;
	s25 =	simm.s32 @p0 $0x0;
	_ =	strace @!p0 $0x9000006A  }
0x56: {  	s16 =	sadd.s32 @!p2 $0x3, s16;
	s17 =	sadd.s32 @p1 s3, s17;
	_ =	strace @!p2 $0x8000006B  }
0x57: {  	s18 =	sand.u32 @p1 $0x1, s18;
	s17 =	sshll.u32 @p1 s17, $0x4;
	_ =	swait.ge @!p2 [sflag:s16], $0x4000  }
0x58: {  	s17 =	sand.u32 @p1 $0x1FFFFFF0, s17;
	s19 =	sadd.s32 @p6 s25, s20;
	[sflag:s16] =	ssyncset.done @!p2 $0x0  }
0x59: {  	s20 =	simm.s32 $0x0;
	s17 =	sadd.s32 @p1 s4, s17;
	[sflag:s16] =	ssyncadd.s32 @!p2 $0xFFFFC000  }
0x5a: {  	s20 =	smov.u32 @p6 s19;
	s19 =	sshll.u32 @p1 s18, $0x7;
	_ =	strace @!p2 $0x9000006B  }
0x5b: {  	s16 =	sadd.s32 @p1 $0x1, s18;
	s18 =	simm.s32 @p1 $0x0;
	_ =	strace @p1 $0x80000067  }
0x5c: {  	[tilespmem:s19], [sflag:s16] =	stream.linear.gather @p1 [hbm4b:s17+s18], $0x80, $0x200038;
	[tilespmem:$0x8100] =	vst v63  }
0x5d: {  	s26 =	sand.u32 $0x1, s20;
	_ =	strace @p1 $0x90000067  }
0x5e: {  	s16 =	sadd.s32 $0x1, s26;
	_ =	strace $0x80000068  }
0x5f: {  	_ =	swait.ge [sflag:s16], $0x80  }
0x60: {  	[sflag:s16] =	ssyncset.done $0x0  }
0x61: {  	s15 =	sadd.s32 @p6 s25, s15;
	[sflag:s16] =	ssyncadd.s32 $0xFFFFFF80;
	s16 =	simm.s32 $0x0  }
0x62: {  	_ =	strace $0x90000068;
	s16 =	smov.u32 @p6 s15  }
0x63: {  	_ =	strace $0x80000069;
	s16 =	sand.u32 $0x1, s16  }
0x64: {  	s30 =	sshll.u32 s20, $0x7;
	s28 =	rddreg [dreg:$0x4];
	s31 =	sshll.u32 s16, $0xE  }
0x65: {  	s18 =	sand.u32 $0x80, s30;
	s29 =	rddreg [dreg:$0x3];
	s19 =	sor.u32 $0x100, s31  }
0x66: {  	[tilespmem:s19], [sflag:$0x5] =	stream.indirect.gather [hbm4b:s29+s28], $0x80, s18, s28, $0x2000b8;
	[tilespmem:$0x8100] =	vst v63  }
0x67: {  	_ =	swait.ge [sflag:s10], $0x4000  }
0x68: {  	p3 =	por p3, p3;
	[sflag:s10] =	ssyncset.done $0x0  }
0x69: {  	p5 =	seq.s32 s7, s12;
	s13 =	sadd.s32 s3, s13;
	[sflag:s10] =	ssyncadd.s32 $0xFFFFC000  }
0x6a: {  	s14 =	sadd.s32 @p6 s23, s14;
	p1 =	por p5, p3;
	_ =	strace $0x90000069  }
0x6b: {  	s17 =	simm.s32 $0x0;
	s13 =	sshll.u32 @p1 s13, $0xB;
	_ =	strace @p1 $0x8000006A  }
0x6c: {  	s17 =	smov.u32 @p6 s14;
	s13 =	sand.u32 @p1 $0x1FFFF800, s13;
	s15 =	rddreg [dreg:$0x5]  }
0x6d: {  	s14 =	sadd.s32 @p1 $0x3, s16;
	s13 =	sadd.s32 @p1 s15, s13;
	s15 =	simm.s32 @p1 $0x0  }
0x6e: {  	[hbm4b:s13+s15] =	stream.linear.scatter @p1 [tilespmem:s19], [sflag:s14], $0x4000, $0x200038;
	[tilespmem:$0x8100] =	vst v63  }
0x6f: {  	p0 =	por p4, p4;
	s13 =	sand.u32 @!p4 $0x1, s17;
	_ =	strace @p1 $0x9000006A  }
0x70: {  	s13 =	sadd.s32 @!p0 $0x3, s13;
	_ =	strace @!p0 $0x8000006B  }
0x71: {  	p1 =	sne.s32 s12, $0x0;
	s12 =	simm.s32 $0x1;
	_ =	swait.ge @!p0 [sflag:s13], $0x4000  }
0x72: {  	s12 =	simm.s32 @!p1 $0x0;
	[sflag:s13] =	ssyncset.done @!p0 $0x0  }
0x73: {  	s11 =	sadd.s32 $0x1, s11;
	s12 =	sadd.s32 s12, s17;
	[sflag:s13] =	ssyncadd.s32 @!p0 $0xFFFFC000  }
0x74: {  	s12 =	sand.u32 $0x1, s12;
	_ =	strace @!p0 $0x9000006B;
	p0 =	sne.s32 s11, s8  }
.Ltmp3:
0x75: {  	s12 =	sadd.s32 $0x3, s12;
	_ =	strace $0x8000006C;
	(pc) =	sbr.rel @p0 .LBB2_1-.Ltmp3, $4  }
.Ltmp4:
0x76: {  	_ =	swait.ge [sflag:s12], $0x4000;
	(pc) =	sbr.rel @!p0 .LBB2_8-.Ltmp4, $4  }
0x77: {  	[sflag:s12] =	ssyncset.done $0x0  }
0x78: {  	[sflag:s12] =	ssyncadd.s32 $0xFFFFC000  }
0x79: {  	_ =	strace $0x9000006C  }
0x7a: {  	_ = 	snop  }
.LBB2_2:
.Ltmp5:
0x7b: {  	(pc) =	sbr.rel .LBB2_7-.Ltmp5, $4  }
0x7c: {  	_ = 	snop  }
0x7d: {  	s14 =	simm.s32 $0x0  }
0x7e: {  	s12 =	simm.s32 $0x0;
	s15 =	simm.s32 $0x0;
	s17 =	smov.u32 s13  }
0x7f: {  	s20 =	simm.s32 $0x0;
	s18 =	simm.s32 $0x1;
	s13 =	simm.s32 $0x0  }
.LBB2_4:
.Ltmp6:
0x80: {  	(pc) =	sbr.rel .LBB2_7-.Ltmp6, $3  }
0x81: {  	_ =	sdelay $0x1  }
0x82: {  	s14 =	simm.s32 $0x0  }
0x83: {  	s15 =	simm.s32 $0x0;
	s20 =	simm.s32 $0x0;
	p6 =	por $0x1, $0x1  }
.LBB2_8:
0x84: {  	_ =	sfence.sel $0x180000  }
0x85: {  	[bflag:$0x0] =	sbarrier.arrive $0xFFFF  }
0x86: {  	p0 =	sne.s32 s1, $0x0;
	_ =	strace $0x90000065  }
0x87: {  	s0 =	sadd.s32 @!p0 $0x100000, s0;
	[bflag:$0x2] =	sbarrier.arrive $0xFFFF  }
0x88: {  	[sflag:s0] =	ssyncadd.tile.s32 @!p0 $0x1;
	_ =	shalt  }
.Lfunc_end2:
_tile_overlayer_lowered:
.L_overlay_start_2:
0x89: {  	(tag) =	ssettag $0x2  }
0x8a: {  	s0 =	rddreg [dreg:$0x0];
	s2 =	stileid.u32  }
0x8b: {  	s1 =	rddreg [dreg:$0x1];
	p0 =	sne.s32 s2, $0x0  }
0x8c: {  	s3 =	rddreg [dreg:$0x2];
	[bflag:$0x3] =	sbarrier.arrive $0xFFFF;
	s2 =	simm.s32 @!p0 $0x1C01  }
0x8d: {  	[timem:s3], [sflag:s2] =	dma.local @!p0 [hbm:s0], s1  }
0x8e: {  	s0 =	simm.s32 @!p0 $0x1  }
0x8f: {  	_ =	swait.ge @!p0 [sflag:s0], s1  }
0x90: {  	s1 =	ssub.s32 @!p0 $0x0, s1;
	[sflag:s0] =	ssyncset.done @!p0 $0x0  }
0x91: {  	[sflag:s0] =	ssyncadd.s32 @!p0 s1  }
0x92: {  	[bflag:$0x3] =	sbarrier.arrive $0xFFFF  }
0x93: {  	_ =	shalt  }

// kernel: kernel.24.cloned.1.call-start
scs
__scs_entry_jumppad:
0x0: {  	(pc) =	sbr.rel $0x88, $3  }
0x1: {  	(tag) =	ssettag $0x0;
	lr =	simm.s32 $0x1  }
0x2: {  	[smem:$0x3F9D] =	sst lr;
	_ =	strace $0xD0000000  }
0x3: {  	_ = 	snop  }
0x4: {  	_ = 	snop  }
0x5: {  	_ = 	snop  }
0x6: {  	_ = 	snop  }
0x7: {  	_ = 	snop  }
__scs_overlays_trampoline_lowered:
0x8: {  	[smem:$0x3FAC] =	sst s0  }
0x9: {  	[smem:$0x3FAD] =	sst s1  }
0xa: {  	[smem:$0x3FAE] =	sst s2  }
0xb: {  	[smem:$0x3FAF] =	sst s3  }
0xc: {  	[smem:$0x3FB0] =	sst s4  }
0xd: {  	[smem:$0x3FB1] =	sst s5  }
0xe: {  	[smem:$0x3FB2] =	sst s6  }
0xf: {  	[smem:$0x3FB3] =	sst s7  }
0x10: {  	[smem:$0x3FB4] =	sst s8  }
0x11: {  	[smem:$0x3FB5] =	sst s9;
	s0 =	simm.s32 @!p0 $0x0  }
0x12: {  	s1 =	sld [smem:$0x3F9B];
	s0 =	simm.s32 @p0 $0x1  }
0x13: {  	[smem:$0x3FB6] =	sst s0;
	s0 =	simm.s32 @!p1 $0x0  }
0x14: {  	s2 =	sld [smem:$0x3F9A];
	s0 =	simm.s32 @p1 $0x1  }
0x15: {  	[smem:$0x3FB7] =	sst s0;
	s0 =	simm.s32 @!p2 $0x0  }
0x16: {  	s3 =	sld [smem:$0x3FDB];
	s0 =	simm.s32 @p2 $0x1  }
0x17: {  	s4 =	simm.s32 $0x1BF5;
	[smem:$0x3FB9] =	sst s0  }
0x18: {  	s0 =	sld [smem:$0x3F9C];
	_ =	swait.ge [sflag:s4], $0x0  }
0x19: {  	s7 =	sld [smem:$0x3F9D]  }
0x1a: {  	s8 =	sadd.s32 $0xFFFFE003, lr  }
0x1b: {  	s9 =	sadd.s32 $0xFFFFFEF7, lr;
	s5 =	simm.s32 $0xFFFFFFFF;
	p2 =	slt.u32 s8, $0xFFFFF086  }
0x1c: {  	p1 =	slt.u32 s9, $0xF7A;
	s5 =	simm.s32 @!p2 $0x0  }
0x1d: {  	s5 =	simm.s32 @p1 $0x1;
	p0 =	seq.s32 s7, s2  }
0x1e: {  	s7 =	smul.u32 @!p0 $0xF7A, s2;
	p2 =	seq.s32 @!p0 s5, $0x0  }
0x1f: {  	s9 =	smul.u32 $0xF7A, s1;
	s8 =	simm.s32 @!p0 $0x1BF5;
	p2 =	por !p2, p0  }
0x20: {  	[sflag:s8] =	ssyncset.s32 @!p0 $0xFFFFF086;
	s6 =	sadd.s32 @!p0 s3, s7;
	s7 =	simm.s32 @!p0 $0x108  }
0x21: {  	s3 =	sadd.s32 s3, s9;
	s6 =	sadd.s32 @!p0 $0x88, s6;
	s7 =	simm.s32 @p2 $0x1082  }
0x22: {  	[simem:s7], [sflag:s8] =	dma.local @!p0 [hbm:s6], $0xF7A  }
0x23: {  	s9 =	sor.u32 $0xD0000000, s2;
	s6 =	simm.s32 $0x108;
	_ =	swait.ge @!p0 [sflag:s8], $0x0  }
0x24: {  	s3 =	sadd.s32 $0x88, s3;
	s6 =	simm.s32 @!p1 $0x1082;
	[sflag:s4] =	ssyncset.s32 $0xFFFFF086  }
0x25: {  	[simem:s6], [sflag:s4] =	dma.local [hbm:s3], $0xF7A  }
0x26: {  	[smem:$0x3F9D] =	sst s1;
	(tag) =	ssettag s2;
	_ =	strace s9  }
0x27: {  	s1 =	sld [smem:$0x3FAD]  }
0x28: {  	s2 =	sld [smem:$0x3FAE]  }
0x29: {  	s4 =	sld [smem:$0x3FB0]  }
0x2a: {  	p0 =	seq.s32 s5, $0x0;
	s5 =	sld [smem:$0x3FB1]  }
0x2b: {  	s6 =	sld [smem:$0x3FB2]  }
0x2c: {  	s7 =	sld [smem:$0x3FB3]  }
0x2d: {  	s3 =	simm.s32 $0x108;
	s8 =	sld [smem:$0x3FB4]  }
0x2e: {  	s3 =	simm.s32 @!p0 $0x1082;
	s9 =	sld [smem:$0x3FB5]  }
0x2f: {  	lr =	sadd.s32 s0, s3;
	s0 =	sld [smem:$0x3FAC]  }
0x30: {  	s3 =	sld [smem:$0x3FAF]  }
0x31: {  	[smem:$0x3FB8] =	sst s10  }
0x32: {  	s10 =	sld [smem:$0x3FB6];
	_ =	sdelay $0x3  }
0x33: {  	p0 =	seq.s32 s10, $0x1;
	s10 =	sld [smem:$0x3FB8];
	_ =	sdelay $0x3  }
0x34: {  	[smem:$0x3FB8] =	sst s10  }
0x35: {  	s10 =	sld [smem:$0x3FB7];
	_ =	sdelay $0x3  }
0x36: {  	p1 =	seq.s32 s10, $0x1;
	s10 =	sld [smem:$0x3FB8];
	_ =	sdelay $0x3  }
0x37: {  	[smem:$0x3FB8] =	sst s10  }
0x38: {  	s10 =	sld [smem:$0x3FB9]  }
0x39: {  	_ = 	snop;
	(pc) =	sbr.ind lr, $3  }
0x3a: {  	_ = 	snop  }
0x3b: {  	_ = 	snop  }
0x3c: {  	p2 =	seq.s32 s10, $0x1;
	s10 =	sld [smem:$0x3FB8]  }
0x3d: {  	_ =	shalt  }
0x3e: {  	_ =	shalt  }
0x3f: {  	_ =	shalt  }
0x40: {  	_ =	shalt  }
0x41: {  	_ =	shalt  }
0x42: {  	_ =	shalt  }
0x43: {  	_ =	shalt  }
0x44: {  	_ =	shalt  }
0x45: {  	_ =	shalt  }
0x46: {  	_ =	shalt  }
0x47: {  	_ =	shalt  }
0x48: {  	_ =	shalt  }
0x49: {  	_ =	shalt  }
0x4a: {  	_ =	shalt  }
0x4b: {  	_ =	shalt  }
0x4c: {  	_ =	shalt  }
0x4d: {  	_ =	shalt  }
0x4e: {  	_ =	shalt  }
0x4f: {  	_ =	shalt  }
0x50: {  	_ =	shalt  }
0x51: {  	_ =	shalt  }
0x52: {  	_ =	shalt  }
0x53: {  	_ =	shalt  }
0x54: {  	_ =	shalt  }
0x55: {  	_ =	shalt  }
0x56: {  	_ =	shalt  }
0x57: {  	_ =	shalt  }
0x58: {  	_ =	shalt  }
0x59: {  	_ =	shalt  }
0x5a: {  	_ =	shalt  }
0x5b: {  	_ =	shalt  }
0x5c: {  	_ =	shalt  }
0x5d: {  	_ =	shalt  }
0x5e: {  	_ =	shalt  }
0x5f: {  	_ =	shalt  }
0x60: {  	_ =	shalt  }
0x61: {  	_ =	shalt  }
0x62: {  	_ =	shalt  }
0x63: {  	_ =	shalt  }
0x64: {  	_ =	shalt  }
0x65: {  	_ =	shalt  }
0x66: {  	_ =	shalt  }
0x67: {  	_ =	shalt  }
0x68: {  	_ =	shalt  }
0x69: {  	_ =	shalt  }
0x6a: {  	_ =	shalt  }
0x6b: {  	_ =	shalt  }
0x6c: {  	_ =	shalt  }
0x6d: {  	_ =	shalt  }
0x6e: {  	_ =	shalt  }
0x6f: {  	_ =	shalt  }
0x70: {  	_ =	shalt  }
0x71: {  	_ =	shalt  }
0x72: {  	_ =	shalt  }
0x73: {  	_ =	shalt  }
0x74: {  	_ =	shalt  }
0x75: {  	_ =	shalt  }
0x76: {  	_ =	shalt  }
0x77: {  	_ =	shalt  }
0x78: {  	_ =	shalt  }
0x79: {  	_ =	shalt  }
0x7a: {  	_ =	shalt  }
0x7b: {  	_ =	shalt  }
0x7c: {  	_ =	shalt  }
0x7d: {  	_ =	shalt  }
0x7e: {  	_ =	shalt  }
0x7f: {  	_ =	shalt  }
0x80: {  	_ =	shalt  }
0x81: {  	_ =	shalt  }
0x82: {  	_ =	shalt  }
0x83: {  	_ =	shalt  }
0x84: {  	_ =	shalt  }
0x85: {  	_ =	shalt  }
0x86: {  	_ =	shalt  }
0x87: {  	_ =	shalt  }
.Lfunc_end0:
.L_simem_size_0:
called_computation.4_lowered:
.L_overlay_start_0:
0x88: {  	s2 =	sld [smem:$0x3FD9]  }
0x89: {  	s3 =	sld [smem:$0x3FFE];
	_ =	sdelay $0x1  }
0x8a: {  	s1 =	srdreg.scid  }
0x8b: {  	s0 =	sand.u32 $0x1, s1  }
0x8c: {  	s17 =	sshll.u32 s0, $0xA;
	s2 =	sadd.s32 s3, s2  }
0x8d: {  	s2 =	sadd.s32 s2, s17  }
0x8e: {  	[smem:$0x3FC4] =	sst s2  }
0x8f: {  	_ = 	snop  }
0x90: {  	s18 =	sld [smem:$0x3FC9];
	(tm) =	ssettm $0x1  }
0x91: {  	s19 =	sld [smem:$0x3FFB];
	_ =	sdelay $0x3  }
0x92: {  	_ =	strace s19  }
0x93: {  	s2 =	sld [smem:$0x3FFC];
	_ =	sdelay $0x3  }
0x94: {  	_ =	strace s2  }
0x95: {  	s2 =	sld [smem:$0x3FFD];
	_ =	sdelay $0x3  }
0x96: {  	_ =	strace s2  }
0x97: {  	_ =	strace $0x8FFFFFFF  }
0x98: {  	s20 =	sld [smem:$0x3FDB];
	_ =	sdelay $0x1  }
0x99: {  	s4 =	simm.s32 $_scs_section_size  }
0x9a: {  	s5 =	simm.s32 $_size__tile_overlayer_lowered;
	s6 =	simm.s32 $_tile_overlayer_lowered  }
0x9b: {  	s7 =	simm.s32 $0x1BFF;
	s21 =	sshll.u32 s6, $0x1;
	s4 =	sadd.s32 s4, s20  }
0x9c: {  	s22 =	simm.s32 $0x0;
	s5 =	sshll.u32 s5, $0x1;
	s6 =	sadd.s32 s21, s4  }
0x9d: {  	[timem:s22], [sflag:s7] =	dma.local [hbm:s6], s5  }
0x9e: {  	_ =	swait.ge [sflag:s7], s5  }
0x9f: {  	s5 =	ssub.s32 $0x0, s5;
	[sflag:s7] =	ssyncset.done $0x0  }
0xa0: {  	[sflag:s7] =	ssyncadd.s32 s5;
	_ =	sdelay $0x1  }
0xa1: {  	s23 =	simm.s32 $0x1B8B  }
0xa2: {  	_ =	swait.ge [sflag:s23], $0x1  }
0xa3: {  	[sflag:s23] =	ssyncset.done $0x0  }
0xa4: {  	[sflag:s23] =	ssyncadd.s32 $0xFFFFFFFF  }
0xa5: {  	s5 =	sld [smem:$0x0]  }
0xa6: {  	s6 =	sand.u32 $0xFFFFFFFE, s1  }
0xa7: {  	p0 =	sne.s32 s1, s6  }
0xa8: {  	s6 =	sshll.u32 @p0 s6, $0xE  }
0xa9: {  	s6 =	sadd.s32 @p0 $0x11B8D, s6;
	s7 =	sshll.u32 @p0 s5, $0x11  }
0xaa: {  	s6 =	sor.u32 @p0 s7, s6  }
0xab: {  	[sflag:s6] =	ssyncadd.remote.s32 @p0 $0x1;
	_ =	sdelay $0x1  }
0xac: {  	s6 =	simm.s32 @p0 $0x1B8D  }
0xad: {  	_ =	swait.eq @p0 [sflag:s6], $0x1  }
0xae: {  	[sflag:s6] =	ssyncadd.s32 @p0 $0xFFFFFFFF  }
0xaf: {  	s7 =	sshll.u32 @!p0 s1, $0xE  }
0xb0: {  	s7 =	sor.u32 @!p0 $0x4000, s7;
	s6 =	simm.s32 @!p0 $0x1B8D  }
0xb1: {  	s5 =	sshll.u32 @!p0 s5, $0x11;
	s7 =	sadd.s32 @!p0 $0x11B8D, s7;
	_ =	swait.eq @!p0 [sflag:s6], $0x1  }
0xb2: {  	s5 =	sor.u32 @!p0 s5, s7;
	[sflag:s6] =	ssyncadd.s32 @!p0 $0xFFFFFFFF  }
0xb3: {  	s25 =	simm.s32 $0x1B8E;
	s24 =	sld [smem:$0x3FFE];
	[sflag:s5] =	ssyncadd.remote.s32 @!p0 $0x1  }
0xb4: {  	s26 =	simm.s32 $execute0_lowered;
	[smem:$0x3FD2] =	sst s25  }
0xb5: {  	s6 =	sshll.u32 s26, $0x1;
	_ =	strace $0x8000006E;
	[dreg:$0x1] =	wrdreg $0xFFFFFFFF  }
0xb6: {  	s28 =	simm.s32 $_size_execute0_lowered;
	s4 =	sadd.s32 s4, s6;
	[dreg:$0x0] =	wrdreg $0x0  }
0xb7: {  	s6 =	sshll.u32 s28, $0x1;
	[dreg:$0x2] =	wrdreg s4  }
0xb8: {  	[dreg:$0x3] =	wrdreg s6  }
0xb9: {  	[dreg:$0x4] =	wrdreg $0xC0  }
0xba: {  	_ =	task [dreg:s22], $0x5FFFF  }
0xbb: {  	[dreg:$0x1] =	wrdreg $0xFFFFFFFF  }
0xbc: {  	[dreg:$0x0] =	wrdreg $0x60  }
0xbd: {  	[dreg:$0x2] =	wrdreg s18  }
0xbe: {  	[dreg:$0x3] =	wrdreg s24  }
0xbf: {  	[dreg:$0x4] =	wrdreg $0xD  }
0xc0: {  	_ =	task.clear_ibuf [dreg:s22], $0x5FFFF;
	_ =	strace $0x9000006E  }
0xc1: {  	s29 =	simm.s32 $0xD;
	_ =	strace $0x80000077  }
0xc2: {  	_ =	swait.ge [sflag:s29], $0x1  }
0xc3: {  	[sflag:s29] =	ssyncadd.s32 $0xFFFFFFFF  }
0xc4: {  	_ =	strace $0x90000077  }
0xc5: {  	_ =	sfence  }
0xc6: {  	s30 =	sld [smem:$0x0];
	_ =	sdelay $0x2  }
0xc7: {  	s31 =	sshll.u32 s1, $0xD;
	s1 =	sshrl.u32 s1, $0x2  }
0xc8: {  	s4 =	sand.u32 $0x4000, s31;
	s1 =	sadd.s32 s1, s30  }
0xc9: {  	s0 =	sor.u32 s4, s0;
	s1 =	sshll.u32 s1, $0x11  }
0xca: {  	s0 =	sor.u32 s1, s0  }
0xcb: {  	s0 =	sadd.s32 $0x8F2B, s0  }
0xcc: {  	[sflag:s0] =	ssyncadd.remote.s32 $0x1  }
0xcd: {  	_ =	sfence.sel $0xFFFF  }
0xce: {  	[dreg:$0x0] =	wrdreg $0xFFFFFFFF;
	(pc) =	sbr.abs _section_cstart, $3  }
0xcf: {  	[dreg:$0x1] =	wrdreg $0xFFFFFFFF  }
0xd0: {  	_ =	task.clear_ibuf [dreg:s22], $0x2FFFF;
	_ =	strace $0x9FFFFFFF  }
0xd1: {  	(tm) =	ssettm $0x7FFFFFFF  }
tec
execute0_lowered:
.L_overlay_start_1:
0x0: {  	(tag) =	ssettag $0x1  }
0x1: {  	s0 =	rddreg [dreg:$0x0];
	s1 =	srdreg.scid  }
0x2: {  	s4 =	rddreg [dreg:$0x1];
	s2 =	simm.s32 $0x0;
	s9 =	simm.s32 $0x1  }
0x3: {  	s10 =	simm.s32 $0x80;
	s11 =	simm.s32 $0x0;
	s5 =	sand.u32 $0x1, s1  }
0x4: {  	[dreg:$0x3] =	wrdreg s0;
	s1 =	stileid.u32;
	s3 =	sshll.u32 s5, $0x4  }
0x5: {  	s0 =	rddreg [dreg:$0x2];
	s8 =	sadd.s32 $0x2FAA00, s4;
	s3 =	sor.u32 s1, s3  }
0x6: {  	[smem:$0x7FF] =	sst s2;
	s4 =	sadd.s32 $0x2F7E00, s4;
	s6 =	smul.u32 $0x15, s3  }
0x7: {  	_ =	strace $0x8000006F;
	[dreg:$0x5] =	wrdreg s8;
	s7 =	smul.u32 $0x16, s3  }
0x8: {  	s30 =	ssub.s32 $0x2, s5;
	p0 =	slt.u32 s3, $0x1C;
	s3 =	sadd.s32 $0x1C, s6  }
0x9: {  	s5 =	simm.s32 $0x16;
	[dreg:$0x4] =	wrdreg s10;
	s3 =	smov.u32 @p0 s7  }
0xa: {  	s10 =	simm.s32 $0x5;
	s31 =	sshrl.u32 s30, $0x1;
	s7 =	sshll.u32 s3, $0x4  }
0xb: {  	s8 =	ssub.s32 s30, s31;
	s5 =	simm.s32 @!p0 $0x15;
	s7 =	sand.u32 $0x1FFFFFF0, s7  }
0xc: {  	s8 =	smax.u32 s8, $0x1;
	s6 =	sadd.s32 s4, s7;
	s7 =	sadd.s32 $0xFFFFFFFF, s5  }
.LBB2_1:
0xd: {  	_ =	strace $0x80000070;
	p2 =	sne.s32 s5, $0x1  }
.Ltmp0:
0xe: {  	p0 =	seq.s32 s5, $0x1;
	s13 =	simm.s32 $0x1;
	(pc) =	sbr.rel @!p2 .LBB2_2-.Ltmp0, $4  }
0xf: {  	[tilespmem:s2], [sflag:$0x1] =	stream.linear.gather [hbm4b:s6+s2], $0x80, $0x200038;
	[tilespmem:$0x8100] =	vst v63  }
0x10: {  	s12 =	simm.s32 $0x1;
	p1 =	por $0x1, $0x1;
	s13 =	simm.s32 @p0 $0x0  }
0x11: {  	p6 =	sgt.u32 s7, $0x0;
	p4 =	por p1, p1;
	p3 =	sne.s32 s13, $0x0  }
0x12: {  	_ =	strace $0x90000070;
	p5 =	por !p6, !p3;
	p6 =	por $0x0, $0x0  }
0x13: {  	p2 =	por !p5, !p5  }
0x14: {  	s21 =	sand.u32 $0x1, s2;
	s19 =	simm.s32 $0x2;
	s14 =	sadd.s32 @p2 s3, s13  }
0x15: {  	p1 =	por p3, p3;
	s15 =	sand.u32 @p2 $0x1, s9;
	s14 =	sshll.u32 @p2 s14, $0x4  }
0x16: {  	_ =	strace @p2 $0x80000071;
	s17 =	simm.s32 @p2 $0x0;
	s14 =	sand.u32 @p2 $0x1FFFFFF0, s14  }
0x17: {  	s16 =	sshll.u32 @p2 s15, $0x7;
	s15 =	sadd.s32 @p2 $0x1, s15;
	s14 =	sadd.s32 @p2 s4, s14  }
0x18: {  	[tilespmem:s16], [sflag:s15] =	stream.linear.gather @p2 [hbm4b:s14+s17], $0x80, $0x200038;
	[tilespmem:$0x8100] =	vst v63  }
0x19: {  	s30 =	simm.s32 $0x0;
	p6 =	por $0x0, $0x0;
	_ =	strace @p2 $0x90000071  }
0x1a: {  	p0 =	sne.s32 s5, $0x2;
	s29 =	sadd.s32 $0x1, s21;
	_ =	strace $0x80000072  }
0x1b: {  	s24 =	sadd.s32 $0x0, s3;
	p5 =	sgt.u32 s7, $0x1;
	_ =	swait.ge [sflag:s29], $0x80  }
0x1c: {  	s23 =	simm.s32 $0x1;
	s22 =	sshll.u32 s21, $0xE;
	[sflag:s29] =	ssyncset.done $0x0  }
0x1d: {  	s22 =	sor.u32 $0x100, s22;
	s16 =	sand.u32 @!p4 $0x1, s2;
	[sflag:s29] =	ssyncadd.s32 $0xFFFFFF80  }
0x1e: {  	s15 =	simm.s32 $0x1;
	s17 =	sadd.s32 $0x1, s13;
	_ =	strace $0x90000072  }
0x1f: {  	s14 =	sand.u32 $0x80, s30;
	s15 =	simm.s32 @!p2 $0x0;
	_ =	strace $0x80000073  }
0x20: {  	p2 =	por p4, p4;
	p4 =	por p6, p6;
	s20 =	rddreg [dreg:$0x4]  }
0x21: {  	p3 =	seq.s32 s17, s5;
	p6 =	seq.s32 s7, $0x0;
	s31 =	rddreg [dreg:$0x3]  }
0x22: {  	[tilespmem:s22], [sflag:$0x5] =	stream.indirect.gather [hbm4b:s31+s20], $0x80, s14, s20, $0x2000b8;
	[tilespmem:$0x8100] =	vst v63  }
.Ltmp1:
0x23: {  	s18 =	sadd.s32 $0x1, s15;
	s17 =	simm.s32 @p3 $0x0;
	(pc) =	sbr.rel @!p0 .LBB2_4-.Ltmp1, $4  }
0x24: {  	p1 =	por p6, p1;
	p6 =	por $0x0, $0x0;
	_ =	swait.ge [sflag:s10], $0x4000  }
0x25: {  	s15 =	simm.s32 $0x0;
	p3 =	sne.s32 s13, s17;
	[sflag:s10] =	ssyncset.done $0x0  }
0x26: {  	s23 =	simm.s32 @!p6 $0x0;
	p5 =	por !p5, !p3;
	[sflag:s10] =	ssyncadd.s32 $0xFFFFC000  }
0x27: {  	s14 =	simm.s32 $0x0;
	s20 =	simm.s32 $0x0;
	_ =	strace $0x90000073  }
.LBB2_5:
0x28: {  	_ =	strace @p1 $0x80000074;
	s14 =	sadd.s32 s23, s14;
	s23 =	smov.u32 s12  }
0x29: {  	s12 =	smov.u32 s19;
	s19 =	sadd.s32 $0x1, s19;
	p0 =	por p3, p3  }
0x2a: {  	s29 =	sshll.u32 @p1 s24, $0xB;
	s21 =	sadd.s32 @p1 $0x3, s21;
	s25 =	simm.s32 @!p0 $0x0  }
0x2b: {  	s26 =	rddreg [dreg:$0x5];
	s29 =	sand.u32 @p1 $0x1FFFF800, s29;
	s25 =	simm.s32 @p0 $0x1  }
0x2c: {  	s26 =	sadd.s32 @p1 s26, s29;
	s29 =	simm.s32 @p1 $0x0;
	p0 =	sne.s32 s5, s19  }
0x2d: {  	[hbm4b:s26+s29] =	stream.linear.scatter @p1 [tilespmem:s22], [sflag:s21], $0x4000, $0x200038;
	[tilespmem:$0x8100] =	vst v63  }
0x2e: {  	s21 =	sadd.s32 @!p2 $0x3, s16;
	s16 =	simm.s32 @!p0 $0x0  }
0x2f: {  	s28 =	simm.s32 $0x1;
	[smem:$0x7FC] =	sst s25;
	s16 =	simm.s32 @p0 $0x1  }
0x30: {  	s28 =	simm.s32 @!p1 $0x0;
	_ =	strace @p1 $0x90000074;
	[smem:$0x7FD] =	sst s16  }
0x31: {  	s20 =	sadd.s32 s28, s20;
	s25 =	sand.u32 @!p4 $0x1, s14;
	_ =	strace @!p2 $0x80000075  }
0x32: {  	p1 =	por !p5, !p5;
	s16 =	smov.u32 s25;
	_ =	swait.ge @!p2 [sflag:s21], $0x4000  }
0x33: {  	s22 =	sand.u32 @p1 $0x1, s18;
	s25 =	sadd.s32 @p1 s3, s17;
	[sflag:s21] =	ssyncset.done @!p2 $0x0  }
0x34: {  	s26 =	sshll.u32 @p1 s22, $0x7;
	s25 =	sshll.u32 @p1 s25, $0x4;
	[sflag:s21] =	ssyncadd.s32 @!p2 $0xFFFFC000  }
0x35: {  	s21 =	sadd.s32 @p1 $0x1, s22;
	s22 =	sand.u32 @p1 $0x1FFFFFF0, s25;
	_ =	strace @!p2 $0x90000075  }
0x36: {  	s25 =	simm.s32 @p1 $0x0;
	s22 =	sadd.s32 @p1 s4, s22;
	_ =	strace @p1 $0x80000071  }
0x37: {  	[tilespmem:s26], [sflag:s21] =	stream.linear.gather @p1 [hbm4b:s22+s25], $0x80, $0x200038;
	[tilespmem:$0x8100] =	vst v63  }
0x38: {  	s15 =	sadd.s32 s28, s15;
	s28 =	sand.u32 $0x1, s20;
	_ =	strace @p1 $0x90000071  }
0x39: {  	s28 =	sadd.s32 $0x1, s28;
	_ =	strace $0x80000072  }
0x3a: {  	_ =	swait.ge [sflag:s28], $0x80  }
0x3b: {  	[sflag:s28] =	ssyncset.done $0x0  }
0x3c: {  	s21 =	simm.s32 $0x1;
	[sflag:s28] =	ssyncadd.s32 $0xFFFFFF80  }
0x3d: {  	s21 =	simm.s32 @!p1 $0x0;
	_ =	strace $0x90000072  }
0x3e: {  	s18 =	sadd.s32 s21, s18;
	s21 =	sand.u32 $0x1, s15;
	_ =	strace $0x80000073  }
0x3f: {  	s31 =	sshll.u32 s20, $0x7;
	s29 =	sshll.u32 s21, $0xE;
	s25 =	rddreg [dreg:$0x4]  }
0x40: {  	s31 =	sand.u32 $0x80, s31;
	s22 =	sor.u32 $0x100, s29;
	s26 =	rddreg [dreg:$0x3]  }
0x41: {  	[tilespmem:s22], [sflag:$0x5] =	stream.indirect.gather [hbm4b:s26+s25], $0x80, s31, s25, $0x2000b8;
	[tilespmem:$0x8100] =	vst v63  }
0x42: {  	_ =	swait.ge [sflag:s10], $0x4000  }
0x43: {  	[sflag:s10] =	ssyncset.done $0x0  }
0x44: {  	[sflag:s10] =	ssyncadd.s32 $0xFFFFC000  }
0x45: {  	s30 =	sadd.s32 $0x1, s17;
	_ =	strace $0x90000073  }
0x46: {  	s24 =	sadd.s32 s3, s13;
	s13 =	smov.u32 s17;
	s31 =	sld [smem:$0x7FD]  }
0x47: {  	p0 =	sne.s32 s23, $0x0;
	s17 =	smov.u32 s30;
	p1 =	seq.s32 s30, s5  }
0x48: {  	s17 =	simm.s32 @p1 $0x0;
	p1 =	seq.s32 s7, s23;
	s23 =	simm.s32 $0x1  }
0x49: {  	s23 =	simm.s32 @!p0 $0x0;
	p0 =	seq.s32 s31, $0x1  }
.Ltmp2:
0x4a: {  	s30 =	sld [smem:$0x7FC];
	(pc) =	sbr.rel @p0 .LBB2_5-.Ltmp2, $4  }
0x4b: {  	p3 =	seq.s32 s12, $0x0  }
0x4c: {  	p6 =	por p3, p3;
	p5 =	slt.u32 s12, s7  }
0x4d: {  	p2 =	por p4, p4;
	p3 =	sne.s32 s13, s17;
	p4 =	seq.s32 s30, $0x1  }
0x4e: {  	p5 =	por !p5, !p3;
	p1 =	por p1, p4;
	p4 =	por p6, p6  }
0x4f: {  	p6 =	por $0x1, $0x1  }
.LBB2_7:
0x50: {  	p0 =	por !p1, !p6  }
0x51: {  	s25 =	simm.s32 $0x1;
	_ =	strace @!p0 $0x80000074;
	s24 =	sshll.u32 @!p0 s24, $0xB  }
0x52: {  	p2 =	por p2, !p6;
	s19 =	rddreg [dreg:$0x5];
	s24 =	sand.u32 @!p0 $0x1FFFF800, s24  }
0x53: {  	s21 =	sadd.s32 @!p0 $0x3, s21;
	s19 =	sadd.s32 @!p0 s19, s24;
	s24 =	simm.s32 @!p0 $0x0  }
0x54: {  	[hbm4b:s19+s24] =	stream.linear.scatter @!p0 [tilespmem:s22], [sflag:s21], $0x4000, $0x200038;
	[tilespmem:$0x8100] =	vst v63  }
0x55: {  	p1 =	por !p5, !p5;
	s25 =	simm.s32 @p0 $0x0;
	_ =	strace @!p0 $0x90000074  }
0x56: {  	s16 =	sadd.s32 @!p2 $0x3, s16;
	s17 =	sadd.s32 @p1 s3, s17;
	_ =	strace @!p2 $0x80000075  }
0x57: {  	s18 =	sand.u32 @p1 $0x1, s18;
	s17 =	sshll.u32 @p1 s17, $0x4;
	_ =	swait.ge @!p2 [sflag:s16], $0x4000  }
0x58: {  	s17 =	sand.u32 @p1 $0x1FFFFFF0, s17;
	s19 =	sadd.s32 @p6 s25, s20;
	[sflag:s16] =	ssyncset.done @!p2 $0x0  }
0x59: {  	s20 =	simm.s32 $0x0;
	s17 =	sadd.s32 @p1 s4, s17;
	[sflag:s16] =	ssyncadd.s32 @!p2 $0xFFFFC000  }
0x5a: {  	s20 =	smov.u32 @p6 s19;
	s19 =	sshll.u32 @p1 s18, $0x7;
	_ =	strace @!p2 $0x90000075  }
0x5b: {  	s16 =	sadd.s32 @p1 $0x1, s18;
	s18 =	simm.s32 @p1 $0x0;
	_ =	strace @p1 $0x80000071  }
0x5c: {  	[tilespmem:s19], [sflag:s16] =	stream.linear.gather @p1 [hbm4b:s17+s18], $0x80, $0x200038;
	[tilespmem:$0x8100] =	vst v63  }
0x5d: {  	s26 =	sand.u32 $0x1, s20;
	_ =	strace @p1 $0x90000071  }
0x5e: {  	s16 =	sadd.s32 $0x1, s26;
	_ =	strace $0x80000072  }
0x5f: {  	_ =	swait.ge [sflag:s16], $0x80  }
0x60: {  	[sflag:s16] =	ssyncset.done $0x0  }
0x61: {  	s15 =	sadd.s32 @p6 s25, s15;
	[sflag:s16] =	ssyncadd.s32 $0xFFFFFF80;
	s16 =	simm.s32 $0x0  }
0x62: {  	_ =	strace $0x90000072;
	s16 =	smov.u32 @p6 s15  }
0x63: {  	_ =	strace $0x80000073;
	s16 =	sand.u32 $0x1, s16  }
0x64: {  	s30 =	sshll.u32 s20, $0x7;
	s28 =	rddreg [dreg:$0x4];
	s31 =	sshll.u32 s16, $0xE  }
0x65: {  	s18 =	sand.u32 $0x80, s30;
	s29 =	rddreg [dreg:$0x3];
	s19 =	sor.u32 $0x100, s31  }
0x66: {  	[tilespmem:s19], [sflag:$0x5] =	stream.indirect.gather [hbm4b:s29+s28], $0x80, s18, s28, $0x2000b8;
	[tilespmem:$0x8100] =	vst v63  }
0x67: {  	_ =	swait.ge [sflag:s10], $0x4000  }
0x68: {  	p3 =	por p3, p3;
	[sflag:s10] =	ssyncset.done $0x0  }
0x69: {  	p5 =	seq.s32 s7, s12;
	s13 =	sadd.s32 s3, s13;
	[sflag:s10] =	ssyncadd.s32 $0xFFFFC000  }
0x6a: {  	s14 =	sadd.s32 @p6 s23, s14;
	p1 =	por p5, p3;
	_ =	strace $0x90000073  }
0x6b: {  	s17 =	simm.s32 $0x0;
	s13 =	sshll.u32 @p1 s13, $0xB;
	_ =	strace @p1 $0x80000074  }
0x6c: {  	s17 =	smov.u32 @p6 s14;
	s13 =	sand.u32 @p1 $0x1FFFF800, s13;
	s15 =	rddreg [dreg:$0x5]  }
0x6d: {  	s14 =	sadd.s32 @p1 $0x3, s16;
	s13 =	sadd.s32 @p1 s15, s13;
	s15 =	simm.s32 @p1 $0x0  }
0x6e: {  	[hbm4b:s13+s15] =	stream.linear.scatter @p1 [tilespmem:s19], [sflag:s14], $0x4000, $0x200038;
	[tilespmem:$0x8100] =	vst v63  }
0x6f: {  	p0 =	por p4, p4;
	s13 =	sand.u32 @!p4 $0x1, s17;
	_ =	strace @p1 $0x90000074  }
0x70: {  	s13 =	sadd.s32 @!p0 $0x3, s13;
	_ =	strace @!p0 $0x80000075  }
0x71: {  	p1 =	sne.s32 s12, $0x0;
	s12 =	simm.s32 $0x1;
	_ =	swait.ge @!p0 [sflag:s13], $0x4000  }
0x72: {  	s12 =	simm.s32 @!p1 $0x0;
	[sflag:s13] =	ssyncset.done @!p0 $0x0  }
0x73: {  	s11 =	sadd.s32 $0x1, s11;
	s12 =	sadd.s32 s12, s17;
	[sflag:s13] =	ssyncadd.s32 @!p0 $0xFFFFC000  }
0x74: {  	s12 =	sand.u32 $0x1, s12;
	_ =	strace @!p0 $0x90000075;
	p0 =	sne.s32 s11, s8  }
.Ltmp3:
0x75: {  	s12 =	sadd.s32 $0x3, s12;
	_ =	strace $0x80000076;
	(pc) =	sbr.rel @p0 .LBB2_1-.Ltmp3, $4  }
.Ltmp4:
0x76: {  	_ =	swait.ge [sflag:s12], $0x4000;
	(pc) =	sbr.rel @!p0 .LBB2_8-.Ltmp4, $4  }
0x77: {  	[sflag:s12] =	ssyncset.done $0x0  }
0x78: {  	[sflag:s12] =	ssyncadd.s32 $0xFFFFC000  }
0x79: {  	_ =	strace $0x90000076  }
0x7a: {  	_ = 	snop  }
.LBB2_2:
.Ltmp5:
0x7b: {  	(pc) =	sbr.rel .LBB2_7-.Ltmp5, $4  }
0x7c: {  	_ = 	snop  }
0x7d: {  	s14 =	simm.s32 $0x0  }
0x7e: {  	s12 =	simm.s32 $0x0;
	s15 =	simm.s32 $0x0;
	s17 =	smov.u32 s13  }
0x7f: {  	s20 =	simm.s32 $0x0;
	s18 =	simm.s32 $0x1;
	s13 =	simm.s32 $0x0  }
.LBB2_4:
.Ltmp6:
0x80: {  	(pc) =	sbr.rel .LBB2_7-.Ltmp6, $3  }
0x81: {  	_ =	sdelay $0x1  }
0x82: {  	s14 =	simm.s32 $0x0  }
0x83: {  	s15 =	simm.s32 $0x0;
	s20 =	simm.s32 $0x0;
	p6 =	por $0x1, $0x1  }
.LBB2_8:
0x84: {  	_ =	sfence.sel $0x180000  }
0x85: {  	[bflag:$0x0] =	sbarrier.arrive $0xFFFF  }
0x86: {  	p0 =	sne.s32 s1, $0x0;
	_ =	strace $0x9000006F  }
0x87: {  	s0 =	sadd.s32 @!p0 $0x100000, s0;
	[bflag:$0x2] =	sbarrier.arrive $0xFFFF  }
0x88: {  	[sflag:s0] =	ssyncadd.tile.s32 @!p0 $0x1;
	_ =	shalt  }
.Lfunc_end2:
_tile_overlayer_lowered:
.L_overlay_start_2:
0x89: {  	(tag) =	ssettag $0x2  }
0x8a: {  	s0 =	rddreg [dreg:$0x0];
	s2 =	stileid.u32  }
0x8b: {  	s1 =	rddreg [dreg:$0x1];
	p0 =	sne.s32 s2, $0x0  }
0x8c: {  	s3 =	rddreg [dreg:$0x2];
	[bflag:$0x3] =	sbarrier.arrive $0xFFFF;
	s2 =	simm.s32 @!p0 $0x1C01  }
0x8d: {  	[timem:s3], [sflag:s2] =	dma.local @!p0 [hbm:s0], s1  }
0x8e: {  	s0 =	simm.s32 @!p0 $0x1  }
0x8f: {  	_ =	swait.ge @!p0 [sflag:s0], s1  }
0x90: {  	s1 =	ssub.s32 @!p0 $0x0, s1;
	[sflag:s0] =	ssyncset.done @!p0 $0x0  }
0x91: {  	[sflag:s0] =	ssyncadd.s32 @!p0 s1  }
0x92: {  	[bflag:$0x3] =	sbarrier.arrive $0xFFFF  }
0x93: {  	_ =	shalt  }

</sc_bundles>
